<compile_context>
chip_gen: v7x
topology: tpu7x:2x2x1
jax: 0.10.2.dev20260603
libtpu: 0.0.44.dev20260713+nightly
codegen_flags: <defaults>
</compile_context>

<pallas_src>
import functools
import math

import jax
import jax.numpy as jnp
from jax import lax
from jax.experimental import pallas as pl
from jax.experimental.pallas import tpu as pltpu
from jax.experimental.pallas import tpu_sc as plsc

N = 10000
E = 320000
H = 128
NLAYERS = 3
NW = 16
EPW = E // NW
CHUNK = 40
NCHUNKS = EPW // CHUNK
GCH = 100
NGROUPS = NCHUNKS // GCH
QUADS = GCH // 4
RPT = N // 16
NB = 1000
EB = 4000

_BN_SCALE = 1.0 / math.sqrt(1.0 + 1e-5)


def _node_enc_body(x_ref, w_ref, b_ref, o_ref):
    o_ref[...] = jnp.maximum(
        jnp.dot(x_ref[...], w_ref[...], preferred_element_type=jnp.float32)
        + b_ref[...], 0.0)


def _node_enc(x, w, b):
    return pl.pallas_call(
        _node_enc_body,
        grid=(N // NB,),
        in_specs=[
            pl.BlockSpec((NB, H), lambda i: (i, 0)),
            pl.BlockSpec((H, H), lambda i: (0, 0)),
            pl.BlockSpec((1, H), lambda i: (0, 0)),
        ],
        out_specs=pl.BlockSpec((NB, H), lambda i: (i, 0)),
        out_shape=jax.ShapeDtypeStruct((N, H), jnp.float32),
    )(x, w, b)


def _edge_e_body(ea_ref, wee_ref, we_ref, bee_ref, be_ref, e0_ref, e1_ref,
                 e2_ref):
    ea = ea_ref[...]
    outs = (e0_ref, e1_ref, e2_ref)
    for l in range(NLAYERS):
        wl = we_ref[l]
        wp = jnp.dot(wee_ref[...], wl, preferred_element_type=jnp.float32)
        bp = (jnp.dot(bee_ref[...], wl, preferred_element_type=jnp.float32)
              + be_ref[l][None, :])
        outs[l][...] = jnp.dot(ea, wp, preferred_element_type=jnp.float32) + bp


def _edge_e(edge_attr, w_ee, we, b_ee, be):
    d_edge = edge_attr.shape[1]
    espec = pl.BlockSpec((EB, H), lambda i: (i, 0))
    return pl.pallas_call(
        _edge_e_body,
        grid=(E // EB,),
        in_specs=[
            pl.BlockSpec((EB, d_edge), lambda i: (i, 0)),
            pl.BlockSpec((d_edge, H), lambda i: (0, 0)),
            pl.BlockSpec((NLAYERS, H, H), lambda i: (0, 0, 0)),
            pl.BlockSpec((1, H), lambda i: (0, 0)),
            pl.BlockSpec((NLAYERS, H), lambda i: (0, 0)),
        ],
        out_specs=[espec, espec, espec],
        out_shape=[jax.ShapeDtypeStruct((E, H), jnp.float32)] * NLAYERS,
    )(edge_attr, w_ee, we, b_ee, be)


@functools.cache
def _get_sc_msgpass():
    mesh = plsc.VectorSubcoreMesh(core_axis_name="c", subcore_axis_name="s",
                                  num_cores=1)
    return functools.partial(
        pl.kernel,
        out_type=jax.ShapeDtypeStruct((16, RPT, H), jnp.float32),
        mesh=mesh,
        scratch_types=[
            pltpu.VMEM((GCH, CHUNK), jnp.int32),
            pltpu.VMEM((GCH, CHUNK), jnp.int32),
            pltpu.VMEM((CHUNK, H), jnp.float32),
            pltpu.VMEM((CHUNK, H), jnp.float32),
            pltpu.VMEM((CHUNK, H), jnp.float32),
            pltpu.VMEM((CHUNK, H), jnp.float32),
            pltpu.VMEM_SHARED((N, H), jnp.float32),
        ] + [pltpu.SemaphoreType.DMA] * 12,
    )(_sc_msgpass_body)


def _sc_msgpass_body(h_hbm, src_hbm, dst_hbm, e_hbm, out_hbm, srcs_v, dsts_v,
                     buf0, buf1, buf2, buf3, aggr_sh,
                     es0, es1, es2, es3, gs0, gs1, gs2, gs3,
                     ss0, ss1, ss2, ss3):
    sid = lax.axis_index("s")
    wid = sid
    bufs = (buf0, buf1, buf2, buf3)
    esems = (es0, es1, es2, es3)
    gsems = (gs0, gs1, gs2, gs3)
    ssems = (ss0, ss1, ss2, ss3)

    def _zrow(r, carry):
        for j in range(H // 16):
            buf0[r, pl.ds(j * 16, 16)] = jnp.zeros((16,), jnp.float32)
        return carry
    lax.fori_loop(0, CHUNK, _zrow, 0)

    def _zcopy(k, carry):
        pltpu.sync_copy(buf0,
                        aggr_sh.at[pl.ds(sid * RPT + k * CHUNK, CHUNK), :])
        return carry
    lax.fori_loop(0, RPT // CHUNK, _zcopy, 0)
    _ztail = RPT - (RPT // CHUNK) * CHUNK
    pltpu.sync_copy(
        buf0.at[pl.ds(0, _ztail), :],
        aggr_sh.at[pl.ds(sid * RPT + (RPT // CHUNK) * CHUNK, _ztail), :])
    plsc.subcore_barrier()

    ebase = wid * EPW

    def _relu(b):
        def _rrow(r, rc):
            for k in range(H // 16):
                sl = pl.ds(k * 16, 16)
                bufs[b][r, sl] = jnp.maximum(bufs[b][r, sl], 0.0)
            return rc
        lax.fori_loop(0, CHUNK, _rrow, 0)

    def _group(gg, gcarry):
        pltpu.sync_copy(src_hbm.at[wid, gg], srcs_v)
        pltpu.sync_copy(dst_hbm.at[wid, gg], dsts_v)
        gbase = ebase + gg * (GCH * CHUNK)

        def e_start(b, l):
            pltpu.async_copy(e_hbm.at[pl.ds(gbase + l * CHUNK, CHUNK), :],
                             bufs[b], esems[b])

        def e_wait(b, l):
            pltpu.make_async_copy(
                e_hbm.at[pl.ds(gbase + l * CHUNK, CHUNK), :],
                bufs[b], esems[b]).wait()

        def g_start(b, l):
            pltpu.async_copy(h_hbm.at[srcs_v.at[l]], bufs[b], gsems[b],
                             add=True)

        def g_wait(b, l):
            pltpu.make_async_copy(h_hbm.at[srcs_v.at[l]], bufs[b],
                                  gsems[b]).wait()

        def s_start(b, l):
            pltpu.async_copy(bufs[b], aggr_sh.at[dsts_v.at[l]], ssems[b],
                             add=True)

        def s_wait(b, l):
            pltpu.make_async_copy(bufs[b], aggr_sh.at[dsts_v.at[l]],
                                  ssems[b]).wait()

        e_start(0, 0)
        e_start(1, 1)
        e_wait(0, 0)
        g_start(0, 0)

        def _quad(g, qcarry):
            l0 = g * 4
            @pl.when(g >= 1)
            def _():
                s_wait(2, l0 - 2)
            e_start(2, l0 + 2)
            e_wait(1, l0 + 1)
            g_start(1, l0 + 1)
            g_wait(0, l0)
            _relu(0)
            s_start(0, l0)
            @pl.when(g >= 1)
            def _():
                s_wait(3, l0 - 1)
            e_start(3, l0 + 3)
            e_wait(2, l0 + 2)
            g_start(2, l0 + 2)
            g_wait(1, l0 + 1)
            _relu(1)
            s_start(1, l0 + 1)
            s_wait(0, l0)
            @pl.when(g < QUADS - 1)
            def _():
                e_start(0, l0 + 4)
            e_wait(3, l0 + 3)
            g_start(3, l0 + 3)
            g_wait(2, l0 + 2)
            _relu(2)
            s_start(2, l0 + 2)
            s_wait(1, l0 + 1)
            @pl.when(g < QUADS - 1)
            def _():
                e_start(1, l0 + 5)
                e_wait(0, l0 + 4)
                g_start(0, l0 + 4)
            g_wait(3, l0 + 3)
            _relu(3)
            s_start(3, l0 + 3)
            return qcarry

        lax.fori_loop(0, QUADS, _quad, 0)
        s_wait(2, GCH - 2)
        s_wait(3, GCH - 1)
        return gcarry

    lax.fori_loop(0, NGROUPS, _group, 0)
    plsc.subcore_barrier()

    pltpu.sync_copy(aggr_sh.at[pl.ds(sid * RPT, RPT), :], out_hbm.at[sid])


def _layer_body(h_ref, p_ref, eps_ref, wm1_ref, bm1_ref, wm2_ref, bm2_ref,
                g_ref, b_ref, o_ref):
    h = h_ref[...]
    out = (1.0 + eps_ref[0, 0]) * h + p_ref[...]
    t = jnp.maximum(
        jnp.dot(out, wm1_ref[...], preferred_element_type=jnp.float32)
        + bm1_ref[...], 0.0)
    out = (jnp.dot(t, wm2_ref[...], preferred_element_type=jnp.float32)
           + bm2_ref[...])
    out = out * (g_ref[...] * _BN_SCALE) + b_ref[...] + h
    o_ref[...] = jnp.maximum(out, 0.0)


def _layer_tc(h, parts, eps_l, wm1, bm1, wm2, bm2, gamma_l, beta_l):
    return pl.pallas_call(
        _layer_body,
        grid=(N // NB,),
        in_specs=[
            pl.BlockSpec((NB, H), lambda i: (i, 0)),
            pl.BlockSpec((NB, H), lambda i: (i, 0)),
            pl.BlockSpec(memory_space=pltpu.SMEM),
            pl.BlockSpec((H, 2 * H), lambda i: (0, 0)),
            pl.BlockSpec((1, 2 * H), lambda i: (0, 0)),
            pl.BlockSpec((2 * H, H), lambda i: (0, 0)),
            pl.BlockSpec((1, H), lambda i: (0, 0)),
            pl.BlockSpec((1, H), lambda i: (0, 0)),
            pl.BlockSpec((1, H), lambda i: (0, 0)),
        ],
        out_specs=pl.BlockSpec((NB, H), lambda i: (i, 0)),
        out_shape=jax.ShapeDtypeStruct((N, H), jnp.float32),
    )(h, parts, eps_l, wm1, bm1, wm2, bm2, gamma_l, beta_l)


def _pool_body(h_ref, wo1_ref, bo1_ref, wo2_ref, bo2_ref, logits_ref,
               pooled_ref, acc_ref):
    i = pl.program_id(0)

    @pl.when(i == 0)
    def _():
        acc_ref[...] = jnp.zeros_like(acc_ref)

    acc_ref[...] += jnp.sum(h_ref[...], axis=0, keepdims=True)

    @pl.when(i == pl.num_programs(0) - 1)
    def _():
        pooled = acc_ref[...] * (1.0 / N)
        pooled_ref[...] = pooled
        t = jnp.maximum(
            jnp.dot(pooled, wo1_ref[...], preferred_element_type=jnp.float32)
            + bo1_ref[...], 0.0)
        logits_ref[...] = (
            jnp.dot(t, wo2_ref[...], preferred_element_type=jnp.float32)
            + bo2_ref[...])


def _pool_tc(h, wo1, bo1, wo2, bo2):
    h2 = wo1.shape[1]
    nout = wo2.shape[1]
    return pl.pallas_call(
        _pool_body,
        grid=(N // NB,),
        in_specs=[
            pl.BlockSpec((NB, H), lambda i: (i, 0)),
            pl.BlockSpec((H, h2), lambda i: (0, 0)),
            pl.BlockSpec((1, h2), lambda i: (0, 0)),
            pl.BlockSpec((h2, nout), lambda i: (0, 0)),
            pl.BlockSpec((1, nout), lambda i: (0, 0)),
        ],
        out_specs=[
            pl.BlockSpec((1, nout), lambda i: (0, 0)),
            pl.BlockSpec((1, H), lambda i: (0, 0)),
        ],
        out_shape=[
            jax.ShapeDtypeStruct((1, nout), jnp.float32),
            jax.ShapeDtypeStruct((1, H), jnp.float32),
        ],
        scratch_shapes=[pltpu.VMEM((1, H), jnp.float32)],
    )(h, wo1, bo1, wo2, bo2)


def kernel(x, edge_index, edge_attr, W_ne, b_ne, W_ee, b_ee, eps, We, be,
           Wm1, bm1, Wm2, bm2, gamma, beta, Wo1, bo1, Wo2, bo2):
    ei = edge_index.astype(jnp.int32)
    src_r = ei[0].reshape(NW, NGROUPS, GCH, CHUNK)
    dst_r = ei[1].reshape(NW, NGROUPS, GCH, CHUNK)

    h = _node_enc(x, W_ne, b_ne.reshape(1, H))
    e_all = _edge_e(edge_attr, W_ee, We, b_ee.reshape(1, H), be)

    sc_msgpass = _get_sc_msgpass()
    for l in range(NLAYERS):
        parts = sc_msgpass(h, src_r, dst_r, e_all[l]).reshape(N, H)
        h = _layer_tc(h, parts, eps[l].reshape(1, 1), Wm1[l],
                      bm1[l].reshape(1, 2 * H), Wm2[l], bm2[l].reshape(1, H),
                      gamma[l].reshape(1, H), beta[l].reshape(1, H))

    return _pool_tc(h, Wo1, bo1.reshape(1, H // 2), Wo2,
                    bo2.reshape(1, Wo2.shape[1]))

# --- scband reference (transcript-rebuilt; emitter-appended) ---
"""Pipeline reference for scband-ginenet-with-transformer-19885698580760 (READ-ONLY COPY).

The authoritative reference and input builder live on the scoring server;
editing this copy changes nothing except your own understanding.
"""

import jax, jax.numpy as jnp
import numpy as np

N_NODES = 10000
N_EDGES = 320000
D_IN = 128
D_EDGE = 16
H = 128
L = 3
OUT = 32


def setup_inputs(seed: int = 0) -> dict:
    key = jax.random.key(seed)
    ks = jax.random.split(key, 24)
    s = 0.05
    inp = {}
    inp['x'] = jax.random.normal(ks[0], (N_NODES, D_IN), dtype=jnp.float32)
    inp['edge_index'] = jax.random.randint(ks[1], (2, N_EDGES), 0, N_NODES, dtype=jnp.int64)
    inp['edge_attr'] = jax.random.normal(ks[2], (N_EDGES, D_EDGE), dtype=jnp.float32)
    # node / edge encoders
    inp['W_ne'] = jax.random.normal(ks[3], (D_IN, H), dtype=jnp.float32) * s
    inp['b_ne'] = jnp.zeros((H,), dtype=jnp.float32)
    inp['W_ee'] = jax.random.normal(ks[4], (D_EDGE, H), dtype=jnp.float32) * s
    inp['b_ee'] = jnp.zeros((H,), dtype=jnp.float32)
    # per-layer GINE params (stacked over L layers)
    inp['eps'] = jnp.zeros((L,), dtype=jnp.float32)  # train_eps=True, init 0
    inp['We'] = jax.random.normal(ks[5], (L, H, H), dtype=jnp.float32) * s
    inp['be'] = jnp.zeros((L, H), dtype=jnp.float32)
    inp['Wm1'] = jax.random.normal(ks[6], (L, H, 2 * H), dtype=jnp.float32) * s
    inp['bm1'] = jnp.zeros((L, 2 * H), dtype=jnp.float32)
    inp['Wm2'] = jax.random.normal(ks[7], (L, 2 * H, H), dtype=jnp.float32) * s
    inp['bm2'] = jnp.zeros((L, H), dtype=jnp.float32)
    inp['gamma'] = jnp.ones((L, H), dtype=jnp.float32)
    inp['beta'] = jnp.zeros((L, H), dtype=jnp.float32)
    # output MLP
    inp['Wo1'] = jax.random.normal(ks[8], (H, H // 2), dtype=jnp.float32) * s
    inp['bo1'] = jnp.zeros((H // 2,), dtype=jnp.float32)
    inp['Wo2'] = jax.random.normal(ks[9], (H // 2, OUT), dtype=jnp.float32) * s
    inp['bo2'] = jnp.zeros((OUT,), dtype=jnp.float32)
    return inp


def reference(x, edge_index, edge_attr, W_ne, b_ne, W_ee, b_ee, eps, We, be,
              Wm1, bm1, Wm2, bm2, gamma, beta, Wo1, bo1, Wo2, bo2):
    n = x.shape[0]
    src = edge_index[0]
    dst = edge_index[1]
    # node encoder + ReLU (dropout p=0.0 / eval -> identity)
    h = jax.nn.relu(x @ W_ne + b_ne)
    # edge encoder
    ea = edge_attr @ W_ee + b_ee
    bn_eps = 1e-5
    for l in range(L):
        residual = h
        # GINEConv: out = mlp((1+eps)*x_i + sum_j ReLU(x_j + lin_edge(e_ij)))
        e = ea @ We[l] + be[l]
        msg = jax.nn.relu(h[src] + e)  # gather over src nodes
        aggr = jax.ops.segment_sum(msg, dst, num_segments=n)  # scatter-add
        out = (1.0 + eps[l]) * h + aggr
        out = jax.nn.relu(out @ Wm1[l] + bm1[l]) @ Wm2[l] + bm2[l]
        # BatchNorm in eval mode (running_mean=0, running_var=1)
        out = out / jnp.sqrt(1.0 + bn_eps) * gamma[l] + beta[l]
        # residual (no_residual=False), then ReLU
        out = out + residual
        h = jax.nn.relu(out)
    # jk='last' -> h already last layer output
    # batch=None -> all nodes in one graph; mean pooling
    x_pooled = jnp.mean(h, axis=0, keepdims=True)
    # output MLP
    out_logits = jax.nn.relu(x_pooled @ Wo1 + bo1) @ Wo2 + bo2
    return out_logits, x_pooled

if __name__ == "__main__":
    import jax
    _d = setup_inputs()
    print(jax.jit(kernel)(*tuple(_d.values())))

</pallas_src>

<mosaic_0001>
#map = affine_map<(d0, d1) -> (0, 0)>
#map1 = affine_map<(d0, d1) -> (0, 0, 0, 0)>
#map2 = affine_map<(d0, d1) -> (0, 0, 0)>
module attributes {stable_mosaic.version = 14 : i64} {
  func.func @_sc_msgpass_body(%arg0: i32, %arg1: i32, %arg2: memref<10000x128xf32, #tpu.memory_space<hbm>>, %arg3: memref<16x5x100x40xi32, #tpu.memory_space<hbm>>, %arg4: memref<16x5x100x40xi32, #tpu.memory_space<hbm>>, %arg5: memref<320000x128xf32, #tpu.memory_space<hbm>>, %arg6: memref<16x625x128xf32, #tpu.memory_space<hbm>>, %arg7: memref<100x40xi32, #tpu.memory_space<vmem>>, %arg8: memref<100x40xi32, #tpu.memory_space<vmem>>, %arg9: memref<40x128xf32, #tpu.memory_space<vmem>>, %arg10: memref<40x128xf32, #tpu.memory_space<vmem>>, %arg11: memref<40x128xf32, #tpu.memory_space<vmem>>, %arg12: memref<40x128xf32, #tpu.memory_space<vmem>>, %arg13: memref<10000x128xf32, #tpu.memory_space<vmem_shared>>, %arg14: memref<!tpu.dma_semaphore, #tpu.memory_space<semaphore_mem>>, %arg15: memref<!tpu.dma_semaphore, #tpu.memory_space<semaphore_mem>>, %arg16: memref<!tpu.dma_semaphore, #tpu.memory_space<semaphore_mem>>, %arg17: memref<!tpu.dma_semaphore, #tpu.memory_space<semaphore_mem>>, %arg18: memref<!tpu.dma_semaphore, #tpu.memory_space<semaphore_mem>>, %arg19: memref<!tpu.dma_semaphore, #tpu.memory_space<semaphore_mem>>, %arg20: memref<!tpu.dma_semaphore, #tpu.memory_space<semaphore_mem>>, %arg21: memref<!tpu.dma_semaphore, #tpu.memory_space<semaphore_mem>>, %arg22: memref<!tpu.dma_semaphore, #tpu.memory_space<semaphore_mem>>, %arg23: memref<!tpu.dma_semaphore, #tpu.memory_space<semaphore_mem>>, %arg24: memref<!tpu.dma_semaphore, #tpu.memory_space<semaphore_mem>>, %arg25: memref<!tpu.dma_semaphore, #tpu.memory_space<semaphore_mem>>) attributes {dimension_semantics = [#tpu.dimension_semantics<core_parallel>, #tpu.dimension_semantics<subcore_parallel>], iteration_bounds = array<i64: 1, 16>, scalar_prefetch = 0 : i64, scratch_operands = 19 : i64, tpu.core_type = #tpu.core_type<sc_vector_subcore>, window_params = [{transform_indices = #map}, {transform_indices = #map1}, {transform_indices = #map1}, {transform_indices = #map}, {transform_indices = #map2}]} {
    %scan3A = arith.constant 0 : i32
    %scan3A_0 = arith.constant 0 : i32
    %scan3A_1 = arith.constant 40 : i32
    %scan3A_2 = arith.addi %scan3A_0, %scan3A_1 : i32
    %scan3A_3 = arith.constant 1 : i32
    scf.for %scan3A_24 = %scan3A_0 to %scan3A_2 step %scan3A_3  : i32 {
      %broadcast_in_dim3A = arith.constant 0.000000e+00 : f32
      %broadcast_in_dim3A_25 = vector.broadcast %broadcast_in_dim3A : f32 to vector<16xf32>
      %swap3A = arith.index_cast %scan3A_24 : i32 to index
      %swap3A_26 = arith.constant 0 : index
      %swap3A_27 = tpu.vector_load %arg9[%swap3A, %swap3A_26] {strides = array<i32>} : memref<40x128xf32, #tpu.memory_space<vmem>>, vector<1x16xf32>,
      %swap3A_28 = vector.shape_cast %swap3A_27 : vector<1x16xf32> to vector<16xf32>
      %swap3A_29 = vector.shape_cast %broadcast_in_dim3A_25 : vector<16xf32> to vector<1x16xf32>
      tpu.vector_store %arg9[%swap3A, %swap3A_26], %swap3A_29 {strides = array<i32>} : memref<40x128xf32, #tpu.memory_space<vmem>>, vector<1x16xf32>,
      %broadcast_in_dim3A_30 = arith.constant 0.000000e+00 : f32
      %broadcast_in_dim3A_31 = vector.broadcast %broadcast_in_dim3A_30 : f32 to vector<16xf32>
      %swap3A_32 = arith.index_cast %scan3A_24 : i32 to index
      %swap3A_33 = arith.constant 16 : index
      %swap3A_34 = tpu.vector_load %arg9[%swap3A_32, %swap3A_33] {strides = array<i32>} : memref<40x128xf32, #tpu.memory_space<vmem>>, vector<1x16xf32>,
      %swap3A_35 = vector.shape_cast %swap3A_34 : vector<1x16xf32> to vector<16xf32>
      %swap3A_36 = vector.shape_cast %broadcast_in_dim3A_31 : vector<16xf32> to vector<1x16xf32>
      tpu.vector_store %arg9[%swap3A_32, %swap3A_33], %swap3A_36 {strides = array<i32>} : memref<40x128xf32, #tpu.memory_space<vmem>>, vector<1x16xf32>,
      %broadcast_in_dim3A_37 = arith.constant 0.000000e+00 : f32
      %broadcast_in_dim3A_38 = vector.broadcast %broadcast_in_dim3A_37 : f32 to vector<16xf32>
      %swap3A_39 = arith.index_cast %scan3A_24 : i32 to index
      %swap3A_40 = arith.constant 32 : index
      %swap3A_41 = tpu.vector_load %arg9[%swap3A_39, %swap3A_40] {strides = array<i32>} : memref<40x128xf32, #tpu.memory_space<vmem>>, vector<1x16xf32>,
      %swap3A_42 = vector.shape_cast %swap3A_41 : vector<1x16xf32> to vector<16xf32>
      %swap3A_43 = vector.shape_cast %broadcast_in_dim3A_38 : vector<16xf32> to vector<1x16xf32>
      tpu.vector_store %arg9[%swap3A_39, %swap3A_40], %swap3A_43 {strides = array<i32>} : memref<40x128xf32, #tpu.memory_space<vmem>>, vector<1x16xf32>,
      %broadcast_in_dim3A_44 = arith.constant 0.000000e+00 : f32
      %broadcast_in_dim3A_45 = vector.broadcast %broadcast_in_dim3A_44 : f32 to vector<16xf32>
      %swap3A_46 = arith.index_cast %scan3A_24 : i32 to index
      %swap3A_47 = arith.constant 48 : index
      %swap3A_48 = tpu.vector_load %arg9[%swap3A_46, %swap3A_47] {strides = array<i32>} : memref<40x128xf32, #tpu.memory_space<vmem>>, vector<1x16xf32>,
      %swap3A_49 = vector.shape_cast %swap3A_48 : vector<1x16xf32> to vector<16xf32>
      %swap3A_50 = vector.shape_cast %broadcast_in_dim3A_45 : vector<16xf32> to vector<1x16xf32>
      tpu.vector_store %arg9[%swap3A_46, %swap3A_47], %swap3A_50 {strides = array<i32>} : memref<40x128xf32, #tpu.memory_space<vmem>>, vector<1x16xf32>,
      %broadcast_in_dim3A_51 = arith.constant 0.000000e+00 : f32
      %broadcast_in_dim3A_52 = vector.broadcast %broadcast_in_dim3A_51 : f32 to vector<16xf32>
      %swap3A_53 = arith.index_cast %scan3A_24 : i32 to index
      %swap3A_54 = arith.constant 64 : index
      %swap3A_55 = tpu.vector_load %arg9[%swap3A_53, %swap3A_54] {strides = array<i32>} : memref<40x128xf32, #tpu.memory_space<vmem>>, vector<1x16xf32>,
      %swap3A_56 = vector.shape_cast %swap3A_55 : vector<1x16xf32> to vector<16xf32>
      %swap3A_57 = vector.shape_cast %broadcast_in_dim3A_52 : vector<16xf32> to vector<1x16xf32>
      tpu.vector_store %arg9[%swap3A_53, %swap3A_54], %swap3A_57 {strides = array<i32>} : memref<40x128xf32, #tpu.memory_space<vmem>>, vector<1x16xf32>,
      %broadcast_in_dim3A_58 = arith.constant 0.000000e+00 : f32
      %broadcast_in_dim3A_59 = vector.broadcast %broadcast_in_dim3A_58 : f32 to vector<16xf32>
      %swap3A_60 = arith.index_cast %scan3A_24 : i32 to index
      %swap3A_61 = arith.constant 80 : index
      %swap3A_62 = tpu.vector_load %arg9[%swap3A_60, %swap3A_61] {strides = array<i32>} : memref<40x128xf32, #tpu.memory_space<vmem>>, vector<1x16xf32>,
      %swap3A_63 = vector.shape_cast %swap3A_62 : vector<1x16xf32> to vector<16xf32>
      %swap3A_64 = vector.shape_cast %broadcast_in_dim3A_59 : vector<16xf32> to vector<1x16xf32>
      tpu.vector_store %arg9[%swap3A_60, %swap3A_61], %swap3A_64 {strides = array<i32>} : memref<40x128xf32, #tpu.memory_space<vmem>>, vector<1x16xf32>,
      %broadcast_in_dim3A_65 = arith.constant 0.000000e+00 : f32
      %broadcast_in_dim3A_66 = vector.broadcast %broadcast_in_dim3A_65 : f32 to vector<16xf32>
      %swap3A_67 = arith.index_cast %scan3A_24 : i32 to index
      %swap3A_68 = arith.constant 96 : index
      %swap3A_69 = tpu.vector_load %arg9[%swap3A_67, %swap3A_68] {strides = array<i32>} : memref<40x128xf32, #tpu.memory_space<vmem>>, vector<1x16xf32>,
      %swap3A_70 = vector.shape_cast %swap3A_69 : vector<1x16xf32> to vector<16xf32>
      %swap3A_71 = vector.shape_cast %broadcast_in_dim3A_66 : vector<16xf32> to vector<1x16xf32>
      tpu.vector_store %arg9[%swap3A_67, %swap3A_68], %swap3A_71 {strides = array<i32>} : memref<40x128xf32, #tpu.memory_space<vmem>>, vector<1x16xf32>,
      %broadcast_in_dim3A_72 = arith.constant 0.000000e+00 : f32
      %broadcast_in_dim3A_73 = vector.broadcast %broadcast_in_dim3A_72 : f32 to vector<16xf32>
      %swap3A_74 = arith.index_cast %scan3A_24 : i32 to index
      %swap3A_75 = arith.constant 112 : index
      %swap3A_76 = tpu.vector_load %arg9[%swap3A_74, %swap3A_75] {strides = array<i32>} : memref<40x128xf32, #tpu.memory_space<vmem>>, vector<1x16xf32>,
      %swap3A_77 = vector.shape_cast %swap3A_76 : vector<1x16xf32> to vector<16xf32>
      %swap3A_78 = vector.shape_cast %broadcast_in_dim3A_73 : vector<16xf32> to vector<1x16xf32>
      tpu.vector_store %arg9[%swap3A_74, %swap3A_75], %swap3A_78 {strides = array<i32>} : memref<40x128xf32, #tpu.memory_space<vmem>>, vector<1x16xf32>,
    }
    %scan3A_4 = arith.constant 40 : i32
    %scan3A_5 = arith.constant 0 : i32
    %scan3A_6 = arith.constant 0 : i32
    %scan3A_7 = arith.constant 15 : i32
    %scan3A_8 = arith.addi %scan3A_6, %scan3A_7 : i32
    %scan3A_9 = arith.constant 1 : i32
    scf.for %scan3A_24 = %scan3A_6 to %scan3A_8 step %scan3A_9  : i32 {
      %mul3A_25 = arith.constant 625 : i32
      %mul3A_26 = arith.muli %arg1, %mul3A_25 : i32
      %mul3A_27 = arith.constant 40 : i32
      %mul3A_28 = arith.muli %scan3A_24, %mul3A_27 : i32
      %add3A_29 = arith.addi %mul3A_26, %mul3A_28 : i32
      "tpu.region"() ({
        %run_scoped3A = tpu.sem_alloc : memref<!tpu.dma_semaphore, #tpu.memory_space<semaphore_mem>>
        %dma_start3A = arith.constant 0 : i32
        %dma_start3A_30 = tpu.memref_slice %arg13[%add3A_29, %dma_start3A] : memref<10000x128xf32, #tpu.memory_space<vmem_shared>> -> memref<40x128xf32, #tpu.memory_space<vmem_shared>>
        %dma_start3A_31 = arith.constant 0 : i32
        %dma_start3A_32 = tpu.memref_slice %arg13[%add3A_29, %dma_start3A_31] : memref<10000x128xf32, #tpu.memory_space<vmem_shared>> -> memref<40x128xf32, #tpu.memory_space<vmem_shared>>
        tpu.enqueue_dma source(%arg9 : memref<40x128xf32, #tpu.memory_space<vmem>>) target(%dma_start3A_32 : memref<40x128xf32, #tpu.memory_space<vmem_shared>>) target_semaphore(%run_scoped3A : memref<!tpu.dma_semaphore, #tpu.memory_space<semaphore_mem>>)
        %dma_wait3A = arith.constant 0 : i32
        %dma_wait3A_33 = tpu.memref_slice %arg13[%add3A_29, %dma_wait3A] : memref<10000x128xf32, #tpu.memory_space<vmem_shared>> -> memref<40x128xf32, #tpu.memory_space<vmem_shared>>
        %dma_wait3A_34 = arith.constant 0 : i32
        %dma_wait3A_35 = tpu.memref_slice %arg13[%add3A_29, %dma_wait3A_34] : memref<10000x128xf32, #tpu.memory_space<vmem_shared>> -> memref<40x128xf32, #tpu.memory_space<vmem_shared>>
        tpu.wait_dma2 semaphore(%run_scoped3A : memref<!tpu.dma_semaphore, #tpu.memory_space<semaphore_mem>>) src(%arg9 : memref<40x128xf32, #tpu.memory_space<vmem>>) dst(%dma_wait3A_35 : memref<40x128xf32, #tpu.memory_space<vmem_shared>>)
        tpu.yield
      }) : () -> ()
    }
    %scan3A_10 = arith.constant 15 : i32
    %mul3A = arith.constant 625 : i32
    %mul3A_11 = arith.muli %arg1, %mul3A : i32
    %add3A = arith.constant 600 : i32
    %add3A_12 = arith.addi %mul3A_11, %add3A : i32
    "tpu.region"() ({
      %run_scoped3A = tpu.sem_alloc : memref<!tpu.dma_semaphore, #tpu.memory_space<semaphore_mem>>
      %dma_start3A = arith.constant 0 : i32
      %dma_start3A_24 = arith.constant 0 : i32
      %dma_start3A_25 = tpu.memref_slice %arg9[%dma_start3A, %dma_start3A_24] : memref<40x128xf32, #tpu.memory_space<vmem>> -> memref<25x128xf32, #tpu.memory_space<vmem>>
      %dma_start3A_26 = arith.constant 0 : i32
      %dma_start3A_27 = tpu.memref_slice %arg13[%add3A_12, %dma_start3A_26] : memref<10000x128xf32, #tpu.memory_space<vmem_shared>> -> memref<25x128xf32, #tpu.memory_space<vmem_shared>>
      %dma_start3A_28 = arith.constant 0 : i32
      %dma_start3A_29 = tpu.memref_slice %arg13[%add3A_12, %dma_start3A_28] : memref<10000x128xf32, #tpu.memory_space<vmem_shared>> -> memref<25x128xf32, #tpu.memory_space<vmem_shared>>
      %dma_start3A_30 = arith.constant 0 : i32
      %dma_start3A_31 = arith.constant 0 : i32
      %dma_start3A_32 = tpu.memref_slice %arg9[%dma_start3A_30, %dma_start3A_31] : memref<40x128xf32, #tpu.memory_space<vmem>> -> memref<25x128xf32, #tpu.memory_space<vmem>>
      tpu.enqueue_dma source(%dma_start3A_32 : memref<25x128xf32, #tpu.memory_space<vmem>>) target(%dma_start3A_29 : memref<25x128xf32, #tpu.memory_space<vmem_shared>>) target_semaphore(%run_scoped3A : memref<!tpu.dma_semaphore, #tpu.memory_space<semaphore_mem>>)
      %dma_wait3A = arith.constant 0 : i32
      %dma_wait3A_33 = arith.constant 0 : i32
      %dma_wait3A_34 = tpu.memref_slice %arg9[%dma_wait3A, %dma_wait3A_33] : memref<40x128xf32, #tpu.memory_space<vmem>> -> memref<25x128xf32, #tpu.memory_space<vmem>>
      %dma_wait3A_35 = arith.constant 0 : i32
      %dma_wait3A_36 = tpu.memref_slice %arg13[%add3A_12, %dma_wait3A_35] : memref<10000x128xf32, #tpu.memory_space<vmem_shared>> -> memref<25x128xf32, #tpu.memory_space<vmem_shared>>
      %dma_wait3A_37 = arith.constant 0 : i32
      %dma_wait3A_38 = tpu.memref_slice %arg13[%add3A_12, %dma_wait3A_37] : memref<10000x128xf32, #tpu.memory_space<vmem_shared>> -> memref<25x128xf32, #tpu.memory_space<vmem_shared>>
      %dma_wait3A_39 = arith.constant 0 : i32
      %dma_wait3A_40 = arith.constant 0 : i32
      %dma_wait3A_41 = tpu.memref_slice %arg9[%dma_wait3A_39, %dma_wait3A_40] : memref<40x128xf32, #tpu.memory_space<vmem>> -> memref<25x128xf32, #tpu.memory_space<vmem>>
      tpu.wait_dma2 semaphore(%run_scoped3A : memref<!tpu.dma_semaphore, #tpu.memory_space<semaphore_mem>>) src(%dma_wait3A_41 : memref<25x128xf32, #tpu.memory_space<vmem>>) dst(%dma_wait3A_38 : memref<25x128xf32, #tpu.memory_space<vmem_shared>>)
      tpu.yield
    }) : () -> ()
    %barrier3A = arith.constant 0 : index
    tpu.barrier barrier_id(%barrier3A)
    %mul3A_13 = arith.constant 20000 : i32
    %mul3A_14 = arith.muli %arg1, %mul3A_13 : i32
    %scan3A_15 = arith.constant 0 : i32
    %scan3A_16 = arith.constant 0 : i32
    %scan3A_17 = arith.constant 5 : i32
    %scan3A_18 = arith.addi %scan3A_16, %scan3A_17 : i32
    %scan3A_19 = arith.constant 1 : i32
    scf.for %scan3A_24 = %scan3A_16 to %scan3A_18 step %scan3A_19  : i32 {
      "tpu.region"() ({
        %run_scoped3A = tpu.sem_alloc : memref<!tpu.dma_semaphore, #tpu.memory_space<semaphore_mem>>
        %dma_start3A_71 = arith.constant 0 : i32
        %dma_start3A_72 = arith.constant 0 : i32
        %dma_start3A_73 = tpu.memref_slice %arg3[%arg1, %scan3A_24, %dma_start3A_71, %dma_start3A_72] : memref<16x5x100x40xi32, #tpu.memory_space<hbm>> -> memref<1x1x100x40xi32, #tpu.memory_space<hbm>>
        %dma_start3A_74 = tpu.memref_squeeze %dma_start3A_73 : memref<1x1x100x40xi32, #tpu.memory_space<hbm>> -> memref<100x40xi32, #tpu.memory_space<hbm>>
        %dma_start3A_75 = arith.constant 0 : i32
        %dma_start3A_76 = arith.constant 0 : i32
        %dma_start3A_77 = tpu.memref_slice %arg3[%arg1, %scan3A_24, %dma_start3A_75, %dma_start3A_76] : memref<16x5x100x40xi32, #tpu.memory_space<hbm>> -> memref<1x1x100x40xi32, #tpu.memory_space<hbm>>
        %dma_start3A_78 = tpu.memref_squeeze %dma_start3A_77 : memref<1x1x100x40xi32, #tpu.memory_space<hbm>> -> memref<100x40xi32, #tpu.memory_space<hbm>>
        tpu.enqueue_dma source(%dma_start3A_78 : memref<100x40xi32, #tpu.memory_space<hbm>>) target(%arg7 : memref<100x40xi32, #tpu.memory_space<vmem>>) target_semaphore(%run_scoped3A : memref<!tpu.dma_semaphore, #tpu.memory_space<semaphore_mem>>)
        %dma_wait3A_79 = arith.constant 0 : i32
        %dma_wait3A_80 = arith.constant 0 : i32
        %dma_wait3A_81 = tpu.memref_slice %arg3[%arg1, %scan3A_24, %dma_wait3A_79, %dma_wait3A_80] : memref<16x5x100x40xi32, #tpu.memory_space<hbm>> -> memref<1x1x100x40xi32, #tpu.memory_space<hbm>>
        %dma_wait3A_82 = tpu.memref_squeeze %dma_wait3A_81 : memref<1x1x100x40xi32, #tpu.memory_space<hbm>> -> memref<100x40xi32, #tpu.memory_space<hbm>>
        %dma_wait3A_83 = arith.constant 0 : i32
        %dma_wait3A_84 = arith.constant 0 : i32
        %dma_wait3A_85 = tpu.memref_slice %arg3[%arg1, %scan3A_24, %dma_wait3A_83, %dma_wait3A_84] : memref<16x5x100x40xi32, #tpu.memory_space<hbm>> -> memref<1x1x100x40xi32, #tpu.memory_space<hbm>>
        %dma_wait3A_86 = tpu.memref_squeeze %dma_wait3A_85 : memref<1x1x100x40xi32, #tpu.memory_space<hbm>> -> memref<100x40xi32, #tpu.memory_space<hbm>>
        tpu.wait_dma2 semaphore(%run_scoped3A : memref<!tpu.dma_semaphore, #tpu.memory_space<semaphore_mem>>) src(%dma_wait3A_86 : memref<100x40xi32, #tpu.memory_space<hbm>>) dst(%arg7 : memref<100x40xi32, #tpu.memory_space<vmem>>)
        tpu.yield
      }) : () -> ()
      "tpu.region"() ({
        %run_scoped3A = tpu.sem_alloc : memref<!tpu.dma_semaphore, #tpu.memory_space<semaphore_mem>>
        %dma_start3A_71 = arith.constant 0 : i32
        %dma_start3A_72 = arith.constant 0 : i32
        %dma_start3A_73 = tpu.memref_slice %arg4[%arg1, %scan3A_24, %dma_start3A_71, %dma_start3A_72] : memref<16x5x100x40xi32, #tpu.memory_space<hbm>> -> memref<1x1x100x40xi32, #tpu.memory_space<hbm>>
        %dma_start3A_74 = tpu.memref_squeeze %dma_start3A_73 : memref<1x1x100x40xi32, #tpu.memory_space<hbm>> -> memref<100x40xi32, #tpu.memory_space<hbm>>
        %dma_start3A_75 = arith.constant 0 : i32
        %dma_start3A_76 = arith.constant 0 : i32
        %dma_start3A_77 = tpu.memref_slice %arg4[%arg1, %scan3A_24, %dma_start3A_75, %dma_start3A_76] : memref<16x5x100x40xi32, #tpu.memory_space<hbm>> -> memref<1x1x100x40xi32, #tpu.memory_space<hbm>>
        %dma_start3A_78 = tpu.memref_squeeze %dma_start3A_77 : memref<1x1x100x40xi32, #tpu.memory_space<hbm>> -> memref<100x40xi32, #tpu.memory_space<hbm>>
        tpu.enqueue_dma source(%dma_start3A_78 : memref<100x40xi32, #tpu.memory_space<hbm>>) target(%arg8 : memref<100x40xi32, #tpu.memory_space<vmem>>) target_semaphore(%run_scoped3A : memref<!tpu.dma_semaphore, #tpu.memory_space<semaphore_mem>>)
        %dma_wait3A_79 = arith.constant 0 : i32
        %dma_wait3A_80 = arith.constant 0 : i32
        %dma_wait3A_81 = tpu.memref_slice %arg4[%arg1, %scan3A_24, %dma_wait3A_79, %dma_wait3A_80] : memref<16x5x100x40xi32, #tpu.memory_space<hbm>> -> memref<1x1x100x40xi32, #tpu.memory_space<hbm>>
        %dma_wait3A_82 = tpu.memref_squeeze %dma_wait3A_81 : memref<1x1x100x40xi32, #tpu.memory_space<hbm>> -> memref<100x40xi32, #tpu.memory_space<hbm>>
        %dma_wait3A_83 = arith.constant 0 : i32
        %dma_wait3A_84 = arith.constant 0 : i32
        %dma_wait3A_85 = tpu.memref_slice %arg4[%arg1, %scan3A_24, %dma_wait3A_83, %dma_wait3A_84] : memref<16x5x100x40xi32, #tpu.memory_space<hbm>> -> memref<1x1x100x40xi32, #tpu.memory_space<hbm>>
        %dma_wait3A_86 = tpu.memref_squeeze %dma_wait3A_85 : memref<1x1x100x40xi32, #tpu.memory_space<hbm>> -> memref<100x40xi32, #tpu.memory_space<hbm>>
        tpu.wait_dma2 semaphore(%run_scoped3A : memref<!tpu.dma_semaphore, #tpu.memory_space<semaphore_mem>>) src(%dma_wait3A_86 : memref<100x40xi32, #tpu.memory_space<hbm>>) dst(%arg8 : memref<100x40xi32, #tpu.memory_space<vmem>>)
        tpu.yield
      }) : () -> ()
      %mul3A_25 = arith.constant 4000 : i32
      %mul3A_26 = arith.muli %scan3A_24, %mul3A_25 : i32
      %add3A_27 = arith.addi %mul3A_14, %mul3A_26 : i32
      %add3A_28 = arith.constant 0 : i32
      %add3A_29 = arith.addi %add3A_27, %add3A_28 : i32
      %dma_start3A = arith.constant 0 : i32
      %dma_start3A_30 = tpu.memref_slice %arg5[%add3A_29, %dma_start3A] : memref<320000x128xf32, #tpu.memory_space<hbm>> -> memref<40x128xf32, #tpu.memory_space<hbm>>
      %dma_start3A_31 = arith.constant 0 : i32
      %dma_start3A_32 = tpu.memref_slice %arg5[%add3A_29, %dma_start3A_31] : memref<320000x128xf32, #tpu.memory_space<hbm>> -> memref<40x128xf32, #tpu.memory_space<hbm>>
      tpu.enqueue_dma source(%dma_start3A_32 : memref<40x128xf32, #tpu.memory_space<hbm>>) target(%arg9 : memref<40x128xf32, #tpu.memory_space<vmem>>) target_semaphore(%arg14 : memref<!tpu.dma_semaphore, #tpu.memory_space<semaphore_mem>>)
      %add3A_33 = arith.constant 40 : i32
      %add3A_34 = arith.addi %add3A_27, %add3A_33 : i32
      %dma_start3A_35 = arith.constant 0 : i32
      %dma_start3A_36 = tpu.memref_slice %arg5[%add3A_34, %dma_start3A_35] : memref<320000x128xf32, #tpu.memory_space<hbm>> -> memref<40x128xf32, #tpu.memory_space<hbm>>
      %dma_start3A_37 = arith.constant 0 : i32
      %dma_start3A_38 = tpu.memref_slice %arg5[%add3A_34, %dma_start3A_37] : memref<320000x128xf32, #tpu.memory_space<hbm>> -> memref<40x128xf32, #tpu.memory_space<hbm>>
      tpu.enqueue_dma source(%dma_start3A_38 : memref<40x128xf32, #tpu.memory_space<hbm>>) target(%arg10 : memref<40x128xf32, #tpu.memory_space<vmem>>) target_semaphore(%arg15 : memref<!tpu.dma_semaphore, #tpu.memory_space<semaphore_mem>>)
      %add3A_39 = arith.constant 0 : i32
      %add3A_40 = arith.addi %add3A_27, %add3A_39 : i32
      %dma_wait3A = arith.constant 0 : i32
      %dma_wait3A_41 = tpu.memref_slice %arg5[%add3A_40, %dma_wait3A] : memref<320000x128xf32, #tpu.memory_space<hbm>> -> memref<40x128xf32, #tpu.memory_space<hbm>>
      %dma_wait3A_42 = arith.constant 0 : i32
      %dma_wait3A_43 = tpu.memref_slice %arg5[%add3A_40, %dma_wait3A_42] : memref<320000x128xf32, #tpu.memory_space<hbm>> -> memref<40x128xf32, #tpu.memory_space<hbm>>
      tpu.wait_dma2 semaphore(%arg14 : memref<!tpu.dma_semaphore, #tpu.memory_space<semaphore_mem>>) src(%dma_wait3A_43 : memref<40x128xf32, #tpu.memory_space<hbm>>) dst(%arg9 : memref<40x128xf32, #tpu.memory_space<vmem>>)
      %dma_start3A_44 = arith.constant 0 : i32
      %dma_start3A_45 = arith.constant 0 : i32
      %dma_start3A_46 = tpu.memref_slice %arg7[%dma_start3A_44, %dma_start3A_45] : memref<100x40xi32, #tpu.memory_space<vmem>> -> memref<1x40xi32, #tpu.memory_space<vmem>>
      %dma_start3A_47 = tpu.memref_squeeze %dma_start3A_46 : memref<1x40xi32, #tpu.memory_space<vmem>> -> memref<40xi32, #tpu.memory_space<vmem>>
      %dma_start3A_48 = arith.constant 0 : i32
      %dma_start3A_49 = arith.constant 0 : i32
      %dma_start3A_50 = tpu.memref_slice %arg2[%dma_start3A_48, %dma_start3A_49] : memref<10000x128xf32, #tpu.memory_space<hbm>> -> memref<10000x128xf32, #tpu.memory_space<hbm>>
      tpu.enqueue_indirect_dma source(%dma_start3A_50 : memref<10000x128xf32, #tpu.memory_space<hbm>>) target(%arg9 : memref<40x128xf32, #tpu.memory_space<vmem>>) offsets(%dma_start3A_47 : memref<40xi32, #tpu.memory_space<vmem>>) semaphore(%arg18 : memref<!tpu.dma_semaphore, #tpu.memory_space<semaphore_mem>>) {add = true}
      %scan3A_51 = arith.constant 0 : i32
      %scan3A_52 = arith.constant 0 : i32
      %scan3A_53 = arith.constant 25 : i32
      %scan3A_54 = arith.addi %scan3A_52, %scan3A_53 : i32
      %scan3A_55 = arith.constant 1 : i32
      scf.for %scan3A_71 = %scan3A_52 to %scan3A_54 step %scan3A_55  : i32 {
        %mul3A_72 = arith.constant 4 : i32
        %mul3A_73 = arith.muli %scan3A_71, %mul3A_72 : i32
        %ge3A = arith.constant 1 : i32
        %ge3A_74 = arith.cmpi sge, %scan3A_71, %ge3A : i32
        %convert_element_type3A = arith.extui %ge3A_74 : i1 to i32
        %cond3A = arith.constant 0 : i32
        %cond3A_75 = arith.cmpi ne, %convert_element_type3A, %cond3A : i32
        scf.if %cond3A_75 {
          %sub3A = arith.constant 2 : i32
          %sub3A_257 = arith.subi %mul3A_73, %sub3A : i32
          %dma_wait3A_258 = arith.constant 0 : i32
          %dma_wait3A_259 = tpu.memref_slice %arg8[%sub3A_257, %dma_wait3A_258] : memref<100x40xi32, #tpu.memory_space<vmem>> -> memref<1x40xi32, #tpu.memory_space<vmem>>
          %dma_wait3A_260 = tpu.memref_squeeze %dma_wait3A_259 : memref<1x40xi32, #tpu.memory_space<vmem>> -> memref<40xi32, #tpu.memory_space<vmem>>
          %dma_wait3A_261 = arith.constant 0 : i32
          %dma_wait3A_262 = arith.constant 0 : i32
          %dma_wait3A_263 = tpu.memref_slice %arg13[%dma_wait3A_261, %dma_wait3A_262] : memref<10000x128xf32, #tpu.memory_space<vmem_shared>> -> memref<10000x128xf32, #tpu.memory_space<vmem_shared>>
          tpu.wait_indirect_dma semaphore(%arg24 : memref<!tpu.dma_semaphore, #tpu.memory_space<semaphore_mem>>) src(%arg11 : memref<40x128xf32, #tpu.memory_space<vmem>>) dst(%dma_wait3A_263 : memref<10000x128xf32, #tpu.memory_space<vmem_shared>>)
        } else {
        }
        %add3A_76 = arith.constant 2 : i32
        %add3A_77 = arith.addi %mul3A_73, %add3A_76 : i32
        %mul3A_78 = arith.constant 40 : i32
        %mul3A_79 = arith.muli %add3A_77, %mul3A_78 : i32
        %add3A_80 = arith.addi %add3A_27, %mul3A_79 : i32
        %dma_start3A_81 = arith.constant 0 : i32
        %dma_start3A_82 = tpu.memref_slice %arg5[%add3A_80, %dma_start3A_81] : memref<320000x128xf32, #tpu.memory_space<hbm>> -> memref<40x128xf32, #tpu.memory_space<hbm>>
        %dma_start3A_83 = arith.constant 0 : i32
        %dma_start3A_84 = tpu.memref_slice %arg5[%add3A_80, %dma_start3A_83] : memref<320000x128xf32, #tpu.memory_space<hbm>> -> memref<40x128xf32, #tpu.memory_space<hbm>>
        tpu.enqueue_dma source(%dma_start3A_84 : memref<40x128xf32, #tpu.memory_space<hbm>>) target(%arg11 : memref<40x128xf32, #tpu.memory_space<vmem>>) target_semaphore(%arg16 : memref<!tpu.dma_semaphore, #tpu.memory_space<semaphore_mem>>)
        %add3A_85 = arith.constant 1 : i32
        %add3A_86 = arith.addi %mul3A_73, %add3A_85 : i32
        %mul3A_87 = arith.constant 40 : i32
        %mul3A_88 = arith.muli %add3A_86, %mul3A_87 : i32
        %add3A_89 = arith.addi %add3A_27, %mul3A_88 : i32
        %dma_wait3A_90 = arith.constant 0 : i32
        %dma_wait3A_91 = tpu.memref_slice %arg5[%add3A_89, %dma_wait3A_90] : memref<320000x128xf32, #tpu.memory_space<hbm>> -> memref<40x128xf32, #tpu.memory_space<hbm>>
        %dma_wait3A_92 = arith.constant 0 : i32
        %dma_wait3A_93 = tpu.memref_slice %arg5[%add3A_89, %dma_wait3A_92] : memref<320000x128xf32, #tpu.memory_space<hbm>> -> memref<40x128xf32, #tpu.memory_space<hbm>>
        tpu.wait_dma2 semaphore(%arg15 : memref<!tpu.dma_semaphore, #tpu.memory_space<semaphore_mem>>) src(%dma_wait3A_93 : memref<40x128xf32, #tpu.memory_space<hbm>>) dst(%arg10 : memref<40x128xf32, #tpu.memory_space<vmem>>)
        %add3A_94 = arith.constant 1 : i32
        %add3A_95 = arith.addi %mul3A_73, %add3A_94 : i32
        %dma_start3A_96 = arith.constant 0 : i32
        %dma_start3A_97 = tpu.memref_slice %arg7[%add3A_95, %dma_start3A_96] : memref<100x40xi32, #tpu.memory_space<vmem>> -> memref<1x40xi32, #tpu.memory_space<vmem>>
        %dma_start3A_98 = tpu.memref_squeeze %dma_start3A_97 : memref<1x40xi32, #tpu.memory_space<vmem>> -> memref<40xi32, #tpu.memory_space<vmem>>
        %dma_start3A_99 = arith.constant 0 : i32
        %dma_start3A_100 = arith.constant 0 : i32
        %dma_start3A_101 = tpu.memref_slice %arg2[%dma_start3A_99, %dma_start3A_100] : memref<10000x128xf32, #tpu.memory_space<hbm>> -> memref<10000x128xf32, #tpu.memory_space<hbm>>
        tpu.enqueue_indirect_dma source(%dma_start3A_101 : memref<10000x128xf32, #tpu.memory_space<hbm>>) target(%arg10 : memref<40x128xf32, #tpu.memory_space<vmem>>) offsets(%dma_start3A_98 : memref<40xi32, #tpu.memory_space<vmem>>) semaphore(%arg19 : memref<!tpu.dma_semaphore, #tpu.memory_space<semaphore_mem>>) {add = true}
        %dma_wait3A_102 = arith.constant 0 : i32
        %dma_wait3A_103 = tpu.memref_slice %arg7[%mul3A_73, %dma_wait3A_102] : memref<100x40xi32, #tpu.memory_space<vmem>> -> memref<1x40xi32, #tpu.memory_space<vmem>>
        %dma_wait3A_104 = tpu.memref_squeeze %dma_wait3A_103 : memref<1x40xi32, #tpu.memory_space<vmem>> -> memref<40xi32, #tpu.memory_space<vmem>>
        %dma_wait3A_105 = arith.constant 0 : i32
        %dma_wait3A_106 = arith.constant 0 : i32
        %dma_wait3A_107 = tpu.memref_slice %arg2[%dma_wait3A_105, %dma_wait3A_106] : memref<10000x128xf32, #tpu.memory_space<hbm>> -> memref<10000x128xf32, #tpu.memory_space<hbm>>
        tpu.wait_indirect_dma semaphore(%arg18 : memref<!tpu.dma_semaphore, #tpu.memory_space<semaphore_mem>>) src(%dma_wait3A_107 : memref<10000x128xf32, #tpu.memory_space<hbm>>) dst(%arg9 : memref<40x128xf32, #tpu.memory_space<vmem>>)
        %scan3A_108 = arith.constant 0 : i32
        %scan3A_109 = arith.constant 0 : i32
        %scan3A_110 = arith.constant 40 : i32
        %scan3A_111 = arith.addi %scan3A_109, %scan3A_110 : i32
        %scan3A_112 = arith.constant 1 : i32
        scf.for %scan3A_257 = %scan3A_109 to %scan3A_111 step %scan3A_112  : i32 {
          %get3A = arith.index_cast %scan3A_257 : i32 to index
          %get3A_258 = arith.constant 0 : index
          %get3A_259 = tpu.vector_load %arg9[%get3A, %get3A_258] {strides = array<i32>} : memref<40x128xf32, #tpu.memory_space<vmem>>, vector<1x16xf32>,
          %get3A_260 = vector.shape_cast %get3A_259 : vector<1x16xf32> to vector<16xf32>
          %max3A = arith.constant 0.000000e+00 : f32
          %max3A_261 = vector.broadcast %max3A : f32 to vector<16xf32>
          %max3A_262 = arith.maximumf %get3A_260, %max3A_261 : vector<16xf32>
          %swap3A = arith.index_cast %scan3A_257 : i32 to index
          %swap3A_263 = arith.constant 0 : index
          %swap3A_264 = tpu.vector_load %arg9[%swap3A, %swap3A_263] {strides = array<i32>} : memref<40x128xf32, #tpu.memory_space<vmem>>, vector<1x16xf32>,
          %swap3A_265 = vector.shape_cast %swap3A_264 : vector<1x16xf32> to vector<16xf32>
          %swap3A_266 = vector.shape_cast %max3A_262 : vector<16xf32> to vector<1x16xf32>
          tpu.vector_store %arg9[%swap3A, %swap3A_263], %swap3A_266 {strides = array<i32>} : memref<40x128xf32, #tpu.memory_space<vmem>>, vector<1x16xf32>,
          %get3A_267 = arith.index_cast %scan3A_257 : i32 to index
          %get3A_268 = arith.constant 16 : index
          %get3A_269 = tpu.vector_load %arg9[%get3A_267, %get3A_268] {strides = array<i32>} : memref<40x128xf32, #tpu.memory_space<vmem>>, vector<1x16xf32>,
          %get3A_270 = vector.shape_cast %get3A_269 : vector<1x16xf32> to vector<16xf32>
          %max3A_271 = arith.constant 0.000000e+00 : f32
          %max3A_272 = vector.broadcast %max3A_271 : f32 to vector<16xf32>
          %max3A_273 = arith.maximumf %get3A_270, %max3A_272 : vector<16xf32>
          %swap3A_274 = arith.index_cast %scan3A_257 : i32 to index
          %swap3A_275 = arith.constant 16 : index
          %swap3A_276 = tpu.vector_load %arg9[%swap3A_274, %swap3A_275] {strides = array<i32>} : memref<40x128xf32, #tpu.memory_space<vmem>>, vector<1x16xf32>,
          %swap3A_277 = vector.shape_cast %swap3A_276 : vector<1x16xf32> to vector<16xf32>
          %swap3A_278 = vector.shape_cast %max3A_273 : vector<16xf32> to vector<1x16xf32>
          tpu.vector_store %arg9[%swap3A_274, %swap3A_275], %swap3A_278 {strides = array<i32>} : memref<40x128xf32, #tpu.memory_space<vmem>>, vector<1x16xf32>,
          %get3A_279 = arith.index_cast %scan3A_257 : i32 to index
          %get3A_280 = arith.constant 32 : index
          %get3A_281 = tpu.vector_load %arg9[%get3A_279, %get3A_280] {strides = array<i32>} : memref<40x128xf32, #tpu.memory_space<vmem>>, vector<1x16xf32>,
          %get3A_282 = vector.shape_cast %get3A_281 : vector<1x16xf32> to vector<16xf32>
          %max3A_283 = arith.constant 0.000000e+00 : f32
          %max3A_284 = vector.broadcast %max3A_283 : f32 to vector<16xf32>
          %max3A_285 = arith.maximumf %get3A_282, %max3A_284 : vector<16xf32>
          %swap3A_286 = arith.index_cast %scan3A_257 : i32 to index
          %swap3A_287 = arith.constant 32 : index
          %swap3A_288 = tpu.vector_load %arg9[%swap3A_286, %swap3A_287] {strides = array<i32>} : memref<40x128xf32, #tpu.memory_space<vmem>>, vector<1x16xf32>,
          %swap3A_289 = vector.shape_cast %swap3A_288 : vector<1x16xf32> to vector<16xf32>
          %swap3A_290 = vector.shape_cast %max3A_285 : vector<16xf32> to vector<1x16xf32>
          tpu.vector_store %arg9[%swap3A_286, %swap3A_287], %swap3A_290 {strides = array<i32>} : memref<40x128xf32, #tpu.memory_space<vmem>>, vector<1x16xf32>,
          %get3A_291 = arith.index_cast %scan3A_257 : i32 to index
          %get3A_292 = arith.constant 48 : index
          %get3A_293 = tpu.vector_load %arg9[%get3A_291, %get3A_292] {strides = array<i32>} : memref<40x128xf32, #tpu.memory_space<vmem>>, vector<1x16xf32>,
          %get3A_294 = vector.shape_cast %get3A_293 : vector<1x16xf32> to vector<16xf32>
          %max3A_295 = arith.constant 0.000000e+00 : f32
          %max3A_296 = vector.broadcast %max3A_295 : f32 to vector<16xf32>
          %max3A_297 = arith.maximumf %get3A_294, %max3A_296 : vector<16xf32>
          %swap3A_298 = arith.index_cast %scan3A_257 : i32 to index
          %swap3A_299 = arith.constant 48 : index
          %swap3A_300 = tpu.vector_load %arg9[%swap3A_298, %swap3A_299] {strides = array<i32>} : memref<40x128xf32, #tpu.memory_space<vmem>>, vector<1x16xf32>,
          %swap3A_301 = vector.shape_cast %swap3A_300 : vector<1x16xf32> to vector<16xf32>
          %swap3A_302 = vector.shape_cast %max3A_297 : vector<16xf32> to vector<1x16xf32>
          tpu.vector_store %arg9[%swap3A_298, %swap3A_299], %swap3A_302 {strides = array<i32>} : memref<40x128xf32, #tpu.memory_space<vmem>>, vector<1x16xf32>,
          %get3A_303 = arith.index_cast %scan3A_257 : i32 to index
          %get3A_304 = arith.constant 64 : index
          %get3A_305 = tpu.vector_load %arg9[%get3A_303, %get3A_304] {strides = array<i32>} : memref<40x128xf32, #tpu.memory_space<vmem>>, vector<1x16xf32>,
          %get3A_306 = vector.shape_cast %get3A_305 : vector<1x16xf32> to vector<16xf32>
          %max3A_307 = arith.constant 0.000000e+00 : f32
          %max3A_308 = vector.broadcast %max3A_307 : f32 to vector<16xf32>
          %max3A_309 = arith.maximumf %get3A_306, %max3A_308 : vector<16xf32>
          %swap3A_310 = arith.index_cast %scan3A_257 : i32 to index
          %swap3A_311 = arith.constant 64 : index
          %swap3A_312 = tpu.vector_load %arg9[%swap3A_310, %swap3A_311] {strides = array<i32>} : memref<40x128xf32, #tpu.memory_space<vmem>>, vector<1x16xf32>,
          %swap3A_313 = vector.shape_cast %swap3A_312 : vector<1x16xf32> to vector<16xf32>
          %swap3A_314 = vector.shape_cast %max3A_309 : vector<16xf32> to vector<1x16xf32>
          tpu.vector_store %arg9[%swap3A_310, %swap3A_311], %swap3A_314 {strides = array<i32>} : memref<40x128xf32, #tpu.memory_space<vmem>>, vector<1x16xf32>,
          %get3A_315 = arith.index_cast %scan3A_257 : i32 to index
          %get3A_316 = arith.constant 80 : index
          %get3A_317 = tpu.vector_load %arg9[%get3A_315, %get3A_316] {strides = array<i32>} : memref<40x128xf32, #tpu.memory_space<vmem>>, vector<1x16xf32>,
          %get3A_318 = vector.shape_cast %get3A_317 : vector<1x16xf32> to vector<16xf32>
          %max3A_319 = arith.constant 0.000000e+00 : f32
          %max3A_320 = vector.broadcast %max3A_319 : f32 to vector<16xf32>
          %max3A_321 = arith.maximumf %get3A_318, %max3A_320 : vector<16xf32>
          %swap3A_322 = arith.index_cast %scan3A_257 : i32 to index
          %swap3A_323 = arith.constant 80 : index
          %swap3A_324 = tpu.vector_load %arg9[%swap3A_322, %swap3A_323] {strides = array<i32>} : memref<40x128xf32, #tpu.memory_space<vmem>>, vector<1x16xf32>,
          %swap3A_325 = vector.shape_cast %swap3A_324 : vector<1x16xf32> to vector<16xf32>
          %swap3A_326 = vector.shape_cast %max3A_321 : vector<16xf32> to vector<1x16xf32>
          tpu.vector_store %arg9[%swap3A_322, %swap3A_323], %swap3A_326 {strides = array<i32>} : memref<40x128xf32, #tpu.memory_space<vmem>>, vector<1x16xf32>,
          %get3A_327 = arith.index_cast %scan3A_257 : i32 to index
          %get3A_328 = arith.constant 96 : index
          %get3A_329 = tpu.vector_load %arg9[%get3A_327, %get3A_328] {strides = array<i32>} : memref<40x128xf32, #tpu.memory_space<vmem>>, vector<1x16xf32>,
          %get3A_330 = vector.shape_cast %get3A_329 : vector<1x16xf32> to vector<16xf32>
          %max3A_331 = arith.constant 0.000000e+00 : f32
          %max3A_332 = vector.broadcast %max3A_331 : f32 to vector<16xf32>
          %max3A_333 = arith.maximumf %get3A_330, %max3A_332 : vector<16xf32>
          %swap3A_334 = arith.index_cast %scan3A_257 : i32 to index
          %swap3A_335 = arith.constant 96 : index
          %swap3A_336 = tpu.vector_load %arg9[%swap3A_334, %swap3A_335] {strides = array<i32>} : memref<40x128xf32, #tpu.memory_space<vmem>>, vector<1x16xf32>,
          %swap3A_337 = vector.shape_cast %swap3A_336 : vector<1x16xf32> to vector<16xf32>
          %swap3A_338 = vector.shape_cast %max3A_333 : vector<16xf32> to vector<1x16xf32>
          tpu.vector_store %arg9[%swap3A_334, %swap3A_335], %swap3A_338 {strides = array<i32>} : memref<40x128xf32, #tpu.memory_space<vmem>>, vector<1x16xf32>,
          %get3A_339 = arith.index_cast %scan3A_257 : i32 to index
          %get3A_340 = arith.constant 112 : index
          %get3A_341 = tpu.vector_load %arg9[%get3A_339, %get3A_340] {strides = array<i32>} : memref<40x128xf32, #tpu.memory_space<vmem>>, vector<1x16xf32>,
          %get3A_342 = vector.shape_cast %get3A_341 : vector<1x16xf32> to vector<16xf32>
          %max3A_343 = arith.constant 0.000000e+00 : f32
          %max3A_344 = vector.broadcast %max3A_343 : f32 to vector<16xf32>
          %max3A_345 = arith.maximumf %get3A_342, %max3A_344 : vector<16xf32>
          %swap3A_346 = arith.index_cast %scan3A_257 : i32 to index
          %swap3A_347 = arith.constant 112 : index
          %swap3A_348 = tpu.vector_load %arg9[%swap3A_346, %swap3A_347] {strides = array<i32>} : memref<40x128xf32, #tpu.memory_space<vmem>>, vector<1x16xf32>,
          %swap3A_349 = vector.shape_cast %swap3A_348 : vector<1x16xf32> to vector<16xf32>
          %swap3A_350 = vector.shape_cast %max3A_345 : vector<16xf32> to vector<1x16xf32>
          tpu.vector_store %arg9[%swap3A_346, %swap3A_347], %swap3A_350 {strides = array<i32>} : memref<40x128xf32, #tpu.memory_space<vmem>>, vector<1x16xf32>,
        }
        %scan3A_113 = arith.constant 40 : i32
        %dma_start3A_114 = arith.constant 0 : i32
        %dma_start3A_115 = tpu.memref_slice %arg8[%mul3A_73, %dma_start3A_114] : memref<100x40xi32, #tpu.memory_space<vmem>> -> memref<1x40xi32, #tpu.memory_space<vmem>>
        %dma_start3A_116 = tpu.memref_squeeze %dma_start3A_115 : memref<1x40xi32, #tpu.memory_space<vmem>> -> memref<40xi32, #tpu.memory_space<vmem>>
        %dma_start3A_117 = arith.constant 0 : i32
        %dma_start3A_118 = arith.constant 0 : i32
        %dma_start3A_119 = tpu.memref_slice %arg13[%dma_start3A_117, %dma_start3A_118] : memref<10000x128xf32, #tpu.memory_space<vmem_shared>> -> memref<10000x128xf32, #tpu.memory_space<vmem_shared>>
        tpu.enqueue_indirect_dma source(%arg9 : memref<40x128xf32, #tpu.memory_space<vmem>>) target(%dma_start3A_119 : memref<10000x128xf32, #tpu.memory_space<vmem_shared>>) offsets(%dma_start3A_116 : memref<40xi32, #tpu.memory_space<vmem>>) semaphore(%arg22 : memref<!tpu.dma_semaphore, #tpu.memory_space<semaphore_mem>>) {add = true}
        %ge3A_120 = arith.constant 1 : i32
        %ge3A_121 = arith.cmpi sge, %scan3A_71, %ge3A_120 : i32
        %convert_element_type3A_122 = arith.extui %ge3A_121 : i1 to i32
        %cond3A_123 = arith.constant 0 : i32
        %cond3A_124 = arith.cmpi ne, %convert_element_type3A_122, %cond3A_123 : i32
        scf.if %cond3A_124 {
          %sub3A = arith.constant 1 : i32
          %sub3A_257 = arith.subi %mul3A_73, %sub3A : i32
          %dma_wait3A_258 = arith.constant 0 : i32
          %dma_wait3A_259 = tpu.memref_slice %arg8[%sub3A_257, %dma_wait3A_258] : memref<100x40xi32, #tpu.memory_space<vmem>> -> memref<1x40xi32, #tpu.memory_space<vmem>>
          %dma_wait3A_260 = tpu.memref_squeeze %dma_wait3A_259 : memref<1x40xi32, #tpu.memory_space<vmem>> -> memref<40xi32, #tpu.memory_space<vmem>>
          %dma_wait3A_261 = arith.constant 0 : i32
          %dma_wait3A_262 = arith.constant 0 : i32
          %dma_wait3A_263 = tpu.memref_slice %arg13[%dma_wait3A_261, %dma_wait3A_262] : memref<10000x128xf32, #tpu.memory_space<vmem_shared>> -> memref<10000x128xf32, #tpu.memory_space<vmem_shared>>
          tpu.wait_indirect_dma semaphore(%arg25 : memref<!tpu.dma_semaphore, #tpu.memory_space<semaphore_mem>>) src(%arg12 : memref<40x128xf32, #tpu.memory_space<vmem>>) dst(%dma_wait3A_263 : memref<10000x128xf32, #tpu.memory_space<vmem_shared>>)
        } else {
        }
        %add3A_125 = arith.constant 3 : i32
        %add3A_126 = arith.addi %mul3A_73, %add3A_125 : i32
        %mul3A_127 = arith.constant 40 : i32
        %mul3A_128 = arith.muli %add3A_126, %mul3A_127 : i32
        %add3A_129 = arith.addi %add3A_27, %mul3A_128 : i32
        %dma_start3A_130 = arith.constant 0 : i32
        %dma_start3A_131 = tpu.memref_slice %arg5[%add3A_129, %dma_start3A_130] : memref<320000x128xf32, #tpu.memory_space<hbm>> -> memref<40x128xf32, #tpu.memory_space<hbm>>
        %dma_start3A_132 = arith.constant 0 : i32
        %dma_start3A_133 = tpu.memref_slice %arg5[%add3A_129, %dma_start3A_132] : memref<320000x128xf32, #tpu.memory_space<hbm>> -> memref<40x128xf32, #tpu.memory_space<hbm>>
        tpu.enqueue_dma source(%dma_start3A_133 : memref<40x128xf32, #tpu.memory_space<hbm>>) target(%arg12 : memref<40x128xf32, #tpu.memory_space<vmem>>) target_semaphore(%arg17 : memref<!tpu.dma_semaphore, #tpu.memory_space<semaphore_mem>>)
        %add3A_134 = arith.constant 2 : i32
        %add3A_135 = arith.addi %mul3A_73, %add3A_134 : i32
        %mul3A_136 = arith.constant 40 : i32
        %mul3A_137 = arith.muli %add3A_135, %mul3A_136 : i32
        %add3A_138 = arith.addi %add3A_27, %mul3A_137 : i32
        %dma_wait3A_139 = arith.constant 0 : i32
        %dma_wait3A_140 = tpu.memref_slice %arg5[%add3A_138, %dma_wait3A_139] : memref<320000x128xf32, #tpu.memory_space<hbm>> -> memref<40x128xf32, #tpu.memory_space<hbm>>
        %dma_wait3A_141 = arith.constant 0 : i32
        %dma_wait3A_142 = tpu.memref_slice %arg5[%add3A_138, %dma_wait3A_141] : memref<320000x128xf32, #tpu.memory_space<hbm>> -> memref<40x128xf32, #tpu.memory_space<hbm>>
        tpu.wait_dma2 semaphore(%arg16 : memref<!tpu.dma_semaphore, #tpu.memory_space<semaphore_mem>>) src(%dma_wait3A_142 : memref<40x128xf32, #tpu.memory_space<hbm>>) dst(%arg11 : memref<40x128xf32, #tpu.memory_space<vmem>>)
        %add3A_143 = arith.constant 2 : i32
        %add3A_144 = arith.addi %mul3A_73, %add3A_143 : i32
        %dma_start3A_145 = arith.constant 0 : i32
        %dma_start3A_146 = tpu.memref_slice %arg7[%add3A_144, %dma_start3A_145] : memref<100x40xi32, #tpu.memory_space<vmem>> -> memref<1x40xi32, #tpu.memory_space<vmem>>
        %dma_start3A_147 = tpu.memref_squeeze %dma_start3A_146 : memref<1x40xi32, #tpu.memory_space<vmem>> -> memref<40xi32, #tpu.memory_space<vmem>>
        %dma_start3A_148 = arith.constant 0 : i32
        %dma_start3A_149 = arith.constant 0 : i32
        %dma_start3A_150 = tpu.memref_slice %arg2[%dma_start3A_148, %dma_start3A_149] : memref<10000x128xf32, #tpu.memory_space<hbm>> -> memref<10000x128xf32, #tpu.memory_space<hbm>>
        tpu.enqueue_indirect_dma source(%dma_start3A_150 : memref<10000x128xf32, #tpu.memory_space<hbm>>) target(%arg11 : memref<40x128xf32, #tpu.memory_space<vmem>>) offsets(%dma_start3A_147 : memref<40xi32, #tpu.memory_space<vmem>>) semaphore(%arg20 : memref<!tpu.dma_semaphore, #tpu.memory_space<semaphore_mem>>) {add = true}
        %add3A_151 = arith.constant 1 : i32
        %add3A_152 = arith.addi %mul3A_73, %add3A_151 : i32
        %dma_wait3A_153 = arith.constant 0 : i32
        %dma_wait3A_154 = tpu.memref_slice %arg7[%add3A_152, %dma_wait3A_153] : memref<100x40xi32, #tpu.memory_space<vmem>> -> memref<1x40xi32, #tpu.memory_space<vmem>>
        %dma_wait3A_155 = tpu.memref_squeeze %dma_wait3A_154 : memref<1x40xi32, #tpu.memory_space<vmem>> -> memref<40xi32, #tpu.memory_space<vmem>>
        %dma_wait3A_156 = arith.constant 0 : i32
        %dma_wait3A_157 = arith.constant 0 : i32
        %dma_wait3A_158 = tpu.memref_slice %arg2[%dma_wait3A_156, %dma_wait3A_157] : memref<10000x128xf32, #tpu.memory_space<hbm>> -> memref<10000x128xf32, #tpu.memory_space<hbm>>
        tpu.wait_indirect_dma semaphore(%arg19 : memref<!tpu.dma_semaphore, #tpu.memory_space<semaphore_mem>>) src(%dma_wait3A_158 : memref<10000x128xf32, #tpu.memory_space<hbm>>) dst(%arg10 : memref<40x128xf32, #tpu.memory_space<vmem>>)
        %scan3A_159 = arith.constant 0 : i32
        %scan3A_160 = arith.constant 0 : i32
        %scan3A_161 = arith.constant 40 : i32
        %scan3A_162 = arith.addi %scan3A_160, %scan3A_161 : i32
        %scan3A_163 = arith.constant 1 : i32
        scf.for %scan3A_257 = %scan3A_160 to %scan3A_162 step %scan3A_163  : i32 {
          %get3A = arith.index_cast %scan3A_257 : i32 to index
          %get3A_258 = arith.constant 0 : index
          %get3A_259 = tpu.vector_load %arg10[%get3A, %get3A_258] {strides = array<i32>} : memref<40x128xf32, #tpu.memory_space<vmem>>, vector<1x16xf32>,
          %get3A_260 = vector.shape_cast %get3A_259 : vector<1x16xf32> to vector<16xf32>
          %max3A = arith.constant 0.000000e+00 : f32
          %max3A_261 = vector.broadcast %max3A : f32 to vector<16xf32>
          %max3A_262 = arith.maximumf %get3A_260, %max3A_261 : vector<16xf32>
          %swap3A = arith.index_cast %scan3A_257 : i32 to index
          %swap3A_263 = arith.constant 0 : index
          %swap3A_264 = tpu.vector_load %arg10[%swap3A, %swap3A_263] {strides = array<i32>} : memref<40x128xf32, #tpu.memory_space<vmem>>, vector<1x16xf32>,
          %swap3A_265 = vector.shape_cast %swap3A_264 : vector<1x16xf32> to vector<16xf32>
          %swap3A_266 = vector.shape_cast %max3A_262 : vector<16xf32> to vector<1x16xf32>
          tpu.vector_store %arg10[%swap3A, %swap3A_263], %swap3A_266 {strides = array<i32>} : memref<40x128xf32, #tpu.memory_space<vmem>>, vector<1x16xf32>,
          %get3A_267 = arith.index_cast %scan3A_257 : i32 to index
          %get3A_268 = arith.constant 16 : index
          %get3A_269 = tpu.vector_load %arg10[%get3A_267, %get3A_268] {strides = array<i32>} : memref<40x128xf32, #tpu.memory_space<vmem>>, vector<1x16xf32>,
          %get3A_270 = vector.shape_cast %get3A_269 : vector<1x16xf32> to vector<16xf32>
          %max3A_271 = arith.constant 0.000000e+00 : f32
          %max3A_272 = vector.broadcast %max3A_271 : f32 to vector<16xf32>
          %max3A_273 = arith.maximumf %get3A_270, %max3A_272 : vector<16xf32>
          %swap3A_274 = arith.index_cast %scan3A_257 : i32 to index
          %swap3A_275 = arith.constant 16 : index
          %swap3A_276 = tpu.vector_load %arg10[%swap3A_274, %swap3A_275] {strides = array<i32>} : memref<40x128xf32, #tpu.memory_space<vmem>>, vector<1x16xf32>,
          %swap3A_277 = vector.shape_cast %swap3A_276 : vector<1x16xf32> to vector<16xf32>
          %swap3A_278 = vector.shape_cast %max3A_273 : vector<16xf32> to vector<1x16xf32>
          tpu.vector_store %arg10[%swap3A_274, %swap3A_275], %swap3A_278 {strides = array<i32>} : memref<40x128xf32, #tpu.memory_space<vmem>>, vector<1x16xf32>,
          %get3A_279 = arith.index_cast %scan3A_257 : i32 to index
          %get3A_280 = arith.constant 32 : index
          %get3A_281 = tpu.vector_load %arg10[%get3A_279, %get3A_280] {strides = array<i32>} : memref<40x128xf32, #tpu.memory_space<vmem>>, vector<1x16xf32>,
          %get3A_282 = vector.shape_cast %get3A_281 : vector<1x16xf32> to vector<16xf32>
          %max3A_283 = arith.constant 0.000000e+00 : f32
          %max3A_284 = vector.broadcast %max3A_283 : f32 to vector<16xf32>
          %max3A_285 = arith.maximumf %get3A_282, %max3A_284 : vector<16xf32>
          %swap3A_286 = arith.index_cast %scan3A_257 : i32 to index
          %swap3A_287 = arith.constant 32 : index
          %swap3A_288 = tpu.vector_load %arg10[%swap3A_286, %swap3A_287] {strides = array<i32>} : memref<40x128xf32, #tpu.memory_space<vmem>>, vector<1x16xf32>,
          %swap3A_289 = vector.shape_cast %swap3A_288 : vector<1x16xf32> to vector<16xf32>
          %swap3A_290 = vector.shape_cast %max3A_285 : vector<16xf32> to vector<1x16xf32>
          tpu.vector_store %arg10[%swap3A_286, %swap3A_287], %swap3A_290 {strides = array<i32>} : memref<40x128xf32, #tpu.memory_space<vmem>>, vector<1x16xf32>,
          %get3A_291 = arith.index_cast %scan3A_257 : i32 to index
          %get3A_292 = arith.constant 48 : index
          %get3A_293 = tpu.vector_load %arg10[%get3A_291, %get3A_292] {strides = array<i32>} : memref<40x128xf32, #tpu.memory_space<vmem>>, vector<1x16xf32>,
          %get3A_294 = vector.shape_cast %get3A_293 : vector<1x16xf32> to vector<16xf32>
          %max3A_295 = arith.constant 0.000000e+00 : f32
          %max3A_296 = vector.broadcast %max3A_295 : f32 to vector<16xf32>
          %max3A_297 = arith.maximumf %get3A_294, %max3A_296 : vector<16xf32>
          %swap3A_298 = arith.index_cast %scan3A_257 : i32 to index
          %swap3A_299 = arith.constant 48 : index
          %swap3A_300 = tpu.vector_load %arg10[%swap3A_298, %swap3A_299] {strides = array<i32>} : memref<40x128xf32, #tpu.memory_space<vmem>>, vector<1x16xf32>,
          %swap3A_301 = vector.shape_cast %swap3A_300 : vector<1x16xf32> to vector<16xf32>
          %swap3A_302 = vector.shape_cast %max3A_297 : vector<16xf32> to vector<1x16xf32>
          tpu.vector_store %arg10[%swap3A_298, %swap3A_299], %swap3A_302 {strides = array<i32>} : memref<40x128xf32, #tpu.memory_space<vmem>>, vector<1x16xf32>,
          %get3A_303 = arith.index_cast %scan3A_257 : i32 to index
          %get3A_304 = arith.constant 64 : index
          %get3A_305 = tpu.vector_load %arg10[%get3A_303, %get3A_304] {strides = array<i32>} : memref<40x128xf32, #tpu.memory_space<vmem>>, vector<1x16xf32>,
          %get3A_306 = vector.shape_cast %get3A_305 : vector<1x16xf32> to vector<16xf32>
          %max3A_307 = arith.constant 0.000000e+00 : f32
          %max3A_308 = vector.broadcast %max3A_307 : f32 to vector<16xf32>
          %max3A_309 = arith.maximumf %get3A_306, %max3A_308 : vector<16xf32>
          %swap3A_310 = arith.index_cast %scan3A_257 : i32 to index
          %swap3A_311 = arith.constant 64 : index
          %swap3A_312 = tpu.vector_load %arg10[%swap3A_310, %swap3A_311] {strides = array<i32>} : memref<40x128xf32, #tpu.memory_space<vmem>>, vector<1x16xf32>,
          %swap3A_313 = vector.shape_cast %swap3A_312 : vector<1x16xf32> to vector<16xf32>
          %swap3A_314 = vector.shape_cast %max3A_309 : vector<16xf32> to vector<1x16xf32>
          tpu.vector_store %arg10[%swap3A_310, %swap3A_311], %swap3A_314 {strides = array<i32>} : memref<40x128xf32, #tpu.memory_space<vmem>>, vector<1x16xf32>,
          %get3A_315 = arith.index_cast %scan3A_257 : i32 to index
          %get3A_316 = arith.constant 80 : index
          %get3A_317 = tpu.vector_load %arg10[%get3A_315, %get3A_316] {strides = array<i32>} : memref<40x128xf32, #tpu.memory_space<vmem>>, vector<1x16xf32>,
          %get3A_318 = vector.shape_cast %get3A_317 : vector<1x16xf32> to vector<16xf32>
          %max3A_319 = arith.constant 0.000000e+00 : f32
          %max3A_320 = vector.broadcast %max3A_319 : f32 to vector<16xf32>
          %max3A_321 = arith.maximumf %get3A_318, %max3A_320 : vector<16xf32>
          %swap3A_322 = arith.index_cast %scan3A_257 : i32 to index
          %swap3A_323 = arith.constant 80 : index
          %swap3A_324 = tpu.vector_load %arg10[%swap3A_322, %swap3A_323] {strides = array<i32>} : memref<40x128xf32, #tpu.memory_space<vmem>>, vector<1x16xf32>,
          %swap3A_325 = vector.shape_cast %swap3A_324 : vector<1x16xf32> to vector<16xf32>
          %swap3A_326 = vector.shape_cast %max3A_321 : vector<16xf32> to vector<1x16xf32>
          tpu.vector_store %arg10[%swap3A_322, %swap3A_323], %swap3A_326 {strides = array<i32>} : memref<40x128xf32, #tpu.memory_space<vmem>>, vector<1x16xf32>,
          %get3A_327 = arith.index_cast %scan3A_257 : i32 to index
          %get3A_328 = arith.constant 96 : index
          %get3A_329 = tpu.vector_load %arg10[%get3A_327, %get3A_328] {strides = array<i32>} : memref<40x128xf32, #tpu.memory_space<vmem>>, vector<1x16xf32>,
          %get3A_330 = vector.shape_cast %get3A_329 : vector<1x16xf32> to vector<16xf32>
          %max3A_331 = arith.constant 0.000000e+00 : f32
          %max3A_332 = vector.broadcast %max3A_331 : f32 to vector<16xf32>
          %max3A_333 = arith.maximumf %get3A_330, %max3A_332 : vector<16xf32>
          %swap3A_334 = arith.index_cast %scan3A_257 : i32 to index
          %swap3A_335 = arith.constant 96 : index
          %swap3A_336 = tpu.vector_load %arg10[%swap3A_334, %swap3A_335] {strides = array<i32>} : memref<40x128xf32, #tpu.memory_space<vmem>>, vector<1x16xf32>,
          %swap3A_337 = vector.shape_cast %swap3A_336 : vector<1x16xf32> to vector<16xf32>
          %swap3A_338 = vector.shape_cast %max3A_333 : vector<16xf32> to vector<1x16xf32>
          tpu.vector_store %arg10[%swap3A_334, %swap3A_335], %swap3A_338 {strides = array<i32>} : memref<40x128xf32, #tpu.memory_space<vmem>>, vector<1x16xf32>,
          %get3A_339 = arith.index_cast %scan3A_257 : i32 to index
          %get3A_340 = arith.constant 112 : index
          %get3A_341 = tpu.vector_load %arg10[%get3A_339, %get3A_340] {strides = array<i32>} : memref<40x128xf32, #tpu.memory_space<vmem>>, vector<1x16xf32>,
          %get3A_342 = vector.shape_cast %get3A_341 : vector<1x16xf32> to vector<16xf32>
          %max3A_343 = arith.constant 0.000000e+00 : f32
          %max3A_344 = vector.broadcast %max3A_343 : f32 to vector<16xf32>
          %max3A_345 = arith.maximumf %get3A_342, %max3A_344 : vector<16xf32>
          %swap3A_346 = arith.index_cast %scan3A_257 : i32 to index
          %swap3A_347 = arith.constant 112 : index
          %swap3A_348 = tpu.vector_load %arg10[%swap3A_346, %swap3A_347] {strides = array<i32>} : memref<40x128xf32, #tpu.memory_space<vmem>>, vector<1x16xf32>,
          %swap3A_349 = vector.shape_cast %swap3A_348 : vector<1x16xf32> to vector<16xf32>
          %swap3A_350 = vector.shape_cast %max3A_345 : vector<16xf32> to vector<1x16xf32>
          tpu.vector_store %arg10[%swap3A_346, %swap3A_347], %swap3A_350 {strides = array<i32>} : memref<40x128xf32, #tpu.memory_space<vmem>>, vector<1x16xf32>,
        }
        %scan3A_164 = arith.constant 40 : i32
        %add3A_165 = arith.constant 1 : i32
        %add3A_166 = arith.addi %mul3A_73, %add3A_165 : i32
        %dma_start3A_167 = arith.constant 0 : i32
        %dma_start3A_168 = tpu.memref_slice %arg8[%add3A_166, %dma_start3A_167] : memref<100x40xi32, #tpu.memory_space<vmem>> -> memref<1x40xi32, #tpu.memory_space<vmem>>
        %dma_start3A_169 = tpu.memref_squeeze %dma_start3A_168 : memref<1x40xi32, #tpu.memory_space<vmem>> -> memref<40xi32, #tpu.memory_space<vmem>>
        %dma_start3A_170 = arith.constant 0 : i32
        %dma_start3A_171 = arith.constant 0 : i32
        %dma_start3A_172 = tpu.memref_slice %arg13[%dma_start3A_170, %dma_start3A_171] : memref<10000x128xf32, #tpu.memory_space<vmem_shared>> -> memref<10000x128xf32, #tpu.memory_space<vmem_shared>>
        tpu.enqueue_indirect_dma source(%arg10 : memref<40x128xf32, #tpu.memory_space<vmem>>) target(%dma_start3A_172 : memref<10000x128xf32, #tpu.memory_space<vmem_shared>>) offsets(%dma_start3A_169 : memref<40xi32, #tpu.memory_space<vmem>>) semaphore(%arg23 : memref<!tpu.dma_semaphore, #tpu.memory_space<semaphore_mem>>) {add = true}
        %dma_wait3A_173 = arith.constant 0 : i32
        %dma_wait3A_174 = tpu.memref_slice %arg8[%mul3A_73, %dma_wait3A_173] : memref<100x40xi32, #tpu.memory_space<vmem>> -> memref<1x40xi32, #tpu.memory_space<vmem>>
        %dma_wait3A_175 = tpu.memref_squeeze %dma_wait3A_174 : memref<1x40xi32, #tpu.memory_space<vmem>> -> memref<40xi32, #tpu.memory_space<vmem>>
        %dma_wait3A_176 = arith.constant 0 : i32
        %dma_wait3A_177 = arith.constant 0 : i32
        %dma_wait3A_178 = tpu.memref_slice %arg13[%dma_wait3A_176, %dma_wait3A_177] : memref<10000x128xf32, #tpu.memory_space<vmem_shared>> -> memref<10000x128xf32, #tpu.memory_space<vmem_shared>>
        tpu.wait_indirect_dma semaphore(%arg22 : memref<!tpu.dma_semaphore, #tpu.memory_space<semaphore_mem>>) src(%arg9 : memref<40x128xf32, #tpu.memory_space<vmem>>) dst(%dma_wait3A_178 : memref<10000x128xf32, #tpu.memory_space<vmem_shared>>)
        %lt3A = arith.constant 24 : i32
        %lt3A_179 = arith.cmpi slt, %scan3A_71, %lt3A : i32
        %convert_element_type3A_180 = arith.extui %lt3A_179 : i1 to i32
        %cond3A_181 = arith.constant 0 : i32
        %cond3A_182 = arith.cmpi ne, %convert_element_type3A_180, %cond3A_181 : i32
        scf.if %cond3A_182 {
          %add3A_257 = arith.constant 4 : i32
          %add3A_258 = arith.addi %mul3A_73, %add3A_257 : i32
          %mul3A_259 = arith.constant 40 : i32
          %mul3A_260 = arith.muli %add3A_258, %mul3A_259 : i32
          %add3A_261 = arith.addi %add3A_27, %mul3A_260 : i32
          %dma_start3A_262 = arith.constant 0 : i32
          %dma_start3A_263 = tpu.memref_slice %arg5[%add3A_261, %dma_start3A_262] : memref<320000x128xf32, #tpu.memory_space<hbm>> -> memref<40x128xf32, #tpu.memory_space<hbm>>
          %dma_start3A_264 = arith.constant 0 : i32
          %dma_start3A_265 = tpu.memref_slice %arg5[%add3A_261, %dma_start3A_264] : memref<320000x128xf32, #tpu.memory_space<hbm>> -> memref<40x128xf32, #tpu.memory_space<hbm>>
          tpu.enqueue_dma source(%dma_start3A_265 : memref<40x128xf32, #tpu.memory_space<hbm>>) target(%arg9 : memref<40x128xf32, #tpu.memory_space<vmem>>) target_semaphore(%arg14 : memref<!tpu.dma_semaphore, #tpu.memory_space<semaphore_mem>>)
        } else {
        }
        %add3A_183 = arith.constant 3 : i32
        %add3A_184 = arith.addi %mul3A_73, %add3A_183 : i32
        %mul3A_185 = arith.constant 40 : i32
        %mul3A_186 = arith.muli %add3A_184, %mul3A_185 : i32
        %add3A_187 = arith.addi %add3A_27, %mul3A_186 : i32
        %dma_wait3A_188 = arith.constant 0 : i32
        %dma_wait3A_189 = tpu.memref_slice %arg5[%add3A_187, %dma_wait3A_188] : memref<320000x128xf32, #tpu.memory_space<hbm>> -> memref<40x128xf32, #tpu.memory_space<hbm>>
        %dma_wait3A_190 = arith.constant 0 : i32
        %dma_wait3A_191 = tpu.memref_slice %arg5[%add3A_187, %dma_wait3A_190] : memref<320000x128xf32, #tpu.memory_space<hbm>> -> memref<40x128xf32, #tpu.memory_space<hbm>>
        tpu.wait_dma2 semaphore(%arg17 : memref<!tpu.dma_semaphore, #tpu.memory_space<semaphore_mem>>) src(%dma_wait3A_191 : memref<40x128xf32, #tpu.memory_space<hbm>>) dst(%arg12 : memref<40x128xf32, #tpu.memory_space<vmem>>)
        %add3A_192 = arith.constant 3 : i32
        %add3A_193 = arith.addi %mul3A_73, %add3A_192 : i32
        %dma_start3A_194 = arith.constant 0 : i32
        %dma_start3A_195 = tpu.memref_slice %arg7[%add3A_193, %dma_start3A_194] : memref<100x40xi32, #tpu.memory_space<vmem>> -> memref<1x40xi32, #tpu.memory_space<vmem>>
        %dma_start3A_196 = tpu.memref_squeeze %dma_start3A_195 : memref<1x40xi32, #tpu.memory_space<vmem>> -> memref<40xi32, #tpu.memory_space<vmem>>
        %dma_start3A_197 = arith.constant 0 : i32
        %dma_start3A_198 = arith.constant 0 : i32
        %dma_start3A_199 = tpu.memref_slice %arg2[%dma_start3A_197, %dma_start3A_198] : memref<10000x128xf32, #tpu.memory_space<hbm>> -> memref<10000x128xf32, #tpu.memory_space<hbm>>
        tpu.enqueue_indirect_dma source(%dma_start3A_199 : memref<10000x128xf32, #tpu.memory_space<hbm>>) target(%arg12 : memref<40x128xf32, #tpu.memory_space<vmem>>) offsets(%dma_start3A_196 : memref<40xi32, #tpu.memory_space<vmem>>) semaphore(%arg21 : memref<!tpu.dma_semaphore, #tpu.memory_space<semaphore_mem>>) {add = true}
        %add3A_200 = arith.constant 2 : i32
        %add3A_201 = arith.addi %mul3A_73, %add3A_200 : i32
        %dma_wait3A_202 = arith.constant 0 : i32
        %dma_wait3A_203 = tpu.memref_slice %arg7[%add3A_201, %dma_wait3A_202] : memref<100x40xi32, #tpu.memory_space<vmem>> -> memref<1x40xi32, #tpu.memory_space<vmem>>
        %dma_wait3A_204 = tpu.memref_squeeze %dma_wait3A_203 : memref<1x40xi32, #tpu.memory_space<vmem>> -> memref<40xi32, #tpu.memory_space<vmem>>
        %dma_wait3A_205 = arith.constant 0 : i32
        %dma_wait3A_206 = arith.constant 0 : i32
        %dma_wait3A_207 = tpu.memref_slice %arg2[%dma_wait3A_205, %dma_wait3A_206] : memref<10000x128xf32, #tpu.memory_space<hbm>> -> memref<10000x128xf32, #tpu.memory_space<hbm>>
        tpu.wait_indirect_dma semaphore(%arg20 : memref<!tpu.dma_semaphore, #tpu.memory_space<semaphore_mem>>) src(%dma_wait3A_207 : memref<10000x128xf32, #tpu.memory_space<hbm>>) dst(%arg11 : memref<40x128xf32, #tpu.memory_space<vmem>>)
        %scan3A_208 = arith.constant 0 : i32
        %scan3A_209 = arith.constant 0 : i32
        %scan3A_210 = arith.constant 40 : i32
        %scan3A_211 = arith.addi %scan3A_209, %scan3A_210 : i32
        %scan3A_212 = arith.constant 1 : i32
        scf.for %scan3A_257 = %scan3A_209 to %scan3A_211 step %scan3A_212  : i32 {
          %get3A = arith.index_cast %scan3A_257 : i32 to index
          %get3A_258 = arith.constant 0 : index
          %get3A_259 = tpu.vector_load %arg11[%get3A, %get3A_258] {strides = array<i32>} : memref<40x128xf32, #tpu.memory_space<vmem>>, vector<1x16xf32>,
          %get3A_260 = vector.shape_cast %get3A_259 : vector<1x16xf32> to vector<16xf32>
          %max3A = arith.constant 0.000000e+00 : f32
          %max3A_261 = vector.broadcast %max3A : f32 to vector<16xf32>
          %max3A_262 = arith.maximumf %get3A_260, %max3A_261 : vector<16xf32>
          %swap3A = arith.index_cast %scan3A_257 : i32 to index
          %swap3A_263 = arith.constant 0 : index
          %swap3A_264 = tpu.vector_load %arg11[%swap3A, %swap3A_263] {strides = array<i32>} : memref<40x128xf32, #tpu.memory_space<vmem>>, vector<1x16xf32>,
          %swap3A_265 = vector.shape_cast %swap3A_264 : vector<1x16xf32> to vector<16xf32>
          %swap3A_266 = vector.shape_cast %max3A_262 : vector<16xf32> to vector<1x16xf32>
          tpu.vector_store %arg11[%swap3A, %swap3A_263], %swap3A_266 {strides = array<i32>} : memref<40x128xf32, #tpu.memory_space<vmem>>, vector<1x16xf32>,
          %get3A_267 = arith.index_cast %scan3A_257 : i32 to index
          %get3A_268 = arith.constant 16 : index
          %get3A_269 = tpu.vector_load %arg11[%get3A_267, %get3A_268] {strides = array<i32>} : memref<40x128xf32, #tpu.memory_space<vmem>>, vector<1x16xf32>,
          %get3A_270 = vector.shape_cast %get3A_269 : vector<1x16xf32> to vector<16xf32>
          %max3A_271 = arith.constant 0.000000e+00 : f32
          %max3A_272 = vector.broadcast %max3A_271 : f32 to vector<16xf32>
          %max3A_273 = arith.maximumf %get3A_270, %max3A_272 : vector<16xf32>
          %swap3A_274 = arith.index_cast %scan3A_257 : i32 to index
          %swap3A_275 = arith.constant 16 : index
          %swap3A_276 = tpu.vector_load %arg11[%swap3A_274, %swap3A_275] {strides = array<i32>} : memref<40x128xf32, #tpu.memory_space<vmem>>, vector<1x16xf32>,
          %swap3A_277 = vector.shape_cast %swap3A_276 : vector<1x16xf32> to vector<16xf32>
          %swap3A_278 = vector.shape_cast %max3A_273 : vector<16xf32> to vector<1x16xf32>
          tpu.vector_store %arg11[%swap3A_274, %swap3A_275], %swap3A_278 {strides = array<i32>} : memref<40x128xf32, #tpu.memory_space<vmem>>, vector<1x16xf32>,
          %get3A_279 = arith.index_cast %scan3A_257 : i32 to index
          %get3A_280 = arith.constant 32 : index
          %get3A_281 = tpu.vector_load %arg11[%get3A_279, %get3A_280] {strides = array<i32>} : memref<40x128xf32, #tpu.memory_space<vmem>>, vector<1x16xf32>,
          %get3A_282 = vector.shape_cast %get3A_281 : vector<1x16xf32> to vector<16xf32>
          %max3A_283 = arith.constant 0.000000e+00 : f32
          %max3A_284 = vector.broadcast %max3A_283 : f32 to vector<16xf32>
          %max3A_285 = arith.maximumf %get3A_282, %max3A_284 : vector<16xf32>
          %swap3A_286 = arith.index_cast %scan3A_257 : i32 to index
          %swap3A_287 = arith.constant 32 : index
          %swap3A_288 = tpu.vector_load %arg11[%swap3A_286, %swap3A_287] {strides = array<i32>} : memref<40x128xf32, #tpu.memory_space<vmem>>, vector<1x16xf32>,
          %swap3A_289 = vector.shape_cast %swap3A_288 : vector<1x16xf32> to vector<16xf32>
          %swap3A_290 = vector.shape_cast %max3A_285 : vector<16xf32> to vector<1x16xf32>
          tpu.vector_store %arg11[%swap3A_286, %swap3A_287], %swap3A_290 {strides = array<i32>} : memref<40x128xf32, #tpu.memory_space<vmem>>, vector<1x16xf32>,
          %get3A_291 = arith.index_cast %scan3A_257 : i32 to index
          %get3A_292 = arith.constant 48 : index
          %get3A_293 = tpu.vector_load %arg11[%get3A_291, %get3A_292] {strides = array<i32>} : memref<40x128xf32, #tpu.memory_space<vmem>>, vector<1x16xf32>,
          %get3A_294 = vector.shape_cast %get3A_293 : vector<1x16xf32> to vector<16xf32>
          %max3A_295 = arith.constant 0.000000e+00 : f32
          %max3A_296 = vector.broadcast %max3A_295 : f32 to vector<16xf32>
          %max3A_297 = arith.maximumf %get3A_294, %max3A_296 : vector<16xf32>
          %swap3A_298 = arith.index_cast %scan3A_257 : i32 to index
          %swap3A_299 = arith.constant 48 : index
          %swap3A_300 = tpu.vector_load %arg11[%swap3A_298, %swap3A_299] {strides = array<i32>} : memref<40x128xf32, #tpu.memory_space<vmem>>, vector<1x16xf32>,
          %swap3A_301 = vector.shape_cast %swap3A_300 : vector<1x16xf32> to vector<16xf32>
          %swap3A_302 = vector.shape_cast %max3A_297 : vector<16xf32> to vector<1x16xf32>
          tpu.vector_store %arg11[%swap3A_298, %swap3A_299], %swap3A_302 {strides = array<i32>} : memref<40x128xf32, #tpu.memory_space<vmem>>, vector<1x16xf32>,
          %get3A_303 = arith.index_cast %scan3A_257 : i32 to index
          %get3A_304 = arith.constant 64 : index
          %get3A_305 = tpu.vector_load %arg11[%get3A_303, %get3A_304] {strides = array<i32>} : memref<40x128xf32, #tpu.memory_space<vmem>>, vector<1x16xf32>,
          %get3A_306 = vector.shape_cast %get3A_305 : vector<1x16xf32> to vector<16xf32>
          %max3A_307 = arith.constant 0.000000e+00 : f32
          %max3A_308 = vector.broadcast %max3A_307 : f32 to vector<16xf32>
          %max3A_309 = arith.maximumf %get3A_306, %max3A_308 : vector<16xf32>
          %swap3A_310 = arith.index_cast %scan3A_257 : i32 to index
          %swap3A_311 = arith.constant 64 : index
          %swap3A_312 = tpu.vector_load %arg11[%swap3A_310, %swap3A_311] {strides = array<i32>} : memref<40x128xf32, #tpu.memory_space<vmem>>, vector<1x16xf32>,
          %swap3A_313 = vector.shape_cast %swap3A_312 : vector<1x16xf32> to vector<16xf32>
          %swap3A_314 = vector.shape_cast %max3A_309 : vector<16xf32> to vector<1x16xf32>
          tpu.vector_store %arg11[%swap3A_310, %swap3A_311], %swap3A_314 {strides = array<i32>} : memref<40x128xf32, #tpu.memory_space<vmem>>, vector<1x16xf32>,
          %get3A_315 = arith.index_cast %scan3A_257 : i32 to index
          %get3A_316 = arith.constant 80 : index
          %get3A_317 = tpu.vector_load %arg11[%get3A_315, %get3A_316] {strides = array<i32>} : memref<40x128xf32, #tpu.memory_space<vmem>>, vector<1x16xf32>,
          %get3A_318 = vector.shape_cast %get3A_317 : vector<1x16xf32> to vector<16xf32>
          %max3A_319 = arith.constant 0.000000e+00 : f32
          %max3A_320 = vector.broadcast %max3A_319 : f32 to vector<16xf32>
          %max3A_321 = arith.maximumf %get3A_318, %max3A_320 : vector<16xf32>
          %swap3A_322 = arith.index_cast %scan3A_257 : i32 to index
          %swap3A_323 = arith.constant 80 : index
          %swap3A_324 = tpu.vector_load %arg11[%swap3A_322, %swap3A_323] {strides = array<i32>} : memref<40x128xf32, #tpu.memory_space<vmem>>, vector<1x16xf32>,
          %swap3A_325 = vector.shape_cast %swap3A_324 : vector<1x16xf32> to vector<16xf32>
          %swap3A_326 = vector.shape_cast %max3A_321 : vector<16xf32> to vector<1x16xf32>
          tpu.vector_store %arg11[%swap3A_322, %swap3A_323], %swap3A_326 {strides = array<i32>} : memref<40x128xf32, #tpu.memory_space<vmem>>, vector<1x16xf32>,
          %get3A_327 = arith.index_cast %scan3A_257 : i32 to index
          %get3A_328 = arith.constant 96 : index
          %get3A_329 = tpu.vector_load %arg11[%get3A_327, %get3A_328] {strides = array<i32>} : memref<40x128xf32, #tpu.memory_space<vmem>>, vector<1x16xf32>,
          %get3A_330 = vector.shape_cast %get3A_329 : vector<1x16xf32> to vector<16xf32>
          %max3A_331 = arith.constant 0.000000e+00 : f32
          %max3A_332 = vector.broadcast %max3A_331 : f32 to vector<16xf32>
          %max3A_333 = arith.maximumf %get3A_330, %max3A_332 : vector<16xf32>
          %swap3A_334 = arith.index_cast %scan3A_257 : i32 to index
          %swap3A_335 = arith.constant 96 : index
          %swap3A_336 = tpu.vector_load %arg11[%swap3A_334, %swap3A_335] {strides = array<i32>} : memref<40x128xf32, #tpu.memory_space<vmem>>, vector<1x16xf32>,
          %swap3A_337 = vector.shape_cast %swap3A_336 : vector<1x16xf32> to vector<16xf32>
          %swap3A_338 = vector.shape_cast %max3A_333 : vector<16xf32> to vector<1x16xf32>
          tpu.vector_store %arg11[%swap3A_334, %swap3A_335], %swap3A_338 {strides = array<i32>} : memref<40x128xf32, #tpu.memory_space<vmem>>, vector<1x16xf32>,
          %get3A_339 = arith.index_cast %scan3A_257 : i32 to index
          %get3A_340 = arith.constant 112 : index
          %get3A_341 = tpu.vector_load %arg11[%get3A_339, %get3A_340] {strides = array<i32>} : memref<40x128xf32, #tpu.memory_space<vmem>>, vector<1x16xf32>,
          %get3A_342 = vector.shape_cast %get3A_341 : vector<1x16xf32> to vector<16xf32>
          %max3A_343 = arith.constant 0.000000e+00 : f32
          %max3A_344 = vector.broadcast %max3A_343 : f32 to vector<16xf32>
          %max3A_345 = arith.maximumf %get3A_342, %max3A_344 : vector<16xf32>
          %swap3A_346 = arith.index_cast %scan3A_257 : i32 to index
          %swap3A_347 = arith.constant 112 : index
          %swap3A_348 = tpu.vector_load %arg11[%swap3A_346, %swap3A_347] {strides = array<i32>} : memref<40x128xf32, #tpu.memory_space<vmem>>, vector<1x16xf32>,
          %swap3A_349 = vector.shape_cast %swap3A_348 : vector<1x16xf32> to vector<16xf32>
          %swap3A_350 = vector.shape_cast %max3A_345 : vector<16xf32> to vector<1x16xf32>
          tpu.vector_store %arg11[%swap3A_346, %swap3A_347], %swap3A_350 {strides = array<i32>} : memref<40x128xf32, #tpu.memory_space<vmem>>, vector<1x16xf32>,
        }
        %scan3A_213 = arith.constant 40 : i32
        %add3A_214 = arith.constant 2 : i32
        %add3A_215 = arith.addi %mul3A_73, %add3A_214 : i32
        %dma_start3A_216 = arith.constant 0 : i32
        %dma_start3A_217 = tpu.memref_slice %arg8[%add3A_215, %dma_start3A_216] : memref<100x40xi32, #tpu.memory_space<vmem>> -> memref<1x40xi32, #tpu.memory_space<vmem>>
        %dma_start3A_218 = tpu.memref_squeeze %dma_start3A_217 : memref<1x40xi32, #tpu.memory_space<vmem>> -> memref<40xi32, #tpu.memory_space<vmem>>
        %dma_start3A_219 = arith.constant 0 : i32
        %dma_start3A_220 = arith.constant 0 : i32
        %dma_start3A_221 = tpu.memref_slice %arg13[%dma_start3A_219, %dma_start3A_220] : memref<10000x128xf32, #tpu.memory_space<vmem_shared>> -> memref<10000x128xf32, #tpu.memory_space<vmem_shared>>
        tpu.enqueue_indirect_dma source(%arg11 : memref<40x128xf32, #tpu.memory_space<vmem>>) target(%dma_start3A_221 : memref<10000x128xf32, #tpu.memory_space<vmem_shared>>) offsets(%dma_start3A_218 : memref<40xi32, #tpu.memory_space<vmem>>) semaphore(%arg24 : memref<!tpu.dma_semaphore, #tpu.memory_space<semaphore_mem>>) {add = true}
        %add3A_222 = arith.constant 1 : i32
        %add3A_223 = arith.addi %mul3A_73, %add3A_222 : i32
        %dma_wait3A_224 = arith.constant 0 : i32
        %dma_wait3A_225 = tpu.memref_slice %arg8[%add3A_223, %dma_wait3A_224] : memref<100x40xi32, #tpu.memory_space<vmem>> -> memref<1x40xi32, #tpu.memory_space<vmem>>
        %dma_wait3A_226 = tpu.memref_squeeze %dma_wait3A_225 : memref<1x40xi32, #tpu.memory_space<vmem>> -> memref<40xi32, #tpu.memory_space<vmem>>
        %dma_wait3A_227 = arith.constant 0 : i32
        %dma_wait3A_228 = arith.constant 0 : i32
        %dma_wait3A_229 = tpu.memref_slice %arg13[%dma_wait3A_227, %dma_wait3A_228] : memref<10000x128xf32, #tpu.memory_space<vmem_shared>> -> memref<10000x128xf32, #tpu.memory_space<vmem_shared>>
        tpu.wait_indirect_dma semaphore(%arg23 : memref<!tpu.dma_semaphore, #tpu.memory_space<semaphore_mem>>) src(%arg10 : memref<40x128xf32, #tpu.memory_space<vmem>>) dst(%dma_wait3A_229 : memref<10000x128xf32, #tpu.memory_space<vmem_shared>>)
        %lt3A_230 = arith.constant 24 : i32
        %lt3A_231 = arith.cmpi slt, %scan3A_71, %lt3A_230 : i32
        %convert_element_type3A_232 = arith.extui %lt3A_231 : i1 to i32
        %cond3A_233 = arith.constant 0 : i32
        %cond3A_234 = arith.cmpi ne, %convert_element_type3A_232, %cond3A_233 : i32
        scf.if %cond3A_234 {
          %add3A_257 = arith.constant 5 : i32
          %add3A_258 = arith.addi %mul3A_73, %add3A_257 : i32
          %mul3A_259 = arith.constant 40 : i32
          %mul3A_260 = arith.muli %add3A_258, %mul3A_259 : i32
          %add3A_261 = arith.addi %add3A_27, %mul3A_260 : i32
          %dma_start3A_262 = arith.constant 0 : i32
          %dma_start3A_263 = tpu.memref_slice %arg5[%add3A_261, %dma_start3A_262] : memref<320000x128xf32, #tpu.memory_space<hbm>> -> memref<40x128xf32, #tpu.memory_space<hbm>>
          %dma_start3A_264 = arith.constant 0 : i32
          %dma_start3A_265 = tpu.memref_slice %arg5[%add3A_261, %dma_start3A_264] : memref<320000x128xf32, #tpu.memory_space<hbm>> -> memref<40x128xf32, #tpu.memory_space<hbm>>
          tpu.enqueue_dma source(%dma_start3A_265 : memref<40x128xf32, #tpu.memory_space<hbm>>) target(%arg10 : memref<40x128xf32, #tpu.memory_space<vmem>>) target_semaphore(%arg15 : memref<!tpu.dma_semaphore, #tpu.memory_space<semaphore_mem>>)
          %add3A_266 = arith.constant 4 : i32
          %add3A_267 = arith.addi %mul3A_73, %add3A_266 : i32
          %mul3A_268 = arith.constant 40 : i32
          %mul3A_269 = arith.muli %add3A_267, %mul3A_268 : i32
          %add3A_270 = arith.addi %add3A_27, %mul3A_269 : i32
          %dma_wait3A_271 = arith.constant 0 : i32
          %dma_wait3A_272 = tpu.memref_slice %arg5[%add3A_270, %dma_wait3A_271] : memref<320000x128xf32, #tpu.memory_space<hbm>> -> memref<40x128xf32, #tpu.memory_space<hbm>>
          %dma_wait3A_273 = arith.constant 0 : i32
          %dma_wait3A_274 = tpu.memref_slice %arg5[%add3A_270, %dma_wait3A_273] : memref<320000x128xf32, #tpu.memory_space<hbm>> -> memref<40x128xf32, #tpu.memory_space<hbm>>
          tpu.wait_dma2 semaphore(%arg14 : memref<!tpu.dma_semaphore, #tpu.memory_space<semaphore_mem>>) src(%dma_wait3A_274 : memref<40x128xf32, #tpu.memory_space<hbm>>) dst(%arg9 : memref<40x128xf32, #tpu.memory_space<vmem>>)
          %add3A_275 = arith.constant 4 : i32
          %add3A_276 = arith.addi %mul3A_73, %add3A_275 : i32
          %dma_start3A_277 = arith.constant 0 : i32
          %dma_start3A_278 = tpu.memref_slice %arg7[%add3A_276, %dma_start3A_277] : memref<100x40xi32, #tpu.memory_space<vmem>> -> memref<1x40xi32, #tpu.memory_space<vmem>>
          %dma_start3A_279 = tpu.memref_squeeze %dma_start3A_278 : memref<1x40xi32, #tpu.memory_space<vmem>> -> memref<40xi32, #tpu.memory_space<vmem>>
          %dma_start3A_280 = arith.constant 0 : i32
          %dma_start3A_281 = arith.constant 0 : i32
          %dma_start3A_282 = tpu.memref_slice %arg2[%dma_start3A_280, %dma_start3A_281] : memref<10000x128xf32, #tpu.memory_space<hbm>> -> memref<10000x128xf32, #tpu.memory_space<hbm>>
          tpu.enqueue_indirect_dma source(%dma_start3A_282 : memref<10000x128xf32, #tpu.memory_space<hbm>>) target(%arg9 : memref<40x128xf32, #tpu.memory_space<vmem>>) offsets(%dma_start3A_279 : memref<40xi32, #tpu.memory_space<vmem>>) semaphore(%arg18 : memref<!tpu.dma_semaphore, #tpu.memory_space<semaphore_mem>>) {add = true}
        } else {
        }
        %add3A_235 = arith.constant 3 : i32
        %add3A_236 = arith.addi %mul3A_73, %add3A_235 : i32
        %dma_wait3A_237 = arith.constant 0 : i32
        %dma_wait3A_238 = tpu.memref_slice %arg7[%add3A_236, %dma_wait3A_237] : memref<100x40xi32, #tpu.memory_space<vmem>> -> memref<1x40xi32, #tpu.memory_space<vmem>>
        %dma_wait3A_239 = tpu.memref_squeeze %dma_wait3A_238 : memref<1x40xi32, #tpu.memory_space<vmem>> -> memref<40xi32, #tpu.memory_space<vmem>>
        %dma_wait3A_240 = arith.constant 0 : i32
        %dma_wait3A_241 = arith.constant 0 : i32
        %dma_wait3A_242 = tpu.memref_slice %arg2[%dma_wait3A_240, %dma_wait3A_241] : memref<10000x128xf32, #tpu.memory_space<hbm>> -> memref<10000x128xf32, #tpu.memory_space<hbm>>
        tpu.wait_indirect_dma semaphore(%arg21 : memref<!tpu.dma_semaphore, #tpu.memory_space<semaphore_mem>>) src(%dma_wait3A_242 : memref<10000x128xf32, #tpu.memory_space<hbm>>) dst(%arg12 : memref<40x128xf32, #tpu.memory_space<vmem>>)
        %scan3A_243 = arith.constant 0 : i32
        %scan3A_244 = arith.constant 0 : i32
        %scan3A_245 = arith.constant 40 : i32
        %scan3A_246 = arith.addi %scan3A_244, %scan3A_245 : i32
        %scan3A_247 = arith.constant 1 : i32
        scf.for %scan3A_257 = %scan3A_244 to %scan3A_246 step %scan3A_247  : i32 {
          %get3A = arith.index_cast %scan3A_257 : i32 to index
          %get3A_258 = arith.constant 0 : index
          %get3A_259 = tpu.vector_load %arg12[%get3A, %get3A_258] {strides = array<i32>} : memref<40x128xf32, #tpu.memory_space<vmem>>, vector<1x16xf32>,
          %get3A_260 = vector.shape_cast %get3A_259 : vector<1x16xf32> to vector<16xf32>
          %max3A = arith.constant 0.000000e+00 : f32
          %max3A_261 = vector.broadcast %max3A : f32 to vector<16xf32>
          %max3A_262 = arith.maximumf %get3A_260, %max3A_261 : vector<16xf32>
          %swap3A = arith.index_cast %scan3A_257 : i32 to index
          %swap3A_263 = arith.constant 0 : index
          %swap3A_264 = tpu.vector_load %arg12[%swap3A, %swap3A_263] {strides = array<i32>} : memref<40x128xf32, #tpu.memory_space<vmem>>, vector<1x16xf32>,
          %swap3A_265 = vector.shape_cast %swap3A_264 : vector<1x16xf32> to vector<16xf32>
          %swap3A_266 = vector.shape_cast %max3A_262 : vector<16xf32> to vector<1x16xf32>
          tpu.vector_store %arg12[%swap3A, %swap3A_263], %swap3A_266 {strides = array<i32>} : memref<40x128xf32, #tpu.memory_space<vmem>>, vector<1x16xf32>,
          %get3A_267 = arith.index_cast %scan3A_257 : i32 to index
          %get3A_268 = arith.constant 16 : index
          %get3A_269 = tpu.vector_load %arg12[%get3A_267, %get3A_268] {strides = array<i32>} : memref<40x128xf32, #tpu.memory_space<vmem>>, vector<1x16xf32>,
          %get3A_270 = vector.shape_cast %get3A_269 : vector<1x16xf32> to vector<16xf32>
          %max3A_271 = arith.constant 0.000000e+00 : f32
          %max3A_272 = vector.broadcast %max3A_271 : f32 to vector<16xf32>
          %max3A_273 = arith.maximumf %get3A_270, %max3A_272 : vector<16xf32>
          %swap3A_274 = arith.index_cast %scan3A_257 : i32 to index
          %swap3A_275 = arith.constant 16 : index
          %swap3A_276 = tpu.vector_load %arg12[%swap3A_274, %swap3A_275] {strides = array<i32>} : memref<40x128xf32, #tpu.memory_space<vmem>>, vector<1x16xf32>,
          %swap3A_277 = vector.shape_cast %swap3A_276 : vector<1x16xf32> to vector<16xf32>
          %swap3A_278 = vector.shape_cast %max3A_273 : vector<16xf32> to vector<1x16xf32>
          tpu.vector_store %arg12[%swap3A_274, %swap3A_275], %swap3A_278 {strides = array<i32>} : memref<40x128xf32, #tpu.memory_space<vmem>>, vector<1x16xf32>,
          %get3A_279 = arith.index_cast %scan3A_257 : i32 to index
          %get3A_280 = arith.constant 32 : index
          %get3A_281 = tpu.vector_load %arg12[%get3A_279, %get3A_280] {strides = array<i32>} : memref<40x128xf32, #tpu.memory_space<vmem>>, vector<1x16xf32>,
          %get3A_282 = vector.shape_cast %get3A_281 : vector<1x16xf32> to vector<16xf32>
          %max3A_283 = arith.constant 0.000000e+00 : f32
          %max3A_284 = vector.broadcast %max3A_283 : f32 to vector<16xf32>
          %max3A_285 = arith.maximumf %get3A_282, %max3A_284 : vector<16xf32>
          %swap3A_286 = arith.index_cast %scan3A_257 : i32 to index
          %swap3A_287 = arith.constant 32 : index
          %swap3A_288 = tpu.vector_load %arg12[%swap3A_286, %swap3A_287] {strides = array<i32>} : memref<40x128xf32, #tpu.memory_space<vmem>>, vector<1x16xf32>,
          %swap3A_289 = vector.shape_cast %swap3A_288 : vector<1x16xf32> to vector<16xf32>
          %swap3A_290 = vector.shape_cast %max3A_285 : vector<16xf32> to vector<1x16xf32>
          tpu.vector_store %arg12[%swap3A_286, %swap3A_287], %swap3A_290 {strides = array<i32>} : memref<40x128xf32, #tpu.memory_space<vmem>>, vector<1x16xf32>,
          %get3A_291 = arith.index_cast %scan3A_257 : i32 to index
          %get3A_292 = arith.constant 48 : index
          %get3A_293 = tpu.vector_load %arg12[%get3A_291, %get3A_292] {strides = array<i32>} : memref<40x128xf32, #tpu.memory_space<vmem>>, vector<1x16xf32>,
          %get3A_294 = vector.shape_cast %get3A_293 : vector<1x16xf32> to vector<16xf32>
          %max3A_295 = arith.constant 0.000000e+00 : f32
          %max3A_296 = vector.broadcast %max3A_295 : f32 to vector<16xf32>
          %max3A_297 = arith.maximumf %get3A_294, %max3A_296 : vector<16xf32>
          %swap3A_298 = arith.index_cast %scan3A_257 : i32 to index
          %swap3A_299 = arith.constant 48 : index
          %swap3A_300 = tpu.vector_load %arg12[%swap3A_298, %swap3A_299] {strides = array<i32>} : memref<40x128xf32, #tpu.memory_space<vmem>>, vector<1x16xf32>,
          %swap3A_301 = vector.shape_cast %swap3A_300 : vector<1x16xf32> to vector<16xf32>
          %swap3A_302 = vector.shape_cast %max3A_297 : vector<16xf32> to vector<1x16xf32>
          tpu.vector_store %arg12[%swap3A_298, %swap3A_299], %swap3A_302 {strides = array<i32>} : memref<40x128xf32, #tpu.memory_space<vmem>>, vector<1x16xf32>,
          %get3A_303 = arith.index_cast %scan3A_257 : i32 to index
          %get3A_304 = arith.constant 64 : index
          %get3A_305 = tpu.vector_load %arg12[%get3A_303, %get3A_304] {strides = array<i32>} : memref<40x128xf32, #tpu.memory_space<vmem>>, vector<1x16xf32>,
          %get3A_306 = vector.shape_cast %get3A_305 : vector<1x16xf32> to vector<16xf32>
          %max3A_307 = arith.constant 0.000000e+00 : f32
          %max3A_308 = vector.broadcast %max3A_307 : f32 to vector<16xf32>
          %max3A_309 = arith.maximumf %get3A_306, %max3A_308 : vector<16xf32>
          %swap3A_310 = arith.index_cast %scan3A_257 : i32 to index
          %swap3A_311 = arith.constant 64 : index
          %swap3A_312 = tpu.vector_load %arg12[%swap3A_310, %swap3A_311] {strides = array<i32>} : memref<40x128xf32, #tpu.memory_space<vmem>>, vector<1x16xf32>,
          %swap3A_313 = vector.shape_cast %swap3A_312 : vector<1x16xf32> to vector<16xf32>
          %swap3A_314 = vector.shape_cast %max3A_309 : vector<16xf32> to vector<1x16xf32>
          tpu.vector_store %arg12[%swap3A_310, %swap3A_311], %swap3A_314 {strides = array<i32>} : memref<40x128xf32, #tpu.memory_space<vmem>>, vector<1x16xf32>,
          %get3A_315 = arith.index_cast %scan3A_257 : i32 to index
          %get3A_316 = arith.constant 80 : index
          %get3A_317 = tpu.vector_load %arg12[%get3A_315, %get3A_316] {strides = array<i32>} : memref<40x128xf32, #tpu.memory_space<vmem>>, vector<1x16xf32>,
          %get3A_318 = vector.shape_cast %get3A_317 : vector<1x16xf32> to vector<16xf32>
          %max3A_319 = arith.constant 0.000000e+00 : f32
          %max3A_320 = vector.broadcast %max3A_319 : f32 to vector<16xf32>
          %max3A_321 = arith.maximumf %get3A_318, %max3A_320 : vector<16xf32>
          %swap3A_322 = arith.index_cast %scan3A_257 : i32 to index
          %swap3A_323 = arith.constant 80 : index
          %swap3A_324 = tpu.vector_load %arg12[%swap3A_322, %swap3A_323] {strides = array<i32>} : memref<40x128xf32, #tpu.memory_space<vmem>>, vector<1x16xf32>,
          %swap3A_325 = vector.shape_cast %swap3A_324 : vector<1x16xf32> to vector<16xf32>
          %swap3A_326 = vector.shape_cast %max3A_321 : vector<16xf32> to vector<1x16xf32>
          tpu.vector_store %arg12[%swap3A_322, %swap3A_323], %swap3A_326 {strides = array<i32>} : memref<40x128xf32, #tpu.memory_space<vmem>>, vector<1x16xf32>,
          %get3A_327 = arith.index_cast %scan3A_257 : i32 to index
          %get3A_328 = arith.constant 96 : index
          %get3A_329 = tpu.vector_load %arg12[%get3A_327, %get3A_328] {strides = array<i32>} : memref<40x128xf32, #tpu.memory_space<vmem>>, vector<1x16xf32>,
          %get3A_330 = vector.shape_cast %get3A_329 : vector<1x16xf32> to vector<16xf32>
          %max3A_331 = arith.constant 0.000000e+00 : f32
          %max3A_332 = vector.broadcast %max3A_331 : f32 to vector<16xf32>
          %max3A_333 = arith.maximumf %get3A_330, %max3A_332 : vector<16xf32>
          %swap3A_334 = arith.index_cast %scan3A_257 : i32 to index
          %swap3A_335 = arith.constant 96 : index
          %swap3A_336 = tpu.vector_load %arg12[%swap3A_334, %swap3A_335] {strides = array<i32>} : memref<40x128xf32, #tpu.memory_space<vmem>>, vector<1x16xf32>,
          %swap3A_337 = vector.shape_cast %swap3A_336 : vector<1x16xf32> to vector<16xf32>
          %swap3A_338 = vector.shape_cast %max3A_333 : vector<16xf32> to vector<1x16xf32>
          tpu.vector_store %arg12[%swap3A_334, %swap3A_335], %swap3A_338 {strides = array<i32>} : memref<40x128xf32, #tpu.memory_space<vmem>>, vector<1x16xf32>,
          %get3A_339 = arith.index_cast %scan3A_257 : i32 to index
          %get3A_340 = arith.constant 112 : index
          %get3A_341 = tpu.vector_load %arg12[%get3A_339, %get3A_340] {strides = array<i32>} : memref<40x128xf32, #tpu.memory_space<vmem>>, vector<1x16xf32>,
          %get3A_342 = vector.shape_cast %get3A_341 : vector<1x16xf32> to vector<16xf32>
          %max3A_343 = arith.constant 0.000000e+00 : f32
          %max3A_344 = vector.broadcast %max3A_343 : f32 to vector<16xf32>
          %max3A_345 = arith.maximumf %get3A_342, %max3A_344 : vector<16xf32>
          %swap3A_346 = arith.index_cast %scan3A_257 : i32 to index
          %swap3A_347 = arith.constant 112 : index
          %swap3A_348 = tpu.vector_load %arg12[%swap3A_346, %swap3A_347] {strides = array<i32>} : memref<40x128xf32, #tpu.memory_space<vmem>>, vector<1x16xf32>,
          %swap3A_349 = vector.shape_cast %swap3A_348 : vector<1x16xf32> to vector<16xf32>
          %swap3A_350 = vector.shape_cast %max3A_345 : vector<16xf32> to vector<1x16xf32>
          tpu.vector_store %arg12[%swap3A_346, %swap3A_347], %swap3A_350 {strides = array<i32>} : memref<40x128xf32, #tpu.memory_space<vmem>>, vector<1x16xf32>,
        }
        %scan3A_248 = arith.constant 40 : i32
        %add3A_249 = arith.constant 3 : i32
        %add3A_250 = arith.addi %mul3A_73, %add3A_249 : i32
        %dma_start3A_251 = arith.constant 0 : i32
        %dma_start3A_252 = tpu.memref_slice %arg8[%add3A_250, %dma_start3A_251] : memref<100x40xi32, #tpu.memory_space<vmem>> -> memref<1x40xi32, #tpu.memory_space<vmem>>
        %dma_start3A_253 = tpu.memref_squeeze %dma_start3A_252 : memref<1x40xi32, #tpu.memory_space<vmem>> -> memref<40xi32, #tpu.memory_space<vmem>>
        %dma_start3A_254 = arith.constant 0 : i32
        %dma_start3A_255 = arith.constant 0 : i32
        %dma_start3A_256 = tpu.memref_slice %arg13[%dma_start3A_254, %dma_start3A_255] : memref<10000x128xf32, #tpu.memory_space<vmem_shared>> -> memref<10000x128xf32, #tpu.memory_space<vmem_shared>>
        tpu.enqueue_indirect_dma source(%arg12 : memref<40x128xf32, #tpu.memory_space<vmem>>) target(%dma_start3A_256 : memref<10000x128xf32, #tpu.memory_space<vmem_shared>>) offsets(%dma_start3A_253 : memref<40xi32, #tpu.memory_space<vmem>>) semaphore(%arg25 : memref<!tpu.dma_semaphore, #tpu.memory_space<semaphore_mem>>) {add = true}
      }
      %scan3A_56 = arith.constant 25 : i32
      %dma_wait3A_57 = arith.constant 98 : i32
      %dma_wait3A_58 = arith.constant 0 : i32
      %dma_wait3A_59 = tpu.memref_slice %arg8[%dma_wait3A_57, %dma_wait3A_58] : memref<100x40xi32, #tpu.memory_space<vmem>> -> memref<1x40xi32, #tpu.memory_space<vmem>>
      %dma_wait3A_60 = tpu.memref_squeeze %dma_wait3A_59 : memref<1x40xi32, #tpu.memory_space<vmem>> -> memref<40xi32, #tpu.memory_space<vmem>>
      %dma_wait3A_61 = arith.constant 0 : i32
      %dma_wait3A_62 = arith.constant 0 : i32
      %dma_wait3A_63 = tpu.memref_slice %arg13[%dma_wait3A_61, %dma_wait3A_62] : memref<10000x128xf32, #tpu.memory_space<vmem_shared>> -> memref<10000x128xf32, #tpu.memory_space<vmem_shared>>
      tpu.wait_indirect_dma semaphore(%arg24 : memref<!tpu.dma_semaphore, #tpu.memory_space<semaphore_mem>>) src(%arg11 : memref<40x128xf32, #tpu.memory_space<vmem>>) dst(%dma_wait3A_63 : memref<10000x128xf32, #tpu.memory_space<vmem_shared>>)
      %dma_wait3A_64 = arith.constant 99 : i32
      %dma_wait3A_65 = arith.constant 0 : i32
      %dma_wait3A_66 = tpu.memref_slice %arg8[%dma_wait3A_64, %dma_wait3A_65] : memref<100x40xi32, #tpu.memory_space<vmem>> -> memref<1x40xi32, #tpu.memory_space<vmem>>
      %dma_wait3A_67 = tpu.memref_squeeze %dma_wait3A_66 : memref<1x40xi32, #tpu.memory_space<vmem>> -> memref<40xi32, #tpu.memory_space<vmem>>
      %dma_wait3A_68 = arith.constant 0 : i32
      %dma_wait3A_69 = arith.constant 0 : i32
      %dma_wait3A_70 = tpu.memref_slice %arg13[%dma_wait3A_68, %dma_wait3A_69] : memref<10000x128xf32, #tpu.memory_space<vmem_shared>> -> memref<10000x128xf32, #tpu.memory_space<vmem_shared>>
      tpu.wait_indirect_dma semaphore(%arg25 : memref<!tpu.dma_semaphore, #tpu.memory_space<semaphore_mem>>) src(%arg12 : memref<40x128xf32, #tpu.memory_space<vmem>>) dst(%dma_wait3A_70 : memref<10000x128xf32, #tpu.memory_space<vmem_shared>>)
    }
    %scan3A_20 = arith.constant 5 : i32
    %barrier3A_21 = arith.constant 0 : index
    tpu.barrier barrier_id(%barrier3A_21)
    %mul3A_22 = arith.constant 625 : i32
    %mul3A_23 = arith.muli %arg1, %mul3A_22 : i32
    "tpu.region"() ({
      %run_scoped3A = tpu.sem_alloc : memref<!tpu.dma_semaphore, #tpu.memory_space<semaphore_mem>>
      %dma_start3A = arith.constant 0 : i32
      %dma_start3A_24 = arith.constant 0 : i32
      %dma_start3A_25 = tpu.memref_slice %arg6[%arg1, %dma_start3A, %dma_start3A_24] : memref<16x625x128xf32, #tpu.memory_space<hbm>> -> memref<1x625x128xf32, #tpu.memory_space<hbm>>
      %dma_start3A_26 = tpu.memref_squeeze %dma_start3A_25 : memref<1x625x128xf32, #tpu.memory_space<hbm>> -> memref<625x128xf32, #tpu.memory_space<hbm>>
      %dma_start3A_27 = arith.constant 0 : i32
      %dma_start3A_28 = tpu.memref_slice %arg13[%mul3A_23, %dma_start3A_27] : memref<10000x128xf32, #tpu.memory_space<vmem_shared>> -> memref<625x128xf32, #tpu.memory_space<vmem_shared>>
      tpu.enqueue_dma source(%dma_start3A_28 : memref<625x128xf32, #tpu.memory_space<vmem_shared>>) target(%dma_start3A_26 : memref<625x128xf32, #tpu.memory_space<hbm>>) target_semaphore(%run_scoped3A : memref<!tpu.dma_semaphore, #tpu.memory_space<semaphore_mem>>)
      %dma_wait3A = arith.constant 0 : i32
      %dma_wait3A_29 = arith.constant 0 : i32
      %dma_wait3A_30 = tpu.memref_slice %arg6[%arg1, %dma_wait3A, %dma_wait3A_29] : memref<16x625x128xf32, #tpu.memory_space<hbm>> -> memref<1x625x128xf32, #tpu.memory_space<hbm>>
      %dma_wait3A_31 = tpu.memref_squeeze %dma_wait3A_30 : memref<1x625x128xf32, #tpu.memory_space<hbm>> -> memref<625x128xf32, #tpu.memory_space<hbm>>
      %dma_wait3A_32 = arith.constant 0 : i32
      %dma_wait3A_33 = tpu.memref_slice %arg13[%mul3A_23, %dma_wait3A_32] : memref<10000x128xf32, #tpu.memory_space<vmem_shared>> -> memref<625x128xf32, #tpu.memory_space<vmem_shared>>
      tpu.wait_dma2 semaphore(%run_scoped3A : memref<!tpu.dma_semaphore, #tpu.memory_space<semaphore_mem>>) src(%dma_wait3A_33 : memref<625x128xf32, #tpu.memory_space<vmem_shared>>) dst(%dma_wait3A_31 : memref<625x128xf32, #tpu.memory_space<hbm>>)
      tpu.yield
    }) : () -> ()
    return
  }
}

#map = affine_map<(d0, d1) -> (0, 0)>
#map1 = affine_map<(d0, d1) -> (0, 0, 0, 0)>
#map2 = affine_map<(d0, d1) -> (0, 0, 0)>
module attributes {stable_mosaic.version = 14 : i64} {
  func.func @_sc_msgpass_body(%arg0: i32, %arg1: i32, %arg2: memref<10000x128xf32, #tpu.memory_space<hbm>>, %arg3: memref<16x5x100x40xi32, #tpu.memory_space<hbm>>, %arg4: memref<16x5x100x40xi32, #tpu.memory_space<hbm>>, %arg5: memref<320000x128xf32, #tpu.memory_space<hbm>>, %arg6: memref<16x625x128xf32, #tpu.memory_space<hbm>>, %arg7: memref<100x40xi32, #tpu.memory_space<vmem>>, %arg8: memref<100x40xi32, #tpu.memory_space<vmem>>, %arg9: memref<40x128xf32, #tpu.memory_space<vmem>>, %arg10: memref<40x128xf32, #tpu.memory_space<vmem>>, %arg11: memref<40x128xf32, #tpu.memory_space<vmem>>, %arg12: memref<40x128xf32, #tpu.memory_space<vmem>>, %arg13: memref<10000x128xf32, #tpu.memory_space<vmem_shared>>, %arg14: memref<!tpu.dma_semaphore, #tpu.memory_space<semaphore_mem>>, %arg15: memref<!tpu.dma_semaphore, #tpu.memory_space<semaphore_mem>>, %arg16: memref<!tpu.dma_semaphore, #tpu.memory_space<semaphore_mem>>, %arg17: memref<!tpu.dma_semaphore, #tpu.memory_space<semaphore_mem>>, %arg18: memref<!tpu.dma_semaphore, #tpu.memory_space<semaphore_mem>>, %arg19: memref<!tpu.dma_semaphore, #tpu.memory_space<semaphore_mem>>, %arg20: memref<!tpu.dma_semaphore, #tpu.memory_space<semaphore_mem>>, %arg21: memref<!tpu.dma_semaphore, #tpu.memory_space<semaphore_mem>>, %arg22: memref<!tpu.dma_semaphore, #tpu.memory_space<semaphore_mem>>, %arg23: memref<!tpu.dma_semaphore, #tpu.memory_space<semaphore_mem>>, %arg24: memref<!tpu.dma_semaphore, #tpu.memory_space<semaphore_mem>>, %arg25: memref<!tpu.dma_semaphore, #tpu.memory_space<semaphore_mem>>) attributes {dimension_semantics = [#tpu.dimension_semantics<core_parallel>, #tpu.dimension_semantics<subcore_parallel>], iteration_bounds = array<i64: 1, 16>, scalar_prefetch = 0 : i64, scratch_operands = 19 : i64, tpu.core_type = #tpu.core_type<sc_vector_subcore>, window_params = [{transform_indices = #map}, {transform_indices = #map1}, {transform_indices = #map1}, {transform_indices = #map}, {transform_indices = #map2}]} {
    %scan3A = arith.constant 0 : i32
    %scan3A_0 = arith.constant 0 : i32
    %scan3A_1 = arith.constant 40 : i32
    %scan3A_2 = arith.addi %scan3A_0, %scan3A_1 : i32
    %scan3A_3 = arith.constant 1 : i32
    scf.for %scan3A_24 = %scan3A_0 to %scan3A_2 step %scan3A_3  : i32 {
      %broadcast_in_dim3A = arith.constant 0.000000e+00 : f32
      %broadcast_in_dim3A_25 = vector.broadcast %broadcast_in_dim3A : f32 to vector<16xf32>
      %swap3A = arith.index_cast %scan3A_24 : i32 to index
      %swap3A_26 = arith.constant 0 : index
      %swap3A_27 = tpu.vector_load %arg9[%swap3A, %swap3A_26] {strides = array<i32>} : memref<40x128xf32, #tpu.memory_space<vmem>>, vector<1x16xf32>,
      %swap3A_28 = vector.shape_cast %swap3A_27 : vector<1x16xf32> to vector<16xf32>
      %swap3A_29 = vector.shape_cast %broadcast_in_dim3A_25 : vector<16xf32> to vector<1x16xf32>
      tpu.vector_store %arg9[%swap3A, %swap3A_26], %swap3A_29 {strides = array<i32>} : memref<40x128xf32, #tpu.memory_space<vmem>>, vector<1x16xf32>,
      %broadcast_in_dim3A_30 = arith.constant 0.000000e+00 : f32
      %broadcast_in_dim3A_31 = vector.broadcast %broadcast_in_dim3A_30 : f32 to vector<16xf32>
      %swap3A_32 = arith.index_cast %scan3A_24 : i32 to index
      %swap3A_33 = arith.constant 16 : index
      %swap3A_34 = tpu.vector_load %arg9[%swap3A_32, %swap3A_33] {strides = array<i32>} : memref<40x128xf32, #tpu.memory_space<vmem>>, vector<1x16xf32>,
      %swap3A_35 = vector.shape_cast %swap3A_34 : vector<1x16xf32> to vector<16xf32>
      %swap3A_36 = vector.shape_cast %broadcast_in_dim3A_31 : vector<16xf32> to vector<1x16xf32>
      tpu.vector_store %arg9[%swap3A_32, %swap3A_33], %swap3A_36 {strides = array<i32>} : memref<40x128xf32, #tpu.memory_space<vmem>>, vector<1x16xf32>,
      %broadcast_in_dim3A_37 = arith.constant 0.000000e+00 : f32
      %broadcast_in_dim3A_38 = vector.broadcast %broadcast_in_dim3A_37 : f32 to vector<16xf32>
      %swap3A_39 = arith.index_cast %scan3A_24 : i32 to index
      %swap3A_40 = arith.constant 32 : index
      %swap3A_41 = tpu.vector_load %arg9[%swap3A_39, %swap3A_40] {strides = array<i32>} : memref<40x128xf32, #tpu.memory_space<vmem>>, vector<1x16xf32>,
      %swap3A_42 = vector.shape_cast %swap3A_41 : vector<1x16xf32> to vector<16xf32>
      %swap3A_43 = vector.shape_cast %broadcast_in_dim3A_38 : vector<16xf32> to vector<1x16xf32>
      tpu.vector_store %arg9[%swap3A_39, %swap3A_40], %swap3A_43 {strides = array<i32>} : memref<40x128xf32, #tpu.memory_space<vmem>>, vector<1x16xf32>,
      %broadcast_in_dim3A_44 = arith.constant 0.000000e+00 : f32
      %broadcast_in_dim3A_45 = vector.broadcast %broadcast_in_dim3A_44 : f32 to vector<16xf32>
      %swap3A_46 = arith.index_cast %scan3A_24 : i32 to index
      %swap3A_47 = arith.constant 48 : index
      %swap3A_48 = tpu.vector_load %arg9[%swap3A_46, %swap3A_47] {strides = array<i32>} : memref<40x128xf32, #tpu.memory_space<vmem>>, vector<1x16xf32>,
      %swap3A_49 = vector.shape_cast %swap3A_48 : vector<1x16xf32> to vector<16xf32>
      %swap3A_50 = vector.shape_cast %broadcast_in_dim3A_45 : vector<16xf32> to vector<1x16xf32>
      tpu.vector_store %arg9[%swap3A_46, %swap3A_47], %swap3A_50 {strides = array<i32>} : memref<40x128xf32, #tpu.memory_space<vmem>>, vector<1x16xf32>,
      %broadcast_in_dim3A_51 = arith.constant 0.000000e+00 : f32
      %broadcast_in_dim3A_52 = vector.broadcast %broadcast_in_dim3A_51 : f32 to vector<16xf32>
      %swap3A_53 = arith.index_cast %scan3A_24 : i32 to index
      %swap3A_54 = arith.constant 64 : index
      %swap3A_55 = tpu.vector_load %arg9[%swap3A_53, %swap3A_54] {strides = array<i32>} : memref<40x128xf32, #tpu.memory_space<vmem>>, vector<1x16xf32>,
      %swap3A_56 = vector.shape_cast %swap3A_55 : vector<1x16xf32> to vector<16xf32>
      %swap3A_57 = vector.shape_cast %broadcast_in_dim3A_52 : vector<16xf32> to vector<1x16xf32>
      tpu.vector_store %arg9[%swap3A_53, %swap3A_54], %swap3A_57 {strides = array<i32>} : memref<40x128xf32, #tpu.memory_space<vmem>>, vector<1x16xf32>,
      %broadcast_in_dim3A_58 = arith.constant 0.000000e+00 : f32
      %broadcast_in_dim3A_59 = vector.broadcast %broadcast_in_dim3A_58 : f32 to vector<16xf32>
      %swap3A_60 = arith.index_cast %scan3A_24 : i32 to index
      %swap3A_61 = arith.constant 80 : index
      %swap3A_62 = tpu.vector_load %arg9[%swap3A_60, %swap3A_61] {strides = array<i32>} : memref<40x128xf32, #tpu.memory_space<vmem>>, vector<1x16xf32>,
      %swap3A_63 = vector.shape_cast %swap3A_62 : vector<1x16xf32> to vector<16xf32>
      %swap3A_64 = vector.shape_cast %broadcast_in_dim3A_59 : vector<16xf32> to vector<1x16xf32>
      tpu.vector_store %arg9[%swap3A_60, %swap3A_61], %swap3A_64 {strides = array<i32>} : memref<40x128xf32, #tpu.memory_space<vmem>>, vector<1x16xf32>,
      %broadcast_in_dim3A_65 = arith.constant 0.000000e+00 : f32
      %broadcast_in_dim3A_66 = vector.broadcast %broadcast_in_dim3A_65 : f32 to vector<16xf32>
      %swap3A_67 = arith.index_cast %scan3A_24 : i32 to index
      %swap3A_68 = arith.constant 96 : index
      %swap3A_69 = tpu.vector_load %arg9[%swap3A_67, %swap3A_68] {strides = array<i32>} : memref<40x128xf32, #tpu.memory_space<vmem>>, vector<1x16xf32>,
      %swap3A_70 = vector.shape_cast %swap3A_69 : vector<1x16xf32> to vector<16xf32>
      %swap3A_71 = vector.shape_cast %broadcast_in_dim3A_66 : vector<16xf32> to vector<1x16xf32>
      tpu.vector_store %arg9[%swap3A_67, %swap3A_68], %swap3A_71 {strides = array<i32>} : memref<40x128xf32, #tpu.memory_space<vmem>>, vector<1x16xf32>,
      %broadcast_in_dim3A_72 = arith.constant 0.000000e+00 : f32
      %broadcast_in_dim3A_73 = vector.broadcast %broadcast_in_dim3A_72 : f32 to vector<16xf32>
      %swap3A_74 = arith.index_cast %scan3A_24 : i32 to index
      %swap3A_75 = arith.constant 112 : index
      %swap3A_76 = tpu.vector_load %arg9[%swap3A_74, %swap3A_75] {strides = array<i32>} : memref<40x128xf32, #tpu.memory_space<vmem>>, vector<1x16xf32>,
      %swap3A_77 = vector.shape_cast %swap3A_76 : vector<1x16xf32> to vector<16xf32>
      %swap3A_78 = vector.shape_cast %broadcast_in_dim3A_73 : vector<16xf32> to vector<1x16xf32>
      tpu.vector_store %arg9[%swap3A_74, %swap3A_75], %swap3A_78 {strides = array<i32>} : memref<40x128xf32, #tpu.memory_space<vmem>>, vector<1x16xf32>,
    }
    %scan3A_4 = arith.constant 40 : i32
    %scan3A_5 = arith.constant 0 : i32
    %scan3A_6 = arith.constant 0 : i32
    %scan3A_7 = arith.constant 15 : i32
    %scan3A_8 = arith.addi %scan3A_6, %scan3A_7 : i32
    %scan3A_9 = arith.constant 1 : i32
    scf.for %scan3A_24 = %scan3A_6 to %scan3A_8 step %scan3A_9  : i32 {
      %mul3A_25 = arith.constant 625 : i32
      %mul3A_26 = arith.muli %arg1, %mul3A_25 : i32
      %mul3A_27 = arith.constant 40 : i32
      %mul3A_28 = arith.muli %scan3A_24, %mul3A_27 : i32
      %add3A_29 = arith.addi %mul3A_26, %mul3A_28 : i32
      "tpu.region"() ({
        %run_scoped3A = tpu.sem_alloc : memref<!tpu.dma_semaphore, #tpu.memory_space<semaphore_mem>>
        %dma_start3A = arith.constant 0 : i32
        %dma_start3A_30 = tpu.memref_slice %arg13[%add3A_29, %dma_start3A] : memref<10000x128xf32, #tpu.memory_space<vmem_shared>> -> memref<40x128xf32, #tpu.memory_space<vmem_shared>>
        %dma_start3A_31 = arith.constant 0 : i32
        %dma_start3A_32 = tpu.memref_slice %arg13[%add3A_29, %dma_start3A_31] : memref<10000x128xf32, #tpu.memory_space<vmem_shared>> -> memref<40x128xf32, #tpu.memory_space<vmem_shared>>
        tpu.enqueue_dma source(%arg9 : memref<40x128xf32, #tpu.memory_space<vmem>>) target(%dma_start3A_32 : memref<40x128xf32, #tpu.memory_space<vmem_shared>>) target_semaphore(%run_scoped3A : memref<!tpu.dma_semaphore, #tpu.memory_space<semaphore_mem>>)
        %dma_wait3A = arith.constant 0 : i32
        %dma_wait3A_33 = tpu.memref_slice %arg13[%add3A_29, %dma_wait3A] : memref<10000x128xf32, #tpu.memory_space<vmem_shared>> -> memref<40x128xf32, #tpu.memory_space<vmem_shared>>
        %dma_wait3A_34 = arith.constant 0 : i32
        %dma_wait3A_35 = tpu.memref_slice %arg13[%add3A_29, %dma_wait3A_34] : memref<10000x128xf32, #tpu.memory_space<vmem_shared>> -> memref<40x128xf32, #tpu.memory_space<vmem_shared>>
        tpu.wait_dma2 semaphore(%run_scoped3A : memref<!tpu.dma_semaphore, #tpu.memory_space<semaphore_mem>>) src(%arg9 : memref<40x128xf32, #tpu.memory_space<vmem>>) dst(%dma_wait3A_35 : memref<40x128xf32, #tpu.memory_space<vmem_shared>>)
        tpu.yield
      }) : () -> ()
    }
    %scan3A_10 = arith.constant 15 : i32
    %mul3A = arith.constant 625 : i32
    %mul3A_11 = arith.muli %arg1, %mul3A : i32
    %add3A = arith.constant 600 : i32
    %add3A_12 = arith.addi %mul3A_11, %add3A : i32
    "tpu.region"() ({
      %run_scoped3A = tpu.sem_alloc : memref<!tpu.dma_semaphore, #tpu.memory_space<semaphore_mem>>
      %dma_start3A = arith.constant 0 : i32
      %dma_start3A_24 = arith.constant 0 : i32
      %dma_start3A_25 = tpu.memref_slice %arg9[%dma_start3A, %dma_start3A_24] : memref<40x128xf32, #tpu.memory_space<vmem>> -> memref<25x128xf32, #tpu.memory_space<vmem>>
      %dma_start3A_26 = arith.constant 0 : i32
      %dma_start3A_27 = tpu.memref_slice %arg13[%add3A_12, %dma_start3A_26] : memref<10000x128xf32, #tpu.memory_space<vmem_shared>> -> memref<25x128xf32, #tpu.memory_space<vmem_shared>>
      %dma_start3A_28 = arith.constant 0 : i32
      %dma_start3A_29 = tpu.memref_slice %arg13[%add3A_12, %dma_start3A_28] : memref<10000x128xf32, #tpu.memory_space<vmem_shared>> -> memref<25x128xf32, #tpu.memory_space<vmem_shared>>
      %dma_start3A_30 = arith.constant 0 : i32
      %dma_start3A_31 = arith.constant 0 : i32
      %dma_start3A_32 = tpu.memref_slice %arg9[%dma_start3A_30, %dma_start3A_31] : memref<40x128xf32, #tpu.memory_space<vmem>> -> memref<25x128xf32, #tpu.memory_space<vmem>>
      tpu.enqueue_dma source(%dma_start3A_32 : memref<25x128xf32, #tpu.memory_space<vmem>>) target(%dma_start3A_29 : memref<25x128xf32, #tpu.memory_space<vmem_shared>>) target_semaphore(%run_scoped3A : memref<!tpu.dma_semaphore, #tpu.memory_space<semaphore_mem>>)
      %dma_wait3A = arith.constant 0 : i32
      %dma_wait3A_33 = arith.constant 0 : i32
      %dma_wait3A_34 = tpu.memref_slice %arg9[%dma_wait3A, %dma_wait3A_33] : memref<40x128xf32, #tpu.memory_space<vmem>> -> memref<25x128xf32, #tpu.memory_space<vmem>>
      %dma_wait3A_35 = arith.constant 0 : i32
      %dma_wait3A_36 = tpu.memref_slice %arg13[%add3A_12, %dma_wait3A_35] : memref<10000x128xf32, #tpu.memory_space<vmem_shared>> -> memref<25x128xf32, #tpu.memory_space<vmem_shared>>
      %dma_wait3A_37 = arith.constant 0 : i32
      %dma_wait3A_38 = tpu.memref_slice %arg13[%add3A_12, %dma_wait3A_37] : memref<10000x128xf32, #tpu.memory_space<vmem_shared>> -> memref<25x128xf32, #tpu.memory_space<vmem_shared>>
      %dma_wait3A_39 = arith.constant 0 : i32
      %dma_wait3A_40 = arith.constant 0 : i32
      %dma_wait3A_41 = tpu.memref_slice %arg9[%dma_wait3A_39, %dma_wait3A_40] : memref<40x128xf32, #tpu.memory_space<vmem>> -> memref<25x128xf32, #tpu.memory_space<vmem>>
      tpu.wait_dma2 semaphore(%run_scoped3A : memref<!tpu.dma_semaphore, #tpu.memory_space<semaphore_mem>>) src(%dma_wait3A_41 : memref<25x128xf32, #tpu.memory_space<vmem>>) dst(%dma_wait3A_38 : memref<25x128xf32, #tpu.memory_space<vmem_shared>>)
      tpu.yield
    }) : () -> ()
    %barrier3A = arith.constant 0 : index
    tpu.barrier barrier_id(%barrier3A)
    %mul3A_13 = arith.constant 20000 : i32
    %mul3A_14 = arith.muli %arg1, %mul3A_13 : i32
    %scan3A_15 = arith.constant 0 : i32
    %scan3A_16 = arith.constant 0 : i32
    %scan3A_17 = arith.constant 5 : i32
    %scan3A_18 = arith.addi %scan3A_16, %scan3A_17 : i32
    %scan3A_19 = arith.constant 1 : i32
    scf.for %scan3A_24 = %scan3A_16 to %scan3A_18 step %scan3A_19  : i32 {
      "tpu.region"() ({
        %run_scoped3A = tpu.sem_alloc : memref<!tpu.dma_semaphore, #tpu.memory_space<semaphore_mem>>
        %dma_start3A_71 = arith.constant 0 : i32
        %dma_start3A_72 = arith.constant 0 : i32
        %dma_start3A_73 = tpu.memref_slice %arg3[%arg1, %scan3A_24, %dma_start3A_71, %dma_start3A_72] : memref<16x5x100x40xi32, #tpu.memory_space<hbm>> -> memref<1x1x100x40xi32, #tpu.memory_space<hbm>>
        %dma_start3A_74 = tpu.memref_squeeze %dma_start3A_73 : memref<1x1x100x40xi32, #tpu.memory_space<hbm>> -> memref<100x40xi32, #tpu.memory_space<hbm>>
        %dma_start3A_75 = arith.constant 0 : i32
        %dma_start3A_76 = arith.constant 0 : i32
        %dma_start3A_77 = tpu.memref_slice %arg3[%arg1, %scan3A_24, %dma_start3A_75, %dma_start3A_76] : memref<16x5x100x40xi32, #tpu.memory_space<hbm>> -> memref<1x1x100x40xi32, #tpu.memory_space<hbm>>
        %dma_start3A_78 = tpu.memref_squeeze %dma_start3A_77 : memref<1x1x100x40xi32, #tpu.memory_space<hbm>> -> memref<100x40xi32, #tpu.memory_space<hbm>>
        tpu.enqueue_dma source(%dma_start3A_78 : memref<100x40xi32, #tpu.memory_space<hbm>>) target(%arg7 : memref<100x40xi32, #tpu.memory_space<vmem>>) target_semaphore(%run_scoped3A : memref<!tpu.dma_semaphore, #tpu.memory_space<semaphore_mem>>)
        %dma_wait3A_79 = arith.constant 0 : i32
        %dma_wait3A_80 = arith.constant 0 : i32
        %dma_wait3A_81 = tpu.memref_slice %arg3[%arg1, %scan3A_24, %dma_wait3A_79, %dma_wait3A_80] : memref<16x5x100x40xi32, #tpu.memory_space<hbm>> -> memref<1x1x100x40xi32, #tpu.memory_space<hbm>>
        %dma_wait3A_82 = tpu.memref_squeeze %dma_wait3A_81 : memref<1x1x100x40xi32, #tpu.memory_space<hbm>> -> memref<100x40xi32, #tpu.memory_space<hbm>>
        %dma_wait3A_83 = arith.constant 0 : i32
        %dma_wait3A_84 = arith.constant 0 : i32
        %dma_wait3A_85 = tpu.memref_slice %arg3[%arg1, %scan3A_24, %dma_wait3A_83, %dma_wait3A_84] : memref<16x5x100x40xi32, #tpu.memory_space<hbm>> -> memref<1x1x100x40xi32, #tpu.memory_space<hbm>>
        %dma_wait3A_86 = tpu.memref_squeeze %dma_wait3A_85 : memref<1x1x100x40xi32, #tpu.memory_space<hbm>> -> memref<100x40xi32, #tpu.memory_space<hbm>>
        tpu.wait_dma2 semaphore(%run_scoped3A : memref<!tpu.dma_semaphore, #tpu.memory_space<semaphore_mem>>) src(%dma_wait3A_86 : memref<100x40xi32, #tpu.memory_space<hbm>>) dst(%arg7 : memref<100x40xi32, #tpu.memory_space<vmem>>)
        tpu.yield
      }) : () -> ()
      "tpu.region"() ({
        %run_scoped3A = tpu.sem_alloc : memref<!tpu.dma_semaphore, #tpu.memory_space<semaphore_mem>>
        %dma_start3A_71 = arith.constant 0 : i32
        %dma_start3A_72 = arith.constant 0 : i32
        %dma_start3A_73 = tpu.memref_slice %arg4[%arg1, %scan3A_24, %dma_start3A_71, %dma_start3A_72] : memref<16x5x100x40xi32, #tpu.memory_space<hbm>> -> memref<1x1x100x40xi32, #tpu.memory_space<hbm>>
        %dma_start3A_74 = tpu.memref_squeeze %dma_start3A_73 : memref<1x1x100x40xi32, #tpu.memory_space<hbm>> -> memref<100x40xi32, #tpu.memory_space<hbm>>
        %dma_start3A_75 = arith.constant 0 : i32
        %dma_start3A_76 = arith.constant 0 : i32
        %dma_start3A_77 = tpu.memref_slice %arg4[%arg1, %scan3A_24, %dma_start3A_75, %dma_start3A_76] : memref<16x5x100x40xi32, #tpu.memory_space<hbm>> -> memref<1x1x100x40xi32, #tpu.memory_space<hbm>>
        %dma_start3A_78 = tpu.memref_squeeze %dma_start3A_77 : memref<1x1x100x40xi32, #tpu.memory_space<hbm>> -> memref<100x40xi32, #tpu.memory_space<hbm>>
        tpu.enqueue_dma source(%dma_start3A_78 : memref<100x40xi32, #tpu.memory_space<hbm>>) target(%arg8 : memref<100x40xi32, #tpu.memory_space<vmem>>) target_semaphore(%run_scoped3A : memref<!tpu.dma_semaphore, #tpu.memory_space<semaphore_mem>>)
        %dma_wait3A_79 = arith.constant 0 : i32
        %dma_wait3A_80 = arith.constant 0 : i32
        %dma_wait3A_81 = tpu.memref_slice %arg4[%arg1, %scan3A_24, %dma_wait3A_79, %dma_wait3A_80] : memref<16x5x100x40xi32, #tpu.memory_space<hbm>> -> memref<1x1x100x40xi32, #tpu.memory_space<hbm>>
        %dma_wait3A_82 = tpu.memref_squeeze %dma_wait3A_81 : memref<1x1x100x40xi32, #tpu.memory_space<hbm>> -> memref<100x40xi32, #tpu.memory_space<hbm>>
        %dma_wait3A_83 = arith.constant 0 : i32
        %dma_wait3A_84 = arith.constant 0 : i32
        %dma_wait3A_85 = tpu.memref_slice %arg4[%arg1, %scan3A_24, %dma_wait3A_83, %dma_wait3A_84] : memref<16x5x100x40xi32, #tpu.memory_space<hbm>> -> memref<1x1x100x40xi32, #tpu.memory_space<hbm>>
        %dma_wait3A_86 = tpu.memref_squeeze %dma_wait3A_85 : memref<1x1x100x40xi32, #tpu.memory_space<hbm>> -> memref<100x40xi32, #tpu.memory_space<hbm>>
        tpu.wait_dma2 semaphore(%run_scoped3A : memref<!tpu.dma_semaphore, #tpu.memory_space<semaphore_mem>>) src(%dma_wait3A_86 : memref<100x40xi32, #tpu.memory_space<hbm>>) dst(%arg8 : memref<100x40xi32, #tpu.memory_space<vmem>>)
        tpu.yield
      }) : () -> ()
      %mul3A_25 = arith.constant 4000 : i32
      %mul3A_26 = arith.muli %scan3A_24, %mul3A_25 : i32
      %add3A_27 = arith.addi %mul3A_14, %mul3A_26 : i32
      %add3A_28 = arith.constant 0 : i32
      %add3A_29 = arith.addi %add3A_27, %add3A_28 : i32
      %dma_start3A = arith.constant 0 : i32
      %dma_start3A_30 = tpu.memref_slice %arg5[%add3A_29, %dma_start3A] : memref<320000x128xf32, #tpu.memory_space<hbm>> -> memref<40x128xf32, #tpu.memory_space<hbm>>
      %dma_start3A_31 = arith.constant 0 : i32
      %dma_start3A_32 = tpu.memref_slice %arg5[%add3A_29, %dma_start3A_31] : memref<320000x128xf32, #tpu.memory_space<hbm>> -> memref<40x128xf32, #tpu.memory_space<hbm>>
      tpu.enqueue_dma source(%dma_start3A_32 : memref<40x128xf32, #tpu.memory_space<hbm>>) target(%arg9 : memref<40x128xf32, #tpu.memory_space<vmem>>) target_semaphore(%arg14 : memref<!tpu.dma_semaphore, #tpu.memory_space<semaphore_mem>>)
      %add3A_33 = arith.constant 40 : i32
      %add3A_34 = arith.addi %add3A_27, %add3A_33 : i32
      %dma_start3A_35 = arith.constant 0 : i32
      %dma_start3A_36 = tpu.memref_slice %arg5[%add3A_34, %dma_start3A_35] : memref<320000x128xf32, #tpu.memory_space<hbm>> -> memref<40x128xf32, #tpu.memory_space<hbm>>
      %dma_start3A_37 = arith.constant 0 : i32
      %dma_start3A_38 = tpu.memref_slice %arg5[%add3A_34, %dma_start3A_37] : memref<320000x128xf32, #tpu.memory_space<hbm>> -> memref<40x128xf32, #tpu.memory_space<hbm>>
      tpu.enqueue_dma source(%dma_start3A_38 : memref<40x128xf32, #tpu.memory_space<hbm>>) target(%arg10 : memref<40x128xf32, #tpu.memory_space<vmem>>) target_semaphore(%arg15 : memref<!tpu.dma_semaphore, #tpu.memory_space<semaphore_mem>>)
      %add3A_39 = arith.constant 0 : i32
      %add3A_40 = arith.addi %add3A_27, %add3A_39 : i32
      %dma_wait3A = arith.constant 0 : i32
      %dma_wait3A_41 = tpu.memref_slice %arg5[%add3A_40, %dma_wait3A] : memref<320000x128xf32, #tpu.memory_space<hbm>> -> memref<40x128xf32, #tpu.memory_space<hbm>>
      %dma_wait3A_42 = arith.constant 0 : i32
      %dma_wait3A_43 = tpu.memref_slice %arg5[%add3A_40, %dma_wait3A_42] : memref<320000x128xf32, #tpu.memory_space<hbm>> -> memref<40x128xf32, #tpu.memory_space<hbm>>
      tpu.wait_dma2 semaphore(%arg14 : memref<!tpu.dma_semaphore, #tpu.memory_space<semaphore_mem>>) src(%dma_wait3A_43 : memref<40x128xf32, #tpu.memory_space<hbm>>) dst(%arg9 : memref<40x128xf32, #tpu.memory_space<vmem>>)
      %dma_start3A_44 = arith.constant 0 : i32
      %dma_start3A_45 = arith.constant 0 : i32
      %dma_start3A_46 = tpu.memref_slice %arg7[%dma_start3A_44, %dma_start3A_45] : memref<100x40xi32, #tpu.memory_space<vmem>> -> memref<1x40xi32, #tpu.memory_space<vmem>>
      %dma_start3A_47 = tpu.memref_squeeze %dma_start3A_46 : memref<1x40xi32, #tpu.memory_space<vmem>> -> memref<40xi32, #tpu.memory_space<vmem>>
      %dma_start3A_48 = arith.constant 0 : i32
      %dma_start3A_49 = arith.constant 0 : i32
      %dma_start3A_50 = tpu.memref_slice %arg2[%dma_start3A_48, %dma_start3A_49] : memref<10000x128xf32, #tpu.memory_space<hbm>> -> memref<10000x128xf32, #tpu.memory_space<hbm>>
      tpu.enqueue_indirect_dma source(%dma_start3A_50 : memref<10000x128xf32, #tpu.memory_space<hbm>>) target(%arg9 : memref<40x128xf32, #tpu.memory_space<vmem>>) offsets(%dma_start3A_47 : memref<40xi32, #tpu.memory_space<vmem>>) semaphore(%arg18 : memref<!tpu.dma_semaphore, #tpu.memory_space<semaphore_mem>>) {add = true}
      %scan3A_51 = arith.constant 0 : i32
      %scan3A_52 = arith.constant 0 : i32
      %scan3A_53 = arith.constant 25 : i32
      %scan3A_54 = arith.addi %scan3A_52, %scan3A_53 : i32
      %scan3A_55 = arith.constant 1 : i32
      scf.for %scan3A_71 = %scan3A_52 to %scan3A_54 step %scan3A_55  : i32 {
        %mul3A_72 = arith.constant 4 : i32
        %mul3A_73 = arith.muli %scan3A_71, %mul3A_72 : i32
        %ge3A = arith.constant 1 : i32
        %ge3A_74 = arith.cmpi sge, %scan3A_71, %ge3A : i32
        %convert_element_type3A = arith.extui %ge3A_74 : i1 to i32
        %cond3A = arith.constant 0 : i32
        %cond3A_75 = arith.cmpi ne, %convert_element_type3A, %cond3A : i32
        scf.if %cond3A_75 {
          %sub3A = arith.constant 2 : i32
          %sub3A_257 = arith.subi %mul3A_73, %sub3A : i32
          %dma_wait3A_258 = arith.constant 0 : i32
          %dma_wait3A_259 = tpu.memref_slice %arg8[%sub3A_257, %dma_wait3A_258] : memref<100x40xi32, #tpu.memory_space<vmem>> -> memref<1x40xi32, #tpu.memory_space<vmem>>
          %dma_wait3A_260 = tpu.memref_squeeze %dma_wait3A_259 : memref<1x40xi32, #tpu.memory_space<vmem>> -> memref<40xi32, #tpu.memory_space<vmem>>
          %dma_wait3A_261 = arith.constant 0 : i32
          %dma_wait3A_262 = arith.constant 0 : i32
          %dma_wait3A_263 = tpu.memref_slice %arg13[%dma_wait3A_261, %dma_wait3A_262] : memref<10000x128xf32, #tpu.memory_space<vmem_shared>> -> memref<10000x128xf32, #tpu.memory_space<vmem_shared>>
          tpu.wait_indirect_dma semaphore(%arg24 : memref<!tpu.dma_semaphore, #tpu.memory_space<semaphore_mem>>) src(%arg11 : memref<40x128xf32, #tpu.memory_space<vmem>>) dst(%dma_wait3A_263 : memref<10000x128xf32, #tpu.memory_space<vmem_shared>>)
        } else {
        }
        %add3A_76 = arith.constant 2 : i32
        %add3A_77 = arith.addi %mul3A_73, %add3A_76 : i32
        %mul3A_78 = arith.constant 40 : i32
        %mul3A_79 = arith.muli %add3A_77, %mul3A_78 : i32
        %add3A_80 = arith.addi %add3A_27, %mul3A_79 : i32
        %dma_start3A_81 = arith.constant 0 : i32
        %dma_start3A_82 = tpu.memref_slice %arg5[%add3A_80, %dma_start3A_81] : memref<320000x128xf32, #tpu.memory_space<hbm>> -> memref<40x128xf32, #tpu.memory_space<hbm>>
        %dma_start3A_83 = arith.constant 0 : i32
        %dma_start3A_84 = tpu.memref_slice %arg5[%add3A_80, %dma_start3A_83] : memref<320000x128xf32, #tpu.memory_space<hbm>> -> memref<40x128xf32, #tpu.memory_space<hbm>>
        tpu.enqueue_dma source(%dma_start3A_84 : memref<40x128xf32, #tpu.memory_space<hbm>>) target(%arg11 : memref<40x128xf32, #tpu.memory_space<vmem>>) target_semaphore(%arg16 : memref<!tpu.dma_semaphore, #tpu.memory_space<semaphore_mem>>)
        %add3A_85 = arith.constant 1 : i32
        %add3A_86 = arith.addi %mul3A_73, %add3A_85 : i32
        %mul3A_87 = arith.constant 40 : i32
        %mul3A_88 = arith.muli %add3A_86, %mul3A_87 : i32
        %add3A_89 = arith.addi %add3A_27, %mul3A_88 : i32
        %dma_wait3A_90 = arith.constant 0 : i32
        %dma_wait3A_91 = tpu.memref_slice %arg5[%add3A_89, %dma_wait3A_90] : memref<320000x128xf32, #tpu.memory_space<hbm>> -> memref<40x128xf32, #tpu.memory_space<hbm>>
        %dma_wait3A_92 = arith.constant 0 : i32
        %dma_wait3A_93 = tpu.memref_slice %arg5[%add3A_89, %dma_wait3A_92] : memref<320000x128xf32, #tpu.memory_space<hbm>> -> memref<40x128xf32, #tpu.memory_space<hbm>>
        tpu.wait_dma2 semaphore(%arg15 : memref<!tpu.dma_semaphore, #tpu.memory_space<semaphore_mem>>) src(%dma_wait3A_93 : memref<40x128xf32, #tpu.memory_space<hbm>>) dst(%arg10 : memref<40x128xf32, #tpu.memory_space<vmem>>)
        %add3A_94 = arith.constant 1 : i32
        %add3A_95 = arith.addi %mul3A_73, %add3A_94 : i32
        %dma_start3A_96 = arith.constant 0 : i32
        %dma_start3A_97 = tpu.memref_slice %arg7[%add3A_95, %dma_start3A_96] : memref<100x40xi32, #tpu.memory_space<vmem>> -> memref<1x40xi32, #tpu.memory_space<vmem>>
        %dma_start3A_98 = tpu.memref_squeeze %dma_start3A_97 : memref<1x40xi32, #tpu.memory_space<vmem>> -> memref<40xi32, #tpu.memory_space<vmem>>
        %dma_start3A_99 = arith.constant 0 : i32
        %dma_start3A_100 = arith.constant 0 : i32
        %dma_start3A_101 = tpu.memref_slice %arg2[%dma_start3A_99, %dma_start3A_100] : memref<10000x128xf32, #tpu.memory_space<hbm>> -> memref<10000x128xf32, #tpu.memory_space<hbm>>
        tpu.enqueue_indirect_dma source(%dma_start3A_101 : memref<10000x128xf32, #tpu.memory_space<hbm>>) target(%arg10 : memref<40x128xf32, #tpu.memory_space<vmem>>) offsets(%dma_start3A_98 : memref<40xi32, #tpu.memory_space<vmem>>) semaphore(%arg19 : memref<!tpu.dma_semaphore, #tpu.memory_space<semaphore_mem>>) {add = true}
        %dma_wait3A_102 = arith.constant 0 : i32
        %dma_wait3A_103 = tpu.memref_slice %arg7[%mul3A_73, %dma_wait3A_102] : memref<100x40xi32, #tpu.memory_space<vmem>> -> memref<1x40xi32, #tpu.memory_space<vmem>>
        %dma_wait3A_104 = tpu.memref_squeeze %dma_wait3A_103 : memref<1x40xi32, #tpu.memory_space<vmem>> -> memref<40xi32, #tpu.memory_space<vmem>>
        %dma_wait3A_105 = arith.constant 0 : i32
        %dma_wait3A_106 = arith.constant 0 : i32
        %dma_wait3A_107 = tpu.memref_slice %arg2[%dma_wait3A_105, %dma_wait3A_106] : memref<10000x128xf32, #tpu.memory_space<hbm>> -> memref<10000x128xf32, #tpu.memory_space<hbm>>
        tpu.wait_indirect_dma semaphore(%arg18 : memref<!tpu.dma_semaphore, #tpu.memory_space<semaphore_mem>>) src(%dma_wait3A_107 : memref<10000x128xf32, #tpu.memory_space<hbm>>) dst(%arg9 : memref<40x128xf32, #tpu.memory_space<vmem>>)
        %scan3A_108 = arith.constant 0 : i32
        %scan3A_109 = arith.constant 0 : i32
        %scan3A_110 = arith.constant 40 : i32
        %scan3A_111 = arith.addi %scan3A_109, %scan3A_110 : i32
        %scan3A_112 = arith.constant 1 : i32
        scf.for %scan3A_257 = %scan3A_109 to %scan3A_111 step %scan3A_112  : i32 {
          %get3A = arith.index_cast %scan3A_257 : i32 to index
          %get3A_258 = arith.constant 0 : index
          %get3A_259 = tpu.vector_load %arg9[%get3A, %get3A_258] {strides = array<i32>} : memref<40x128xf32, #tpu.memory_space<vmem>>, vector<1x16xf32>,
          %get3A_260 = vector.shape_cast %get3A_259 : vector<1x16xf32> to vector<16xf32>
          %max3A = arith.constant 0.000000e+00 : f32
          %max3A_261 = vector.broadcast %max3A : f32 to vector<16xf32>
          %max3A_262 = arith.maximumf %get3A_260, %max3A_261 : vector<16xf32>
          %swap3A = arith.index_cast %scan3A_257 : i32 to index
          %swap3A_263 = arith.constant 0 : index
          %swap3A_264 = tpu.vector_load %arg9[%swap3A, %swap3A_263] {strides = array<i32>} : memref<40x128xf32, #tpu.memory_space<vmem>>, vector<1x16xf32>,
          %swap3A_265 = vector.shape_cast %swap3A_264 : vector<1x16xf32> to vector<16xf32>
          %swap3A_266 = vector.shape_cast %max3A_262 : vector<16xf32> to vector<1x16xf32>
          tpu.vector_store %arg9[%swap3A, %swap3A_263], %swap3A_266 {strides = array<i32>} : memref<40x128xf32, #tpu.memory_space<vmem>>, vector<1x16xf32>,
          %get3A_267 = arith.index_cast %scan3A_257 : i32 to index
          %get3A_268 = arith.constant 16 : index
          %get3A_269 = tpu.vector_load %arg9[%get3A_267, %get3A_268] {strides = array<i32>} : memref<40x128xf32, #tpu.memory_space<vmem>>, vector<1x16xf32>,
          %get3A_270 = vector.shape_cast %get3A_269 : vector<1x16xf32> to vector<16xf32>
          %max3A_271 = arith.constant 0.000000e+00 : f32
          %max3A_272 = vector.broadcast %max3A_271 : f32 to vector<16xf32>
          %max3A_273 = arith.maximumf %get3A_270, %max3A_272 : vector<16xf32>
          %swap3A_274 = arith.index_cast %scan3A_257 : i32 to index
          %swap3A_275 = arith.constant 16 : index
          %swap3A_276 = tpu.vector_load %arg9[%swap3A_274, %swap3A_275] {strides = array<i32>} : memref<40x128xf32, #tpu.memory_space<vmem>>, vector<1x16xf32>,
          %swap3A_277 = vector.shape_cast %swap3A_276 : vector<1x16xf32> to vector<16xf32>
          %swap3A_278 = vector.shape_cast %max3A_273 : vector<16xf32> to vector<1x16xf32>
          tpu.vector_store %arg9[%swap3A_274, %swap3A_275], %swap3A_278 {strides = array<i32>} : memref<40x128xf32, #tpu.memory_space<vmem>>, vector<1x16xf32>,
          %get3A_279 = arith.index_cast %scan3A_257 : i32 to index
          %get3A_280 = arith.constant 32 : index
          %get3A_281 = tpu.vector_load %arg9[%get3A_279, %get3A_280] {strides = array<i32>} : memref<40x128xf32, #tpu.memory_space<vmem>>, vector<1x16xf32>,
          %get3A_282 = vector.shape_cast %get3A_281 : vector<1x16xf32> to vector<16xf32>
          %max3A_283 = arith.constant 0.000000e+00 : f32
          %max3A_284 = vector.broadcast %max3A_283 : f32 to vector<16xf32>
          %max3A_285 = arith.maximumf %get3A_282, %max3A_284 : vector<16xf32>
          %swap3A_286 = arith.index_cast %scan3A_257 : i32 to index
          %swap3A_287 = arith.constant 32 : index
          %swap3A_288 = tpu.vector_load %arg9[%swap3A_286, %swap3A_287] {strides = array<i32>} : memref<40x128xf32, #tpu.memory_space<vmem>>, vector<1x16xf32>,
          %swap3A_289 = vector.shape_cast %swap3A_288 : vector<1x16xf32> to vector<16xf32>
          %swap3A_290 = vector.shape_cast %max3A_285 : vector<16xf32> to vector<1x16xf32>
          tpu.vector_store %arg9[%swap3A_286, %swap3A_287], %swap3A_290 {strides = array<i32>} : memref<40x128xf32, #tpu.memory_space<vmem>>, vector<1x16xf32>,
          %get3A_291 = arith.index_cast %scan3A_257 : i32 to index
          %get3A_292 = arith.constant 48 : index
          %get3A_293 = tpu.vector_load %arg9[%get3A_291, %get3A_292] {strides = array<i32>} : memref<40x128xf32, #tpu.memory_space<vmem>>, vector<1x16xf32>,
          %get3A_294 = vector.shape_cast %get3A_293 : vector<1x16xf32> to vector<16xf32>
          %max3A_295 = arith.constant 0.000000e+00 : f32
          %max3A_296 = vector.broadcast %max3A_295 : f32 to vector<16xf32>
          %max3A_297 = arith.maximumf %get3A_294, %max3A_296 : vector<16xf32>
          %swap3A_298 = arith.index_cast %scan3A_257 : i32 to index
          %swap3A_299 = arith.constant 48 : index
          %swap3A_300 = tpu.vector_load %arg9[%swap3A_298, %swap3A_299] {strides = array<i32>} : memref<40x128xf32, #tpu.memory_space<vmem>>, vector<1x16xf32>,
          %swap3A_301 = vector.shape_cast %swap3A_300 : vector<1x16xf32> to vector<16xf32>
          %swap3A_302 = vector.shape_cast %max3A_297 : vector<16xf32> to vector<1x16xf32>
          tpu.vector_store %arg9[%swap3A_298, %swap3A_299], %swap3A_302 {strides = array<i32>} : memref<40x128xf32, #tpu.memory_space<vmem>>, vector<1x16xf32>,
          %get3A_303 = arith.index_cast %scan3A_257 : i32 to index
          %get3A_304 = arith.constant 64 : index
          %get3A_305 = tpu.vector_load %arg9[%get3A_303, %get3A_304] {strides = array<i32>} : memref<40x128xf32, #tpu.memory_space<vmem>>, vector<1x16xf32>,
          %get3A_306 = vector.shape_cast %get3A_305 : vector<1x16xf32> to vector<16xf32>
          %max3A_307 = arith.constant 0.000000e+00 : f32
          %max3A_308 = vector.broadcast %max3A_307 : f32 to vector<16xf32>
          %max3A_309 = arith.maximumf %get3A_306, %max3A_308 : vector<16xf32>
          %swap3A_310 = arith.index_cast %scan3A_257 : i32 to index
          %swap3A_311 = arith.constant 64 : index
          %swap3A_312 = tpu.vector_load %arg9[%swap3A_310, %swap3A_311] {strides = array<i32>} : memref<40x128xf32, #tpu.memory_space<vmem>>, vector<1x16xf32>,
          %swap3A_313 = vector.shape_cast %swap3A_312 : vector<1x16xf32> to vector<16xf32>
          %swap3A_314 = vector.shape_cast %max3A_309 : vector<16xf32> to vector<1x16xf32>
          tpu.vector_store %arg9[%swap3A_310, %swap3A_311], %swap3A_314 {strides = array<i32>} : memref<40x128xf32, #tpu.memory_space<vmem>>, vector<1x16xf32>,
          %get3A_315 = arith.index_cast %scan3A_257 : i32 to index
          %get3A_316 = arith.constant 80 : index
          %get3A_317 = tpu.vector_load %arg9[%get3A_315, %get3A_316] {strides = array<i32>} : memref<40x128xf32, #tpu.memory_space<vmem>>, vector<1x16xf32>,
          %get3A_318 = vector.shape_cast %get3A_317 : vector<1x16xf32> to vector<16xf32>
          %max3A_319 = arith.constant 0.000000e+00 : f32
          %max3A_320 = vector.broadcast %max3A_319 : f32 to vector<16xf32>
          %max3A_321 = arith.maximumf %get3A_318, %max3A_320 : vector<16xf32>
          %swap3A_322 = arith.index_cast %scan3A_257 : i32 to index
          %swap3A_323 = arith.constant 80 : index
          %swap3A_324 = tpu.vector_load %arg9[%swap3A_322, %swap3A_323] {strides = array<i32>} : memref<40x128xf32, #tpu.memory_space<vmem>>, vector<1x16xf32>,
          %swap3A_325 = vector.shape_cast %swap3A_324 : vector<1x16xf32> to vector<16xf32>
          %swap3A_326 = vector.shape_cast %max3A_321 : vector<16xf32> to vector<1x16xf32>
          tpu.vector_store %arg9[%swap3A_322, %swap3A_323], %swap3A_326 {strides = array<i32>} : memref<40x128xf32, #tpu.memory_space<vmem>>, vector<1x16xf32>,
          %get3A_327 = arith.index_cast %scan3A_257 : i32 to index
          %get3A_328 = arith.constant 96 : index
          %get3A_329 = tpu.vector_load %arg9[%get3A_327, %get3A_328] {strides = array<i32>} : memref<40x128xf32, #tpu.memory_space<vmem>>, vector<1x16xf32>,
          %get3A_330 = vector.shape_cast %get3A_329 : vector<1x16xf32> to vector<16xf32>
          %max3A_331 = arith.constant 0.000000e+00 : f32
          %max3A_332 = vector.broadcast %max3A_331 : f32 to vector<16xf32>
          %max3A_333 = arith.maximumf %get3A_330, %max3A_332 : vector<16xf32>
          %swap3A_334 = arith.index_cast %scan3A_257 : i32 to index
          %swap3A_335 = arith.constant 96 : index
          %swap3A_336 = tpu.vector_load %arg9[%swap3A_334, %swap3A_335] {strides = array<i32>} : memref<40x128xf32, #tpu.memory_space<vmem>>, vector<1x16xf32>,
          %swap3A_337 = vector.shape_cast %swap3A_336 : vector<1x16xf32> to vector<16xf32>
          %swap3A_338 = vector.shape_cast %max3A_333 : vector<16xf32> to vector<1x16xf32>
          tpu.vector_store %arg9[%swap3A_334, %swap3A_335], %swap3A_338 {strides = array<i32>} : memref<40x128xf32, #tpu.memory_space<vmem>>, vector<1x16xf32>,
          %get3A_339 = arith.index_cast %scan3A_257 : i32 to index
          %get3A_340 = arith.constant 112 : index
          %get3A_341 = tpu.vector_load %arg9[%get3A_339, %get3A_340] {strides = array<i32>} : memref<40x128xf32, #tpu.memory_space<vmem>>, vector<1x16xf32>,
          %get3A_342 = vector.shape_cast %get3A_341 : vector<1x16xf32> to vector<16xf32>
          %max3A_343 = arith.constant 0.000000e+00 : f32
          %max3A_344 = vector.broadcast %max3A_343 : f32 to vector<16xf32>
          %max3A_345 = arith.maximumf %get3A_342, %max3A_344 : vector<16xf32>
          %swap3A_346 = arith.index_cast %scan3A_257 : i32 to index
          %swap3A_347 = arith.constant 112 : index
          %swap3A_348 = tpu.vector_load %arg9[%swap3A_346, %swap3A_347] {strides = array<i32>} : memref<40x128xf32, #tpu.memory_space<vmem>>, vector<1x16xf32>,
          %swap3A_349 = vector.shape_cast %swap3A_348 : vector<1x16xf32> to vector<16xf32>
          %swap3A_350 = vector.shape_cast %max3A_345 : vector<16xf32> to vector<1x16xf32>
          tpu.vector_store %arg9[%swap3A_346, %swap3A_347], %swap3A_350 {strides = array<i32>} : memref<40x128xf32, #tpu.memory_space<vmem>>, vector<1x16xf32>,
        }
        %scan3A_113 = arith.constant 40 : i32
        %dma_start3A_114 = arith.constant 0 : i32
        %dma_start3A_115 = tpu.memref_slice %arg8[%mul3A_73, %dma_start3A_114] : memref<100x40xi32, #tpu.memory_space<vmem>> -> memref<1x40xi32, #tpu.memory_space<vmem>>
        %dma_start3A_116 = tpu.memref_squeeze %dma_start3A_115 : memref<1x40xi32, #tpu.memory_space<vmem>> -> memref<40xi32, #tpu.memory_space<vmem>>
        %dma_start3A_117 = arith.constant 0 : i32
        %dma_start3A_118 = arith.constant 0 : i32
        %dma_start3A_119 = tpu.memref_slice %arg13[%dma_start3A_117, %dma_start3A_118] : memref<10000x128xf32, #tpu.memory_space<vmem_shared>> -> memref<10000x128xf32, #tpu.memory_space<vmem_shared>>
        tpu.enqueue_indirect_dma source(%arg9 : memref<40x128xf32, #tpu.memory_space<vmem>>) target(%dma_start3A_119 : memref<10000x128xf32, #tpu.memory_space<vmem_shared>>) offsets(%dma_start3A_116 : memref<40xi32, #tpu.memory_space<vmem>>) semaphore(%arg22 : memref<!tpu.dma_semaphore, #tpu.memory_space<semaphore_mem>>) {add = true}
        %ge3A_120 = arith.constant 1 : i32
        %ge3A_121 = arith.cmpi sge, %scan3A_71, %ge3A_120 : i32
        %convert_element_type3A_122 = arith.extui %ge3A_121 : i1 to i32
        %cond3A_123 = arith.constant 0 : i32
        %cond3A_124 = arith.cmpi ne, %convert_element_type3A_122, %cond3A_123 : i32
        scf.if %cond3A_124 {
          %sub3A = arith.constant 1 : i32
          %sub3A_257 = arith.subi %mul3A_73, %sub3A : i32
          %dma_wait3A_258 = arith.constant 0 : i32
          %dma_wait3A_259 = tpu.memref_slice %arg8[%sub3A_257, %dma_wait3A_258] : memref<100x40xi32, #tpu.memory_space<vmem>> -> memref<1x40xi32, #tpu.memory_space<vmem>>
          %dma_wait3A_260 = tpu.memref_squeeze %dma_wait3A_259 : memref<1x40xi32, #tpu.memory_space<vmem>> -> memref<40xi32, #tpu.memory_space<vmem>>
          %dma_wait3A_261 = arith.constant 0 : i32
          %dma_wait3A_262 = arith.constant 0 : i32
          %dma_wait3A_263 = tpu.memref_slice %arg13[%dma_wait3A_261, %dma_wait3A_262] : memref<10000x128xf32, #tpu.memory_space<vmem_shared>> -> memref<10000x128xf32, #tpu.memory_space<vmem_shared>>
          tpu.wait_indirect_dma semaphore(%arg25 : memref<!tpu.dma_semaphore, #tpu.memory_space<semaphore_mem>>) src(%arg12 : memref<40x128xf32, #tpu.memory_space<vmem>>) dst(%dma_wait3A_263 : memref<10000x128xf32, #tpu.memory_space<vmem_shared>>)
        } else {
        }
        %add3A_125 = arith.constant 3 : i32
        %add3A_126 = arith.addi %mul3A_73, %add3A_125 : i32
        %mul3A_127 = arith.constant 40 : i32
        %mul3A_128 = arith.muli %add3A_126, %mul3A_127 : i32
        %add3A_129 = arith.addi %add3A_27, %mul3A_128 : i32
        %dma_start3A_130 = arith.constant 0 : i32
        %dma_start3A_131 = tpu.memref_slice %arg5[%add3A_129, %dma_start3A_130] : memref<320000x128xf32, #tpu.memory_space<hbm>> -> memref<40x128xf32, #tpu.memory_space<hbm>>
        %dma_start3A_132 = arith.constant 0 : i32
        %dma_start3A_133 = tpu.memref_slice %arg5[%add3A_129, %dma_start3A_132] : memref<320000x128xf32, #tpu.memory_space<hbm>> -> memref<40x128xf32, #tpu.memory_space<hbm>>
        tpu.enqueue_dma source(%dma_start3A_133 : memref<40x128xf32, #tpu.memory_space<hbm>>) target(%arg12 : memref<40x128xf32, #tpu.memory_space<vmem>>) target_semaphore(%arg17 : memref<!tpu.dma_semaphore, #tpu.memory_space<semaphore_mem>>)
        %add3A_134 = arith.constant 2 : i32
        %add3A_135 = arith.addi %mul3A_73, %add3A_134 : i32
        %mul3A_136 = arith.constant 40 : i32
        %mul3A_137 = arith.muli %add3A_135, %mul3A_136 : i32
        %add3A_138 = arith.addi %add3A_27, %mul3A_137 : i32
        %dma_wait3A_139 = arith.constant 0 : i32
        %dma_wait3A_140 = tpu.memref_slice %arg5[%add3A_138, %dma_wait3A_139] : memref<320000x128xf32, #tpu.memory_space<hbm>> -> memref<40x128xf32, #tpu.memory_space<hbm>>
        %dma_wait3A_141 = arith.constant 0 : i32
        %dma_wait3A_142 = tpu.memref_slice %arg5[%add3A_138, %dma_wait3A_141] : memref<320000x128xf32, #tpu.memory_space<hbm>> -> memref<40x128xf32, #tpu.memory_space<hbm>>
        tpu.wait_dma2 semaphore(%arg16 : memref<!tpu.dma_semaphore, #tpu.memory_space<semaphore_mem>>) src(%dma_wait3A_142 : memref<40x128xf32, #tpu.memory_space<hbm>>) dst(%arg11 : memref<40x128xf32, #tpu.memory_space<vmem>>)
        %add3A_143 = arith.constant 2 : i32
        %add3A_144 = arith.addi %mul3A_73, %add3A_143 : i32
        %dma_start3A_145 = arith.constant 0 : i32
        %dma_start3A_146 = tpu.memref_slice %arg7[%add3A_144, %dma_start3A_145] : memref<100x40xi32, #tpu.memory_space<vmem>> -> memref<1x40xi32, #tpu.memory_space<vmem>>
        %dma_start3A_147 = tpu.memref_squeeze %dma_start3A_146 : memref<1x40xi32, #tpu.memory_space<vmem>> -> memref<40xi32, #tpu.memory_space<vmem>>
        %dma_start3A_148 = arith.constant 0 : i32
        %dma_start3A_149 = arith.constant 0 : i32
        %dma_start3A_150 = tpu.memref_slice %arg2[%dma_start3A_148, %dma_start3A_149] : memref<10000x128xf32, #tpu.memory_space<hbm>> -> memref<10000x128xf32, #tpu.memory_space<hbm>>
        tpu.enqueue_indirect_dma source(%dma_start3A_150 : memref<10000x128xf32, #tpu.memory_space<hbm>>) target(%arg11 : memref<40x128xf32, #tpu.memory_space<vmem>>) offsets(%dma_start3A_147 : memref<40xi32, #tpu.memory_space<vmem>>) semaphore(%arg20 : memref<!tpu.dma_semaphore, #tpu.memory_space<semaphore_mem>>) {add = true}
        %add3A_151 = arith.constant 1 : i32
        %add3A_152 = arith.addi %mul3A_73, %add3A_151 : i32
        %dma_wait3A_153 = arith.constant 0 : i32
        %dma_wait3A_154 = tpu.memref_slice %arg7[%add3A_152, %dma_wait3A_153] : memref<100x40xi32, #tpu.memory_space<vmem>> -> memref<1x40xi32, #tpu.memory_space<vmem>>
        %dma_wait3A_155 = tpu.memref_squeeze %dma_wait3A_154 : memref<1x40xi32, #tpu.memory_space<vmem>> -> memref<40xi32, #tpu.memory_space<vmem>>
        %dma_wait3A_156 = arith.constant 0 : i32
        %dma_wait3A_157 = arith.constant 0 : i32
        %dma_wait3A_158 = tpu.memref_slice %arg2[%dma_wait3A_156, %dma_wait3A_157] : memref<10000x128xf32, #tpu.memory_space<hbm>> -> memref<10000x128xf32, #tpu.memory_space<hbm>>
        tpu.wait_indirect_dma semaphore(%arg19 : memref<!tpu.dma_semaphore, #tpu.memory_space<semaphore_mem>>) src(%dma_wait3A_158 : memref<10000x128xf32, #tpu.memory_space<hbm>>) dst(%arg10 : memref<40x128xf32, #tpu.memory_space<vmem>>)
        %scan3A_159 = arith.constant 0 : i32
        %scan3A_160 = arith.constant 0 : i32
        %scan3A_161 = arith.constant 40 : i32
        %scan3A_162 = arith.addi %scan3A_160, %scan3A_161 : i32
        %scan3A_163 = arith.constant 1 : i32
        scf.for %scan3A_257 = %scan3A_160 to %scan3A_162 step %scan3A_163  : i32 {
          %get3A = arith.index_cast %scan3A_257 : i32 to index
          %get3A_258 = arith.constant 0 : index
          %get3A_259 = tpu.vector_load %arg10[%get3A, %get3A_258] {strides = array<i32>} : memref<40x128xf32, #tpu.memory_space<vmem>>, vector<1x16xf32>,
          %get3A_260 = vector.shape_cast %get3A_259 : vector<1x16xf32> to vector<16xf32>
          %max3A = arith.constant 0.000000e+00 : f32
          %max3A_261 = vector.broadcast %max3A : f32 to vector<16xf32>
          %max3A_262 = arith.maximumf %get3A_260, %max3A_261 : vector<16xf32>
          %swap3A = arith.index_cast %scan3A_257 : i32 to index
          %swap3A_263 = arith.constant 0 : index
          %swap3A_264 = tpu.vector_load %arg10[%swap3A, %swap3A_263] {strides = array<i32>} : memref<40x128xf32, #tpu.memory_space<vmem>>, vector<1x16xf32>,
          %swap3A_265 = vector.shape_cast %swap3A_264 : vector<1x16xf32> to vector<16xf32>
          %swap3A_266 = vector.shape_cast %max3A_262 : vector<16xf32> to vector<1x16xf32>
          tpu.vector_store %arg10[%swap3A, %swap3A_263], %swap3A_266 {strides = array<i32>} : memref<40x128xf32, #tpu.memory_space<vmem>>, vector<1x16xf32>,
          %get3A_267 = arith.index_cast %scan3A_257 : i32 to index
          %get3A_268 = arith.constant 16 : index
          %get3A_269 = tpu.vector_load %arg10[%get3A_267, %get3A_268] {strides = array<i32>} : memref<40x128xf32, #tpu.memory_space<vmem>>, vector<1x16xf32>,
          %get3A_270 = vector.shape_cast %get3A_269 : vector<1x16xf32> to vector<16xf32>
          %max3A_271 = arith.constant 0.000000e+00 : f32
          %max3A_272 = vector.broadcast %max3A_271 : f32 to vector<16xf32>
          %max3A_273 = arith.maximumf %get3A_270, %max3A_272 : vector<16xf32>
          %swap3A_274 = arith.index_cast %scan3A_257 : i32 to index
          %swap3A_275 = arith.constant 16 : index
          %swap3A_276 = tpu.vector_load %arg10[%swap3A_274, %swap3A_275] {strides = array<i32>} : memref<40x128xf32, #tpu.memory_space<vmem>>, vector<1x16xf32>,
          %swap3A_277 = vector.shape_cast %swap3A_276 : vector<1x16xf32> to vector<16xf32>
          %swap3A_278 = vector.shape_cast %max3A_273 : vector<16xf32> to vector<1x16xf32>
          tpu.vector_store %arg10[%swap3A_274, %swap3A_275], %swap3A_278 {strides = array<i32>} : memref<40x128xf32, #tpu.memory_space<vmem>>, vector<1x16xf32>,
          %get3A_279 = arith.index_cast %scan3A_257 : i32 to index
          %get3A_280 = arith.constant 32 : index
          %get3A_281 = tpu.vector_load %arg10[%get3A_279, %get3A_280] {strides = array<i32>} : memref<40x128xf32, #tpu.memory_space<vmem>>, vector<1x16xf32>,
          %get3A_282 = vector.shape_cast %get3A_281 : vector<1x16xf32> to vector<16xf32>
          %max3A_283 = arith.constant 0.000000e+00 : f32
          %max3A_284 = vector.broadcast %max3A_283 : f32 to vector<16xf32>
          %max3A_285 = arith.maximumf %get3A_282, %max3A_284 : vector<16xf32>
          %swap3A_286 = arith.index_cast %scan3A_257 : i32 to index
          %swap3A_287 = arith.constant 32 : index
          %swap3A_288 = tpu.vector_load %arg10[%swap3A_286, %swap3A_287] {strides = array<i32>} : memref<40x128xf32, #tpu.memory_space<vmem>>, vector<1x16xf32>,
          %swap3A_289 = vector.shape_cast %swap3A_288 : vector<1x16xf32> to vector<16xf32>
          %swap3A_290 = vector.shape_cast %max3A_285 : vector<16xf32> to vector<1x16xf32>
          tpu.vector_store %arg10[%swap3A_286, %swap3A_287], %swap3A_290 {strides = array<i32>} : memref<40x128xf32, #tpu.memory_space<vmem>>, vector<1x16xf32>,
          %get3A_291 = arith.index_cast %scan3A_257 : i32 to index
          %get3A_292 = arith.constant 48 : index
          %get3A_293 = tpu.vector_load %arg10[%get3A_291, %get3A_292] {strides = array<i32>} : memref<40x128xf32, #tpu.memory_space<vmem>>, vector<1x16xf32>,
          %get3A_294 = vector.shape_cast %get3A_293 : vector<1x16xf32> to vector<16xf32>
          %max3A_295 = arith.constant 0.000000e+00 : f32
          %max3A_296 = vector.broadcast %max3A_295 : f32 to vector<16xf32>
          %max3A_297 = arith.maximumf %get3A_294, %max3A_296 : vector<16xf32>
          %swap3A_298 = arith.index_cast %scan3A_257 : i32 to index
          %swap3A_299 = arith.constant 48 : index
          %swap3A_300 = tpu.vector_load %arg10[%swap3A_298, %swap3A_299] {strides = array<i32>} : memref<40x128xf32, #tpu.memory_space<vmem>>, vector<1x16xf32>,
          %swap3A_301 = vector.shape_cast %swap3A_300 : vector<1x16xf32> to vector<16xf32>
          %swap3A_302 = vector.shape_cast %max3A_297 : vector<16xf32> to vector<1x16xf32>
          tpu.vector_store %arg10[%swap3A_298, %swap3A_299], %swap3A_302 {strides = array<i32>} : memref<40x128xf32, #tpu.memory_space<vmem>>, vector<1x16xf32>,
          %get3A_303 = arith.index_cast %scan3A_257 : i32 to index
          %get3A_304 = arith.constant 64 : index
          %get3A_305 = tpu.vector_load %arg10[%get3A_303, %get3A_304] {strides = array<i32>} : memref<40x128xf32, #tpu.memory_space<vmem>>, vector<1x16xf32>,
          %get3A_306 = vector.shape_cast %get3A_305 : vector<1x16xf32> to vector<16xf32>
          %max3A_307 = arith.constant 0.000000e+00 : f32
          %max3A_308 = vector.broadcast %max3A_307 : f32 to vector<16xf32>
          %max3A_309 = arith.maximumf %get3A_306, %max3A_308 : vector<16xf32>
          %swap3A_310 = arith.index_cast %scan3A_257 : i32 to index
          %swap3A_311 = arith.constant 64 : index
          %swap3A_312 = tpu.vector_load %arg10[%swap3A_310, %swap3A_311] {strides = array<i32>} : memref<40x128xf32, #tpu.memory_space<vmem>>, vector<1x16xf32>,
          %swap3A_313 = vector.shape_cast %swap3A_312 : vector<1x16xf32> to vector<16xf32>
          %swap3A_314 = vector.shape_cast %max3A_309 : vector<16xf32> to vector<1x16xf32>
          tpu.vector_store %arg10[%swap3A_310, %swap3A_311], %swap3A_314 {strides = array<i32>} : memref<40x128xf32, #tpu.memory_space<vmem>>, vector<1x16xf32>,
          %get3A_315 = arith.index_cast %scan3A_257 : i32 to index
          %get3A_316 = arith.constant 80 : index
          %get3A_317 = tpu.vector_load %arg10[%get3A_315, %get3A_316] {strides = array<i32>} : memref<40x128xf32, #tpu.memory_space<vmem>>, vector<1x16xf32>,
          %get3A_318 = vector.shape_cast %get3A_317 : vector<1x16xf32> to vector<16xf32>
          %max3A_319 = arith.constant 0.000000e+00 : f32
          %max3A_320 = vector.broadcast %max3A_319 : f32 to vector<16xf32>
          %max3A_321 = arith.maximumf %get3A_318, %max3A_320 : vector<16xf32>
          %swap3A_322 = arith.index_cast %scan3A_257 : i32 to index
          %swap3A_323 = arith.constant 80 : index
          %swap3A_324 = tpu.vector_load %arg10[%swap3A_322, %swap3A_323] {strides = array<i32>} : memref<40x128xf32, #tpu.memory_space<vmem>>, vector<1x16xf32>,
          %swap3A_325 = vector.shape_cast %swap3A_324 : vector<1x16xf32> to vector<16xf32>
          %swap3A_326 = vector.shape_cast %max3A_321 : vector<16xf32> to vector<1x16xf32>
          tpu.vector_store %arg10[%swap3A_322, %swap3A_323], %swap3A_326 {strides = array<i32>} : memref<40x128xf32, #tpu.memory_space<vmem>>, vector<1x16xf32>,
          %get3A_327 = arith.index_cast %scan3A_257 : i32 to index
          %get3A_328 = arith.constant 96 : index
          %get3A_329 = tpu.vector_load %arg10[%get3A_327, %get3A_328] {strides = array<i32>} : memref<40x128xf32, #tpu.memory_space<vmem>>, vector<1x16xf32>,
          %get3A_330 = vector.shape_cast %get3A_329 : vector<1x16xf32> to vector<16xf32>
          %max3A_331 = arith.constant 0.000000e+00 : f32
          %max3A_332 = vector.broadcast %max3A_331 : f32 to vector<16xf32>
          %max3A_333 = arith.maximumf %get3A_330, %max3A_332 : vector<16xf32>
          %swap3A_334 = arith.index_cast %scan3A_257 : i32 to index
          %swap3A_335 = arith.constant 96 : index
          %swap3A_336 = tpu.vector_load %arg10[%swap3A_334, %swap3A_335] {strides = array<i32>} : memref<40x128xf32, #tpu.memory_space<vmem>>, vector<1x16xf32>,
          %swap3A_337 = vector.shape_cast %swap3A_336 : vector<1x16xf32> to vector<16xf32>
          %swap3A_338 = vector.shape_cast %max3A_333 : vector<16xf32> to vector<1x16xf32>
          tpu.vector_store %arg10[%swap3A_334, %swap3A_335], %swap3A_338 {strides = array<i32>} : memref<40x128xf32, #tpu.memory_space<vmem>>, vector<1x16xf32>,
          %get3A_339 = arith.index_cast %scan3A_257 : i32 to index
          %get3A_340 = arith.constant 112 : index
          %get3A_341 = tpu.vector_load %arg10[%get3A_339, %get3A_340] {strides = array<i32>} : memref<40x128xf32, #tpu.memory_space<vmem>>, vector<1x16xf32>,
          %get3A_342 = vector.shape_cast %get3A_341 : vector<1x16xf32> to vector<16xf32>
          %max3A_343 = arith.constant 0.000000e+00 : f32
          %max3A_344 = vector.broadcast %max3A_343 : f32 to vector<16xf32>
          %max3A_345 = arith.maximumf %get3A_342, %max3A_344 : vector<16xf32>
          %swap3A_346 = arith.index_cast %scan3A_257 : i32 to index
          %swap3A_347 = arith.constant 112 : index
          %swap3A_348 = tpu.vector_load %arg10[%swap3A_346, %swap3A_347] {strides = array<i32>} : memref<40x128xf32, #tpu.memory_space<vmem>>, vector<1x16xf32>,
          %swap3A_349 = vector.shape_cast %swap3A_348 : vector<1x16xf32> to vector<16xf32>
          %swap3A_350 = vector.shape_cast %max3A_345 : vector<16xf32> to vector<1x16xf32>
          tpu.vector_store %arg10[%swap3A_346, %swap3A_347], %swap3A_350 {strides = array<i32>} : memref<40x128xf32, #tpu.memory_space<vmem>>, vector<1x16xf32>,
        }
        %scan3A_164 = arith.constant 40 : i32
        %add3A_165 = arith.constant 1 : i32
        %add3A_166 = arith.addi %mul3A_73, %add3A_165 : i32
        %dma_start3A_167 = arith.constant 0 : i32
        %dma_start3A_168 = tpu.memref_slice %arg8[%add3A_166, %dma_start3A_167] : memref<100x40xi32, #tpu.memory_space<vmem>> -> memref<1x40xi32, #tpu.memory_space<vmem>>
        %dma_start3A_169 = tpu.memref_squeeze %dma_start3A_168 : memref<1x40xi32, #tpu.memory_space<vmem>> -> memref<40xi32, #tpu.memory_space<vmem>>
        %dma_start3A_170 = arith.constant 0 : i32
        %dma_start3A_171 = arith.constant 0 : i32
        %dma_start3A_172 = tpu.memref_slice %arg13[%dma_start3A_170, %dma_start3A_171] : memref<10000x128xf32, #tpu.memory_space<vmem_shared>> -> memref<10000x128xf32, #tpu.memory_space<vmem_shared>>
        tpu.enqueue_indirect_dma source(%arg10 : memref<40x128xf32, #tpu.memory_space<vmem>>) target(%dma_start3A_172 : memref<10000x128xf32, #tpu.memory_space<vmem_shared>>) offsets(%dma_start3A_169 : memref<40xi32, #tpu.memory_space<vmem>>) semaphore(%arg23 : memref<!tpu.dma_semaphore, #tpu.memory_space<semaphore_mem>>) {add = true}
        %dma_wait3A_173 = arith.constant 0 : i32
        %dma_wait3A_174 = tpu.memref_slice %arg8[%mul3A_73, %dma_wait3A_173] : memref<100x40xi32, #tpu.memory_space<vmem>> -> memref<1x40xi32, #tpu.memory_space<vmem>>
        %dma_wait3A_175 = tpu.memref_squeeze %dma_wait3A_174 : memref<1x40xi32, #tpu.memory_space<vmem>> -> memref<40xi32, #tpu.memory_space<vmem>>
        %dma_wait3A_176 = arith.constant 0 : i32
        %dma_wait3A_177 = arith.constant 0 : i32
        %dma_wait3A_178 = tpu.memref_slice %arg13[%dma_wait3A_176, %dma_wait3A_177] : memref<10000x128xf32, #tpu.memory_space<vmem_shared>> -> memref<10000x128xf32, #tpu.memory_space<vmem_shared>>
        tpu.wait_indirect_dma semaphore(%arg22 : memref<!tpu.dma_semaphore, #tpu.memory_space<semaphore_mem>>) src(%arg9 : memref<40x128xf32, #tpu.memory_space<vmem>>) dst(%dma_wait3A_178 : memref<10000x128xf32, #tpu.memory_space<vmem_shared>>)
        %lt3A = arith.constant 24 : i32
        %lt3A_179 = arith.cmpi slt, %scan3A_71, %lt3A : i32
        %convert_element_type3A_180 = arith.extui %lt3A_179 : i1 to i32
        %cond3A_181 = arith.constant 0 : i32
        %cond3A_182 = arith.cmpi ne, %convert_element_type3A_180, %cond3A_181 : i32
        scf.if %cond3A_182 {
          %add3A_257 = arith.constant 4 : i32
          %add3A_258 = arith.addi %mul3A_73, %add3A_257 : i32
          %mul3A_259 = arith.constant 40 : i32
          %mul3A_260 = arith.muli %add3A_258, %mul3A_259 : i32
          %add3A_261 = arith.addi %add3A_27, %mul3A_260 : i32
          %dma_start3A_262 = arith.constant 0 : i32
          %dma_start3A_263 = tpu.memref_slice %arg5[%add3A_261, %dma_start3A_262] : memref<320000x128xf32, #tpu.memory_space<hbm>> -> memref<40x128xf32, #tpu.memory_space<hbm>>
          %dma_start3A_264 = arith.constant 0 : i32
          %dma_start3A_265 = tpu.memref_slice %arg5[%add3A_261, %dma_start3A_264] : memref<320000x128xf32, #tpu.memory_space<hbm>> -> memref<40x128xf32, #tpu.memory_space<hbm>>
          tpu.enqueue_dma source(%dma_start3A_265 : memref<40x128xf32, #tpu.memory_space<hbm>>) target(%arg9 : memref<40x128xf32, #tpu.memory_space<vmem>>) target_semaphore(%arg14 : memref<!tpu.dma_semaphore, #tpu.memory_space<semaphore_mem>>)
        } else {
        }
        %add3A_183 = arith.constant 3 : i32
        %add3A_184 = arith.addi %mul3A_73, %add3A_183 : i32
        %mul3A_185 = arith.constant 40 : i32
        %mul3A_186 = arith.muli %add3A_184, %mul3A_185 : i32
        %add3A_187 = arith.addi %add3A_27, %mul3A_186 : i32
        %dma_wait3A_188 = arith.constant 0 : i32
        %dma_wait3A_189 = tpu.memref_slice %arg5[%add3A_187, %dma_wait3A_188] : memref<320000x128xf32, #tpu.memory_space<hbm>> -> memref<40x128xf32, #tpu.memory_space<hbm>>
        %dma_wait3A_190 = arith.constant 0 : i32
        %dma_wait3A_191 = tpu.memref_slice %arg5[%add3A_187, %dma_wait3A_190] : memref<320000x128xf32, #tpu.memory_space<hbm>> -> memref<40x128xf32, #tpu.memory_space<hbm>>
        tpu.wait_dma2 semaphore(%arg17 : memref<!tpu.dma_semaphore, #tpu.memory_space<semaphore_mem>>) src(%dma_wait3A_191 : memref<40x128xf32, #tpu.memory_space<hbm>>) dst(%arg12 : memref<40x128xf32, #tpu.memory_space<vmem>>)
        %add3A_192 = arith.constant 3 : i32
        %add3A_193 = arith.addi %mul3A_73, %add3A_192 : i32
        %dma_start3A_194 = arith.constant 0 : i32
        %dma_start3A_195 = tpu.memref_slice %arg7[%add3A_193, %dma_start3A_194] : memref<100x40xi32, #tpu.memory_space<vmem>> -> memref<1x40xi32, #tpu.memory_space<vmem>>
        %dma_start3A_196 = tpu.memref_squeeze %dma_start3A_195 : memref<1x40xi32, #tpu.memory_space<vmem>> -> memref<40xi32, #tpu.memory_space<vmem>>
        %dma_start3A_197 = arith.constant 0 : i32
        %dma_start3A_198 = arith.constant 0 : i32
        %dma_start3A_199 = tpu.memref_slice %arg2[%dma_start3A_197, %dma_start3A_198] : memref<10000x128xf32, #tpu.memory_space<hbm>> -> memref<10000x128xf32, #tpu.memory_space<hbm>>
        tpu.enqueue_indirect_dma source(%dma_start3A_199 : memref<10000x128xf32, #tpu.memory_space<hbm>>) target(%arg12 : memref<40x128xf32, #tpu.memory_space<vmem>>) offsets(%dma_start3A_196 : memref<40xi32, #tpu.memory_space<vmem>>) semaphore(%arg21 : memref<!tpu.dma_semaphore, #tpu.memory_space<semaphore_mem>>) {add = true}
        %add3A_200 = arith.constant 2 : i32
        %add3A_201 = arith.addi %mul3A_73, %add3A_200 : i32
        %dma_wait3A_202 = arith.constant 0 : i32
        %dma_wait3A_203 = tpu.memref_slice %arg7[%add3A_201, %dma_wait3A_202] : memref<100x40xi32, #tpu.memory_space<vmem>> -> memref<1x40xi32, #tpu.memory_space<vmem>>
        %dma_wait3A_204 = tpu.memref_squeeze %dma_wait3A_203 : memref<1x40xi32, #tpu.memory_space<vmem>> -> memref<40xi32, #tpu.memory_space<vmem>>
        %dma_wait3A_205 = arith.constant 0 : i32
        %dma_wait3A_206 = arith.constant 0 : i32
        %dma_wait3A_207 = tpu.memref_slice %arg2[%dma_wait3A_205, %dma_wait3A_206] : memref<10000x128xf32, #tpu.memory_space<hbm>> -> memref<10000x128xf32, #tpu.memory_space<hbm>>
        tpu.wait_indirect_dma semaphore(%arg20 : memref<!tpu.dma_semaphore, #tpu.memory_space<semaphore_mem>>) src(%dma_wait3A_207 : memref<10000x128xf32, #tpu.memory_space<hbm>>) dst(%arg11 : memref<40x128xf32, #tpu.memory_space<vmem>>)
        %scan3A_208 = arith.constant 0 : i32
        %scan3A_209 = arith.constant 0 : i32
        %scan3A_210 = arith.constant 40 : i32
        %scan3A_211 = arith.addi %scan3A_209, %scan3A_210 : i32
        %scan3A_212 = arith.constant 1 : i32
        scf.for %scan3A_257 = %scan3A_209 to %scan3A_211 step %scan3A_212  : i32 {
          %get3A = arith.index_cast %scan3A_257 : i32 to index
          %get3A_258 = arith.constant 0 : index
          %get3A_259 = tpu.vector_load %arg11[%get3A, %get3A_258] {strides = array<i32>} : memref<40x128xf32, #tpu.memory_space<vmem>>, vector<1x16xf32>,
          %get3A_260 = vector.shape_cast %get3A_259 : vector<1x16xf32> to vector<16xf32>
          %max3A = arith.constant 0.000000e+00 : f32
          %max3A_261 = vector.broadcast %max3A : f32 to vector<16xf32>
          %max3A_262 = arith.maximumf %get3A_260, %max3A_261 : vector<16xf32>
          %swap3A = arith.index_cast %scan3A_257 : i32 to index
          %swap3A_263 = arith.constant 0 : index
          %swap3A_264 = tpu.vector_load %arg11[%swap3A, %swap3A_263] {strides = array<i32>} : memref<40x128xf32, #tpu.memory_space<vmem>>, vector<1x16xf32>,
          %swap3A_265 = vector.shape_cast %swap3A_264 : vector<1x16xf32> to vector<16xf32>
          %swap3A_266 = vector.shape_cast %max3A_262 : vector<16xf32> to vector<1x16xf32>
          tpu.vector_store %arg11[%swap3A, %swap3A_263], %swap3A_266 {strides = array<i32>} : memref<40x128xf32, #tpu.memory_space<vmem>>, vector<1x16xf32>,
          %get3A_267 = arith.index_cast %scan3A_257 : i32 to index
          %get3A_268 = arith.constant 16 : index
          %get3A_269 = tpu.vector_load %arg11[%get3A_267, %get3A_268] {strides = array<i32>} : memref<40x128xf32, #tpu.memory_space<vmem>>, vector<1x16xf32>,
          %get3A_270 = vector.shape_cast %get3A_269 : vector<1x16xf32> to vector<16xf32>
          %max3A_271 = arith.constant 0.000000e+00 : f32
          %max3A_272 = vector.broadcast %max3A_271 : f32 to vector<16xf32>
          %max3A_273 = arith.maximumf %get3A_270, %max3A_272 : vector<16xf32>
          %swap3A_274 = arith.index_cast %scan3A_257 : i32 to index
          %swap3A_275 = arith.constant 16 : index
          %swap3A_276 = tpu.vector_load %arg11[%swap3A_274, %swap3A_275] {strides = array<i32>} : memref<40x128xf32, #tpu.memory_space<vmem>>, vector<1x16xf32>,
          %swap3A_277 = vector.shape_cast %swap3A_276 : vector<1x16xf32> to vector<16xf32>
          %swap3A_278 = vector.shape_cast %max3A_273 : vector<16xf32> to vector<1x16xf32>
          tpu.vector_store %arg11[%swap3A_274, %swap3A_275], %swap3A_278 {strides = array<i32>} : memref<40x128xf32, #tpu.memory_space<vmem>>, vector<1x16xf32>,
          %get3A_279 = arith.index_cast %scan3A_257 : i32 to index
          %get3A_280 = arith.constant 32 : index
          %get3A_281 = tpu.vector_load %arg11[%get3A_279, %get3A_280] {strides = array<i32>} : memref<40x128xf32, #tpu.memory_space<vmem>>, vector<1x16xf32>,
          %get3A_282 = vector.shape_cast %get3A_281 : vector<1x16xf32> to vector<16xf32>
          %max3A_283 = arith.constant 0.000000e+00 : f32
          %max3A_284 = vector.broadcast %max3A_283 : f32 to vector<16xf32>
          %max3A_285 = arith.maximumf %get3A_282, %max3A_284 : vector<16xf32>
          %swap3A_286 = arith.index_cast %scan3A_257 : i32 to index
          %swap3A_287 = arith.constant 32 : index
          %swap3A_288 = tpu.vector_load %arg11[%swap3A_286, %swap3A_287] {strides = array<i32>} : memref<40x128xf32, #tpu.memory_space<vmem>>, vector<1x16xf32>,
          %swap3A_289 = vector.shape_cast %swap3A_288 : vector<1x16xf32> to vector<16xf32>
          %swap3A_290 = vector.shape_cast %max3A_285 : vector<16xf32> to vector<1x16xf32>
          tpu.vector_store %arg11[%swap3A_286, %swap3A_287], %swap3A_290 {strides = array<i32>} : memref<40x128xf32, #tpu.memory_space<vmem>>, vector<1x16xf32>,
          %get3A_291 = arith.index_cast %scan3A_257 : i32 to index
          %get3A_292 = arith.constant 48 : index
          %get3A_293 = tpu.vector_load %arg11[%get3A_291, %get3A_292] {strides = array<i32>} : memref<40x128xf32, #tpu.memory_space<vmem>>, vector<1x16xf32>,
          %get3A_294 = vector.shape_cast %get3A_293 : vector<1x16xf32> to vector<16xf32>
          %max3A_295 = arith.constant 0.000000e+00 : f32
          %max3A_296 = vector.broadcast %max3A_295 : f32 to vector<16xf32>
          %max3A_297 = arith.maximumf %get3A_294, %max3A_296 : vector<16xf32>
          %swap3A_298 = arith.index_cast %scan3A_257 : i32 to index
          %swap3A_299 = arith.constant 48 : index
          %swap3A_300 = tpu.vector_load %arg11[%swap3A_298, %swap3A_299] {strides = array<i32>} : memref<40x128xf32, #tpu.memory_space<vmem>>, vector<1x16xf32>,
          %swap3A_301 = vector.shape_cast %swap3A_300 : vector<1x16xf32> to vector<16xf32>
          %swap3A_302 = vector.shape_cast %max3A_297 : vector<16xf32> to vector<1x16xf32>
          tpu.vector_store %arg11[%swap3A_298, %swap3A_299], %swap3A_302 {strides = array<i32>} : memref<40x128xf32, #tpu.memory_space<vmem>>, vector<1x16xf32>,
          %get3A_303 = arith.index_cast %scan3A_257 : i32 to index
          %get3A_304 = arith.constant 64 : index
          %get3A_305 = tpu.vector_load %arg11[%get3A_303, %get3A_304] {strides = array<i32>} : memref<40x128xf32, #tpu.memory_space<vmem>>, vector<1x16xf32>,
          %get3A_306 = vector.shape_cast %get3A_305 : vector<1x16xf32> to vector<16xf32>
          %max3A_307 = arith.constant 0.000000e+00 : f32
          %max3A_308 = vector.broadcast %max3A_307 : f32 to vector<16xf32>
          %max3A_309 = arith.maximumf %get3A_306, %max3A_308 : vector<16xf32>
          %swap3A_310 = arith.index_cast %scan3A_257 : i32 to index
          %swap3A_311 = arith.constant 64 : index
          %swap3A_312 = tpu.vector_load %arg11[%swap3A_310, %swap3A_311] {strides = array<i32>} : memref<40x128xf32, #tpu.memory_space<vmem>>, vector<1x16xf32>,
          %swap3A_313 = vector.shape_cast %swap3A_312 : vector<1x16xf32> to vector<16xf32>
          %swap3A_314 = vector.shape_cast %max3A_309 : vector<16xf32> to vector<1x16xf32>
          tpu.vector_store %arg11[%swap3A_310, %swap3A_311], %swap3A_314 {strides = array<i32>} : memref<40x128xf32, #tpu.memory_space<vmem>>, vector<1x16xf32>,
          %get3A_315 = arith.index_cast %scan3A_257 : i32 to index
          %get3A_316 = arith.constant 80 : index
          %get3A_317 = tpu.vector_load %arg11[%get3A_315, %get3A_316] {strides = array<i32>} : memref<40x128xf32, #tpu.memory_space<vmem>>, vector<1x16xf32>,
          %get3A_318 = vector.shape_cast %get3A_317 : vector<1x16xf32> to vector<16xf32>
          %max3A_319 = arith.constant 0.000000e+00 : f32
          %max3A_320 = vector.broadcast %max3A_319 : f32 to vector<16xf32>
          %max3A_321 = arith.maximumf %get3A_318, %max3A_320 : vector<16xf32>
          %swap3A_322 = arith.index_cast %scan3A_257 : i32 to index
          %swap3A_323 = arith.constant 80 : index
          %swap3A_324 = tpu.vector_load %arg11[%swap3A_322, %swap3A_323] {strides = array<i32>} : memref<40x128xf32, #tpu.memory_space<vmem>>, vector<1x16xf32>,
          %swap3A_325 = vector.shape_cast %swap3A_324 : vector<1x16xf32> to vector<16xf32>
          %swap3A_326 = vector.shape_cast %max3A_321 : vector<16xf32> to vector<1x16xf32>
          tpu.vector_store %arg11[%swap3A_322, %swap3A_323], %swap3A_326 {strides = array<i32>} : memref<40x128xf32, #tpu.memory_space<vmem>>, vector<1x16xf32>,
          %get3A_327 = arith.index_cast %scan3A_257 : i32 to index
          %get3A_328 = arith.constant 96 : index
          %get3A_329 = tpu.vector_load %arg11[%get3A_327, %get3A_328] {strides = array<i32>} : memref<40x128xf32, #tpu.memory_space<vmem>>, vector<1x16xf32>,
          %get3A_330 = vector.shape_cast %get3A_329 : vector<1x16xf32> to vector<16xf32>
          %max3A_331 = arith.constant 0.000000e+00 : f32
          %max3A_332 = vector.broadcast %max3A_331 : f32 to vector<16xf32>
          %max3A_333 = arith.maximumf %get3A_330, %max3A_332 : vector<16xf32>
          %swap3A_334 = arith.index_cast %scan3A_257 : i32 to index
          %swap3A_335 = arith.constant 96 : index
          %swap3A_336 = tpu.vector_load %arg11[%swap3A_334, %swap3A_335] {strides = array<i32>} : memref<40x128xf32, #tpu.memory_space<vmem>>, vector<1x16xf32>,
          %swap3A_337 = vector.shape_cast %swap3A_336 : vector<1x16xf32> to vector<16xf32>
          %swap3A_338 = vector.shape_cast %max3A_333 : vector<16xf32> to vector<1x16xf32>
          tpu.vector_store %arg11[%swap3A_334, %swap3A_335], %swap3A_338 {strides = array<i32>} : memref<40x128xf32, #tpu.memory_space<vmem>>, vector<1x16xf32>,
          %get3A_339 = arith.index_cast %scan3A_257 : i32 to index
          %get3A_340 = arith.constant 112 : index
          %get3A_341 = tpu.vector_load %arg11[%get3A_339, %get3A_340] {strides = array<i32>} : memref<40x128xf32, #tpu.memory_space<vmem>>, vector<1x16xf32>,
          %get3A_342 = vector.shape_cast %get3A_341 : vector<1x16xf32> to vector<16xf32>
          %max3A_343 = arith.constant 0.000000e+00 : f32
          %max3A_344 = vector.broadcast %max3A_343 : f32 to vector<16xf32>
          %max3A_345 = arith.maximumf %get3A_342, %max3A_344 : vector<16xf32>
          %swap3A_346 = arith.index_cast %scan3A_257 : i32 to index
          %swap3A_347 = arith.constant 112 : index
          %swap3A_348 = tpu.vector_load %arg11[%swap3A_346, %swap3A_347] {strides = array<i32>} : memref<40x128xf32, #tpu.memory_space<vmem>>, vector<1x16xf32>,
          %swap3A_349 = vector.shape_cast %swap3A_348 : vector<1x16xf32> to vector<16xf32>
          %swap3A_350 = vector.shape_cast %max3A_345 : vector<16xf32> to vector<1x16xf32>
          tpu.vector_store %arg11[%swap3A_346, %swap3A_347], %swap3A_350 {strides = array<i32>} : memref<40x128xf32, #tpu.memory_space<vmem>>, vector<1x16xf32>,
        }
        %scan3A_213 = arith.constant 40 : i32
        %add3A_214 = arith.constant 2 : i32
        %add3A_215 = arith.addi %mul3A_73, %add3A_214 : i32
        %dma_start3A_216 = arith.constant 0 : i32
        %dma_start3A_217 = tpu.memref_slice %arg8[%add3A_215, %dma_start3A_216] : memref<100x40xi32, #tpu.memory_space<vmem>> -> memref<1x40xi32, #tpu.memory_space<vmem>>
        %dma_start3A_218 = tpu.memref_squeeze %dma_start3A_217 : memref<1x40xi32, #tpu.memory_space<vmem>> -> memref<40xi32, #tpu.memory_space<vmem>>
        %dma_start3A_219 = arith.constant 0 : i32
        %dma_start3A_220 = arith.constant 0 : i32
        %dma_start3A_221 = tpu.memref_slice %arg13[%dma_start3A_219, %dma_start3A_220] : memref<10000x128xf32, #tpu.memory_space<vmem_shared>> -> memref<10000x128xf32, #tpu.memory_space<vmem_shared>>
        tpu.enqueue_indirect_dma source(%arg11 : memref<40x128xf32, #tpu.memory_space<vmem>>) target(%dma_start3A_221 : memref<10000x128xf32, #tpu.memory_space<vmem_shared>>) offsets(%dma_start3A_218 : memref<40xi32, #tpu.memory_space<vmem>>) semaphore(%arg24 : memref<!tpu.dma_semaphore, #tpu.memory_space<semaphore_mem>>) {add = true}
        %add3A_222 = arith.constant 1 : i32
        %add3A_223 = arith.addi %mul3A_73, %add3A_222 : i32
        %dma_wait3A_224 = arith.constant 0 : i32
        %dma_wait3A_225 = tpu.memref_slice %arg8[%add3A_223, %dma_wait3A_224] : memref<100x40xi32, #tpu.memory_space<vmem>> -> memref<1x40xi32, #tpu.memory_space<vmem>>
        %dma_wait3A_226 = tpu.memref_squeeze %dma_wait3A_225 : memref<1x40xi32, #tpu.memory_space<vmem>> -> memref<40xi32, #tpu.memory_space<vmem>>
        %dma_wait3A_227 = arith.constant 0 : i32
        %dma_wait3A_228 = arith.constant 0 : i32
        %dma_wait3A_229 = tpu.memref_slice %arg13[%dma_wait3A_227, %dma_wait3A_228] : memref<10000x128xf32, #tpu.memory_space<vmem_shared>> -> memref<10000x128xf32, #tpu.memory_space<vmem_shared>>
        tpu.wait_indirect_dma semaphore(%arg23 : memref<!tpu.dma_semaphore, #tpu.memory_space<semaphore_mem>>) src(%arg10 : memref<40x128xf32, #tpu.memory_space<vmem>>) dst(%dma_wait3A_229 : memref<10000x128xf32, #tpu.memory_space<vmem_shared>>)
        %lt3A_230 = arith.constant 24 : i32
        %lt3A_231 = arith.cmpi slt, %scan3A_71, %lt3A_230 : i32
        %convert_element_type3A_232 = arith.extui %lt3A_231 : i1 to i32
        %cond3A_233 = arith.constant 0 : i32
        %cond3A_234 = arith.cmpi ne, %convert_element_type3A_232, %cond3A_233 : i32
        scf.if %cond3A_234 {
          %add3A_257 = arith.constant 5 : i32
          %add3A_258 = arith.addi %mul3A_73, %add3A_257 : i32
          %mul3A_259 = arith.constant 40 : i32
          %mul3A_260 = arith.muli %add3A_258, %mul3A_259 : i32
          %add3A_261 = arith.addi %add3A_27, %mul3A_260 : i32
          %dma_start3A_262 = arith.constant 0 : i32
          %dma_start3A_263 = tpu.memref_slice %arg5[%add3A_261, %dma_start3A_262] : memref<320000x128xf32, #tpu.memory_space<hbm>> -> memref<40x128xf32, #tpu.memory_space<hbm>>
          %dma_start3A_264 = arith.constant 0 : i32
          %dma_start3A_265 = tpu.memref_slice %arg5[%add3A_261, %dma_start3A_264] : memref<320000x128xf32, #tpu.memory_space<hbm>> -> memref<40x128xf32, #tpu.memory_space<hbm>>
          tpu.enqueue_dma source(%dma_start3A_265 : memref<40x128xf32, #tpu.memory_space<hbm>>) target(%arg10 : memref<40x128xf32, #tpu.memory_space<vmem>>) target_semaphore(%arg15 : memref<!tpu.dma_semaphore, #tpu.memory_space<semaphore_mem>>)
          %add3A_266 = arith.constant 4 : i32
          %add3A_267 = arith.addi %mul3A_73, %add3A_266 : i32
          %mul3A_268 = arith.constant 40 : i32
          %mul3A_269 = arith.muli %add3A_267, %mul3A_268 : i32
          %add3A_270 = arith.addi %add3A_27, %mul3A_269 : i32
          %dma_wait3A_271 = arith.constant 0 : i32
          %dma_wait3A_272 = tpu.memref_slice %arg5[%add3A_270, %dma_wait3A_271] : memref<320000x128xf32, #tpu.memory_space<hbm>> -> memref<40x128xf32, #tpu.memory_space<hbm>>
          %dma_wait3A_273 = arith.constant 0 : i32
          %dma_wait3A_274 = tpu.memref_slice %arg5[%add3A_270, %dma_wait3A_273] : memref<320000x128xf32, #tpu.memory_space<hbm>> -> memref<40x128xf32, #tpu.memory_space<hbm>>
          tpu.wait_dma2 semaphore(%arg14 : memref<!tpu.dma_semaphore, #tpu.memory_space<semaphore_mem>>) src(%dma_wait3A_274 : memref<40x128xf32, #tpu.memory_space<hbm>>) dst(%arg9 : memref<40x128xf32, #tpu.memory_space<vmem>>)
          %add3A_275 = arith.constant 4 : i32
          %add3A_276 = arith.addi %mul3A_73, %add3A_275 : i32
          %dma_start3A_277 = arith.constant 0 : i32
          %dma_start3A_278 = tpu.memref_slice %arg7[%add3A_276, %dma_start3A_277] : memref<100x40xi32, #tpu.memory_space<vmem>> -> memref<1x40xi32, #tpu.memory_space<vmem>>
          %dma_start3A_279 = tpu.memref_squeeze %dma_start3A_278 : memref<1x40xi32, #tpu.memory_space<vmem>> -> memref<40xi32, #tpu.memory_space<vmem>>
          %dma_start3A_280 = arith.constant 0 : i32
          %dma_start3A_281 = arith.constant 0 : i32
          %dma_start3A_282 = tpu.memref_slice %arg2[%dma_start3A_280, %dma_start3A_281] : memref<10000x128xf32, #tpu.memory_space<hbm>> -> memref<10000x128xf32, #tpu.memory_space<hbm>>
          tpu.enqueue_indirect_dma source(%dma_start3A_282 : memref<10000x128xf32, #tpu.memory_space<hbm>>) target(%arg9 : memref<40x128xf32, #tpu.memory_space<vmem>>) offsets(%dma_start3A_279 : memref<40xi32, #tpu.memory_space<vmem>>) semaphore(%arg18 : memref<!tpu.dma_semaphore, #tpu.memory_space<semaphore_mem>>) {add = true}
        } else {
        }
        %add3A_235 = arith.constant 3 : i32
        %add3A_236 = arith.addi %mul3A_73, %add3A_235 : i32
        %dma_wait3A_237 = arith.constant 0 : i32
        %dma_wait3A_238 = tpu.memref_slice %arg7[%add3A_236, %dma_wait3A_237] : memref<100x40xi32, #tpu.memory_space<vmem>> -> memref<1x40xi32, #tpu.memory_space<vmem>>
        %dma_wait3A_239 = tpu.memref_squeeze %dma_wait3A_238 : memref<1x40xi32, #tpu.memory_space<vmem>> -> memref<40xi32, #tpu.memory_space<vmem>>
        %dma_wait3A_240 = arith.constant 0 : i32
        %dma_wait3A_241 = arith.constant 0 : i32
        %dma_wait3A_242 = tpu.memref_slice %arg2[%dma_wait3A_240, %dma_wait3A_241] : memref<10000x128xf32, #tpu.memory_space<hbm>> -> memref<10000x128xf32, #tpu.memory_space<hbm>>
        tpu.wait_indirect_dma semaphore(%arg21 : memref<!tpu.dma_semaphore, #tpu.memory_space<semaphore_mem>>) src(%dma_wait3A_242 : memref<10000x128xf32, #tpu.memory_space<hbm>>) dst(%arg12 : memref<40x128xf32, #tpu.memory_space<vmem>>)
        %scan3A_243 = arith.constant 0 : i32
        %scan3A_244 = arith.constant 0 : i32
        %scan3A_245 = arith.constant 40 : i32
        %scan3A_246 = arith.addi %scan3A_244, %scan3A_245 : i32
        %scan3A_247 = arith.constant 1 : i32
        scf.for %scan3A_257 = %scan3A_244 to %scan3A_246 step %scan3A_247  : i32 {
          %get3A = arith.index_cast %scan3A_257 : i32 to index
          %get3A_258 = arith.constant 0 : index
          %get3A_259 = tpu.vector_load %arg12[%get3A, %get3A_258] {strides = array<i32>} : memref<40x128xf32, #tpu.memory_space<vmem>>, vector<1x16xf32>,
          %get3A_260 = vector.shape_cast %get3A_259 : vector<1x16xf32> to vector<16xf32>
          %max3A = arith.constant 0.000000e+00 : f32
          %max3A_261 = vector.broadcast %max3A : f32 to vector<16xf32>
          %max3A_262 = arith.maximumf %get3A_260, %max3A_261 : vector<16xf32>
          %swap3A = arith.index_cast %scan3A_257 : i32 to index
          %swap3A_263 = arith.constant 0 : index
          %swap3A_264 = tpu.vector_load %arg12[%swap3A, %swap3A_263] {strides = array<i32>} : memref<40x128xf32, #tpu.memory_space<vmem>>, vector<1x16xf32>,
          %swap3A_265 = vector.shape_cast %swap3A_264 : vector<1x16xf32> to vector<16xf32>
          %swap3A_266 = vector.shape_cast %max3A_262 : vector<16xf32> to vector<1x16xf32>
          tpu.vector_store %arg12[%swap3A, %swap3A_263], %swap3A_266 {strides = array<i32>} : memref<40x128xf32, #tpu.memory_space<vmem>>, vector<1x16xf32>,
          %get3A_267 = arith.index_cast %scan3A_257 : i32 to index
          %get3A_268 = arith.constant 16 : index
          %get3A_269 = tpu.vector_load %arg12[%get3A_267, %get3A_268] {strides = array<i32>} : memref<40x128xf32, #tpu.memory_space<vmem>>, vector<1x16xf32>,
          %get3A_270 = vector.shape_cast %get3A_269 : vector<1x16xf32> to vector<16xf32>
          %max3A_271 = arith.constant 0.000000e+00 : f32
          %max3A_272 = vector.broadcast %max3A_271 : f32 to vector<16xf32>
          %max3A_273 = arith.maximumf %get3A_270, %max3A_272 : vector<16xf32>
          %swap3A_274 = arith.index_cast %scan3A_257 : i32 to index
          %swap3A_275 = arith.constant 16 : index
          %swap3A_276 = tpu.vector_load %arg12[%swap3A_274, %swap3A_275] {strides = array<i32>} : memref<40x128xf32, #tpu.memory_space<vmem>>, vector<1x16xf32>,
          %swap3A_277 = vector.shape_cast %swap3A_276 : vector<1x16xf32> to vector<16xf32>
          %swap3A_278 = vector.shape_cast %max3A_273 : vector<16xf32> to vector<1x16xf32>
          tpu.vector_store %arg12[%swap3A_274, %swap3A_275], %swap3A_278 {strides = array<i32>} : memref<40x128xf32, #tpu.memory_space<vmem>>, vector<1x16xf32>,
          %get3A_279 = arith.index_cast %scan3A_257 : i32 to index
          %get3A_280 = arith.constant 32 : index
          %get3A_281 = tpu.vector_load %arg12[%get3A_279, %get3A_280] {strides = array<i32>} : memref<40x128xf32, #tpu.memory_space<vmem>>, vector<1x16xf32>,
          %get3A_282 = vector.shape_cast %get3A_281 : vector<1x16xf32> to vector<16xf32>
          %max3A_283 = arith.constant 0.000000e+00 : f32
          %max3A_284 = vector.broadcast %max3A_283 : f32 to vector<16xf32>
          %max3A_285 = arith.maximumf %get3A_282, %max3A_284 : vector<16xf32>
          %swap3A_286 = arith.index_cast %scan3A_257 : i32 to index
          %swap3A_287 = arith.constant 32 : index
          %swap3A_288 = tpu.vector_load %arg12[%swap3A_286, %swap3A_287] {strides = array<i32>} : memref<40x128xf32, #tpu.memory_space<vmem>>, vector<1x16xf32>,
          %swap3A_289 = vector.shape_cast %swap3A_288 : vector<1x16xf32> to vector<16xf32>
          %swap3A_290 = vector.shape_cast %max3A_285 : vector<16xf32> to vector<1x16xf32>
          tpu.vector_store %arg12[%swap3A_286, %swap3A_287], %swap3A_290 {strides = array<i32>} : memref<40x128xf32, #tpu.memory_space<vmem>>, vector<1x16xf32>,
          %get3A_291 = arith.index_cast %scan3A_257 : i32 to index
          %get3A_292 = arith.constant 48 : index
          %get3A_293 = tpu.vector_load %arg12[%get3A_291, %get3A_292] {strides = array<i32>} : memref<40x128xf32, #tpu.memory_space<vmem>>, vector<1x16xf32>,
          %get3A_294 = vector.shape_cast %get3A_293 : vector<1x16xf32> to vector<16xf32>
          %max3A_295 = arith.constant 0.000000e+00 : f32
          %max3A_296 = vector.broadcast %max3A_295 : f32 to vector<16xf32>
          %max3A_297 = arith.maximumf %get3A_294, %max3A_296 : vector<16xf32>
          %swap3A_298 = arith.index_cast %scan3A_257 : i32 to index
          %swap3A_299 = arith.constant 48 : index
          %swap3A_300 = tpu.vector_load %arg12[%swap3A_298, %swap3A_299] {strides = array<i32>} : memref<40x128xf32, #tpu.memory_space<vmem>>, vector<1x16xf32>,
          %swap3A_301 = vector.shape_cast %swap3A_300 : vector<1x16xf32> to vector<16xf32>
          %swap3A_302 = vector.shape_cast %max3A_297 : vector<16xf32> to vector<1x16xf32>
          tpu.vector_store %arg12[%swap3A_298, %swap3A_299], %swap3A_302 {strides = array<i32>} : memref<40x128xf32, #tpu.memory_space<vmem>>, vector<1x16xf32>,
          %get3A_303 = arith.index_cast %scan3A_257 : i32 to index
          %get3A_304 = arith.constant 64 : index
          %get3A_305 = tpu.vector_load %arg12[%get3A_303, %get3A_304] {strides = array<i32>} : memref<40x128xf32, #tpu.memory_space<vmem>>, vector<1x16xf32>,
          %get3A_306 = vector.shape_cast %get3A_305 : vector<1x16xf32> to vector<16xf32>
          %max3A_307 = arith.constant 0.000000e+00 : f32
          %max3A_308 = vector.broadcast %max3A_307 : f32 to vector<16xf32>
          %max3A_309 = arith.maximumf %get3A_306, %max3A_308 : vector<16xf32>
          %swap3A_310 = arith.index_cast %scan3A_257 : i32 to index
          %swap3A_311 = arith.constant 64 : index
          %swap3A_312 = tpu.vector_load %arg12[%swap3A_310, %swap3A_311] {strides = array<i32>} : memref<40x128xf32, #tpu.memory_space<vmem>>, vector<1x16xf32>,
          %swap3A_313 = vector.shape_cast %swap3A_312 : vector<1x16xf32> to vector<16xf32>
          %swap3A_314 = vector.shape_cast %max3A_309 : vector<16xf32> to vector<1x16xf32>
          tpu.vector_store %arg12[%swap3A_310, %swap3A_311], %swap3A_314 {strides = array<i32>} : memref<40x128xf32, #tpu.memory_space<vmem>>, vector<1x16xf32>,
          %get3A_315 = arith.index_cast %scan3A_257 : i32 to index
          %get3A_316 = arith.constant 80 : index
          %get3A_317 = tpu.vector_load %arg12[%get3A_315, %get3A_316] {strides = array<i32>} : memref<40x128xf32, #tpu.memory_space<vmem>>, vector<1x16xf32>,
          %get3A_318 = vector.shape_cast %get3A_317 : vector<1x16xf32> to vector<16xf32>
          %max3A_319 = arith.constant 0.000000e+00 : f32
          %max3A_320 = vector.broadcast %max3A_319 : f32 to vector<16xf32>
          %max3A_321 = arith.maximumf %get3A_318, %max3A_320 : vector<16xf32>
          %swap3A_322 = arith.index_cast %scan3A_257 : i32 to index
          %swap3A_323 = arith.constant 80 : index
          %swap3A_324 = tpu.vector_load %arg12[%swap3A_322, %swap3A_323] {strides = array<i32>} : memref<40x128xf32, #tpu.memory_space<vmem>>, vector<1x16xf32>,
          %swap3A_325 = vector.shape_cast %swap3A_324 : vector<1x16xf32> to vector<16xf32>
          %swap3A_326 = vector.shape_cast %max3A_321 : vector<16xf32> to vector<1x16xf32>
          tpu.vector_store %arg12[%swap3A_322, %swap3A_323], %swap3A_326 {strides = array<i32>} : memref<40x128xf32, #tpu.memory_space<vmem>>, vector<1x16xf32>,
          %get3A_327 = arith.index_cast %scan3A_257 : i32 to index
          %get3A_328 = arith.constant 96 : index
          %get3A_329 = tpu.vector_load %arg12[%get3A_327, %get3A_328] {strides = array<i32>} : memref<40x128xf32, #tpu.memory_space<vmem>>, vector<1x16xf32>,
          %get3A_330 = vector.shape_cast %get3A_329 : vector<1x16xf32> to vector<16xf32>
          %max3A_331 = arith.constant 0.000000e+00 : f32
          %max3A_332 = vector.broadcast %max3A_331 : f32 to vector<16xf32>
          %max3A_333 = arith.maximumf %get3A_330, %max3A_332 : vector<16xf32>
          %swap3A_334 = arith.index_cast %scan3A_257 : i32 to index
          %swap3A_335 = arith.constant 96 : index
          %swap3A_336 = tpu.vector_load %arg12[%swap3A_334, %swap3A_335] {strides = array<i32>} : memref<40x128xf32, #tpu.memory_space<vmem>>, vector<1x16xf32>,
          %swap3A_337 = vector.shape_cast %swap3A_336 : vector<1x16xf32> to vector<16xf32>
          %swap3A_338 = vector.shape_cast %max3A_333 : vector<16xf32> to vector<1x16xf32>
          tpu.vector_store %arg12[%swap3A_334, %swap3A_335], %swap3A_338 {strides = array<i32>} : memref<40x128xf32, #tpu.memory_space<vmem>>, vector<1x16xf32>,
          %get3A_339 = arith.index_cast %scan3A_257 : i32 to index
          %get3A_340 = arith.constant 112 : index
          %get3A_341 = tpu.vector_load %arg12[%get3A_339, %get3A_340] {strides = array<i32>} : memref<40x128xf32, #tpu.memory_space<vmem>>, vector<1x16xf32>,
          %get3A_342 = vector.shape_cast %get3A_341 : vector<1x16xf32> to vector<16xf32>
          %max3A_343 = arith.constant 0.000000e+00 : f32
          %max3A_344 = vector.broadcast %max3A_343 : f32 to vector<16xf32>
          %max3A_345 = arith.maximumf %get3A_342, %max3A_344 : vector<16xf32>
          %swap3A_346 = arith.index_cast %scan3A_257 : i32 to index
          %swap3A_347 = arith.constant 112 : index
          %swap3A_348 = tpu.vector_load %arg12[%swap3A_346, %swap3A_347] {strides = array<i32>} : memref<40x128xf32, #tpu.memory_space<vmem>>, vector<1x16xf32>,
          %swap3A_349 = vector.shape_cast %swap3A_348 : vector<1x16xf32> to vector<16xf32>
          %swap3A_350 = vector.shape_cast %max3A_345 : vector<16xf32> to vector<1x16xf32>
          tpu.vector_store %arg12[%swap3A_346, %swap3A_347], %swap3A_350 {strides = array<i32>} : memref<40x128xf32, #tpu.memory_space<vmem>>, vector<1x16xf32>,
        }
        %scan3A_248 = arith.constant 40 : i32
        %add3A_249 = arith.constant 3 : i32
        %add3A_250 = arith.addi %mul3A_73, %add3A_249 : i32
        %dma_start3A_251 = arith.constant 0 : i32
        %dma_start3A_252 = tpu.memref_slice %arg8[%add3A_250, %dma_start3A_251] : memref<100x40xi32, #tpu.memory_space<vmem>> -> memref<1x40xi32, #tpu.memory_space<vmem>>
        %dma_start3A_253 = tpu.memref_squeeze %dma_start3A_252 : memref<1x40xi32, #tpu.memory_space<vmem>> -> memref<40xi32, #tpu.memory_space<vmem>>
        %dma_start3A_254 = arith.constant 0 : i32
        %dma_start3A_255 = arith.constant 0 : i32
        %dma_start3A_256 = tpu.memref_slice %arg13[%dma_start3A_254, %dma_start3A_255] : memref<10000x128xf32, #tpu.memory_space<vmem_shared>> -> memref<10000x128xf32, #tpu.memory_space<vmem_shared>>
        tpu.enqueue_indirect_dma source(%arg12 : memref<40x128xf32, #tpu.memory_space<vmem>>) target(%dma_start3A_256 : memref<10000x128xf32, #tpu.memory_space<vmem_shared>>) offsets(%dma_start3A_253 : memref<40xi32, #tpu.memory_space<vmem>>) semaphore(%arg25 : memref<!tpu.dma_semaphore, #tpu.memory_space<semaphore_mem>>) {add = true}
      }
      %scan3A_56 = arith.constant 25 : i32
      %dma_wait3A_57 = arith.constant 98 : i32
      %dma_wait3A_58 = arith.constant 0 : i32
      %dma_wait3A_59 = tpu.memref_slice %arg8[%dma_wait3A_57, %dma_wait3A_58] : memref<100x40xi32, #tpu.memory_space<vmem>> -> memref<1x40xi32, #tpu.memory_space<vmem>>
      %dma_wait3A_60 = tpu.memref_squeeze %dma_wait3A_59 : memref<1x40xi32, #tpu.memory_space<vmem>> -> memref<40xi32, #tpu.memory_space<vmem>>
      %dma_wait3A_61 = arith.constant 0 : i32
      %dma_wait3A_62 = arith.constant 0 : i32
      %dma_wait3A_63 = tpu.memref_slice %arg13[%dma_wait3A_61, %dma_wait3A_62] : memref<10000x128xf32, #tpu.memory_space<vmem_shared>> -> memref<10000x128xf32, #tpu.memory_space<vmem_shared>>
      tpu.wait_indirect_dma semaphore(%arg24 : memref<!tpu.dma_semaphore, #tpu.memory_space<semaphore_mem>>) src(%arg11 : memref<40x128xf32, #tpu.memory_space<vmem>>) dst(%dma_wait3A_63 : memref<10000x128xf32, #tpu.memory_space<vmem_shared>>)
      %dma_wait3A_64 = arith.constant 99 : i32
      %dma_wait3A_65 = arith.constant 0 : i32
      %dma_wait3A_66 = tpu.memref_slice %arg8[%dma_wait3A_64, %dma_wait3A_65] : memref<100x40xi32, #tpu.memory_space<vmem>> -> memref<1x40xi32, #tpu.memory_space<vmem>>
      %dma_wait3A_67 = tpu.memref_squeeze %dma_wait3A_66 : memref<1x40xi32, #tpu.memory_space<vmem>> -> memref<40xi32, #tpu.memory_space<vmem>>
      %dma_wait3A_68 = arith.constant 0 : i32
      %dma_wait3A_69 = arith.constant 0 : i32
      %dma_wait3A_70 = tpu.memref_slice %arg13[%dma_wait3A_68, %dma_wait3A_69] : memref<10000x128xf32, #tpu.memory_space<vmem_shared>> -> memref<10000x128xf32, #tpu.memory_space<vmem_shared>>
      tpu.wait_indirect_dma semaphore(%arg25 : memref<!tpu.dma_semaphore, #tpu.memory_space<semaphore_mem>>) src(%arg12 : memref<40x128xf32, #tpu.memory_space<vmem>>) dst(%dma_wait3A_70 : memref<10000x128xf32, #tpu.memory_space<vmem_shared>>)
    }
    %scan3A_20 = arith.constant 5 : i32
    %barrier3A_21 = arith.constant 0 : index
    tpu.barrier barrier_id(%barrier3A_21)
    %mul3A_22 = arith.constant 625 : i32
    %mul3A_23 = arith.muli %arg1, %mul3A_22 : i32
    "tpu.region"() ({
      %run_scoped3A = tpu.sem_alloc : memref<!tpu.dma_semaphore, #tpu.memory_space<semaphore_mem>>
      %dma_start3A = arith.constant 0 : i32
      %dma_start3A_24 = arith.constant 0 : i32
      %dma_start3A_25 = tpu.memref_slice %arg6[%arg1, %dma_start3A, %dma_start3A_24] : memref<16x625x128xf32, #tpu.memory_space<hbm>> -> memref<1x625x128xf32, #tpu.memory_space<hbm>>
      %dma_start3A_26 = tpu.memref_squeeze %dma_start3A_25 : memref<1x625x128xf32, #tpu.memory_space<hbm>> -> memref<625x128xf32, #tpu.memory_space<hbm>>
      %dma_start3A_27 = arith.constant 0 : i32
      %dma_start3A_28 = tpu.memref_slice %arg13[%mul3A_23, %dma_start3A_27] : memref<10000x128xf32, #tpu.memory_space<vmem_shared>> -> memref<625x128xf32, #tpu.memory_space<vmem_shared>>
      tpu.enqueue_dma source(%dma_start3A_28 : memref<625x128xf32, #tpu.memory_space<vmem_shared>>) target(%dma_start3A_26 : memref<625x128xf32, #tpu.memory_space<hbm>>) target_semaphore(%run_scoped3A : memref<!tpu.dma_semaphore, #tpu.memory_space<semaphore_mem>>)
      %dma_wait3A = arith.constant 0 : i32
      %dma_wait3A_29 = arith.constant 0 : i32
      %dma_wait3A_30 = tpu.memref_slice %arg6[%arg1, %dma_wait3A, %dma_wait3A_29] : memref<16x625x128xf32, #tpu.memory_space<hbm>> -> memref<1x625x128xf32, #tpu.memory_space<hbm>>
      %dma_wait3A_31 = tpu.memref_squeeze %dma_wait3A_30 : memref<1x625x128xf32, #tpu.memory_space<hbm>> -> memref<625x128xf32, #tpu.memory_space<hbm>>
      %dma_wait3A_32 = arith.constant 0 : i32
      %dma_wait3A_33 = tpu.memref_slice %arg13[%mul3A_23, %dma_wait3A_32] : memref<10000x128xf32, #tpu.memory_space<vmem_shared>> -> memref<625x128xf32, #tpu.memory_space<vmem_shared>>
      tpu.wait_dma2 semaphore(%run_scoped3A : memref<!tpu.dma_semaphore, #tpu.memory_space<semaphore_mem>>) src(%dma_wait3A_33 : memref<625x128xf32, #tpu.memory_space<vmem_shared>>) dst(%dma_wait3A_31 : memref<625x128xf32, #tpu.memory_space<hbm>>)
      tpu.yield
    }) : () -> ()
    return
  }
}

#map = affine_map<(d0, d1) -> (0, 0)>
#map1 = affine_map<(d0, d1) -> (0, 0, 0, 0)>
#map2 = affine_map<(d0, d1) -> (0, 0, 0)>
module attributes {stable_mosaic.version = 14 : i64} {
  func.func @_sc_msgpass_body(%arg0: i32, %arg1: i32, %arg2: memref<10000x128xf32, #tpu.memory_space<hbm>>, %arg3: memref<16x5x100x40xi32, #tpu.memory_space<hbm>>, %arg4: memref<16x5x100x40xi32, #tpu.memory_space<hbm>>, %arg5: memref<320000x128xf32, #tpu.memory_space<hbm>>, %arg6: memref<16x625x128xf32, #tpu.memory_space<hbm>>, %arg7: memref<100x40xi32, #tpu.memory_space<vmem>>, %arg8: memref<100x40xi32, #tpu.memory_space<vmem>>, %arg9: memref<40x128xf32, #tpu.memory_space<vmem>>, %arg10: memref<40x128xf32, #tpu.memory_space<vmem>>, %arg11: memref<40x128xf32, #tpu.memory_space<vmem>>, %arg12: memref<40x128xf32, #tpu.memory_space<vmem>>, %arg13: memref<10000x128xf32, #tpu.memory_space<vmem_shared>>, %arg14: memref<!tpu.dma_semaphore, #tpu.memory_space<semaphore_mem>>, %arg15: memref<!tpu.dma_semaphore, #tpu.memory_space<semaphore_mem>>, %arg16: memref<!tpu.dma_semaphore, #tpu.memory_space<semaphore_mem>>, %arg17: memref<!tpu.dma_semaphore, #tpu.memory_space<semaphore_mem>>, %arg18: memref<!tpu.dma_semaphore, #tpu.memory_space<semaphore_mem>>, %arg19: memref<!tpu.dma_semaphore, #tpu.memory_space<semaphore_mem>>, %arg20: memref<!tpu.dma_semaphore, #tpu.memory_space<semaphore_mem>>, %arg21: memref<!tpu.dma_semaphore, #tpu.memory_space<semaphore_mem>>, %arg22: memref<!tpu.dma_semaphore, #tpu.memory_space<semaphore_mem>>, %arg23: memref<!tpu.dma_semaphore, #tpu.memory_space<semaphore_mem>>, %arg24: memref<!tpu.dma_semaphore, #tpu.memory_space<semaphore_mem>>, %arg25: memref<!tpu.dma_semaphore, #tpu.memory_space<semaphore_mem>>) attributes {dimension_semantics = [#tpu.dimension_semantics<core_parallel>, #tpu.dimension_semantics<subcore_parallel>], iteration_bounds = array<i64: 1, 16>, scalar_prefetch = 0 : i64, scratch_operands = 19 : i64, tpu.core_type = #tpu.core_type<sc_vector_subcore>, window_params = [{transform_indices = #map}, {transform_indices = #map1}, {transform_indices = #map1}, {transform_indices = #map}, {transform_indices = #map2}]} {
    %scan3A = arith.constant 0 : i32
    %scan3A_0 = arith.constant 0 : i32
    %scan3A_1 = arith.constant 40 : i32
    %scan3A_2 = arith.addi %scan3A_0, %scan3A_1 : i32
    %scan3A_3 = arith.constant 1 : i32
    scf.for %scan3A_24 = %scan3A_0 to %scan3A_2 step %scan3A_3  : i32 {
      %broadcast_in_dim3A = arith.constant 0.000000e+00 : f32
      %broadcast_in_dim3A_25 = vector.broadcast %broadcast_in_dim3A : f32 to vector<16xf32>
      %swap3A = arith.index_cast %scan3A_24 : i32 to index
      %swap3A_26 = arith.constant 0 : index
      %swap3A_27 = tpu.vector_load %arg9[%swap3A, %swap3A_26] {strides = array<i32>} : memref<40x128xf32, #tpu.memory_space<vmem>>, vector<1x16xf32>,
      %swap3A_28 = vector.shape_cast %swap3A_27 : vector<1x16xf32> to vector<16xf32>
      %swap3A_29 = vector.shape_cast %broadcast_in_dim3A_25 : vector<16xf32> to vector<1x16xf32>
      tpu.vector_store %arg9[%swap3A, %swap3A_26], %swap3A_29 {strides = array<i32>} : memref<40x128xf32, #tpu.memory_space<vmem>>, vector<1x16xf32>,
      %broadcast_in_dim3A_30 = arith.constant 0.000000e+00 : f32
      %broadcast_in_dim3A_31 = vector.broadcast %broadcast_in_dim3A_30 : f32 to vector<16xf32>
      %swap3A_32 = arith.index_cast %scan3A_24 : i32 to index
      %swap3A_33 = arith.constant 16 : index
      %swap3A_34 = tpu.vector_load %arg9[%swap3A_32, %swap3A_33] {strides = array<i32>} : memref<40x128xf32, #tpu.memory_space<vmem>>, vector<1x16xf32>,
      %swap3A_35 = vector.shape_cast %swap3A_34 : vector<1x16xf32> to vector<16xf32>
      %swap3A_36 = vector.shape_cast %broadcast_in_dim3A_31 : vector<16xf32> to vector<1x16xf32>
      tpu.vector_store %arg9[%swap3A_32, %swap3A_33], %swap3A_36 {strides = array<i32>} : memref<40x128xf32, #tpu.memory_space<vmem>>, vector<1x16xf32>,
      %broadcast_in_dim3A_37 = arith.constant 0.000000e+00 : f32
      %broadcast_in_dim3A_38 = vector.broadcast %broadcast_in_dim3A_37 : f32 to vector<16xf32>
      %swap3A_39 = arith.index_cast %scan3A_24 : i32 to index
      %swap3A_40 = arith.constant 32 : index
      %swap3A_41 = tpu.vector_load %arg9[%swap3A_39, %swap3A_40] {strides = array<i32>} : memref<40x128xf32, #tpu.memory_space<vmem>>, vector<1x16xf32>,
      %swap3A_42 = vector.shape_cast %swap3A_41 : vector<1x16xf32> to vector<16xf32>
      %swap3A_43 = vector.shape_cast %broadcast_in_dim3A_38 : vector<16xf32> to vector<1x16xf32>
      tpu.vector_store %arg9[%swap3A_39, %swap3A_40], %swap3A_43 {strides = array<i32>} : memref<40x128xf32, #tpu.memory_space<vmem>>, vector<1x16xf32>,
      %broadcast_in_dim3A_44 = arith.constant 0.000000e+00 : f32
      %broadcast_in_dim3A_45 = vector.broadcast %broadcast_in_dim3A_44 : f32 to vector<16xf32>
      %swap3A_46 = arith.index_cast %scan3A_24 : i32 to index
      %swap3A_47 = arith.constant 48 : index
      %swap3A_48 = tpu.vector_load %arg9[%swap3A_46, %swap3A_47] {strides = array<i32>} : memref<40x128xf32, #tpu.memory_space<vmem>>, vector<1x16xf32>,
      %swap3A_49 = vector.shape_cast %swap3A_48 : vector<1x16xf32> to vector<16xf32>
      %swap3A_50 = vector.shape_cast %broadcast_in_dim3A_45 : vector<16xf32> to vector<1x16xf32>
      tpu.vector_store %arg9[%swap3A_46, %swap3A_47], %swap3A_50 {strides = array<i32>} : memref<40x128xf32, #tpu.memory_space<vmem>>, vector<1x16xf32>,
      %broadcast_in_dim3A_51 = arith.constant 0.000000e+00 : f32
      %broadcast_in_dim3A_52 = vector.broadcast %broadcast_in_dim3A_51 : f32 to vector<16xf32>
      %swap3A_53 = arith.index_cast %scan3A_24 : i32 to index
      %swap3A_54 = arith.constant 64 : index
      %swap3A_55 = tpu.vector_load %arg9[%swap3A_53, %swap3A_54] {strides = array<i32>} : memref<40x128xf32, #tpu.memory_space<vmem>>, vector<1x16xf32>,
      %swap3A_56 = vector.shape_cast %swap3A_55 : vector<1x16xf32> to vector<16xf32>
      %swap3A_57 = vector.shape_cast %broadcast_in_dim3A_52 : vector<16xf32> to vector<1x16xf32>
      tpu.vector_store %arg9[%swap3A_53, %swap3A_54], %swap3A_57 {strides = array<i32>} : memref<40x128xf32, #tpu.memory_space<vmem>>, vector<1x16xf32>,
      %broadcast_in_dim3A_58 = arith.constant 0.000000e+00 : f32
      %broadcast_in_dim3A_59 = vector.broadcast %broadcast_in_dim3A_58 : f32 to vector<16xf32>
      %swap3A_60 = arith.index_cast %scan3A_24 : i32 to index
      %swap3A_61 = arith.constant 80 : index
      %swap3A_62 = tpu.vector_load %arg9[%swap3A_60, %swap3A_61] {strides = array<i32>} : memref<40x128xf32, #tpu.memory_space<vmem>>, vector<1x16xf32>,
      %swap3A_63 = vector.shape_cast %swap3A_62 : vector<1x16xf32> to vector<16xf32>
      %swap3A_64 = vector.shape_cast %broadcast_in_dim3A_59 : vector<16xf32> to vector<1x16xf32>
      tpu.vector_store %arg9[%swap3A_60, %swap3A_61], %swap3A_64 {strides = array<i32>} : memref<40x128xf32, #tpu.memory_space<vmem>>, vector<1x16xf32>,
      %broadcast_in_dim3A_65 = arith.constant 0.000000e+00 : f32
      %broadcast_in_dim3A_66 = vector.broadcast %broadcast_in_dim3A_65 : f32 to vector<16xf32>
      %swap3A_67 = arith.index_cast %scan3A_24 : i32 to index
      %swap3A_68 = arith.constant 96 : index
      %swap3A_69 = tpu.vector_load %arg9[%swap3A_67, %swap3A_68] {strides = array<i32>} : memref<40x128xf32, #tpu.memory_space<vmem>>, vector<1x16xf32>,
      %swap3A_70 = vector.shape_cast %swap3A_69 : vector<1x16xf32> to vector<16xf32>
      %swap3A_71 = vector.shape_cast %broadcast_in_dim3A_66 : vector<16xf32> to vector<1x16xf32>
      tpu.vector_store %arg9[%swap3A_67, %swap3A_68], %swap3A_71 {strides = array<i32>} : memref<40x128xf32, #tpu.memory_space<vmem>>, vector<1x16xf32>,
      %broadcast_in_dim3A_72 = arith.constant 0.000000e+00 : f32
      %broadcast_in_dim3A_73 = vector.broadcast %broadcast_in_dim3A_72 : f32 to vector<16xf32>
      %swap3A_74 = arith.index_cast %scan3A_24 : i32 to index
      %swap3A_75 = arith.constant 112 : index
      %swap3A_76 = tpu.vector_load %arg9[%swap3A_74, %swap3A_75] {strides = array<i32>} : memref<40x128xf32, #tpu.memory_space<vmem>>, vector<1x16xf32>,
      %swap3A_77 = vector.shape_cast %swap3A_76 : vector<1x16xf32> to vector<16xf32>
      %swap3A_78 = vector.shape_cast %broadcast_in_dim3A_73 : vector<16xf32> to vector<1x16xf32>
      tpu.vector_store %arg9[%swap3A_74, %swap3A_75], %swap3A_78 {strides = array<i32>} : memref<40x128xf32, #tpu.memory_space<vmem>>, vector<1x16xf32>,
    }
    %scan3A_4 = arith.constant 40 : i32
    %scan3A_5 = arith.constant 0 : i32
    %scan3A_6 = arith.constant 0 : i32
    %scan3A_7 = arith.constant 15 : i32
    %scan3A_8 = arith.addi %scan3A_6, %scan3A_7 : i32
    %scan3A_9 = arith.constant 1 : i32
    scf.for %scan3A_24 = %scan3A_6 to %scan3A_8 step %scan3A_9  : i32 {
      %mul3A_25 = arith.constant 625 : i32
      %mul3A_26 = arith.muli %arg1, %mul3A_25 : i32
      %mul3A_27 = arith.constant 40 : i32
      %mul3A_28 = arith.muli %scan3A_24, %mul3A_27 : i32
      %add3A_29 = arith.addi %mul3A_26, %mul3A_28 : i32
      "tpu.region"() ({
        %run_scoped3A = tpu.sem_alloc : memref<!tpu.dma_semaphore, #tpu.memory_space<semaphore_mem>>
        %dma_start3A = arith.constant 0 : i32
        %dma_start3A_30 = tpu.memref_slice %arg13[%add3A_29, %dma_start3A] : memref<10000x128xf32, #tpu.memory_space<vmem_shared>> -> memref<40x128xf32, #tpu.memory_space<vmem_shared>>
        %dma_start3A_31 = arith.constant 0 : i32
        %dma_start3A_32 = tpu.memref_slice %arg13[%add3A_29, %dma_start3A_31] : memref<10000x128xf32, #tpu.memory_space<vmem_shared>> -> memref<40x128xf32, #tpu.memory_space<vmem_shared>>
        tpu.enqueue_dma source(%arg9 : memref<40x128xf32, #tpu.memory_space<vmem>>) target(%dma_start3A_32 : memref<40x128xf32, #tpu.memory_space<vmem_shared>>) target_semaphore(%run_scoped3A : memref<!tpu.dma_semaphore, #tpu.memory_space<semaphore_mem>>)
        %dma_wait3A = arith.constant 0 : i32
        %dma_wait3A_33 = tpu.memref_slice %arg13[%add3A_29, %dma_wait3A] : memref<10000x128xf32, #tpu.memory_space<vmem_shared>> -> memref<40x128xf32, #tpu.memory_space<vmem_shared>>
        %dma_wait3A_34 = arith.constant 0 : i32
        %dma_wait3A_35 = tpu.memref_slice %arg13[%add3A_29, %dma_wait3A_34] : memref<10000x128xf32, #tpu.memory_space<vmem_shared>> -> memref<40x128xf32, #tpu.memory_space<vmem_shared>>
        tpu.wait_dma2 semaphore(%run_scoped3A : memref<!tpu.dma_semaphore, #tpu.memory_space<semaphore_mem>>) src(%arg9 : memref<40x128xf32, #tpu.memory_space<vmem>>) dst(%dma_wait3A_35 : memref<40x128xf32, #tpu.memory_space<vmem_shared>>)
        tpu.yield
      }) : () -> ()
    }
    %scan3A_10 = arith.constant 15 : i32
    %mul3A = arith.constant 625 : i32
    %mul3A_11 = arith.muli %arg1, %mul3A : i32
    %add3A = arith.constant 600 : i32
    %add3A_12 = arith.addi %mul3A_11, %add3A : i32
    "tpu.region"() ({
      %run_scoped3A = tpu.sem_alloc : memref<!tpu.dma_semaphore, #tpu.memory_space<semaphore_mem>>
      %dma_start3A = arith.constant 0 : i32
      %dma_start3A_24 = arith.constant 0 : i32
      %dma_start3A_25 = tpu.memref_slice %arg9[%dma_start3A, %dma_start3A_24] : memref<40x128xf32, #tpu.memory_space<vmem>> -> memref<25x128xf32, #tpu.memory_space<vmem>>
      %dma_start3A_26 = arith.constant 0 : i32
      %dma_start3A_27 = tpu.memref_slice %arg13[%add3A_12, %dma_start3A_26] : memref<10000x128xf32, #tpu.memory_space<vmem_shared>> -> memref<25x128xf32, #tpu.memory_space<vmem_shared>>
      %dma_start3A_28 = arith.constant 0 : i32
      %dma_start3A_29 = tpu.memref_slice %arg13[%add3A_12, %dma_start3A_28] : memref<10000x128xf32, #tpu.memory_space<vmem_shared>> -> memref<25x128xf32, #tpu.memory_space<vmem_shared>>
      %dma_start3A_30 = arith.constant 0 : i32
      %dma_start3A_31 = arith.constant 0 : i32
      %dma_start3A_32 = tpu.memref_slice %arg9[%dma_start3A_30, %dma_start3A_31] : memref<40x128xf32, #tpu.memory_space<vmem>> -> memref<25x128xf32, #tpu.memory_space<vmem>>
      tpu.enqueue_dma source(%dma_start3A_32 : memref<25x128xf32, #tpu.memory_space<vmem>>) target(%dma_start3A_29 : memref<25x128xf32, #tpu.memory_space<vmem_shared>>) target_semaphore(%run_scoped3A : memref<!tpu.dma_semaphore, #tpu.memory_space<semaphore_mem>>)
      %dma_wait3A = arith.constant 0 : i32
      %dma_wait3A_33 = arith.constant 0 : i32
      %dma_wait3A_34 = tpu.memref_slice %arg9[%dma_wait3A, %dma_wait3A_33] : memref<40x128xf32, #tpu.memory_space<vmem>> -> memref<25x128xf32, #tpu.memory_space<vmem>>
      %dma_wait3A_35 = arith.constant 0 : i32
      %dma_wait3A_36 = tpu.memref_slice %arg13[%add3A_12, %dma_wait3A_35] : memref<10000x128xf32, #tpu.memory_space<vmem_shared>> -> memref<25x128xf32, #tpu.memory_space<vmem_shared>>
      %dma_wait3A_37 = arith.constant 0 : i32
      %dma_wait3A_38 = tpu.memref_slice %arg13[%add3A_12, %dma_wait3A_37] : memref<10000x128xf32, #tpu.memory_space<vmem_shared>> -> memref<25x128xf32, #tpu.memory_space<vmem_shared>>
      %dma_wait3A_39 = arith.constant 0 : i32
      %dma_wait3A_40 = arith.constant 0 : i32
      %dma_wait3A_41 = tpu.memref_slice %arg9[%dma_wait3A_39, %dma_wait3A_40] : memref<40x128xf32, #tpu.memory_space<vmem>> -> memref<25x128xf32, #tpu.memory_space<vmem>>
      tpu.wait_dma2 semaphore(%run_scoped3A : memref<!tpu.dma_semaphore, #tpu.memory_space<semaphore_mem>>) src(%dma_wait3A_41 : memref<25x128xf32, #tpu.memory_space<vmem>>) dst(%dma_wait3A_38 : memref<25x128xf32, #tpu.memory_space<vmem_shared>>)
      tpu.yield
    }) : () -> ()
    %barrier3A = arith.constant 0 : index
    tpu.barrier barrier_id(%barrier3A)
    %mul3A_13 = arith.constant 20000 : i32
    %mul3A_14 = arith.muli %arg1, %mul3A_13 : i32
    %scan3A_15 = arith.constant 0 : i32
    %scan3A_16 = arith.constant 0 : i32
    %scan3A_17 = arith.constant 5 : i32
    %scan3A_18 = arith.addi %scan3A_16, %scan3A_17 : i32
    %scan3A_19 = arith.constant 1 : i32
    scf.for %scan3A_24 = %scan3A_16 to %scan3A_18 step %scan3A_19  : i32 {
      "tpu.region"() ({
        %run_scoped3A = tpu.sem_alloc : memref<!tpu.dma_semaphore, #tpu.memory_space<semaphore_mem>>
        %dma_start3A_71 = arith.constant 0 : i32
        %dma_start3A_72 = arith.constant 0 : i32
        %dma_start3A_73 = tpu.memref_slice %arg3[%arg1, %scan3A_24, %dma_start3A_71, %dma_start3A_72] : memref<16x5x100x40xi32, #tpu.memory_space<hbm>> -> memref<1x1x100x40xi32, #tpu.memory_space<hbm>>
        %dma_start3A_74 = tpu.memref_squeeze %dma_start3A_73 : memref<1x1x100x40xi32, #tpu.memory_space<hbm>> -> memref<100x40xi32, #tpu.memory_space<hbm>>
        %dma_start3A_75 = arith.constant 0 : i32
        %dma_start3A_76 = arith.constant 0 : i32
        %dma_start3A_77 = tpu.memref_slice %arg3[%arg1, %scan3A_24, %dma_start3A_75, %dma_start3A_76] : memref<16x5x100x40xi32, #tpu.memory_space<hbm>> -> memref<1x1x100x40xi32, #tpu.memory_space<hbm>>
        %dma_start3A_78 = tpu.memref_squeeze %dma_start3A_77 : memref<1x1x100x40xi32, #tpu.memory_space<hbm>> -> memref<100x40xi32, #tpu.memory_space<hbm>>
        tpu.enqueue_dma source(%dma_start3A_78 : memref<100x40xi32, #tpu.memory_space<hbm>>) target(%arg7 : memref<100x40xi32, #tpu.memory_space<vmem>>) target_semaphore(%run_scoped3A : memref<!tpu.dma_semaphore, #tpu.memory_space<semaphore_mem>>)
        %dma_wait3A_79 = arith.constant 0 : i32
        %dma_wait3A_80 = arith.constant 0 : i32
        %dma_wait3A_81 = tpu.memref_slice %arg3[%arg1, %scan3A_24, %dma_wait3A_79, %dma_wait3A_80] : memref<16x5x100x40xi32, #tpu.memory_space<hbm>> -> memref<1x1x100x40xi32, #tpu.memory_space<hbm>>
        %dma_wait3A_82 = tpu.memref_squeeze %dma_wait3A_81 : memref<1x1x100x40xi32, #tpu.memory_space<hbm>> -> memref<100x40xi32, #tpu.memory_space<hbm>>
        %dma_wait3A_83 = arith.constant 0 : i32
        %dma_wait3A_84 = arith.constant 0 : i32
        %dma_wait3A_85 = tpu.memref_slice %arg3[%arg1, %scan3A_24, %dma_wait3A_83, %dma_wait3A_84] : memref<16x5x100x40xi32, #tpu.memory_space<hbm>> -> memref<1x1x100x40xi32, #tpu.memory_space<hbm>>
        %dma_wait3A_86 = tpu.memref_squeeze %dma_wait3A_85 : memref<1x1x100x40xi32, #tpu.memory_space<hbm>> -> memref<100x40xi32, #tpu.memory_space<hbm>>
        tpu.wait_dma2 semaphore(%run_scoped3A : memref<!tpu.dma_semaphore, #tpu.memory_space<semaphore_mem>>) src(%dma_wait3A_86 : memref<100x40xi32, #tpu.memory_space<hbm>>) dst(%arg7 : memref<100x40xi32, #tpu.memory_space<vmem>>)
        tpu.yield
      }) : () -> ()
      "tpu.region"() ({
        %run_scoped3A = tpu.sem_alloc : memref<!tpu.dma_semaphore, #tpu.memory_space<semaphore_mem>>
        %dma_start3A_71 = arith.constant 0 : i32
        %dma_start3A_72 = arith.constant 0 : i32
        %dma_start3A_73 = tpu.memref_slice %arg4[%arg1, %scan3A_24, %dma_start3A_71, %dma_start3A_72] : memref<16x5x100x40xi32, #tpu.memory_space<hbm>> -> memref<1x1x100x40xi32, #tpu.memory_space<hbm>>
        %dma_start3A_74 = tpu.memref_squeeze %dma_start3A_73 : memref<1x1x100x40xi32, #tpu.memory_space<hbm>> -> memref<100x40xi32, #tpu.memory_space<hbm>>
        %dma_start3A_75 = arith.constant 0 : i32
        %dma_start3A_76 = arith.constant 0 : i32
        %dma_start3A_77 = tpu.memref_slice %arg4[%arg1, %scan3A_24, %dma_start3A_75, %dma_start3A_76] : memref<16x5x100x40xi32, #tpu.memory_space<hbm>> -> memref<1x1x100x40xi32, #tpu.memory_space<hbm>>
        %dma_start3A_78 = tpu.memref_squeeze %dma_start3A_77 : memref<1x1x100x40xi32, #tpu.memory_space<hbm>> -> memref<100x40xi32, #tpu.memory_space<hbm>>
        tpu.enqueue_dma source(%dma_start3A_78 : memref<100x40xi32, #tpu.memory_space<hbm>>) target(%arg8 : memref<100x40xi32, #tpu.memory_space<vmem>>) target_semaphore(%run_scoped3A : memref<!tpu.dma_semaphore, #tpu.memory_space<semaphore_mem>>)
        %dma_wait3A_79 = arith.constant 0 : i32
        %dma_wait3A_80 = arith.constant 0 : i32
        %dma_wait3A_81 = tpu.memref_slice %arg4[%arg1, %scan3A_24, %dma_wait3A_79, %dma_wait3A_80] : memref<16x5x100x40xi32, #tpu.memory_space<hbm>> -> memref<1x1x100x40xi32, #tpu.memory_space<hbm>>
        %dma_wait3A_82 = tpu.memref_squeeze %dma_wait3A_81 : memref<1x1x100x40xi32, #tpu.memory_space<hbm>> -> memref<100x40xi32, #tpu.memory_space<hbm>>
        %dma_wait3A_83 = arith.constant 0 : i32
        %dma_wait3A_84 = arith.constant 0 : i32
        %dma_wait3A_85 = tpu.memref_slice %arg4[%arg1, %scan3A_24, %dma_wait3A_83, %dma_wait3A_84] : memref<16x5x100x40xi32, #tpu.memory_space<hbm>> -> memref<1x1x100x40xi32, #tpu.memory_space<hbm>>
        %dma_wait3A_86 = tpu.memref_squeeze %dma_wait3A_85 : memref<1x1x100x40xi32, #tpu.memory_space<hbm>> -> memref<100x40xi32, #tpu.memory_space<hbm>>
        tpu.wait_dma2 semaphore(%run_scoped3A : memref<!tpu.dma_semaphore, #tpu.memory_space<semaphore_mem>>) src(%dma_wait3A_86 : memref<100x40xi32, #tpu.memory_space<hbm>>) dst(%arg8 : memref<100x40xi32, #tpu.memory_space<vmem>>)
        tpu.yield
      }) : () -> ()
      %mul3A_25 = arith.constant 4000 : i32
      %mul3A_26 = arith.muli %scan3A_24, %mul3A_25 : i32
      %add3A_27 = arith.addi %mul3A_14, %mul3A_26 : i32
      %add3A_28 = arith.constant 0 : i32
      %add3A_29 = arith.addi %add3A_27, %add3A_28 : i32
      %dma_start3A = arith.constant 0 : i32
      %dma_start3A_30 = tpu.memref_slice %arg5[%add3A_29, %dma_start3A] : memref<320000x128xf32, #tpu.memory_space<hbm>> -> memref<40x128xf32, #tpu.memory_space<hbm>>
      %dma_start3A_31 = arith.constant 0 : i32
      %dma_start3A_32 = tpu.memref_slice %arg5[%add3A_29, %dma_start3A_31] : memref<320000x128xf32, #tpu.memory_space<hbm>> -> memref<40x128xf32, #tpu.memory_space<hbm>>
      tpu.enqueue_dma source(%dma_start3A_32 : memref<40x128xf32, #tpu.memory_space<hbm>>) target(%arg9 : memref<40x128xf32, #tpu.memory_space<vmem>>) target_semaphore(%arg14 : memref<!tpu.dma_semaphore, #tpu.memory_space<semaphore_mem>>)
      %add3A_33 = arith.constant 40 : i32
      %add3A_34 = arith.addi %add3A_27, %add3A_33 : i32
      %dma_start3A_35 = arith.constant 0 : i32
      %dma_start3A_36 = tpu.memref_slice %arg5[%add3A_34, %dma_start3A_35] : memref<320000x128xf32, #tpu.memory_space<hbm>> -> memref<40x128xf32, #tpu.memory_space<hbm>>
      %dma_start3A_37 = arith.constant 0 : i32
      %dma_start3A_38 = tpu.memref_slice %arg5[%add3A_34, %dma_start3A_37] : memref<320000x128xf32, #tpu.memory_space<hbm>> -> memref<40x128xf32, #tpu.memory_space<hbm>>
      tpu.enqueue_dma source(%dma_start3A_38 : memref<40x128xf32, #tpu.memory_space<hbm>>) target(%arg10 : memref<40x128xf32, #tpu.memory_space<vmem>>) target_semaphore(%arg15 : memref<!tpu.dma_semaphore, #tpu.memory_space<semaphore_mem>>)
      %add3A_39 = arith.constant 0 : i32
      %add3A_40 = arith.addi %add3A_27, %add3A_39 : i32
      %dma_wait3A = arith.constant 0 : i32
      %dma_wait3A_41 = tpu.memref_slice %arg5[%add3A_40, %dma_wait3A] : memref<320000x128xf32, #tpu.memory_space<hbm>> -> memref<40x128xf32, #tpu.memory_space<hbm>>
      %dma_wait3A_42 = arith.constant 0 : i32
      %dma_wait3A_43 = tpu.memref_slice %arg5[%add3A_40, %dma_wait3A_42] : memref<320000x128xf32, #tpu.memory_space<hbm>> -> memref<40x128xf32, #tpu.memory_space<hbm>>
      tpu.wait_dma2 semaphore(%arg14 : memref<!tpu.dma_semaphore, #tpu.memory_space<semaphore_mem>>) src(%dma_wait3A_43 : memref<40x128xf32, #tpu.memory_space<hbm>>) dst(%arg9 : memref<40x128xf32, #tpu.memory_space<vmem>>)
      %dma_start3A_44 = arith.constant 0 : i32
      %dma_start3A_45 = arith.constant 0 : i32
      %dma_start3A_46 = tpu.memref_slice %arg7[%dma_start3A_44, %dma_start3A_45] : memref<100x40xi32, #tpu.memory_space<vmem>> -> memref<1x40xi32, #tpu.memory_space<vmem>>
      %dma_start3A_47 = tpu.memref_squeeze %dma_start3A_46 : memref<1x40xi32, #tpu.memory_space<vmem>> -> memref<40xi32, #tpu.memory_space<vmem>>
      %dma_start3A_48 = arith.constant 0 : i32
      %dma_start3A_49 = arith.constant 0 : i32
      %dma_start3A_50 = tpu.memref_slice %arg2[%dma_start3A_48, %dma_start3A_49] : memref<10000x128xf32, #tpu.memory_space<hbm>> -> memref<10000x128xf32, #tpu.memory_space<hbm>>
      tpu.enqueue_indirect_dma source(%dma_start3A_50 : memref<10000x128xf32, #tpu.memory_space<hbm>>) target(%arg9 : memref<40x128xf32, #tpu.memory_space<vmem>>) offsets(%dma_start3A_47 : memref<40xi32, #tpu.memory_space<vmem>>) semaphore(%arg18 : memref<!tpu.dma_semaphore, #tpu.memory_space<semaphore_mem>>) {add = true}
      %scan3A_51 = arith.constant 0 : i32
      %scan3A_52 = arith.constant 0 : i32
      %scan3A_53 = arith.constant 25 : i32
      %scan3A_54 = arith.addi %scan3A_52, %scan3A_53 : i32
      %scan3A_55 = arith.constant 1 : i32
      scf.for %scan3A_71 = %scan3A_52 to %scan3A_54 step %scan3A_55  : i32 {
        %mul3A_72 = arith.constant 4 : i32
        %mul3A_73 = arith.muli %scan3A_71, %mul3A_72 : i32
        %ge3A = arith.constant 1 : i32
        %ge3A_74 = arith.cmpi sge, %scan3A_71, %ge3A : i32
        %convert_element_type3A = arith.extui %ge3A_74 : i1 to i32
        %cond3A = arith.constant 0 : i32
        %cond3A_75 = arith.cmpi ne, %convert_element_type3A, %cond3A : i32
        scf.if %cond3A_75 {
          %sub3A = arith.constant 2 : i32
          %sub3A_257 = arith.subi %mul3A_73, %sub3A : i32
          %dma_wait3A_258 = arith.constant 0 : i32
          %dma_wait3A_259 = tpu.memref_slice %arg8[%sub3A_257, %dma_wait3A_258] : memref<100x40xi32, #tpu.memory_space<vmem>> -> memref<1x40xi32, #tpu.memory_space<vmem>>
          %dma_wait3A_260 = tpu.memref_squeeze %dma_wait3A_259 : memref<1x40xi32, #tpu.memory_space<vmem>> -> memref<40xi32, #tpu.memory_space<vmem>>
          %dma_wait3A_261 = arith.constant 0 : i32
          %dma_wait3A_262 = arith.constant 0 : i32
          %dma_wait3A_263 = tpu.memref_slice %arg13[%dma_wait3A_261, %dma_wait3A_262] : memref<10000x128xf32, #tpu.memory_space<vmem_shared>> -> memref<10000x128xf32, #tpu.memory_space<vmem_shared>>
          tpu.wait_indirect_dma semaphore(%arg24 : memref<!tpu.dma_semaphore, #tpu.memory_space<semaphore_mem>>) src(%arg11 : memref<40x128xf32, #tpu.memory_space<vmem>>) dst(%dma_wait3A_263 : memref<10000x128xf32, #tpu.memory_space<vmem_shared>>)
        } else {
        }
        %add3A_76 = arith.constant 2 : i32
        %add3A_77 = arith.addi %mul3A_73, %add3A_76 : i32
        %mul3A_78 = arith.constant 40 : i32
        %mul3A_79 = arith.muli %add3A_77, %mul3A_78 : i32
        %add3A_80 = arith.addi %add3A_27, %mul3A_79 : i32
        %dma_start3A_81 = arith.constant 0 : i32
        %dma_start3A_82 = tpu.memref_slice %arg5[%add3A_80, %dma_start3A_81] : memref<320000x128xf32, #tpu.memory_space<hbm>> -> memref<40x128xf32, #tpu.memory_space<hbm>>
        %dma_start3A_83 = arith.constant 0 : i32
        %dma_start3A_84 = tpu.memref_slice %arg5[%add3A_80, %dma_start3A_83] : memref<320000x128xf32, #tpu.memory_space<hbm>> -> memref<40x128xf32, #tpu.memory_space<hbm>>
        tpu.enqueue_dma source(%dma_start3A_84 : memref<40x128xf32, #tpu.memory_space<hbm>>) target(%arg11 : memref<40x128xf32, #tpu.memory_space<vmem>>) target_semaphore(%arg16 : memref<!tpu.dma_semaphore, #tpu.memory_space<semaphore_mem>>)
        %add3A_85 = arith.constant 1 : i32
        %add3A_86 = arith.addi %mul3A_73, %add3A_85 : i32
        %mul3A_87 = arith.constant 40 : i32
        %mul3A_88 = arith.muli %add3A_86, %mul3A_87 : i32
        %add3A_89 = arith.addi %add3A_27, %mul3A_88 : i32
        %dma_wait3A_90 = arith.constant 0 : i32
        %dma_wait3A_91 = tpu.memref_slice %arg5[%add3A_89, %dma_wait3A_90] : memref<320000x128xf32, #tpu.memory_space<hbm>> -> memref<40x128xf32, #tpu.memory_space<hbm>>
        %dma_wait3A_92 = arith.constant 0 : i32
        %dma_wait3A_93 = tpu.memref_slice %arg5[%add3A_89, %dma_wait3A_92] : memref<320000x128xf32, #tpu.memory_space<hbm>> -> memref<40x128xf32, #tpu.memory_space<hbm>>
        tpu.wait_dma2 semaphore(%arg15 : memref<!tpu.dma_semaphore, #tpu.memory_space<semaphore_mem>>) src(%dma_wait3A_93 : memref<40x128xf32, #tpu.memory_space<hbm>>) dst(%arg10 : memref<40x128xf32, #tpu.memory_space<vmem>>)
        %add3A_94 = arith.constant 1 : i32
        %add3A_95 = arith.addi %mul3A_73, %add3A_94 : i32
        %dma_start3A_96 = arith.constant 0 : i32
        %dma_start3A_97 = tpu.memref_slice %arg7[%add3A_95, %dma_start3A_96] : memref<100x40xi32, #tpu.memory_space<vmem>> -> memref<1x40xi32, #tpu.memory_space<vmem>>
        %dma_start3A_98 = tpu.memref_squeeze %dma_start3A_97 : memref<1x40xi32, #tpu.memory_space<vmem>> -> memref<40xi32, #tpu.memory_space<vmem>>
        %dma_start3A_99 = arith.constant 0 : i32
        %dma_start3A_100 = arith.constant 0 : i32
        %dma_start3A_101 = tpu.memref_slice %arg2[%dma_start3A_99, %dma_start3A_100] : memref<10000x128xf32, #tpu.memory_space<hbm>> -> memref<10000x128xf32, #tpu.memory_space<hbm>>
        tpu.enqueue_indirect_dma source(%dma_start3A_101 : memref<10000x128xf32, #tpu.memory_space<hbm>>) target(%arg10 : memref<40x128xf32, #tpu.memory_space<vmem>>) offsets(%dma_start3A_98 : memref<40xi32, #tpu.memory_space<vmem>>) semaphore(%arg19 : memref<!tpu.dma_semaphore, #tpu.memory_space<semaphore_mem>>) {add = true}
        %dma_wait3A_102 = arith.constant 0 : i32
        %dma_wait3A_103 = tpu.memref_slice %arg7[%mul3A_73, %dma_wait3A_102] : memref<100x40xi32, #tpu.memory_space<vmem>> -> memref<1x40xi32, #tpu.memory_space<vmem>>
        %dma_wait3A_104 = tpu.memref_squeeze %dma_wait3A_103 : memref<1x40xi32, #tpu.memory_space<vmem>> -> memref<40xi32, #tpu.memory_space<vmem>>
        %dma_wait3A_105 = arith.constant 0 : i32
        %dma_wait3A_106 = arith.constant 0 : i32
        %dma_wait3A_107 = tpu.memref_slice %arg2[%dma_wait3A_105, %dma_wait3A_106] : memref<10000x128xf32, #tpu.memory_space<hbm>> -> memref<10000x128xf32, #tpu.memory_space<hbm>>
        tpu.wait_indirect_dma semaphore(%arg18 : memref<!tpu.dma_semaphore, #tpu.memory_space<semaphore_mem>>) src(%dma_wait3A_107 : memref<10000x128xf32, #tpu.memory_space<hbm>>) dst(%arg9 : memref<40x128xf32, #tpu.memory_space<vmem>>)
        %scan3A_108 = arith.constant 0 : i32
        %scan3A_109 = arith.constant 0 : i32
        %scan3A_110 = arith.constant 40 : i32
        %scan3A_111 = arith.addi %scan3A_109, %scan3A_110 : i32
        %scan3A_112 = arith.constant 1 : i32
        scf.for %scan3A_257 = %scan3A_109 to %scan3A_111 step %scan3A_112  : i32 {
          %get3A = arith.index_cast %scan3A_257 : i32 to index
          %get3A_258 = arith.constant 0 : index
          %get3A_259 = tpu.vector_load %arg9[%get3A, %get3A_258] {strides = array<i32>} : memref<40x128xf32, #tpu.memory_space<vmem>>, vector<1x16xf32>,
          %get3A_260 = vector.shape_cast %get3A_259 : vector<1x16xf32> to vector<16xf32>
          %max3A = arith.constant 0.000000e+00 : f32
          %max3A_261 = vector.broadcast %max3A : f32 to vector<16xf32>
          %max3A_262 = arith.maximumf %get3A_260, %max3A_261 : vector<16xf32>
          %swap3A = arith.index_cast %scan3A_257 : i32 to index
          %swap3A_263 = arith.constant 0 : index
          %swap3A_264 = tpu.vector_load %arg9[%swap3A, %swap3A_263] {strides = array<i32>} : memref<40x128xf32, #tpu.memory_space<vmem>>, vector<1x16xf32>,
          %swap3A_265 = vector.shape_cast %swap3A_264 : vector<1x16xf32> to vector<16xf32>
          %swap3A_266 = vector.shape_cast %max3A_262 : vector<16xf32> to vector<1x16xf32>
          tpu.vector_store %arg9[%swap3A, %swap3A_263], %swap3A_266 {strides = array<i32>} : memref<40x128xf32, #tpu.memory_space<vmem>>, vector<1x16xf32>,
          %get3A_267 = arith.index_cast %scan3A_257 : i32 to index
          %get3A_268 = arith.constant 16 : index
          %get3A_269 = tpu.vector_load %arg9[%get3A_267, %get3A_268] {strides = array<i32>} : memref<40x128xf32, #tpu.memory_space<vmem>>, vector<1x16xf32>,
          %get3A_270 = vector.shape_cast %get3A_269 : vector<1x16xf32> to vector<16xf32>
          %max3A_271 = arith.constant 0.000000e+00 : f32
          %max3A_272 = vector.broadcast %max3A_271 : f32 to vector<16xf32>
          %max3A_273 = arith.maximumf %get3A_270, %max3A_272 : vector<16xf32>
          %swap3A_274 = arith.index_cast %scan3A_257 : i32 to index
          %swap3A_275 = arith.constant 16 : index
          %swap3A_276 = tpu.vector_load %arg9[%swap3A_274, %swap3A_275] {strides = array<i32>} : memref<40x128xf32, #tpu.memory_space<vmem>>, vector<1x16xf32>,
          %swap3A_277 = vector.shape_cast %swap3A_276 : vector<1x16xf32> to vector<16xf32>
          %swap3A_278 = vector.shape_cast %max3A_273 : vector<16xf32> to vector<1x16xf32>
          tpu.vector_store %arg9[%swap3A_274, %swap3A_275], %swap3A_278 {strides = array<i32>} : memref<40x128xf32, #tpu.memory_space<vmem>>, vector<1x16xf32>,
          %get3A_279 = arith.index_cast %scan3A_257 : i32 to index
          %get3A_280 = arith.constant 32 : index
          %get3A_281 = tpu.vector_load %arg9[%get3A_279, %get3A_280] {strides = array<i32>} : memref<40x128xf32, #tpu.memory_space<vmem>>, vector<1x16xf32>,
          %get3A_282 = vector.shape_cast %get3A_281 : vector<1x16xf32> to vector<16xf32>
          %max3A_283 = arith.constant 0.000000e+00 : f32
          %max3A_284 = vector.broadcast %max3A_283 : f32 to vector<16xf32>
          %max3A_285 = arith.maximumf %get3A_282, %max3A_284 : vector<16xf32>
          %swap3A_286 = arith.index_cast %scan3A_257 : i32 to index
          %swap3A_287 = arith.constant 32 : index
          %swap3A_288 = tpu.vector_load %arg9[%swap3A_286, %swap3A_287] {strides = array<i32>} : memref<40x128xf32, #tpu.memory_space<vmem>>, vector<1x16xf32>,
          %swap3A_289 = vector.shape_cast %swap3A_288 : vector<1x16xf32> to vector<16xf32>
          %swap3A_290 = vector.shape_cast %max3A_285 : vector<16xf32> to vector<1x16xf32>
          tpu.vector_store %arg9[%swap3A_286, %swap3A_287], %swap3A_290 {strides = array<i32>} : memref<40x128xf32, #tpu.memory_space<vmem>>, vector<1x16xf32>,
          %get3A_291 = arith.index_cast %scan3A_257 : i32 to index
          %get3A_292 = arith.constant 48 : index
          %get3A_293 = tpu.vector_load %arg9[%get3A_291, %get3A_292] {strides = array<i32>} : memref<40x128xf32, #tpu.memory_space<vmem>>, vector<1x16xf32>,
          %get3A_294 = vector.shape_cast %get3A_293 : vector<1x16xf32> to vector<16xf32>
          %max3A_295 = arith.constant 0.000000e+00 : f32
          %max3A_296 = vector.broadcast %max3A_295 : f32 to vector<16xf32>
          %max3A_297 = arith.maximumf %get3A_294, %max3A_296 : vector<16xf32>
          %swap3A_298 = arith.index_cast %scan3A_257 : i32 to index
          %swap3A_299 = arith.constant 48 : index
          %swap3A_300 = tpu.vector_load %arg9[%swap3A_298, %swap3A_299] {strides = array<i32>} : memref<40x128xf32, #tpu.memory_space<vmem>>, vector<1x16xf32>,
          %swap3A_301 = vector.shape_cast %swap3A_300 : vector<1x16xf32> to vector<16xf32>
          %swap3A_302 = vector.shape_cast %max3A_297 : vector<16xf32> to vector<1x16xf32>
          tpu.vector_store %arg9[%swap3A_298, %swap3A_299], %swap3A_302 {strides = array<i32>} : memref<40x128xf32, #tpu.memory_space<vmem>>, vector<1x16xf32>,
          %get3A_303 = arith.index_cast %scan3A_257 : i32 to index
          %get3A_304 = arith.constant 64 : index
          %get3A_305 = tpu.vector_load %arg9[%get3A_303, %get3A_304] {strides = array<i32>} : memref<40x128xf32, #tpu.memory_space<vmem>>, vector<1x16xf32>,
          %get3A_306 = vector.shape_cast %get3A_305 : vector<1x16xf32> to vector<16xf32>
          %max3A_307 = arith.constant 0.000000e+00 : f32
          %max3A_308 = vector.broadcast %max3A_307 : f32 to vector<16xf32>
          %max3A_309 = arith.maximumf %get3A_306, %max3A_308 : vector<16xf32>
          %swap3A_310 = arith.index_cast %scan3A_257 : i32 to index
          %swap3A_311 = arith.constant 64 : index
          %swap3A_312 = tpu.vector_load %arg9[%swap3A_310, %swap3A_311] {strides = array<i32>} : memref<40x128xf32, #tpu.memory_space<vmem>>, vector<1x16xf32>,
          %swap3A_313 = vector.shape_cast %swap3A_312 : vector<1x16xf32> to vector<16xf32>
          %swap3A_314 = vector.shape_cast %max3A_309 : vector<16xf32> to vector<1x16xf32>
          tpu.vector_store %arg9[%swap3A_310, %swap3A_311], %swap3A_314 {strides = array<i32>} : memref<40x128xf32, #tpu.memory_space<vmem>>, vector<1x16xf32>,
          %get3A_315 = arith.index_cast %scan3A_257 : i32 to index
          %get3A_316 = arith.constant 80 : index
          %get3A_317 = tpu.vector_load %arg9[%get3A_315, %get3A_316] {strides = array<i32>} : memref<40x128xf32, #tpu.memory_space<vmem>>, vector<1x16xf32>,
          %get3A_318 = vector.shape_cast %get3A_317 : vector<1x16xf32> to vector<16xf32>
          %max3A_319 = arith.constant 0.000000e+00 : f32
          %max3A_320 = vector.broadcast %max3A_319 : f32 to vector<16xf32>
          %max3A_321 = arith.maximumf %get3A_318, %max3A_320 : vector<16xf32>
          %swap3A_322 = arith.index_cast %scan3A_257 : i32 to index
          %swap3A_323 = arith.constant 80 : index
          %swap3A_324 = tpu.vector_load %arg9[%swap3A_322, %swap3A_323] {strides = array<i32>} : memref<40x128xf32, #tpu.memory_space<vmem>>, vector<1x16xf32>,
          %swap3A_325 = vector.shape_cast %swap3A_324 : vector<1x16xf32> to vector<16xf32>
          %swap3A_326 = vector.shape_cast %max3A_321 : vector<16xf32> to vector<1x16xf32>
          tpu.vector_store %arg9[%swap3A_322, %swap3A_323], %swap3A_326 {strides = array<i32>} : memref<40x128xf32, #tpu.memory_space<vmem>>, vector<1x16xf32>,
          %get3A_327 = arith.index_cast %scan3A_257 : i32 to index
          %get3A_328 = arith.constant 96 : index
          %get3A_329 = tpu.vector_load %arg9[%get3A_327, %get3A_328] {strides = array<i32>} : memref<40x128xf32, #tpu.memory_space<vmem>>, vector<1x16xf32>,
          %get3A_330 = vector.shape_cast %get3A_329 : vector<1x16xf32> to vector<16xf32>
          %max3A_331 = arith.constant 0.000000e+00 : f32
          %max3A_332 = vector.broadcast %max3A_331 : f32 to vector<16xf32>
          %max3A_333 = arith.maximumf %get3A_330, %max3A_332 : vector<16xf32>
          %swap3A_334 = arith.index_cast %scan3A_257 : i32 to index
          %swap3A_335 = arith.constant 96 : index
          %swap3A_336 = tpu.vector_load %arg9[%swap3A_334, %swap3A_335] {strides = array<i32>} : memref<40x128xf32, #tpu.memory_space<vmem>>, vector<1x16xf32>,
          %swap3A_337 = vector.shape_cast %swap3A_336 : vector<1x16xf32> to vector<16xf32>
          %swap3A_338 = vector.shape_cast %max3A_333 : vector<16xf32> to vector<1x16xf32>
          tpu.vector_store %arg9[%swap3A_334, %swap3A_335], %swap3A_338 {strides = array<i32>} : memref<40x128xf32, #tpu.memory_space<vmem>>, vector<1x16xf32>,
          %get3A_339 = arith.index_cast %scan3A_257 : i32 to index
          %get3A_340 = arith.constant 112 : index
          %get3A_341 = tpu.vector_load %arg9[%get3A_339, %get3A_340] {strides = array<i32>} : memref<40x128xf32, #tpu.memory_space<vmem>>, vector<1x16xf32>,
          %get3A_342 = vector.shape_cast %get3A_341 : vector<1x16xf32> to vector<16xf32>
          %max3A_343 = arith.constant 0.000000e+00 : f32
          %max3A_344 = vector.broadcast %max3A_343 : f32 to vector<16xf32>
          %max3A_345 = arith.maximumf %get3A_342, %max3A_344 : vector<16xf32>
          %swap3A_346 = arith.index_cast %scan3A_257 : i32 to index
          %swap3A_347 = arith.constant 112 : index
          %swap3A_348 = tpu.vector_load %arg9[%swap3A_346, %swap3A_347] {strides = array<i32>} : memref<40x128xf32, #tpu.memory_space<vmem>>, vector<1x16xf32>,
          %swap3A_349 = vector.shape_cast %swap3A_348 : vector<1x16xf32> to vector<16xf32>
          %swap3A_350 = vector.shape_cast %max3A_345 : vector<16xf32> to vector<1x16xf32>
          tpu.vector_store %arg9[%swap3A_346, %swap3A_347], %swap3A_350 {strides = array<i32>} : memref<40x128xf32, #tpu.memory_space<vmem>>, vector<1x16xf32>,
        }
        %scan3A_113 = arith.constant 40 : i32
        %dma_start3A_114 = arith.constant 0 : i32
        %dma_start3A_115 = tpu.memref_slice %arg8[%mul3A_73, %dma_start3A_114] : memref<100x40xi32, #tpu.memory_space<vmem>> -> memref<1x40xi32, #tpu.memory_space<vmem>>
        %dma_start3A_116 = tpu.memref_squeeze %dma_start3A_115 : memref<1x40xi32, #tpu.memory_space<vmem>> -> memref<40xi32, #tpu.memory_space<vmem>>
        %dma_start3A_117 = arith.constant 0 : i32
        %dma_start3A_118 = arith.constant 0 : i32
        %dma_start3A_119 = tpu.memref_slice %arg13[%dma_start3A_117, %dma_start3A_118] : memref<10000x128xf32, #tpu.memory_space<vmem_shared>> -> memref<10000x128xf32, #tpu.memory_space<vmem_shared>>
        tpu.enqueue_indirect_dma source(%arg9 : memref<40x128xf32, #tpu.memory_space<vmem>>) target(%dma_start3A_119 : memref<10000x128xf32, #tpu.memory_space<vmem_shared>>) offsets(%dma_start3A_116 : memref<40xi32, #tpu.memory_space<vmem>>) semaphore(%arg22 : memref<!tpu.dma_semaphore, #tpu.memory_space<semaphore_mem>>) {add = true}
        %ge3A_120 = arith.constant 1 : i32
        %ge3A_121 = arith.cmpi sge, %scan3A_71, %ge3A_120 : i32
        %convert_element_type3A_122 = arith.extui %ge3A_121 : i1 to i32
        %cond3A_123 = arith.constant 0 : i32
        %cond3A_124 = arith.cmpi ne, %convert_element_type3A_122, %cond3A_123 : i32
        scf.if %cond3A_124 {
          %sub3A = arith.constant 1 : i32
          %sub3A_257 = arith.subi %mul3A_73, %sub3A : i32
          %dma_wait3A_258 = arith.constant 0 : i32
          %dma_wait3A_259 = tpu.memref_slice %arg8[%sub3A_257, %dma_wait3A_258] : memref<100x40xi32, #tpu.memory_space<vmem>> -> memref<1x40xi32, #tpu.memory_space<vmem>>
          %dma_wait3A_260 = tpu.memref_squeeze %dma_wait3A_259 : memref<1x40xi32, #tpu.memory_space<vmem>> -> memref<40xi32, #tpu.memory_space<vmem>>
          %dma_wait3A_261 = arith.constant 0 : i32
          %dma_wait3A_262 = arith.constant 0 : i32
          %dma_wait3A_263 = tpu.memref_slice %arg13[%dma_wait3A_261, %dma_wait3A_262] : memref<10000x128xf32, #tpu.memory_space<vmem_shared>> -> memref<10000x128xf32, #tpu.memory_space<vmem_shared>>
          tpu.wait_indirect_dma semaphore(%arg25 : memref<!tpu.dma_semaphore, #tpu.memory_space<semaphore_mem>>) src(%arg12 : memref<40x128xf32, #tpu.memory_space<vmem>>) dst(%dma_wait3A_263 : memref<10000x128xf32, #tpu.memory_space<vmem_shared>>)
        } else {
        }
        %add3A_125 = arith.constant 3 : i32
        %add3A_126 = arith.addi %mul3A_73, %add3A_125 : i32
        %mul3A_127 = arith.constant 40 : i32
        %mul3A_128 = arith.muli %add3A_126, %mul3A_127 : i32
        %add3A_129 = arith.addi %add3A_27, %mul3A_128 : i32
        %dma_start3A_130 = arith.constant 0 : i32
        %dma_start3A_131 = tpu.memref_slice %arg5[%add3A_129, %dma_start3A_130] : memref<320000x128xf32, #tpu.memory_space<hbm>> -> memref<40x128xf32, #tpu.memory_space<hbm>>
        %dma_start3A_132 = arith.constant 0 : i32
        %dma_start3A_133 = tpu.memref_slice %arg5[%add3A_129, %dma_start3A_132] : memref<320000x128xf32, #tpu.memory_space<hbm>> -> memref<40x128xf32, #tpu.memory_space<hbm>>
        tpu.enqueue_dma source(%dma_start3A_133 : memref<40x128xf32, #tpu.memory_space<hbm>>) target(%arg12 : memref<40x128xf32, #tpu.memory_space<vmem>>) target_semaphore(%arg17 : memref<!tpu.dma_semaphore, #tpu.memory_space<semaphore_mem>>)
        %add3A_134 = arith.constant 2 : i32
        %add3A_135 = arith.addi %mul3A_73, %add3A_134 : i32
        %mul3A_136 = arith.constant 40 : i32
        %mul3A_137 = arith.muli %add3A_135, %mul3A_136 : i32
        %add3A_138 = arith.addi %add3A_27, %mul3A_137 : i32
        %dma_wait3A_139 = arith.constant 0 : i32
        %dma_wait3A_140 = tpu.memref_slice %arg5[%add3A_138, %dma_wait3A_139] : memref<320000x128xf32, #tpu.memory_space<hbm>> -> memref<40x128xf32, #tpu.memory_space<hbm>>
        %dma_wait3A_141 = arith.constant 0 : i32
        %dma_wait3A_142 = tpu.memref_slice %arg5[%add3A_138, %dma_wait3A_141] : memref<320000x128xf32, #tpu.memory_space<hbm>> -> memref<40x128xf32, #tpu.memory_space<hbm>>
        tpu.wait_dma2 semaphore(%arg16 : memref<!tpu.dma_semaphore, #tpu.memory_space<semaphore_mem>>) src(%dma_wait3A_142 : memref<40x128xf32, #tpu.memory_space<hbm>>) dst(%arg11 : memref<40x128xf32, #tpu.memory_space<vmem>>)
        %add3A_143 = arith.constant 2 : i32
        %add3A_144 = arith.addi %mul3A_73, %add3A_143 : i32
        %dma_start3A_145 = arith.constant 0 : i32
        %dma_start3A_146 = tpu.memref_slice %arg7[%add3A_144, %dma_start3A_145] : memref<100x40xi32, #tpu.memory_space<vmem>> -> memref<1x40xi32, #tpu.memory_space<vmem>>
        %dma_start3A_147 = tpu.memref_squeeze %dma_start3A_146 : memref<1x40xi32, #tpu.memory_space<vmem>> -> memref<40xi32, #tpu.memory_space<vmem>>
        %dma_start3A_148 = arith.constant 0 : i32
        %dma_start3A_149 = arith.constant 0 : i32
        %dma_start3A_150 = tpu.memref_slice %arg2[%dma_start3A_148, %dma_start3A_149] : memref<10000x128xf32, #tpu.memory_space<hbm>> -> memref<10000x128xf32, #tpu.memory_space<hbm>>
        tpu.enqueue_indirect_dma source(%dma_start3A_150 : memref<10000x128xf32, #tpu.memory_space<hbm>>) target(%arg11 : memref<40x128xf32, #tpu.memory_space<vmem>>) offsets(%dma_start3A_147 : memref<40xi32, #tpu.memory_space<vmem>>) semaphore(%arg20 : memref<!tpu.dma_semaphore, #tpu.memory_space<semaphore_mem>>) {add = true}
        %add3A_151 = arith.constant 1 : i32
        %add3A_152 = arith.addi %mul3A_73, %add3A_151 : i32
        %dma_wait3A_153 = arith.constant 0 : i32
        %dma_wait3A_154 = tpu.memref_slice %arg7[%add3A_152, %dma_wait3A_153] : memref<100x40xi32, #tpu.memory_space<vmem>> -> memref<1x40xi32, #tpu.memory_space<vmem>>
        %dma_wait3A_155 = tpu.memref_squeeze %dma_wait3A_154 : memref<1x40xi32, #tpu.memory_space<vmem>> -> memref<40xi32, #tpu.memory_space<vmem>>
        %dma_wait3A_156 = arith.constant 0 : i32
        %dma_wait3A_157 = arith.constant 0 : i32
        %dma_wait3A_158 = tpu.memref_slice %arg2[%dma_wait3A_156, %dma_wait3A_157] : memref<10000x128xf32, #tpu.memory_space<hbm>> -> memref<10000x128xf32, #tpu.memory_space<hbm>>
        tpu.wait_indirect_dma semaphore(%arg19 : memref<!tpu.dma_semaphore, #tpu.memory_space<semaphore_mem>>) src(%dma_wait3A_158 : memref<10000x128xf32, #tpu.memory_space<hbm>>) dst(%arg10 : memref<40x128xf32, #tpu.memory_space<vmem>>)
        %scan3A_159 = arith.constant 0 : i32
        %scan3A_160 = arith.constant 0 : i32
        %scan3A_161 = arith.constant 40 : i32
        %scan3A_162 = arith.addi %scan3A_160, %scan3A_161 : i32
        %scan3A_163 = arith.constant 1 : i32
        scf.for %scan3A_257 = %scan3A_160 to %scan3A_162 step %scan3A_163  : i32 {
          %get3A = arith.index_cast %scan3A_257 : i32 to index
          %get3A_258 = arith.constant 0 : index
          %get3A_259 = tpu.vector_load %arg10[%get3A, %get3A_258] {strides = array<i32>} : memref<40x128xf32, #tpu.memory_space<vmem>>, vector<1x16xf32>,
          %get3A_260 = vector.shape_cast %get3A_259 : vector<1x16xf32> to vector<16xf32>
          %max3A = arith.constant 0.000000e+00 : f32
          %max3A_261 = vector.broadcast %max3A : f32 to vector<16xf32>
          %max3A_262 = arith.maximumf %get3A_260, %max3A_261 : vector<16xf32>
          %swap3A = arith.index_cast %scan3A_257 : i32 to index
          %swap3A_263 = arith.constant 0 : index
          %swap3A_264 = tpu.vector_load %arg10[%swap3A, %swap3A_263] {strides = array<i32>} : memref<40x128xf32, #tpu.memory_space<vmem>>, vector<1x16xf32>,
          %swap3A_265 = vector.shape_cast %swap3A_264 : vector<1x16xf32> to vector<16xf32>
          %swap3A_266 = vector.shape_cast %max3A_262 : vector<16xf32> to vector<1x16xf32>
          tpu.vector_store %arg10[%swap3A, %swap3A_263], %swap3A_266 {strides = array<i32>} : memref<40x128xf32, #tpu.memory_space<vmem>>, vector<1x16xf32>,
          %get3A_267 = arith.index_cast %scan3A_257 : i32 to index
          %get3A_268 = arith.constant 16 : index
          %get3A_269 = tpu.vector_load %arg10[%get3A_267, %get3A_268] {strides = array<i32>} : memref<40x128xf32, #tpu.memory_space<vmem>>, vector<1x16xf32>,
          %get3A_270 = vector.shape_cast %get3A_269 : vector<1x16xf32> to vector<16xf32>
          %max3A_271 = arith.constant 0.000000e+00 : f32
          %max3A_272 = vector.broadcast %max3A_271 : f32 to vector<16xf32>
          %max3A_273 = arith.maximumf %get3A_270, %max3A_272 : vector<16xf32>
          %swap3A_274 = arith.index_cast %scan3A_257 : i32 to index
          %swap3A_275 = arith.constant 16 : index
          %swap3A_276 = tpu.vector_load %arg10[%swap3A_274, %swap3A_275] {strides = array<i32>} : memref<40x128xf32, #tpu.memory_space<vmem>>, vector<1x16xf32>,
          %swap3A_277 = vector.shape_cast %swap3A_276 : vector<1x16xf32> to vector<16xf32>
          %swap3A_278 = vector.shape_cast %max3A_273 : vector<16xf32> to vector<1x16xf32>
          tpu.vector_store %arg10[%swap3A_274, %swap3A_275], %swap3A_278 {strides = array<i32>} : memref<40x128xf32, #tpu.memory_space<vmem>>, vector<1x16xf32>,
          %get3A_279 = arith.index_cast %scan3A_257 : i32 to index
          %get3A_280 = arith.constant 32 : index
          %get3A_281 = tpu.vector_load %arg10[%get3A_279, %get3A_280] {strides = array<i32>} : memref<40x128xf32, #tpu.memory_space<vmem>>, vector<1x16xf32>,
          %get3A_282 = vector.shape_cast %get3A_281 : vector<1x16xf32> to vector<16xf32>
          %max3A_283 = arith.constant 0.000000e+00 : f32
          %max3A_284 = vector.broadcast %max3A_283 : f32 to vector<16xf32>
          %max3A_285 = arith.maximumf %get3A_282, %max3A_284 : vector<16xf32>
          %swap3A_286 = arith.index_cast %scan3A_257 : i32 to index
          %swap3A_287 = arith.constant 32 : index
          %swap3A_288 = tpu.vector_load %arg10[%swap3A_286, %swap3A_287] {strides = array<i32>} : memref<40x128xf32, #tpu.memory_space<vmem>>, vector<1x16xf32>,
          %swap3A_289 = vector.shape_cast %swap3A_288 : vector<1x16xf32> to vector<16xf32>
          %swap3A_290 = vector.shape_cast %max3A_285 : vector<16xf32> to vector<1x16xf32>
          tpu.vector_store %arg10[%swap3A_286, %swap3A_287], %swap3A_290 {strides = array<i32>} : memref<40x128xf32, #tpu.memory_space<vmem>>, vector<1x16xf32>,
          %get3A_291 = arith.index_cast %scan3A_257 : i32 to index
          %get3A_292 = arith.constant 48 : index
          %get3A_293 = tpu.vector_load %arg10[%get3A_291, %get3A_292] {strides = array<i32>} : memref<40x128xf32, #tpu.memory_space<vmem>>, vector<1x16xf32>,
          %get3A_294 = vector.shape_cast %get3A_293 : vector<1x16xf32> to vector<16xf32>
          %max3A_295 = arith.constant 0.000000e+00 : f32
          %max3A_296 = vector.broadcast %max3A_295 : f32 to vector<16xf32>
          %max3A_297 = arith.maximumf %get3A_294, %max3A_296 : vector<16xf32>
          %swap3A_298 = arith.index_cast %scan3A_257 : i32 to index
          %swap3A_299 = arith.constant 48 : index
          %swap3A_300 = tpu.vector_load %arg10[%swap3A_298, %swap3A_299] {strides = array<i32>} : memref<40x128xf32, #tpu.memory_space<vmem>>, vector<1x16xf32>,
          %swap3A_301 = vector.shape_cast %swap3A_300 : vector<1x16xf32> to vector<16xf32>
          %swap3A_302 = vector.shape_cast %max3A_297 : vector<16xf32> to vector<1x16xf32>
          tpu.vector_store %arg10[%swap3A_298, %swap3A_299], %swap3A_302 {strides = array<i32>} : memref<40x128xf32, #tpu.memory_space<vmem>>, vector<1x16xf32>,
          %get3A_303 = arith.index_cast %scan3A_257 : i32 to index
          %get3A_304 = arith.constant 64 : index
          %get3A_305 = tpu.vector_load %arg10[%get3A_303, %get3A_304] {strides = array<i32>} : memref<40x128xf32, #tpu.memory_space<vmem>>, vector<1x16xf32>,
          %get3A_306 = vector.shape_cast %get3A_305 : vector<1x16xf32> to vector<16xf32>
          %max3A_307 = arith.constant 0.000000e+00 : f32
          %max3A_308 = vector.broadcast %max3A_307 : f32 to vector<16xf32>
          %max3A_309 = arith.maximumf %get3A_306, %max3A_308 : vector<16xf32>
          %swap3A_310 = arith.index_cast %scan3A_257 : i32 to index
          %swap3A_311 = arith.constant 64 : index
          %swap3A_312 = tpu.vector_load %arg10[%swap3A_310, %swap3A_311] {strides = array<i32>} : memref<40x128xf32, #tpu.memory_space<vmem>>, vector<1x16xf32>,
          %swap3A_313 = vector.shape_cast %swap3A_312 : vector<1x16xf32> to vector<16xf32>
          %swap3A_314 = vector.shape_cast %max3A_309 : vector<16xf32> to vector<1x16xf32>
          tpu.vector_store %arg10[%swap3A_310, %swap3A_311], %swap3A_314 {strides = array<i32>} : memref<40x128xf32, #tpu.memory_space<vmem>>, vector<1x16xf32>,
          %get3A_315 = arith.index_cast %scan3A_257 : i32 to index
          %get3A_316 = arith.constant 80 : index
          %get3A_317 = tpu.vector_load %arg10[%get3A_315, %get3A_316] {strides = array<i32>} : memref<40x128xf32, #tpu.memory_space<vmem>>, vector<1x16xf32>,
          %get3A_318 = vector.shape_cast %get3A_317 : vector<1x16xf32> to vector<16xf32>
          %max3A_319 = arith.constant 0.000000e+00 : f32
          %max3A_320 = vector.broadcast %max3A_319 : f32 to vector<16xf32>
          %max3A_321 = arith.maximumf %get3A_318, %max3A_320 : vector<16xf32>
          %swap3A_322 = arith.index_cast %scan3A_257 : i32 to index
          %swap3A_323 = arith.constant 80 : index
          %swap3A_324 = tpu.vector_load %arg10[%swap3A_322, %swap3A_323] {strides = array<i32>} : memref<40x128xf32, #tpu.memory_space<vmem>>, vector<1x16xf32>,
          %swap3A_325 = vector.shape_cast %swap3A_324 : vector<1x16xf32> to vector<16xf32>
          %swap3A_326 = vector.shape_cast %max3A_321 : vector<16xf32> to vector<1x16xf32>
          tpu.vector_store %arg10[%swap3A_322, %swap3A_323], %swap3A_326 {strides = array<i32>} : memref<40x128xf32, #tpu.memory_space<vmem>>, vector<1x16xf32>,
          %get3A_327 = arith.index_cast %scan3A_257 : i32 to index
          %get3A_328 = arith.constant 96 : index
          %get3A_329 = tpu.vector_load %arg10[%get3A_327, %get3A_328] {strides = array<i32>} : memref<40x128xf32, #tpu.memory_space<vmem>>, vector<1x16xf32>,
          %get3A_330 = vector.shape_cast %get3A_329 : vector<1x16xf32> to vector<16xf32>
          %max3A_331 = arith.constant 0.000000e+00 : f32
          %max3A_332 = vector.broadcast %max3A_331 : f32 to vector<16xf32>
          %max3A_333 = arith.maximumf %get3A_330, %max3A_332 : vector<16xf32>
          %swap3A_334 = arith.index_cast %scan3A_257 : i32 to index
          %swap3A_335 = arith.constant 96 : index
          %swap3A_336 = tpu.vector_load %arg10[%swap3A_334, %swap3A_335] {strides = array<i32>} : memref<40x128xf32, #tpu.memory_space<vmem>>, vector<1x16xf32>,
          %swap3A_337 = vector.shape_cast %swap3A_336 : vector<1x16xf32> to vector<16xf32>
          %swap3A_338 = vector.shape_cast %max3A_333 : vector<16xf32> to vector<1x16xf32>
          tpu.vector_store %arg10[%swap3A_334, %swap3A_335], %swap3A_338 {strides = array<i32>} : memref<40x128xf32, #tpu.memory_space<vmem>>, vector<1x16xf32>,
          %get3A_339 = arith.index_cast %scan3A_257 : i32 to index
          %get3A_340 = arith.constant 112 : index
          %get3A_341 = tpu.vector_load %arg10[%get3A_339, %get3A_340] {strides = array<i32>} : memref<40x128xf32, #tpu.memory_space<vmem>>, vector<1x16xf32>,
          %get3A_342 = vector.shape_cast %get3A_341 : vector<1x16xf32> to vector<16xf32>
          %max3A_343 = arith.constant 0.000000e+00 : f32
          %max3A_344 = vector.broadcast %max3A_343 : f32 to vector<16xf32>
          %max3A_345 = arith.maximumf %get3A_342, %max3A_344 : vector<16xf32>
          %swap3A_346 = arith.index_cast %scan3A_257 : i32 to index
          %swap3A_347 = arith.constant 112 : index
          %swap3A_348 = tpu.vector_load %arg10[%swap3A_346, %swap3A_347] {strides = array<i32>} : memref<40x128xf32, #tpu.memory_space<vmem>>, vector<1x16xf32>,
          %swap3A_349 = vector.shape_cast %swap3A_348 : vector<1x16xf32> to vector<16xf32>
          %swap3A_350 = vector.shape_cast %max3A_345 : vector<16xf32> to vector<1x16xf32>
          tpu.vector_store %arg10[%swap3A_346, %swap3A_347], %swap3A_350 {strides = array<i32>} : memref<40x128xf32, #tpu.memory_space<vmem>>, vector<1x16xf32>,
        }
        %scan3A_164 = arith.constant 40 : i32
        %add3A_165 = arith.constant 1 : i32
        %add3A_166 = arith.addi %mul3A_73, %add3A_165 : i32
        %dma_start3A_167 = arith.constant 0 : i32
        %dma_start3A_168 = tpu.memref_slice %arg8[%add3A_166, %dma_start3A_167] : memref<100x40xi32, #tpu.memory_space<vmem>> -> memref<1x40xi32, #tpu.memory_space<vmem>>
        %dma_start3A_169 = tpu.memref_squeeze %dma_start3A_168 : memref<1x40xi32, #tpu.memory_space<vmem>> -> memref<40xi32, #tpu.memory_space<vmem>>
        %dma_start3A_170 = arith.constant 0 : i32
        %dma_start3A_171 = arith.constant 0 : i32
        %dma_start3A_172 = tpu.memref_slice %arg13[%dma_start3A_170, %dma_start3A_171] : memref<10000x128xf32, #tpu.memory_space<vmem_shared>> -> memref<10000x128xf32, #tpu.memory_space<vmem_shared>>
        tpu.enqueue_indirect_dma source(%arg10 : memref<40x128xf32, #tpu.memory_space<vmem>>) target(%dma_start3A_172 : memref<10000x128xf32, #tpu.memory_space<vmem_shared>>) offsets(%dma_start3A_169 : memref<40xi32, #tpu.memory_space<vmem>>) semaphore(%arg23 : memref<!tpu.dma_semaphore, #tpu.memory_space<semaphore_mem>>) {add = true}
        %dma_wait3A_173 = arith.constant 0 : i32
        %dma_wait3A_174 = tpu.memref_slice %arg8[%mul3A_73, %dma_wait3A_173] : memref<100x40xi32, #tpu.memory_space<vmem>> -> memref<1x40xi32, #tpu.memory_space<vmem>>
        %dma_wait3A_175 = tpu.memref_squeeze %dma_wait3A_174 : memref<1x40xi32, #tpu.memory_space<vmem>> -> memref<40xi32, #tpu.memory_space<vmem>>
        %dma_wait3A_176 = arith.constant 0 : i32
        %dma_wait3A_177 = arith.constant 0 : i32
        %dma_wait3A_178 = tpu.memref_slice %arg13[%dma_wait3A_176, %dma_wait3A_177] : memref<10000x128xf32, #tpu.memory_space<vmem_shared>> -> memref<10000x128xf32, #tpu.memory_space<vmem_shared>>
        tpu.wait_indirect_dma semaphore(%arg22 : memref<!tpu.dma_semaphore, #tpu.memory_space<semaphore_mem>>) src(%arg9 : memref<40x128xf32, #tpu.memory_space<vmem>>) dst(%dma_wait3A_178 : memref<10000x128xf32, #tpu.memory_space<vmem_shared>>)
        %lt3A = arith.constant 24 : i32
        %lt3A_179 = arith.cmpi slt, %scan3A_71, %lt3A : i32
        %convert_element_type3A_180 = arith.extui %lt3A_179 : i1 to i32
        %cond3A_181 = arith.constant 0 : i32
        %cond3A_182 = arith.cmpi ne, %convert_element_type3A_180, %cond3A_181 : i32
        scf.if %cond3A_182 {
          %add3A_257 = arith.constant 4 : i32
          %add3A_258 = arith.addi %mul3A_73, %add3A_257 : i32
          %mul3A_259 = arith.constant 40 : i32
          %mul3A_260 = arith.muli %add3A_258, %mul3A_259 : i32
          %add3A_261 = arith.addi %add3A_27, %mul3A_260 : i32
          %dma_start3A_262 = arith.constant 0 : i32
          %dma_start3A_263 = tpu.memref_slice %arg5[%add3A_261, %dma_start3A_262] : memref<320000x128xf32, #tpu.memory_space<hbm>> -> memref<40x128xf32, #tpu.memory_space<hbm>>
          %dma_start3A_264 = arith.constant 0 : i32
          %dma_start3A_265 = tpu.memref_slice %arg5[%add3A_261, %dma_start3A_264] : memref<320000x128xf32, #tpu.memory_space<hbm>> -> memref<40x128xf32, #tpu.memory_space<hbm>>
          tpu.enqueue_dma source(%dma_start3A_265 : memref<40x128xf32, #tpu.memory_space<hbm>>) target(%arg9 : memref<40x128xf32, #tpu.memory_space<vmem>>) target_semaphore(%arg14 : memref<!tpu.dma_semaphore, #tpu.memory_space<semaphore_mem>>)
        } else {
        }
        %add3A_183 = arith.constant 3 : i32
        %add3A_184 = arith.addi %mul3A_73, %add3A_183 : i32
        %mul3A_185 = arith.constant 40 : i32
        %mul3A_186 = arith.muli %add3A_184, %mul3A_185 : i32
        %add3A_187 = arith.addi %add3A_27, %mul3A_186 : i32
        %dma_wait3A_188 = arith.constant 0 : i32
        %dma_wait3A_189 = tpu.memref_slice %arg5[%add3A_187, %dma_wait3A_188] : memref<320000x128xf32, #tpu.memory_space<hbm>> -> memref<40x128xf32, #tpu.memory_space<hbm>>
        %dma_wait3A_190 = arith.constant 0 : i32
        %dma_wait3A_191 = tpu.memref_slice %arg5[%add3A_187, %dma_wait3A_190] : memref<320000x128xf32, #tpu.memory_space<hbm>> -> memref<40x128xf32, #tpu.memory_space<hbm>>
        tpu.wait_dma2 semaphore(%arg17 : memref<!tpu.dma_semaphore, #tpu.memory_space<semaphore_mem>>) src(%dma_wait3A_191 : memref<40x128xf32, #tpu.memory_space<hbm>>) dst(%arg12 : memref<40x128xf32, #tpu.memory_space<vmem>>)
        %add3A_192 = arith.constant 3 : i32
        %add3A_193 = arith.addi %mul3A_73, %add3A_192 : i32
        %dma_start3A_194 = arith.constant 0 : i32
        %dma_start3A_195 = tpu.memref_slice %arg7[%add3A_193, %dma_start3A_194] : memref<100x40xi32, #tpu.memory_space<vmem>> -> memref<1x40xi32, #tpu.memory_space<vmem>>
        %dma_start3A_196 = tpu.memref_squeeze %dma_start3A_195 : memref<1x40xi32, #tpu.memory_space<vmem>> -> memref<40xi32, #tpu.memory_space<vmem>>
        %dma_start3A_197 = arith.constant 0 : i32
        %dma_start3A_198 = arith.constant 0 : i32
        %dma_start3A_199 = tpu.memref_slice %arg2[%dma_start3A_197, %dma_start3A_198] : memref<10000x128xf32, #tpu.memory_space<hbm>> -> memref<10000x128xf32, #tpu.memory_space<hbm>>
        tpu.enqueue_indirect_dma source(%dma_start3A_199 : memref<10000x128xf32, #tpu.memory_space<hbm>>) target(%arg12 : memref<40x128xf32, #tpu.memory_space<vmem>>) offsets(%dma_start3A_196 : memref<40xi32, #tpu.memory_space<vmem>>) semaphore(%arg21 : memref<!tpu.dma_semaphore, #tpu.memory_space<semaphore_mem>>) {add = true}
        %add3A_200 = arith.constant 2 : i32
        %add3A_201 = arith.addi %mul3A_73, %add3A_200 : i32
        %dma_wait3A_202 = arith.constant 0 : i32
        %dma_wait3A_203 = tpu.memref_slice %arg7[%add3A_201, %dma_wait3A_202] : memref<100x40xi32, #tpu.memory_space<vmem>> -> memref<1x40xi32, #tpu.memory_space<vmem>>
        %dma_wait3A_204 = tpu.memref_squeeze %dma_wait3A_203 : memref<1x40xi32, #tpu.memory_space<vmem>> -> memref<40xi32, #tpu.memory_space<vmem>>
        %dma_wait3A_205 = arith.constant 0 : i32
        %dma_wait3A_206 = arith.constant 0 : i32
        %dma_wait3A_207 = tpu.memref_slice %arg2[%dma_wait3A_205, %dma_wait3A_206] : memref<10000x128xf32, #tpu.memory_space<hbm>> -> memref<10000x128xf32, #tpu.memory_space<hbm>>
        tpu.wait_indirect_dma semaphore(%arg20 : memref<!tpu.dma_semaphore, #tpu.memory_space<semaphore_mem>>) src(%dma_wait3A_207 : memref<10000x128xf32, #tpu.memory_space<hbm>>) dst(%arg11 : memref<40x128xf32, #tpu.memory_space<vmem>>)
        %scan3A_208 = arith.constant 0 : i32
        %scan3A_209 = arith.constant 0 : i32
        %scan3A_210 = arith.constant 40 : i32
        %scan3A_211 = arith.addi %scan3A_209, %scan3A_210 : i32
        %scan3A_212 = arith.constant 1 : i32
        scf.for %scan3A_257 = %scan3A_209 to %scan3A_211 step %scan3A_212  : i32 {
          %get3A = arith.index_cast %scan3A_257 : i32 to index
          %get3A_258 = arith.constant 0 : index
          %get3A_259 = tpu.vector_load %arg11[%get3A, %get3A_258] {strides = array<i32>} : memref<40x128xf32, #tpu.memory_space<vmem>>, vector<1x16xf32>,
          %get3A_260 = vector.shape_cast %get3A_259 : vector<1x16xf32> to vector<16xf32>
          %max3A = arith.constant 0.000000e+00 : f32
          %max3A_261 = vector.broadcast %max3A : f32 to vector<16xf32>
          %max3A_262 = arith.maximumf %get3A_260, %max3A_261 : vector<16xf32>
          %swap3A = arith.index_cast %scan3A_257 : i32 to index
          %swap3A_263 = arith.constant 0 : index
          %swap3A_264 = tpu.vector_load %arg11[%swap3A, %swap3A_263] {strides = array<i32>} : memref<40x128xf32, #tpu.memory_space<vmem>>, vector<1x16xf32>,
          %swap3A_265 = vector.shape_cast %swap3A_264 : vector<1x16xf32> to vector<16xf32>
          %swap3A_266 = vector.shape_cast %max3A_262 : vector<16xf32> to vector<1x16xf32>
          tpu.vector_store %arg11[%swap3A, %swap3A_263], %swap3A_266 {strides = array<i32>} : memref<40x128xf32, #tpu.memory_space<vmem>>, vector<1x16xf32>,
          %get3A_267 = arith.index_cast %scan3A_257 : i32 to index
          %get3A_268 = arith.constant 16 : index
          %get3A_269 = tpu.vector_load %arg11[%get3A_267, %get3A_268] {strides = array<i32>} : memref<40x128xf32, #tpu.memory_space<vmem>>, vector<1x16xf32>,
          %get3A_270 = vector.shape_cast %get3A_269 : vector<1x16xf32> to vector<16xf32>
          %max3A_271 = arith.constant 0.000000e+00 : f32
          %max3A_272 = vector.broadcast %max3A_271 : f32 to vector<16xf32>
          %max3A_273 = arith.maximumf %get3A_270, %max3A_272 : vector<16xf32>
          %swap3A_274 = arith.index_cast %scan3A_257 : i32 to index
          %swap3A_275 = arith.constant 16 : index
          %swap3A_276 = tpu.vector_load %arg11[%swap3A_274, %swap3A_275] {strides = array<i32>} : memref<40x128xf32, #tpu.memory_space<vmem>>, vector<1x16xf32>,
          %swap3A_277 = vector.shape_cast %swap3A_276 : vector<1x16xf32> to vector<16xf32>
          %swap3A_278 = vector.shape_cast %max3A_273 : vector<16xf32> to vector<1x16xf32>
          tpu.vector_store %arg11[%swap3A_274, %swap3A_275], %swap3A_278 {strides = array<i32>} : memref<40x128xf32, #tpu.memory_space<vmem>>, vector<1x16xf32>,
          %get3A_279 = arith.index_cast %scan3A_257 : i32 to index
          %get3A_280 = arith.constant 32 : index
          %get3A_281 = tpu.vector_load %arg11[%get3A_279, %get3A_280] {strides = array<i32>} : memref<40x128xf32, #tpu.memory_space<vmem>>, vector<1x16xf32>,
          %get3A_282 = vector.shape_cast %get3A_281 : vector<1x16xf32> to vector<16xf32>
          %max3A_283 = arith.constant 0.000000e+00 : f32
          %max3A_284 = vector.broadcast %max3A_283 : f32 to vector<16xf32>
          %max3A_285 = arith.maximumf %get3A_282, %max3A_284 : vector<16xf32>
          %swap3A_286 = arith.index_cast %scan3A_257 : i32 to index
          %swap3A_287 = arith.constant 32 : index
          %swap3A_288 = tpu.vector_load %arg11[%swap3A_286, %swap3A_287] {strides = array<i32>} : memref<40x128xf32, #tpu.memory_space<vmem>>, vector<1x16xf32>,
          %swap3A_289 = vector.shape_cast %swap3A_288 : vector<1x16xf32> to vector<16xf32>
          %swap3A_290 = vector.shape_cast %max3A_285 : vector<16xf32> to vector<1x16xf32>
          tpu.vector_store %arg11[%swap3A_286, %swap3A_287], %swap3A_290 {strides = array<i32>} : memref<40x128xf32, #tpu.memory_space<vmem>>, vector<1x16xf32>,
          %get3A_291 = arith.index_cast %scan3A_257 : i32 to index
          %get3A_292 = arith.constant 48 : index
          %get3A_293 = tpu.vector_load %arg11[%get3A_291, %get3A_292] {strides = array<i32>} : memref<40x128xf32, #tpu.memory_space<vmem>>, vector<1x16xf32>,
          %get3A_294 = vector.shape_cast %get3A_293 : vector<1x16xf32> to vector<16xf32>
          %max3A_295 = arith.constant 0.000000e+00 : f32
          %max3A_296 = vector.broadcast %max3A_295 : f32 to vector<16xf32>
          %max3A_297 = arith.maximumf %get3A_294, %max3A_296 : vector<16xf32>
          %swap3A_298 = arith.index_cast %scan3A_257 : i32 to index
          %swap3A_299 = arith.constant 48 : index
          %swap3A_300 = tpu.vector_load %arg11[%swap3A_298, %swap3A_299] {strides = array<i32>} : memref<40x128xf32, #tpu.memory_space<vmem>>, vector<1x16xf32>,
          %swap3A_301 = vector.shape_cast %swap3A_300 : vector<1x16xf32> to vector<16xf32>
          %swap3A_302 = vector.shape_cast %max3A_297 : vector<16xf32> to vector<1x16xf32>
          tpu.vector_store %arg11[%swap3A_298, %swap3A_299], %swap3A_302 {strides = array<i32>} : memref<40x128xf32, #tpu.memory_space<vmem>>, vector<1x16xf32>,
          %get3A_303 = arith.index_cast %scan3A_257 : i32 to index
          %get3A_304 = arith.constant 64 : index
          %get3A_305 = tpu.vector_load %arg11[%get3A_303, %get3A_304] {strides = array<i32>} : memref<40x128xf32, #tpu.memory_space<vmem>>, vector<1x16xf32>,
          %get3A_306 = vector.shape_cast %get3A_305 : vector<1x16xf32> to vector<16xf32>
          %max3A_307 = arith.constant 0.000000e+00 : f32
          %max3A_308 = vector.broadcast %max3A_307 : f32 to vector<16xf32>
          %max3A_309 = arith.maximumf %get3A_306, %max3A_308 : vector<16xf32>
          %swap3A_310 = arith.index_cast %scan3A_257 : i32 to index
          %swap3A_311 = arith.constant 64 : index
          %swap3A_312 = tpu.vector_load %arg11[%swap3A_310, %swap3A_311] {strides = array<i32>} : memref<40x128xf32, #tpu.memory_space<vmem>>, vector<1x16xf32>,
          %swap3A_313 = vector.shape_cast %swap3A_312 : vector<1x16xf32> to vector<16xf32>
          %swap3A_314 = vector.shape_cast %max3A_309 : vector<16xf32> to vector<1x16xf32>
          tpu.vector_store %arg11[%swap3A_310, %swap3A_311], %swap3A_314 {strides = array<i32>} : memref<40x128xf32, #tpu.memory_space<vmem>>, vector<1x16xf32>,
          %get3A_315 = arith.index_cast %scan3A_257 : i32 to index
          %get3A_316 = arith.constant 80 : index
          %get3A_317 = tpu.vector_load %arg11[%get3A_315, %get3A_316] {strides = array<i32>} : memref<40x128xf32, #tpu.memory_space<vmem>>, vector<1x16xf32>,
          %get3A_318 = vector.shape_cast %get3A_317 : vector<1x16xf32> to vector<16xf32>
          %max3A_319 = arith.constant 0.000000e+00 : f32
          %max3A_320 = vector.broadcast %max3A_319 : f32 to vector<16xf32>
          %max3A_321 = arith.maximumf %get3A_318, %max3A_320 : vector<16xf32>
          %swap3A_322 = arith.index_cast %scan3A_257 : i32 to index
          %swap3A_323 = arith.constant 80 : index
          %swap3A_324 = tpu.vector_load %arg11[%swap3A_322, %swap3A_323] {strides = array<i32>} : memref<40x128xf32, #tpu.memory_space<vmem>>, vector<1x16xf32>,
          %swap3A_325 = vector.shape_cast %swap3A_324 : vector<1x16xf32> to vector<16xf32>
          %swap3A_326 = vector.shape_cast %max3A_321 : vector<16xf32> to vector<1x16xf32>
          tpu.vector_store %arg11[%swap3A_322, %swap3A_323], %swap3A_326 {strides = array<i32>} : memref<40x128xf32, #tpu.memory_space<vmem>>, vector<1x16xf32>,
          %get3A_327 = arith.index_cast %scan3A_257 : i32 to index
          %get3A_328 = arith.constant 96 : index
          %get3A_329 = tpu.vector_load %arg11[%get3A_327, %get3A_328] {strides = array<i32>} : memref<40x128xf32, #tpu.memory_space<vmem>>, vector<1x16xf32>,
          %get3A_330 = vector.shape_cast %get3A_329 : vector<1x16xf32> to vector<16xf32>
          %max3A_331 = arith.constant 0.000000e+00 : f32
          %max3A_332 = vector.broadcast %max3A_331 : f32 to vector<16xf32>
          %max3A_333 = arith.maximumf %get3A_330, %max3A_332 : vector<16xf32>
          %swap3A_334 = arith.index_cast %scan3A_257 : i32 to index
          %swap3A_335 = arith.constant 96 : index
          %swap3A_336 = tpu.vector_load %arg11[%swap3A_334, %swap3A_335] {strides = array<i32>} : memref<40x128xf32, #tpu.memory_space<vmem>>, vector<1x16xf32>,
          %swap3A_337 = vector.shape_cast %swap3A_336 : vector<1x16xf32> to vector<16xf32>
          %swap3A_338 = vector.shape_cast %max3A_333 : vector<16xf32> to vector<1x16xf32>
          tpu.vector_store %arg11[%swap3A_334, %swap3A_335], %swap3A_338 {strides = array<i32>} : memref<40x128xf32, #tpu.memory_space<vmem>>, vector<1x16xf32>,
          %get3A_339 = arith.index_cast %scan3A_257 : i32 to index
          %get3A_340 = arith.constant 112 : index
          %get3A_341 = tpu.vector_load %arg11[%get3A_339, %get3A_340] {strides = array<i32>} : memref<40x128xf32, #tpu.memory_space<vmem>>, vector<1x16xf32>,
          %get3A_342 = vector.shape_cast %get3A_341 : vector<1x16xf32> to vector<16xf32>
          %max3A_343 = arith.constant 0.000000e+00 : f32
          %max3A_344 = vector.broadcast %max3A_343 : f32 to vector<16xf32>
          %max3A_345 = arith.maximumf %get3A_342, %max3A_344 : vector<16xf32>
          %swap3A_346 = arith.index_cast %scan3A_257 : i32 to index
          %swap3A_347 = arith.constant 112 : index
          %swap3A_348 = tpu.vector_load %arg11[%swap3A_346, %swap3A_347] {strides = array<i32>} : memref<40x128xf32, #tpu.memory_space<vmem>>, vector<1x16xf32>,
          %swap3A_349 = vector.shape_cast %swap3A_348 : vector<1x16xf32> to vector<16xf32>
          %swap3A_350 = vector.shape_cast %max3A_345 : vector<16xf32> to vector<1x16xf32>
          tpu.vector_store %arg11[%swap3A_346, %swap3A_347], %swap3A_350 {strides = array<i32>} : memref<40x128xf32, #tpu.memory_space<vmem>>, vector<1x16xf32>,
        }
        %scan3A_213 = arith.constant 40 : i32
        %add3A_214 = arith.constant 2 : i32
        %add3A_215 = arith.addi %mul3A_73, %add3A_214 : i32
        %dma_start3A_216 = arith.constant 0 : i32
        %dma_start3A_217 = tpu.memref_slice %arg8[%add3A_215, %dma_start3A_216] : memref<100x40xi32, #tpu.memory_space<vmem>> -> memref<1x40xi32, #tpu.memory_space<vmem>>
        %dma_start3A_218 = tpu.memref_squeeze %dma_start3A_217 : memref<1x40xi32, #tpu.memory_space<vmem>> -> memref<40xi32, #tpu.memory_space<vmem>>
        %dma_start3A_219 = arith.constant 0 : i32
        %dma_start3A_220 = arith.constant 0 : i32
        %dma_start3A_221 = tpu.memref_slice %arg13[%dma_start3A_219, %dma_start3A_220] : memref<10000x128xf32, #tpu.memory_space<vmem_shared>> -> memref<10000x128xf32, #tpu.memory_space<vmem_shared>>
        tpu.enqueue_indirect_dma source(%arg11 : memref<40x128xf32, #tpu.memory_space<vmem>>) target(%dma_start3A_221 : memref<10000x128xf32, #tpu.memory_space<vmem_shared>>) offsets(%dma_start3A_218 : memref<40xi32, #tpu.memory_space<vmem>>) semaphore(%arg24 : memref<!tpu.dma_semaphore, #tpu.memory_space<semaphore_mem>>) {add = true}
        %add3A_222 = arith.constant 1 : i32
        %add3A_223 = arith.addi %mul3A_73, %add3A_222 : i32
        %dma_wait3A_224 = arith.constant 0 : i32
        %dma_wait3A_225 = tpu.memref_slice %arg8[%add3A_223, %dma_wait3A_224] : memref<100x40xi32, #tpu.memory_space<vmem>> -> memref<1x40xi32, #tpu.memory_space<vmem>>
        %dma_wait3A_226 = tpu.memref_squeeze %dma_wait3A_225 : memref<1x40xi32, #tpu.memory_space<vmem>> -> memref<40xi32, #tpu.memory_space<vmem>>
        %dma_wait3A_227 = arith.constant 0 : i32
        %dma_wait3A_228 = arith.constant 0 : i32
        %dma_wait3A_229 = tpu.memref_slice %arg13[%dma_wait3A_227, %dma_wait3A_228] : memref<10000x128xf32, #tpu.memory_space<vmem_shared>> -> memref<10000x128xf32, #tpu.memory_space<vmem_shared>>
        tpu.wait_indirect_dma semaphore(%arg23 : memref<!tpu.dma_semaphore, #tpu.memory_space<semaphore_mem>>) src(%arg10 : memref<40x128xf32, #tpu.memory_space<vmem>>) dst(%dma_wait3A_229 : memref<10000x128xf32, #tpu.memory_space<vmem_shared>>)
        %lt3A_230 = arith.constant 24 : i32
        %lt3A_231 = arith.cmpi slt, %scan3A_71, %lt3A_230 : i32
        %convert_element_type3A_232 = arith.extui %lt3A_231 : i1 to i32
        %cond3A_233 = arith.constant 0 : i32
        %cond3A_234 = arith.cmpi ne, %convert_element_type3A_232, %cond3A_233 : i32
        scf.if %cond3A_234 {
          %add3A_257 = arith.constant 5 : i32
          %add3A_258 = arith.addi %mul3A_73, %add3A_257 : i32
          %mul3A_259 = arith.constant 40 : i32
          %mul3A_260 = arith.muli %add3A_258, %mul3A_259 : i32
          %add3A_261 = arith.addi %add3A_27, %mul3A_260 : i32
          %dma_start3A_262 = arith.constant 0 : i32
          %dma_start3A_263 = tpu.memref_slice %arg5[%add3A_261, %dma_start3A_262] : memref<320000x128xf32, #tpu.memory_space<hbm>> -> memref<40x128xf32, #tpu.memory_space<hbm>>
          %dma_start3A_264 = arith.constant 0 : i32
          %dma_start3A_265 = tpu.memref_slice %arg5[%add3A_261, %dma_start3A_264] : memref<320000x128xf32, #tpu.memory_space<hbm>> -> memref<40x128xf32, #tpu.memory_space<hbm>>
          tpu.enqueue_dma source(%dma_start3A_265 : memref<40x128xf32, #tpu.memory_space<hbm>>) target(%arg10 : memref<40x128xf32, #tpu.memory_space<vmem>>) target_semaphore(%arg15 : memref<!tpu.dma_semaphore, #tpu.memory_space<semaphore_mem>>)
          %add3A_266 = arith.constant 4 : i32
          %add3A_267 = arith.addi %mul3A_73, %add3A_266 : i32
          %mul3A_268 = arith.constant 40 : i32
          %mul3A_269 = arith.muli %add3A_267, %mul3A_268 : i32
          %add3A_270 = arith.addi %add3A_27, %mul3A_269 : i32
          %dma_wait3A_271 = arith.constant 0 : i32
          %dma_wait3A_272 = tpu.memref_slice %arg5[%add3A_270, %dma_wait3A_271] : memref<320000x128xf32, #tpu.memory_space<hbm>> -> memref<40x128xf32, #tpu.memory_space<hbm>>
          %dma_wait3A_273 = arith.constant 0 : i32
          %dma_wait3A_274 = tpu.memref_slice %arg5[%add3A_270, %dma_wait3A_273] : memref<320000x128xf32, #tpu.memory_space<hbm>> -> memref<40x128xf32, #tpu.memory_space<hbm>>
          tpu.wait_dma2 semaphore(%arg14 : memref<!tpu.dma_semaphore, #tpu.memory_space<semaphore_mem>>) src(%dma_wait3A_274 : memref<40x128xf32, #tpu.memory_space<hbm>>) dst(%arg9 : memref<40x128xf32, #tpu.memory_space<vmem>>)
          %add3A_275 = arith.constant 4 : i32
          %add3A_276 = arith.addi %mul3A_73, %add3A_275 : i32
          %dma_start3A_277 = arith.constant 0 : i32
          %dma_start3A_278 = tpu.memref_slice %arg7[%add3A_276, %dma_start3A_277] : memref<100x40xi32, #tpu.memory_space<vmem>> -> memref<1x40xi32, #tpu.memory_space<vmem>>
          %dma_start3A_279 = tpu.memref_squeeze %dma_start3A_278 : memref<1x40xi32, #tpu.memory_space<vmem>> -> memref<40xi32, #tpu.memory_space<vmem>>
          %dma_start3A_280 = arith.constant 0 : i32
          %dma_start3A_281 = arith.constant 0 : i32
          %dma_start3A_282 = tpu.memref_slice %arg2[%dma_start3A_280, %dma_start3A_281] : memref<10000x128xf32, #tpu.memory_space<hbm>> -> memref<10000x128xf32, #tpu.memory_space<hbm>>
          tpu.enqueue_indirect_dma source(%dma_start3A_282 : memref<10000x128xf32, #tpu.memory_space<hbm>>) target(%arg9 : memref<40x128xf32, #tpu.memory_space<vmem>>) offsets(%dma_start3A_279 : memref<40xi32, #tpu.memory_space<vmem>>) semaphore(%arg18 : memref<!tpu.dma_semaphore, #tpu.memory_space<semaphore_mem>>) {add = true}
        } else {
        }
        %add3A_235 = arith.constant 3 : i32
        %add3A_236 = arith.addi %mul3A_73, %add3A_235 : i32
        %dma_wait3A_237 = arith.constant 0 : i32
        %dma_wait3A_238 = tpu.memref_slice %arg7[%add3A_236, %dma_wait3A_237] : memref<100x40xi32, #tpu.memory_space<vmem>> -> memref<1x40xi32, #tpu.memory_space<vmem>>
        %dma_wait3A_239 = tpu.memref_squeeze %dma_wait3A_238 : memref<1x40xi32, #tpu.memory_space<vmem>> -> memref<40xi32, #tpu.memory_space<vmem>>
        %dma_wait3A_240 = arith.constant 0 : i32
        %dma_wait3A_241 = arith.constant 0 : i32
        %dma_wait3A_242 = tpu.memref_slice %arg2[%dma_wait3A_240, %dma_wait3A_241] : memref<10000x128xf32, #tpu.memory_space<hbm>> -> memref<10000x128xf32, #tpu.memory_space<hbm>>
        tpu.wait_indirect_dma semaphore(%arg21 : memref<!tpu.dma_semaphore, #tpu.memory_space<semaphore_mem>>) src(%dma_wait3A_242 : memref<10000x128xf32, #tpu.memory_space<hbm>>) dst(%arg12 : memref<40x128xf32, #tpu.memory_space<vmem>>)
        %scan3A_243 = arith.constant 0 : i32
        %scan3A_244 = arith.constant 0 : i32
        %scan3A_245 = arith.constant 40 : i32
        %scan3A_246 = arith.addi %scan3A_244, %scan3A_245 : i32
        %scan3A_247 = arith.constant 1 : i32
        scf.for %scan3A_257 = %scan3A_244 to %scan3A_246 step %scan3A_247  : i32 {
          %get3A = arith.index_cast %scan3A_257 : i32 to index
          %get3A_258 = arith.constant 0 : index
          %get3A_259 = tpu.vector_load %arg12[%get3A, %get3A_258] {strides = array<i32>} : memref<40x128xf32, #tpu.memory_space<vmem>>, vector<1x16xf32>,
          %get3A_260 = vector.shape_cast %get3A_259 : vector<1x16xf32> to vector<16xf32>
          %max3A = arith.constant 0.000000e+00 : f32
          %max3A_261 = vector.broadcast %max3A : f32 to vector<16xf32>
          %max3A_262 = arith.maximumf %get3A_260, %max3A_261 : vector<16xf32>
          %swap3A = arith.index_cast %scan3A_257 : i32 to index
          %swap3A_263 = arith.constant 0 : index
          %swap3A_264 = tpu.vector_load %arg12[%swap3A, %swap3A_263] {strides = array<i32>} : memref<40x128xf32, #tpu.memory_space<vmem>>, vector<1x16xf32>,
          %swap3A_265 = vector.shape_cast %swap3A_264 : vector<1x16xf32> to vector<16xf32>
          %swap3A_266 = vector.shape_cast %max3A_262 : vector<16xf32> to vector<1x16xf32>
          tpu.vector_store %arg12[%swap3A, %swap3A_263], %swap3A_266 {strides = array<i32>} : memref<40x128xf32, #tpu.memory_space<vmem>>, vector<1x16xf32>,
          %get3A_267 = arith.index_cast %scan3A_257 : i32 to index
          %get3A_268 = arith.constant 16 : index
          %get3A_269 = tpu.vector_load %arg12[%get3A_267, %get3A_268] {strides = array<i32>} : memref<40x128xf32, #tpu.memory_space<vmem>>, vector<1x16xf32>,
          %get3A_270 = vector.shape_cast %get3A_269 : vector<1x16xf32> to vector<16xf32>
          %max3A_271 = arith.constant 0.000000e+00 : f32
          %max3A_272 = vector.broadcast %max3A_271 : f32 to vector<16xf32>
          %max3A_273 = arith.maximumf %get3A_270, %max3A_272 : vector<16xf32>
          %swap3A_274 = arith.index_cast %scan3A_257 : i32 to index
          %swap3A_275 = arith.constant 16 : index
          %swap3A_276 = tpu.vector_load %arg12[%swap3A_274, %swap3A_275] {strides = array<i32>} : memref<40x128xf32, #tpu.memory_space<vmem>>, vector<1x16xf32>,
          %swap3A_277 = vector.shape_cast %swap3A_276 : vector<1x16xf32> to vector<16xf32>
          %swap3A_278 = vector.shape_cast %max3A_273 : vector<16xf32> to vector<1x16xf32>
          tpu.vector_store %arg12[%swap3A_274, %swap3A_275], %swap3A_278 {strides = array<i32>} : memref<40x128xf32, #tpu.memory_space<vmem>>, vector<1x16xf32>,
          %get3A_279 = arith.index_cast %scan3A_257 : i32 to index
          %get3A_280 = arith.constant 32 : index
          %get3A_281 = tpu.vector_load %arg12[%get3A_279, %get3A_280] {strides = array<i32>} : memref<40x128xf32, #tpu.memory_space<vmem>>, vector<1x16xf32>,
          %get3A_282 = vector.shape_cast %get3A_281 : vector<1x16xf32> to vector<16xf32>
          %max3A_283 = arith.constant 0.000000e+00 : f32
          %max3A_284 = vector.broadcast %max3A_283 : f32 to vector<16xf32>
          %max3A_285 = arith.maximumf %get3A_282, %max3A_284 : vector<16xf32>
          %swap3A_286 = arith.index_cast %scan3A_257 : i32 to index
          %swap3A_287 = arith.constant 32 : index
          %swap3A_288 = tpu.vector_load %arg12[%swap3A_286, %swap3A_287] {strides = array<i32>} : memref<40x128xf32, #tpu.memory_space<vmem>>, vector<1x16xf32>,
          %swap3A_289 = vector.shape_cast %swap3A_288 : vector<1x16xf32> to vector<16xf32>
          %swap3A_290 = vector.shape_cast %max3A_285 : vector<16xf32> to vector<1x16xf32>
          tpu.vector_store %arg12[%swap3A_286, %swap3A_287], %swap3A_290 {strides = array<i32>} : memref<40x128xf32, #tpu.memory_space<vmem>>, vector<1x16xf32>,
          %get3A_291 = arith.index_cast %scan3A_257 : i32 to index
          %get3A_292 = arith.constant 48 : index
          %get3A_293 = tpu.vector_load %arg12[%get3A_291, %get3A_292] {strides = array<i32>} : memref<40x128xf32, #tpu.memory_space<vmem>>, vector<1x16xf32>,
          %get3A_294 = vector.shape_cast %get3A_293 : vector<1x16xf32> to vector<16xf32>
          %max3A_295 = arith.constant 0.000000e+00 : f32
          %max3A_296 = vector.broadcast %max3A_295 : f32 to vector<16xf32>
          %max3A_297 = arith.maximumf %get3A_294, %max3A_296 : vector<16xf32>
          %swap3A_298 = arith.index_cast %scan3A_257 : i32 to index
          %swap3A_299 = arith.constant 48 : index
          %swap3A_300 = tpu.vector_load %arg12[%swap3A_298, %swap3A_299] {strides = array<i32>} : memref<40x128xf32, #tpu.memory_space<vmem>>, vector<1x16xf32>,
          %swap3A_301 = vector.shape_cast %swap3A_300 : vector<1x16xf32> to vector<16xf32>
          %swap3A_302 = vector.shape_cast %max3A_297 : vector<16xf32> to vector<1x16xf32>
          tpu.vector_store %arg12[%swap3A_298, %swap3A_299], %swap3A_302 {strides = array<i32>} : memref<40x128xf32, #tpu.memory_space<vmem>>, vector<1x16xf32>,
          %get3A_303 = arith.index_cast %scan3A_257 : i32 to index
          %get3A_304 = arith.constant 64 : index
          %get3A_305 = tpu.vector_load %arg12[%get3A_303, %get3A_304] {strides = array<i32>} : memref<40x128xf32, #tpu.memory_space<vmem>>, vector<1x16xf32>,
          %get3A_306 = vector.shape_cast %get3A_305 : vector<1x16xf32> to vector<16xf32>
          %max3A_307 = arith.constant 0.000000e+00 : f32
          %max3A_308 = vector.broadcast %max3A_307 : f32 to vector<16xf32>
          %max3A_309 = arith.maximumf %get3A_306, %max3A_308 : vector<16xf32>
          %swap3A_310 = arith.index_cast %scan3A_257 : i32 to index
          %swap3A_311 = arith.constant 64 : index
          %swap3A_312 = tpu.vector_load %arg12[%swap3A_310, %swap3A_311] {strides = array<i32>} : memref<40x128xf32, #tpu.memory_space<vmem>>, vector<1x16xf32>,
          %swap3A_313 = vector.shape_cast %swap3A_312 : vector<1x16xf32> to vector<16xf32>
          %swap3A_314 = vector.shape_cast %max3A_309 : vector<16xf32> to vector<1x16xf32>
          tpu.vector_store %arg12[%swap3A_310, %swap3A_311], %swap3A_314 {strides = array<i32>} : memref<40x128xf32, #tpu.memory_space<vmem>>, vector<1x16xf32>,
          %get3A_315 = arith.index_cast %scan3A_257 : i32 to index
          %get3A_316 = arith.constant 80 : index
          %get3A_317 = tpu.vector_load %arg12[%get3A_315, %get3A_316] {strides = array<i32>} : memref<40x128xf32, #tpu.memory_space<vmem>>, vector<1x16xf32>,
          %get3A_318 = vector.shape_cast %get3A_317 : vector<1x16xf32> to vector<16xf32>
          %max3A_319 = arith.constant 0.000000e+00 : f32
          %max3A_320 = vector.broadcast %max3A_319 : f32 to vector<16xf32>
          %max3A_321 = arith.maximumf %get3A_318, %max3A_320 : vector<16xf32>
          %swap3A_322 = arith.index_cast %scan3A_257 : i32 to index
          %swap3A_323 = arith.constant 80 : index
          %swap3A_324 = tpu.vector_load %arg12[%swap3A_322, %swap3A_323] {strides = array<i32>} : memref<40x128xf32, #tpu.memory_space<vmem>>, vector<1x16xf32>,
          %swap3A_325 = vector.shape_cast %swap3A_324 : vector<1x16xf32> to vector<16xf32>
          %swap3A_326 = vector.shape_cast %max3A_321 : vector<16xf32> to vector<1x16xf32>
          tpu.vector_store %arg12[%swap3A_322, %swap3A_323], %swap3A_326 {strides = array<i32>} : memref<40x128xf32, #tpu.memory_space<vmem>>, vector<1x16xf32>,
          %get3A_327 = arith.index_cast %scan3A_257 : i32 to index
          %get3A_328 = arith.constant 96 : index
          %get3A_329 = tpu.vector_load %arg12[%get3A_327, %get3A_328] {strides = array<i32>} : memref<40x128xf32, #tpu.memory_space<vmem>>, vector<1x16xf32>,
          %get3A_330 = vector.shape_cast %get3A_329 : vector<1x16xf32> to vector<16xf32>
          %max3A_331 = arith.constant 0.000000e+00 : f32
          %max3A_332 = vector.broadcast %max3A_331 : f32 to vector<16xf32>
          %max3A_333 = arith.maximumf %get3A_330, %max3A_332 : vector<16xf32>
          %swap3A_334 = arith.index_cast %scan3A_257 : i32 to index
          %swap3A_335 = arith.constant 96 : index
          %swap3A_336 = tpu.vector_load %arg12[%swap3A_334, %swap3A_335] {strides = array<i32>} : memref<40x128xf32, #tpu.memory_space<vmem>>, vector<1x16xf32>,
          %swap3A_337 = vector.shape_cast %swap3A_336 : vector<1x16xf32> to vector<16xf32>
          %swap3A_338 = vector.shape_cast %max3A_333 : vector<16xf32> to vector<1x16xf32>
          tpu.vector_store %arg12[%swap3A_334, %swap3A_335], %swap3A_338 {strides = array<i32>} : memref<40x128xf32, #tpu.memory_space<vmem>>, vector<1x16xf32>,
          %get3A_339 = arith.index_cast %scan3A_257 : i32 to index
          %get3A_340 = arith.constant 112 : index
          %get3A_341 = tpu.vector_load %arg12[%get3A_339, %get3A_340] {strides = array<i32>} : memref<40x128xf32, #tpu.memory_space<vmem>>, vector<1x16xf32>,
          %get3A_342 = vector.shape_cast %get3A_341 : vector<1x16xf32> to vector<16xf32>
          %max3A_343 = arith.constant 0.000000e+00 : f32
          %max3A_344 = vector.broadcast %max3A_343 : f32 to vector<16xf32>
          %max3A_345 = arith.maximumf %get3A_342, %max3A_344 : vector<16xf32>
          %swap3A_346 = arith.index_cast %scan3A_257 : i32 to index
          %swap3A_347 = arith.constant 112 : index
          %swap3A_348 = tpu.vector_load %arg12[%swap3A_346, %swap3A_347] {strides = array<i32>} : memref<40x128xf32, #tpu.memory_space<vmem>>, vector<1x16xf32>,
          %swap3A_349 = vector.shape_cast %swap3A_348 : vector<1x16xf32> to vector<16xf32>
          %swap3A_350 = vector.shape_cast %max3A_345 : vector<16xf32> to vector<1x16xf32>
          tpu.vector_store %arg12[%swap3A_346, %swap3A_347], %swap3A_350 {strides = array<i32>} : memref<40x128xf32, #tpu.memory_space<vmem>>, vector<1x16xf32>,
        }
        %scan3A_248 = arith.constant 40 : i32
        %add3A_249 = arith.constant 3 : i32
        %add3A_250 = arith.addi %mul3A_73, %add3A_249 : i32
        %dma_start3A_251 = arith.constant 0 : i32
        %dma_start3A_252 = tpu.memref_slice %arg8[%add3A_250, %dma_start3A_251] : memref<100x40xi32, #tpu.memory_space<vmem>> -> memref<1x40xi32, #tpu.memory_space<vmem>>
        %dma_start3A_253 = tpu.memref_squeeze %dma_start3A_252 : memref<1x40xi32, #tpu.memory_space<vmem>> -> memref<40xi32, #tpu.memory_space<vmem>>
        %dma_start3A_254 = arith.constant 0 : i32
        %dma_start3A_255 = arith.constant 0 : i32
        %dma_start3A_256 = tpu.memref_slice %arg13[%dma_start3A_254, %dma_start3A_255] : memref<10000x128xf32, #tpu.memory_space<vmem_shared>> -> memref<10000x128xf32, #tpu.memory_space<vmem_shared>>
        tpu.enqueue_indirect_dma source(%arg12 : memref<40x128xf32, #tpu.memory_space<vmem>>) target(%dma_start3A_256 : memref<10000x128xf32, #tpu.memory_space<vmem_shared>>) offsets(%dma_start3A_253 : memref<40xi32, #tpu.memory_space<vmem>>) semaphore(%arg25 : memref<!tpu.dma_semaphore, #tpu.memory_space<semaphore_mem>>) {add = true}
      }
      %scan3A_56 = arith.constant 25 : i32
      %dma_wait3A_57 = arith.constant 98 : i32
      %dma_wait3A_58 = arith.constant 0 : i32
      %dma_wait3A_59 = tpu.memref_slice %arg8[%dma_wait3A_57, %dma_wait3A_58] : memref<100x40xi32, #tpu.memory_space<vmem>> -> memref<1x40xi32, #tpu.memory_space<vmem>>
      %dma_wait3A_60 = tpu.memref_squeeze %dma_wait3A_59 : memref<1x40xi32, #tpu.memory_space<vmem>> -> memref<40xi32, #tpu.memory_space<vmem>>
      %dma_wait3A_61 = arith.constant 0 : i32
      %dma_wait3A_62 = arith.constant 0 : i32
      %dma_wait3A_63 = tpu.memref_slice %arg13[%dma_wait3A_61, %dma_wait3A_62] : memref<10000x128xf32, #tpu.memory_space<vmem_shared>> -> memref<10000x128xf32, #tpu.memory_space<vmem_shared>>
      tpu.wait_indirect_dma semaphore(%arg24 : memref<!tpu.dma_semaphore, #tpu.memory_space<semaphore_mem>>) src(%arg11 : memref<40x128xf32, #tpu.memory_space<vmem>>) dst(%dma_wait3A_63 : memref<10000x128xf32, #tpu.memory_space<vmem_shared>>)
      %dma_wait3A_64 = arith.constant 99 : i32
      %dma_wait3A_65 = arith.constant 0 : i32
      %dma_wait3A_66 = tpu.memref_slice %arg8[%dma_wait3A_64, %dma_wait3A_65] : memref<100x40xi32, #tpu.memory_space<vmem>> -> memref<1x40xi32, #tpu.memory_space<vmem>>
      %dma_wait3A_67 = tpu.memref_squeeze %dma_wait3A_66 : memref<1x40xi32, #tpu.memory_space<vmem>> -> memref<40xi32, #tpu.memory_space<vmem>>
      %dma_wait3A_68 = arith.constant 0 : i32
      %dma_wait3A_69 = arith.constant 0 : i32
      %dma_wait3A_70 = tpu.memref_slice %arg13[%dma_wait3A_68, %dma_wait3A_69] : memref<10000x128xf32, #tpu.memory_space<vmem_shared>> -> memref<10000x128xf32, #tpu.memory_space<vmem_shared>>
      tpu.wait_indirect_dma semaphore(%arg25 : memref<!tpu.dma_semaphore, #tpu.memory_space<semaphore_mem>>) src(%arg12 : memref<40x128xf32, #tpu.memory_space<vmem>>) dst(%dma_wait3A_70 : memref<10000x128xf32, #tpu.memory_space<vmem_shared>>)
    }
    %scan3A_20 = arith.constant 5 : i32
    %barrier3A_21 = arith.constant 0 : index
    tpu.barrier barrier_id(%barrier3A_21)
    %mul3A_22 = arith.constant 625 : i32
    %mul3A_23 = arith.muli %arg1, %mul3A_22 : i32
    "tpu.region"() ({
      %run_scoped3A = tpu.sem_alloc : memref<!tpu.dma_semaphore, #tpu.memory_space<semaphore_mem>>
      %dma_start3A = arith.constant 0 : i32
      %dma_start3A_24 = arith.constant 0 : i32
      %dma_start3A_25 = tpu.memref_slice %arg6[%arg1, %dma_start3A, %dma_start3A_24] : memref<16x625x128xf32, #tpu.memory_space<hbm>> -> memref<1x625x128xf32, #tpu.memory_space<hbm>>
      %dma_start3A_26 = tpu.memref_squeeze %dma_start3A_25 : memref<1x625x128xf32, #tpu.memory_space<hbm>> -> memref<625x128xf32, #tpu.memory_space<hbm>>
      %dma_start3A_27 = arith.constant 0 : i32
      %dma_start3A_28 = tpu.memref_slice %arg13[%mul3A_23, %dma_start3A_27] : memref<10000x128xf32, #tpu.memory_space<vmem_shared>> -> memref<625x128xf32, #tpu.memory_space<vmem_shared>>
      tpu.enqueue_dma source(%dma_start3A_28 : memref<625x128xf32, #tpu.memory_space<vmem_shared>>) target(%dma_start3A_26 : memref<625x128xf32, #tpu.memory_space<hbm>>) target_semaphore(%run_scoped3A : memref<!tpu.dma_semaphore, #tpu.memory_space<semaphore_mem>>)
      %dma_wait3A = arith.constant 0 : i32
      %dma_wait3A_29 = arith.constant 0 : i32
      %dma_wait3A_30 = tpu.memref_slice %arg6[%arg1, %dma_wait3A, %dma_wait3A_29] : memref<16x625x128xf32, #tpu.memory_space<hbm>> -> memref<1x625x128xf32, #tpu.memory_space<hbm>>
      %dma_wait3A_31 = tpu.memref_squeeze %dma_wait3A_30 : memref<1x625x128xf32, #tpu.memory_space<hbm>> -> memref<625x128xf32, #tpu.memory_space<hbm>>
      %dma_wait3A_32 = arith.constant 0 : i32
      %dma_wait3A_33 = tpu.memref_slice %arg13[%mul3A_23, %dma_wait3A_32] : memref<10000x128xf32, #tpu.memory_space<vmem_shared>> -> memref<625x128xf32, #tpu.memory_space<vmem_shared>>
      tpu.wait_dma2 semaphore(%run_scoped3A : memref<!tpu.dma_semaphore, #tpu.memory_space<semaphore_mem>>) src(%dma_wait3A_33 : memref<625x128xf32, #tpu.memory_space<vmem_shared>>) dst(%dma_wait3A_31 : memref<625x128xf32, #tpu.memory_space<hbm>>)
      tpu.yield
    }) : () -> ()
    return
  }
}

module attributes {stable_mosaic.version = 14 : i64} {
  func.func @_node_enc_body(%arg0: i32, %arg1: memref<1000x128xf32, #tpu.memory_space<vmem>>, %arg2: memref<128x128xf32, #tpu.memory_space<vmem>>, %arg3: memref<1x128xf32, #tpu.memory_space<vmem>>, %arg4: memref<1000x128xf32, #tpu.memory_space<vmem>>) attributes {dimension_semantics = [#tpu.dimension_semantics<arbitrary>], iteration_bounds = array<i64: 10>, scalar_prefetch = 0 : i64, scratch_operands = 0 : i64, tpu.core_type = #tpu.core_type<tc>, window_params = [{transform_indices = @transform_0, window_bounds = array<i64: 1000, 128>}, {pipeline_mode = #tpu.pipeline_mode<synchronous>, transform_indices = @transform_1, window_bounds = array<i64: 128, 128>}, {pipeline_mode = #tpu.pipeline_mode<synchronous>, transform_indices = @transform_2, window_bounds = array<i64: 1, 128>}, {transform_indices = @transform_3, window_bounds = array<i64: 1000, 128>}]} {
    %get3A = arith.constant 0 : index
    %get3A_0 = arith.constant 0 : index
    %get3A_1 = vector.load %arg1[%get3A, %get3A_0] : memref<1000x128xf32, #tpu.memory_space<vmem>>, vector<1000x128xf32>
    %get3A_2 = arith.constant 0 : index
    %get3A_3 = arith.constant 0 : index
    %get3A_4 = vector.load %arg2[%get3A_2, %get3A_3] : memref<128x128xf32, #tpu.memory_space<vmem>>, vector<128x128xf32>
    %dot_general3A = arith.constant dense<0.000000e+00> : vector<1000x128xf32>
    %dot_general3A_5 = tpu.matmul %get3A_1, %get3A_4, %dot_general3A {dimension_numbers = #tpu.dot_dimension_numbers<[1], [0], [0], [1], [0, 0, 1, 1], [], []>, transpose_lhs_hint = false} : vector<1000x128xf32>, vector<128x128xf32>, vector<1000x128xf32> -> vector<1000x128xf32>
    %get3A_6 = arith.constant 0 : index
    %get3A_7 = arith.constant 0 : index
    %get3A_8 = vector.load %arg3[%get3A_6, %get3A_7] : memref<1x128xf32, #tpu.memory_space<vmem>>, vector<1x128xf32>
    %add3A = vector.broadcast %get3A_8 : vector<1x128xf32> to vector<1000x128xf32>
    %add3A_9 = arith.addf %dot_general3A_5, %add3A : vector<1000x128xf32>
    %max3A = arith.constant 0.000000e+00 : f32
    %max3A_10 = vector.broadcast %max3A : f32 to vector<1000x128xf32>
    %max3A_11 = arith.maximumf %add3A_9, %max3A_10 : vector<1000x128xf32>
    %swap3A = arith.constant 0 : index
    %swap3A_12 = arith.constant 0 : index
    %swap3A_13 = vector.load %arg4[%swap3A, %swap3A_12] : memref<1000x128xf32, #tpu.memory_space<vmem>>, vector<1000x128xf32>
    tpu.vector_store %arg4[%swap3A, %swap3A_12], %max3A_11 {strides = array<i32>} : memref<1000x128xf32, #tpu.memory_space<vmem>>, vector<1000x128xf32>,
    return
  }
  func.func @transform_0(%arg0: i32) -> (i32, i32) {
    %c0_i32 = arith.constant 0 : i32
    %c0_i32_0 = arith.constant 0 : i32
    return %arg0, %c0_i32 : i32, i32
  }
  func.func @transform_1(%arg0: i32) -> (i32, i32) {
    %c0_i32 = arith.constant 0 : i32
    %c0_i32_0 = arith.constant 0 : i32
    %c0_i32_1 = arith.constant 0 : i32
    return %c0_i32, %c0_i32_0 : i32, i32
  }
  func.func @transform_2(%arg0: i32) -> (i32, i32) {
    %c0_i32 = arith.constant 0 : i32
    %c0_i32_0 = arith.constant 0 : i32
    %c0_i32_1 = arith.constant 0 : i32
    return %c0_i32, %c0_i32_0 : i32, i32
  }
  func.func @transform_3(%arg0: i32) -> (i32, i32) {
    %c0_i32 = arith.constant 0 : i32
    %c0_i32_0 = arith.constant 0 : i32
    return %arg0, %c0_i32 : i32, i32
  }
}

module attributes {stable_mosaic.version = 14 : i64} {
  func.func @_edge_e_body(%arg0: i32, %arg1: memref<4000x16xf32, #tpu.memory_space<vmem>>, %arg2: memref<16x128xf32, #tpu.memory_space<vmem>>, %arg3: memref<3x128x128xf32, #tpu.memory_space<vmem>>, %arg4: memref<1x128xf32, #tpu.memory_space<vmem>>, %arg5: memref<3x128xf32, #tpu.memory_space<vmem>>, %arg6: memref<4000x128xf32, #tpu.memory_space<vmem>>, %arg7: memref<4000x128xf32, #tpu.memory_space<vmem>>, %arg8: memref<4000x128xf32, #tpu.memory_space<vmem>>) attributes {dimension_semantics = [#tpu.dimension_semantics<arbitrary>], iteration_bounds = array<i64: 80>, scalar_prefetch = 0 : i64, scratch_operands = 0 : i64, tpu.core_type = #tpu.core_type<tc>, window_params = [{transform_indices = @transform_0, window_bounds = array<i64: 4000, 16>}, {pipeline_mode = #tpu.pipeline_mode<synchronous>, transform_indices = @transform_1, window_bounds = array<i64: 16, 128>}, {pipeline_mode = #tpu.pipeline_mode<synchronous>, transform_indices = @transform_2, window_bounds = array<i64: 3, 128, 128>}, {pipeline_mode = #tpu.pipeline_mode<synchronous>, transform_indices = @transform_3, window_bounds = array<i64: 1, 128>}, {pipeline_mode = #tpu.pipeline_mode<synchronous>, transform_indices = @transform_4, window_bounds = array<i64: 3, 128>}, {transform_indices = @transform_5, window_bounds = array<i64: 4000, 128>}, {transform_indices = @transform_6, window_bounds = array<i64: 4000, 128>}, {transform_indices = @transform_7, window_bounds = array<i64: 4000, 128>}]} {
    %get3A = arith.constant 0 : index
    %get3A_0 = arith.constant 0 : index
    %get3A_1 = vector.load %arg1[%get3A, %get3A_0] : memref<4000x16xf32, #tpu.memory_space<vmem>>, vector<4000x16xf32>
    %get3A_2 = arith.constant 0 : index
    %get3A_3 = arith.constant 0 : index
    %get3A_4 = arith.constant 0 : index
    %get3A_5 = vector.load %arg3[%get3A_2, %get3A_3, %get3A_4] : memref<3x128x128xf32, #tpu.memory_space<vmem>>, vector<1x128x128xf32>
    %get3A_6 = vector.shape_cast %get3A_5 : vector<1x128x128xf32> to vector<128x128xf32>
    %get3A_7 = arith.constant 0 : index
    %get3A_8 = arith.constant 0 : index
    %get3A_9 = vector.load %arg2[%get3A_7, %get3A_8] : memref<16x128xf32, #tpu.memory_space<vmem>>, vector<16x128xf32>
    %dot_general3A = arith.constant dense<0.000000e+00> : vector<16x128xf32>
    %dot_general3A_10 = tpu.matmul %get3A_9, %get3A_6, %dot_general3A {dimension_numbers = #tpu.dot_dimension_numbers<[1], [0], [0], [1], [0, 0, 1, 1], [], []>, transpose_lhs_hint = false} : vector<16x128xf32>, vector<128x128xf32>, vector<16x128xf32> -> vector<16x128xf32>
    %get3A_11 = arith.constant 0 : index
    %get3A_12 = arith.constant 0 : index
    %get3A_13 = vector.load %arg4[%get3A_11, %get3A_12] : memref<1x128xf32, #tpu.memory_space<vmem>>, vector<1x128xf32>
    %dot_general3A_14 = arith.constant dense<0.000000e+00> : vector<1x128xf32>
    %dot_general3A_15 = tpu.matmul %get3A_13, %get3A_6, %dot_general3A_14 {dimension_numbers = #tpu.dot_dimension_numbers<[1], [0], [0], [1], [0, 0, 1, 1], [], []>, transpose_lhs_hint = false} : vector<1x128xf32>, vector<128x128xf32>, vector<1x128xf32> -> vector<1x128xf32>
    %get3A_16 = arith.constant 0 : index
    %get3A_17 = arith.constant 0 : index
    %get3A_18 = vector.load %arg5[%get3A_16, %get3A_17] : memref<3x128xf32, #tpu.memory_space<vmem>>, vector<1x128xf32>
    %get3A_19 = vector.shape_cast %get3A_18 : vector<1x128xf32> to vector<128xf32>
    %broadcast_in_dim3A = vector.shape_cast %get3A_19 : vector<128xf32> to vector<1x128xf32>
    %add3A = arith.addf %dot_general3A_15, %broadcast_in_dim3A : vector<1x128xf32>
    %dot_general3A_20 = arith.constant dense<0.000000e+00> : vector<4000x128xf32>
    %dot_general3A_21 = tpu.matmul %get3A_1, %dot_general3A_10, %dot_general3A_20 {dimension_numbers = #tpu.dot_dimension_numbers<[1], [0], [0], [1], [0, 0, 1, 1], [], []>, transpose_lhs_hint = false} : vector<4000x16xf32>, vector<16x128xf32>, vector<4000x128xf32> -> vector<4000x128xf32>
    %add3A_22 = vector.broadcast %add3A : vector<1x128xf32> to vector<4000x128xf32>
    %add3A_23 = arith.addf %dot_general3A_21, %add3A_22 : vector<4000x128xf32>
    %swap3A = arith.constant 0 : index
    %swap3A_24 = arith.constant 0 : index
    %swap3A_25 = vector.load %arg6[%swap3A, %swap3A_24] : memref<4000x128xf32, #tpu.memory_space<vmem>>, vector<4000x128xf32>
    tpu.vector_store %arg6[%swap3A, %swap3A_24], %add3A_23 {strides = array<i32>} : memref<4000x128xf32, #tpu.memory_space<vmem>>, vector<4000x128xf32>,
    %get3A_26 = arith.constant 1 : index
    %get3A_27 = arith.constant 0 : index
    %get3A_28 = arith.constant 0 : index
    %get3A_29 = vector.load %arg3[%get3A_26, %get3A_27, %get3A_28] : memref<3x128x128xf32, #tpu.memory_space<vmem>>, vector<1x128x128xf32>
    %get3A_30 = vector.shape_cast %get3A_29 : vector<1x128x128xf32> to vector<128x128xf32>
    %get3A_31 = arith.constant 0 : index
    %get3A_32 = arith.constant 0 : index
    %get3A_33 = vector.load %arg2[%get3A_31, %get3A_32] : memref<16x128xf32, #tpu.memory_space<vmem>>, vector<16x128xf32>
    %dot_general3A_34 = arith.constant dense<0.000000e+00> : vector<16x128xf32>
    %dot_general3A_35 = tpu.matmul %get3A_33, %get3A_30, %dot_general3A_34 {dimension_numbers = #tpu.dot_dimension_numbers<[1], [0], [0], [1], [0, 0, 1, 1], [], []>, transpose_lhs_hint = false} : vector<16x128xf32>, vector<128x128xf32>, vector<16x128xf32> -> vector<16x128xf32>
    %get3A_36 = arith.constant 0 : index
    %get3A_37 = arith.constant 0 : index
    %get3A_38 = vector.load %arg4[%get3A_36, %get3A_37] : memref<1x128xf32, #tpu.memory_space<vmem>>, vector<1x128xf32>
    %dot_general3A_39 = arith.constant dense<0.000000e+00> : vector<1x128xf32>
    %dot_general3A_40 = tpu.matmul %get3A_38, %get3A_30, %dot_general3A_39 {dimension_numbers = #tpu.dot_dimension_numbers<[1], [0], [0], [1], [0, 0, 1, 1], [], []>, transpose_lhs_hint = false} : vector<1x128xf32>, vector<128x128xf32>, vector<1x128xf32> -> vector<1x128xf32>
    %get3A_41 = arith.constant 1 : index
    %get3A_42 = arith.constant 0 : index
    %get3A_43 = vector.load %arg5[%get3A_41, %get3A_42] : memref<3x128xf32, #tpu.memory_space<vmem>>, vector<1x128xf32>
    %get3A_44 = vector.shape_cast %get3A_43 : vector<1x128xf32> to vector<128xf32>
    %broadcast_in_dim3A_45 = vector.shape_cast %get3A_44 : vector<128xf32> to vector<1x128xf32>
    %add3A_46 = arith.addf %dot_general3A_40, %broadcast_in_dim3A_45 : vector<1x128xf32>
    %dot_general3A_47 = arith.constant dense<0.000000e+00> : vector<4000x128xf32>
    %dot_general3A_48 = tpu.matmul %get3A_1, %dot_general3A_35, %dot_general3A_47 {dimension_numbers = #tpu.dot_dimension_numbers<[1], [0], [0], [1], [0, 0, 1, 1], [], []>, transpose_lhs_hint = false} : vector<4000x16xf32>, vector<16x128xf32>, vector<4000x128xf32> -> vector<4000x128xf32>
    %add3A_49 = vector.broadcast %add3A_46 : vector<1x128xf32> to vector<4000x128xf32>
    %add3A_50 = arith.addf %dot_general3A_48, %add3A_49 : vector<4000x128xf32>
    %swap3A_51 = arith.constant 0 : index
    %swap3A_52 = arith.constant 0 : index
    %swap3A_53 = vector.load %arg7[%swap3A_51, %swap3A_52] : memref<4000x128xf32, #tpu.memory_space<vmem>>, vector<4000x128xf32>
    tpu.vector_store %arg7[%swap3A_51, %swap3A_52], %add3A_50 {strides = array<i32>} : memref<4000x128xf32, #tpu.memory_space<vmem>>, vector<4000x128xf32>,
    %get3A_54 = arith.constant 2 : index
    %get3A_55 = arith.constant 0 : index
    %get3A_56 = arith.constant 0 : index
    %get3A_57 = vector.load %arg3[%get3A_54, %get3A_55, %get3A_56] : memref<3x128x128xf32, #tpu.memory_space<vmem>>, vector<1x128x128xf32>
    %get3A_58 = vector.shape_cast %get3A_57 : vector<1x128x128xf32> to vector<128x128xf32>
    %get3A_59 = arith.constant 0 : index
    %get3A_60 = arith.constant 0 : index
    %get3A_61 = vector.load %arg2[%get3A_59, %get3A_60] : memref<16x128xf32, #tpu.memory_space<vmem>>, vector<16x128xf32>
    %dot_general3A_62 = arith.constant dense<0.000000e+00> : vector<16x128xf32>
    %dot_general3A_63 = tpu.matmul %get3A_61, %get3A_58, %dot_general3A_62 {dimension_numbers = #tpu.dot_dimension_numbers<[1], [0], [0], [1], [0, 0, 1, 1], [], []>, transpose_lhs_hint = false} : vector<16x128xf32>, vector<128x128xf32>, vector<16x128xf32> -> vector<16x128xf32>
    %get3A_64 = arith.constant 0 : index
    %get3A_65 = arith.constant 0 : index
    %get3A_66 = vector.load %arg4[%get3A_64, %get3A_65] : memref<1x128xf32, #tpu.memory_space<vmem>>, vector<1x128xf32>
    %dot_general3A_67 = arith.constant dense<0.000000e+00> : vector<1x128xf32>
    %dot_general3A_68 = tpu.matmul %get3A_66, %get3A_58, %dot_general3A_67 {dimension_numbers = #tpu.dot_dimension_numbers<[1], [0], [0], [1], [0, 0, 1, 1], [], []>, transpose_lhs_hint = false} : vector<1x128xf32>, vector<128x128xf32>, vector<1x128xf32> -> vector<1x128xf32>
    %get3A_69 = arith.constant 2 : index
    %get3A_70 = arith.constant 0 : index
    %get3A_71 = vector.load %arg5[%get3A_69, %get3A_70] : memref<3x128xf32, #tpu.memory_space<vmem>>, vector<1x128xf32>
    %get3A_72 = vector.shape_cast %get3A_71 : vector<1x128xf32> to vector<128xf32>
    %broadcast_in_dim3A_73 = vector.shape_cast %get3A_72 : vector<128xf32> to vector<1x128xf32>
    %add3A_74 = arith.addf %dot_general3A_68, %broadcast_in_dim3A_73 : vector<1x128xf32>
    %dot_general3A_75 = arith.constant dense<0.000000e+00> : vector<4000x128xf32>
    %dot_general3A_76 = tpu.matmul %get3A_1, %dot_general3A_63, %dot_general3A_75 {dimension_numbers = #tpu.dot_dimension_numbers<[1], [0], [0], [1], [0, 0, 1, 1], [], []>, transpose_lhs_hint = false} : vector<4000x16xf32>, vector<16x128xf32>, vector<4000x128xf32> -> vector<4000x128xf32>
    %add3A_77 = vector.broadcast %add3A_74 : vector<1x128xf32> to vector<4000x128xf32>
    %add3A_78 = arith.addf %dot_general3A_76, %add3A_77 : vector<4000x128xf32>
    %swap3A_79 = arith.constant 0 : index
    %swap3A_80 = arith.constant 0 : index
    %swap3A_81 = vector.load %arg8[%swap3A_79, %swap3A_80] : memref<4000x128xf32, #tpu.memory_space<vmem>>, vector<4000x128xf32>
    tpu.vector_store %arg8[%swap3A_79, %swap3A_80], %add3A_78 {strides = array<i32>} : memref<4000x128xf32, #tpu.memory_space<vmem>>, vector<4000x128xf32>,
    return
  }
  func.func @transform_0(%arg0: i32) -> (i32, i32) {
    %c0_i32 = arith.constant 0 : i32
    %c0_i32_0 = arith.constant 0 : i32
    return %arg0, %c0_i32 : i32, i32
  }
  func.func @transform_1(%arg0: i32) -> (i32, i32) {
    %c0_i32 = arith.constant 0 : i32
    %c0_i32_0 = arith.constant 0 : i32
    %c0_i32_1 = arith.constant 0 : i32
    return %c0_i32, %c0_i32_0 : i32, i32
  }
  func.func @transform_2(%arg0: i32) -> (i32, i32, i32) {
    %c0_i32 = arith.constant 0 : i32
    %c0_i32_0 = arith.constant 0 : i32
    %c0_i32_1 = arith.constant 0 : i32
    %c0_i32_2 = arith.constant 0 : i32
    return %c0_i32, %c0_i32_0, %c0_i32_1 : i32, i32, i32
  }
  func.func @transform_3(%arg0: i32) -> (i32, i32) {
    %c0_i32 = arith.constant 0 : i32
    %c0_i32_0 = arith.constant 0 : i32
    %c0_i32_1 = arith.constant 0 : i32
    return %c0_i32, %c0_i32_0 : i32, i32
  }
  func.func @transform_4(%arg0: i32) -> (i32, i32) {
    %c0_i32 = arith.constant 0 : i32
    %c0_i32_0 = arith.constant 0 : i32
    %c0_i32_1 = arith.constant 0 : i32
    return %c0_i32, %c0_i32_0 : i32, i32
  }
  func.func @transform_5(%arg0: i32) -> (i32, i32) {
    %c0_i32 = arith.constant 0 : i32
    %c0_i32_0 = arith.constant 0 : i32
    return %arg0, %c0_i32 : i32, i32
  }
  func.func @transform_6(%arg0: i32) -> (i32, i32) {
    %c0_i32 = arith.constant 0 : i32
    %c0_i32_0 = arith.constant 0 : i32
    return %arg0, %c0_i32 : i32, i32
  }
  func.func @transform_7(%arg0: i32) -> (i32, i32) {
    %c0_i32 = arith.constant 0 : i32
    %c0_i32_0 = arith.constant 0 : i32
    return %arg0, %c0_i32 : i32, i32
  }
}

module attributes {stable_mosaic.version = 14 : i64} {
  func.func @_layer_body(%arg0: i32, %arg1: memref<1000x128xf32, #tpu.memory_space<vmem>>, %arg2: memref<1000x128xf32, #tpu.memory_space<vmem>>, %arg3: memref<1x1xf32, #tpu.memory_space<smem>>, %arg4: memref<128x256xf32, #tpu.memory_space<vmem>>, %arg5: memref<1x256xf32, #tpu.memory_space<vmem>>, %arg6: memref<256x128xf32, #tpu.memory_space<vmem>>, %arg7: memref<1x128xf32, #tpu.memory_space<vmem>>, %arg8: memref<1x128xf32, #tpu.memory_space<vmem>>, %arg9: memref<1x128xf32, #tpu.memory_space<vmem>>, %arg10: memref<1000x128xf32, #tpu.memory_space<vmem>>) attributes {dimension_semantics = [#tpu.dimension_semantics<arbitrary>], iteration_bounds = array<i64: 10>, scalar_prefetch = 0 : i64, scratch_operands = 0 : i64, tpu.core_type = #tpu.core_type<tc>, window_params = [{transform_indices = @transform_0, window_bounds = array<i64: 1000, 128>}, {transform_indices = @transform_1, window_bounds = array<i64: 1000, 128>}, {transform_indices = @transform_2, window_bounds = array<i64: 1, 1>}, {pipeline_mode = #tpu.pipeline_mode<synchronous>, transform_indices = @transform_3, window_bounds = array<i64: 128, 256>}, {pipeline_mode = #tpu.pipeline_mode<synchronous>, transform_indices = @transform_4, window_bounds = array<i64: 1, 256>}, {pipeline_mode = #tpu.pipeline_mode<synchronous>, transform_indices = @transform_5, window_bounds = array<i64: 256, 128>}, {pipeline_mode = #tpu.pipeline_mode<synchronous>, transform_indices = @transform_6, window_bounds = array<i64: 1, 128>}, {pipeline_mode = #tpu.pipeline_mode<synchronous>, transform_indices = @transform_7, window_bounds = array<i64: 1, 128>}, {pipeline_mode = #tpu.pipeline_mode<synchronous>, transform_indices = @transform_8, window_bounds = array<i64: 1, 128>}, {transform_indices = @transform_9, window_bounds = array<i64: 1000, 128>}]} {
    %get3A = arith.constant 0 : index
    %get3A_0 = arith.constant 0 : index
    %get3A_1 = vector.load %arg1[%get3A, %get3A_0] : memref<1000x128xf32, #tpu.memory_space<vmem>>, vector<1000x128xf32>
    %get3A_2 = arith.constant 0 : index
    %get3A_3 = arith.constant 0 : index
    %get3A_4 = memref.load %arg3[%get3A_2, %get3A_3] : memref<1x1xf32, #tpu.memory_space<smem>>
    %add3A = arith.constant 1.000000e+00 : f32
    %add3A_5 = arith.addf %add3A, %get3A_4 : f32
    %mul3A = vector.broadcast %add3A_5 : f32 to vector<1000x128xf32>
    %mul3A_6 = arith.mulf %mul3A, %get3A_1 : vector<1000x128xf32>
    %get3A_7 = arith.constant 0 : index
    %get3A_8 = arith.constant 0 : index
    %get3A_9 = vector.load %arg2[%get3A_7, %get3A_8] : memref<1000x128xf32, #tpu.memory_space<vmem>>, vector<1000x128xf32>
    %add3A_10 = arith.addf %mul3A_6, %get3A_9 : vector<1000x128xf32>
    %get3A_11 = arith.constant 0 : index
    %get3A_12 = arith.constant 0 : index
    %get3A_13 = vector.load %arg4[%get3A_11, %get3A_12] : memref<128x256xf32, #tpu.memory_space<vmem>>, vector<128x256xf32>
    %dot_general3A = arith.constant dense<0.000000e+00> : vector<1000x256xf32>
    %dot_general3A_14 = tpu.matmul %add3A_10, %get3A_13, %dot_general3A {dimension_numbers = #tpu.dot_dimension_numbers<[1], [0], [0], [1], [0, 0, 1, 1], [], []>, transpose_lhs_hint = false} : vector<1000x128xf32>, vector<128x256xf32>, vector<1000x256xf32> -> vector<1000x256xf32>
    %get3A_15 = arith.constant 0 : index
    %get3A_16 = arith.constant 0 : index
    %get3A_17 = vector.load %arg5[%get3A_15, %get3A_16] : memref<1x256xf32, #tpu.memory_space<vmem>>, vector<1x256xf32>
    %add3A_18 = vector.broadcast %get3A_17 : vector<1x256xf32> to vector<1000x256xf32>
    %add3A_19 = arith.addf %dot_general3A_14, %add3A_18 : vector<1000x256xf32>
    %max3A = arith.constant 0.000000e+00 : f32
    %max3A_20 = vector.broadcast %max3A : f32 to vector<1000x256xf32>
    %max3A_21 = arith.maximumf %add3A_19, %max3A_20 : vector<1000x256xf32>
    %get3A_22 = arith.constant 0 : index
    %get3A_23 = arith.constant 0 : index
    %get3A_24 = vector.load %arg6[%get3A_22, %get3A_23] : memref<256x128xf32, #tpu.memory_space<vmem>>, vector<256x128xf32>
    %dot_general3A_25 = arith.constant dense<0.000000e+00> : vector<1000x128xf32>
    %dot_general3A_26 = tpu.matmul %max3A_21, %get3A_24, %dot_general3A_25 {dimension_numbers = #tpu.dot_dimension_numbers<[1], [0], [0], [1], [0, 0, 1, 1], [], []>, transpose_lhs_hint = false} : vector<1000x256xf32>, vector<256x128xf32>, vector<1000x128xf32> -> vector<1000x128xf32>
    %get3A_27 = arith.constant 0 : index
    %get3A_28 = arith.constant 0 : index
    %get3A_29 = vector.load %arg7[%get3A_27, %get3A_28] : memref<1x128xf32, #tpu.memory_space<vmem>>, vector<1x128xf32>
    %add3A_30 = vector.broadcast %get3A_29 : vector<1x128xf32> to vector<1000x128xf32>
    %add3A_31 = arith.addf %dot_general3A_26, %add3A_30 : vector<1000x128xf32>
    %get3A_32 = arith.constant 0 : index
    %get3A_33 = arith.constant 0 : index
    %get3A_34 = vector.load %arg8[%get3A_32, %get3A_33] : memref<1x128xf32, #tpu.memory_space<vmem>>, vector<1x128xf32>
    %mul3A_35 = arith.constant 0.999994993 : f32
    %mul3A_36 = vector.broadcast %mul3A_35 : f32 to vector<1x128xf32>
    %mul3A_37 = arith.mulf %get3A_34, %mul3A_36 : vector<1x128xf32>
    %mul3A_38 = vector.broadcast %mul3A_37 : vector<1x128xf32> to vector<1000x128xf32>
    %mul3A_39 = arith.mulf %add3A_31, %mul3A_38 : vector<1000x128xf32>
    %get3A_40 = arith.constant 0 : index
    %get3A_41 = arith.constant 0 : index
    %get3A_42 = vector.load %arg9[%get3A_40, %get3A_41] : memref<1x128xf32, #tpu.memory_space<vmem>>, vector<1x128xf32>
    %add3A_43 = vector.broadcast %get3A_42 : vector<1x128xf32> to vector<1000x128xf32>
    %add3A_44 = arith.addf %mul3A_39, %add3A_43 : vector<1000x128xf32>
    %add3A_45 = arith.addf %add3A_44, %get3A_1 : vector<1000x128xf32>
    %max3A_46 = arith.constant 0.000000e+00 : f32
    %max3A_47 = vector.broadcast %max3A_46 : f32 to vector<1000x128xf32>
    %max3A_48 = arith.maximumf %add3A_45, %max3A_47 : vector<1000x128xf32>
    %swap3A = arith.constant 0 : index
    %swap3A_49 = arith.constant 0 : index
    %swap3A_50 = vector.load %arg10[%swap3A, %swap3A_49] : memref<1000x128xf32, #tpu.memory_space<vmem>>, vector<1000x128xf32>
    tpu.vector_store %arg10[%swap3A, %swap3A_49], %max3A_48 {strides = array<i32>} : memref<1000x128xf32, #tpu.memory_space<vmem>>, vector<1000x128xf32>,
    return
  }
  func.func @transform_0(%arg0: i32) -> (i32, i32) {
    %c0_i32 = arith.constant 0 : i32
    %c0_i32_0 = arith.constant 0 : i32
    return %arg0, %c0_i32 : i32, i32
  }
  func.func @transform_1(%arg0: i32) -> (i32, i32) {
    %c0_i32 = arith.constant 0 : i32
    %c0_i32_0 = arith.constant 0 : i32
    return %arg0, %c0_i32 : i32, i32
  }
  func.func @transform_2(%arg0: i32) -> (i32, i32) {
    %c0_i32 = arith.constant 0 : i32
    %c0_i32_0 = arith.constant 0 : i32
    %c0_i32_1 = arith.constant 0 : i32
    return %c0_i32, %c0_i32_0 : i32, i32
  }
  func.func @transform_3(%arg0: i32) -> (i32, i32) {
    %c0_i32 = arith.constant 0 : i32
    %c0_i32_0 = arith.constant 0 : i32
    %c0_i32_1 = arith.constant 0 : i32
    return %c0_i32, %c0_i32_0 : i32, i32
  }
  func.func @transform_4(%arg0: i32) -> (i32, i32) {
    %c0_i32 = arith.constant 0 : i32
    %c0_i32_0 = arith.constant 0 : i32
    %c0_i32_1 = arith.constant 0 : i32
    return %c0_i32, %c0_i32_0 : i32, i32
  }
  func.func @transform_5(%arg0: i32) -> (i32, i32) {
    %c0_i32 = arith.constant 0 : i32
    %c0_i32_0 = arith.constant 0 : i32
    %c0_i32_1 = arith.constant 0 : i32
    return %c0_i32, %c0_i32_0 : i32, i32
  }
  func.func @transform_6(%arg0: i32) -> (i32, i32) {
    %c0_i32 = arith.constant 0 : i32
    %c0_i32_0 = arith.constant 0 : i32
    %c0_i32_1 = arith.constant 0 : i32
    return %c0_i32, %c0_i32_0 : i32, i32
  }
  func.func @transform_7(%arg0: i32) -> (i32, i32) {
    %c0_i32 = arith.constant 0 : i32
    %c0_i32_0 = arith.constant 0 : i32
    %c0_i32_1 = arith.constant 0 : i32
    return %c0_i32, %c0_i32_0 : i32, i32
  }
  func.func @transform_8(%arg0: i32) -> (i32, i32) {
    %c0_i32 = arith.constant 0 : i32
    %c0_i32_0 = arith.constant 0 : i32
    %c0_i32_1 = arith.constant 0 : i32
    return %c0_i32, %c0_i32_0 : i32, i32
  }
  func.func @transform_9(%arg0: i32) -> (i32, i32) {
    %c0_i32 = arith.constant 0 : i32
    %c0_i32_0 = arith.constant 0 : i32
    return %arg0, %c0_i32 : i32, i32
  }
}

module attributes {stable_mosaic.version = 14 : i64} {
  func.func @_pool_body(%arg0: i32, %arg1: memref<1000x128xf32, #tpu.memory_space<vmem>>, %arg2: memref<128x64xf32, #tpu.memory_space<vmem>>, %arg3: memref<1x64xf32, #tpu.memory_space<vmem>>, %arg4: memref<64x32xf32, #tpu.memory_space<vmem>>, %arg5: memref<1x32xf32, #tpu.memory_space<vmem>>, %arg6: memref<1x32xf32, #tpu.memory_space<vmem>>, %arg7: memref<1x128xf32, #tpu.memory_space<vmem>>, %arg8: memref<1x128xf32, #tpu.memory_space<vmem>>) attributes {dimension_semantics = [#tpu.dimension_semantics<arbitrary>], iteration_bounds = array<i64: 10>, scalar_prefetch = 0 : i64, scratch_operands = 1 : i64, tpu.core_type = #tpu.core_type<tc>, window_params = [{transform_indices = @transform_0, window_bounds = array<i64: 1000, 128>}, {pipeline_mode = #tpu.pipeline_mode<synchronous>, transform_indices = @transform_1, window_bounds = array<i64: 128, 64>}, {pipeline_mode = #tpu.pipeline_mode<synchronous>, transform_indices = @transform_2, window_bounds = array<i64: 1, 64>}, {pipeline_mode = #tpu.pipeline_mode<synchronous>, transform_indices = @transform_3, window_bounds = array<i64: 64, 32>}, {pipeline_mode = #tpu.pipeline_mode<synchronous>, transform_indices = @transform_4, window_bounds = array<i64: 1, 32>}, {pipeline_mode = #tpu.pipeline_mode<synchronous>, transform_indices = @transform_5, window_bounds = array<i64: 1, 32>}, {pipeline_mode = #tpu.pipeline_mode<synchronous>, transform_indices = @transform_6, window_bounds = array<i64: 1, 128>}]} {
    %eq3A = arith.constant 0 : i32
    %eq3A_0 = arith.cmpi eq, %arg0, %eq3A : i32
    %convert_element_type3A = arith.extui %eq3A_0 : i1 to i32
    %cond3A = arith.constant 0 : i32
    %cond3A_1 = arith.cmpi ne, %convert_element_type3A, %cond3A : i32
    scf.if %cond3A_1 {
      %broadcast_in_dim3A_15 = arith.constant 0.000000e+00 : f32
      %broadcast_in_dim3A_16 = vector.broadcast %broadcast_in_dim3A_15 : f32 to vector<1x128xf32>
      %swap3A_17 = arith.constant 0 : index
      %swap3A_18 = arith.constant 0 : index
      %swap3A_19 = vector.load %arg8[%swap3A_17, %swap3A_18] : memref<1x128xf32, #tpu.memory_space<vmem>>, vector<1x128xf32>
      tpu.vector_store %arg8[%swap3A_17, %swap3A_18], %broadcast_in_dim3A_16 {strides = array<i32>} : memref<1x128xf32, #tpu.memory_space<vmem>>, vector<1x128xf32>,
    } else {
    }
    %get3A = arith.constant 0 : index
    %get3A_2 = arith.constant 0 : index
    %get3A_3 = vector.load %arg8[%get3A, %get3A_2] : memref<1x128xf32, #tpu.memory_space<vmem>>, vector<1x128xf32>
    %get3A_4 = arith.constant 0 : index
    %get3A_5 = arith.constant 0 : index
    %get3A_6 = vector.load %arg1[%get3A_4, %get3A_5] : memref<1000x128xf32, #tpu.memory_space<vmem>>, vector<1000x128xf32>
    %reduce_sum3A = arith.constant dense<0.000000e+00> : vector<128xf32>
    %reduce_sum3A_7 = vector.multi_reduction <add>, %get3A_6, %reduce_sum3A [0] : vector<1000x128xf32> to vector<128xf32>
    %broadcast_in_dim3A = vector.shape_cast %reduce_sum3A_7 : vector<128xf32> to vector<1x128xf32>
    %add3A = arith.addf %get3A_3, %broadcast_in_dim3A : vector<1x128xf32>
    %swap3A = arith.constant 0 : index
    %swap3A_8 = arith.constant 0 : index
    %swap3A_9 = vector.load %arg8[%swap3A, %swap3A_8] : memref<1x128xf32, #tpu.memory_space<vmem>>, vector<1x128xf32>
    tpu.vector_store %arg8[%swap3A, %swap3A_8], %add3A {strides = array<i32>} : memref<1x128xf32, #tpu.memory_space<vmem>>, vector<1x128xf32>,
    %eq3A_10 = arith.constant 9 : i32
    %eq3A_11 = arith.cmpi eq, %arg0, %eq3A_10 : i32
    %convert_element_type3A_12 = arith.extui %eq3A_11 : i1 to i32
    %cond3A_13 = arith.constant 0 : i32
    %cond3A_14 = arith.cmpi ne, %convert_element_type3A_12, %cond3A_13 : i32
    scf.if %cond3A_14 {
      %get3A_15 = arith.constant 0 : index
      %get3A_16 = arith.constant 0 : index
      %get3A_17 = vector.load %arg8[%get3A_15, %get3A_16] : memref<1x128xf32, #tpu.memory_space<vmem>>, vector<1x128xf32>
      %mul3A = arith.constant 9.99999974E-5 : f32
      %mul3A_18 = vector.broadcast %mul3A : f32 to vector<1x128xf32>
      %mul3A_19 = arith.mulf %get3A_17, %mul3A_18 : vector<1x128xf32>
      %swap3A_20 = arith.constant 0 : index
      %swap3A_21 = arith.constant 0 : index
      %swap3A_22 = vector.load %arg7[%swap3A_20, %swap3A_21] : memref<1x128xf32, #tpu.memory_space<vmem>>, vector<1x128xf32>
      tpu.vector_store %arg7[%swap3A_20, %swap3A_21], %mul3A_19 {strides = array<i32>} : memref<1x128xf32, #tpu.memory_space<vmem>>, vector<1x128xf32>,
      %get3A_23 = arith.constant 0 : index
      %get3A_24 = arith.constant 0 : index
      %get3A_25 = vector.load %arg2[%get3A_23, %get3A_24] : memref<128x64xf32, #tpu.memory_space<vmem>>, vector<128x64xf32>
      %dot_general3A = arith.constant dense<0.000000e+00> : vector<1x64xf32>
      %dot_general3A_26 = tpu.matmul %mul3A_19, %get3A_25, %dot_general3A {dimension_numbers = #tpu.dot_dimension_numbers<[1], [0], [0], [1], [0, 0, 1, 1], [], []>, transpose_lhs_hint = false} : vector<1x128xf32>, vector<128x64xf32>, vector<1x64xf32> -> vector<1x64xf32>
      %get3A_27 = arith.constant 0 : index
      %get3A_28 = arith.constant 0 : index
      %get3A_29 = vector.load %arg3[%get3A_27, %get3A_28] : memref<1x64xf32, #tpu.memory_space<vmem>>, vector<1x64xf32>
      %add3A_30 = arith.addf %dot_general3A_26, %get3A_29 : vector<1x64xf32>
      %max3A = arith.constant 0.000000e+00 : f32
      %max3A_31 = vector.broadcast %max3A : f32 to vector<1x64xf32>
      %max3A_32 = arith.maximumf %add3A_30, %max3A_31 : vector<1x64xf32>
      %get3A_33 = arith.constant 0 : index
      %get3A_34 = arith.constant 0 : index
      %get3A_35 = vector.load %arg4[%get3A_33, %get3A_34] : memref<64x32xf32, #tpu.memory_space<vmem>>, vector<64x32xf32>
      %dot_general3A_36 = arith.constant dense<0.000000e+00> : vector<1x32xf32>
      %dot_general3A_37 = tpu.matmul %max3A_32, %get3A_35, %dot_general3A_36 {dimension_numbers = #tpu.dot_dimension_numbers<[1], [0], [0], [1], [0, 0, 1, 1], [], []>, transpose_lhs_hint = false} : vector<1x64xf32>, vector<64x32xf32>, vector<1x32xf32> -> vector<1x32xf32>
      %get3A_38 = arith.constant 0 : index
      %get3A_39 = arith.constant 0 : index
      %get3A_40 = vector.load %arg5[%get3A_38, %get3A_39] : memref<1x32xf32, #tpu.memory_space<vmem>>, vector<1x32xf32>
      %add3A_41 = arith.addf %dot_general3A_37, %get3A_40 : vector<1x32xf32>
      %swap3A_42 = arith.constant 0 : index
      %swap3A_43 = arith.constant 0 : index
      %swap3A_44 = vector.load %arg6[%swap3A_42, %swap3A_43] : memref<1x32xf32, #tpu.memory_space<vmem>>, vector<1x32xf32>
      tpu.vector_store %arg6[%swap3A_42, %swap3A_43], %add3A_41 {strides = array<i32>} : memref<1x32xf32, #tpu.memory_space<vmem>>, vector<1x32xf32>,
    } else {
    }
    return
  }
  func.func @transform_0(%arg0: i32) -> (i32, i32) {
    %c0_i32 = arith.constant 0 : i32
    %c0_i32_0 = arith.constant 0 : i32
    return %arg0, %c0_i32 : i32, i32
  }
  func.func @transform_1(%arg0: i32) -> (i32, i32) {
    %c0_i32 = arith.constant 0 : i32
    %c0_i32_0 = arith.constant 0 : i32
    %c0_i32_1 = arith.constant 0 : i32
    return %c0_i32, %c0_i32_0 : i32, i32
  }
  func.func @transform_2(%arg0: i32) -> (i32, i32) {
    %c0_i32 = arith.constant 0 : i32
    %c0_i32_0 = arith.constant 0 : i32
    %c0_i32_1 = arith.constant 0 : i32
    return %c0_i32, %c0_i32_0 : i32, i32
  }
  func.func @transform_3(%arg0: i32) -> (i32, i32) {
    %c0_i32 = arith.constant 0 : i32
    %c0_i32_0 = arith.constant 0 : i32
    %c0_i32_1 = arith.constant 0 : i32
    return %c0_i32, %c0_i32_0 : i32, i32
  }
  func.func @transform_4(%arg0: i32) -> (i32, i32) {
    %c0_i32 = arith.constant 0 : i32
    %c0_i32_0 = arith.constant 0 : i32
    %c0_i32_1 = arith.constant 0 : i32
    return %c0_i32, %c0_i32_0 : i32, i32
  }
  func.func @transform_5(%arg0: i32) -> (i32, i32) {
    %c0_i32 = arith.constant 0 : i32
    %c0_i32_0 = arith.constant 0 : i32
    %c0_i32_1 = arith.constant 0 : i32
    return %c0_i32, %c0_i32_0 : i32, i32
  }
  func.func @transform_6(%arg0: i32) -> (i32, i32) {
    %c0_i32 = arith.constant 0 : i32
    %c0_i32_0 = arith.constant 0 : i32
    %c0_i32_1 = arith.constant 0 : i32
    return %c0_i32, %c0_i32_0 : i32, i32
  }
}

</mosaic_0001>

<sc_bundles>
// kernel: kernel.11.cloned.1.call-start
scs
__scs_entry_jumppad:
0x0: {  	(pc) =	sbr.rel $0x88, $3  }
0x1: {  	(tag) =	ssettag $0x0;
	lr =	simm.s32 $0x1  }
0x2: {  	[smem:$0x3F8D] =	sst lr;
	_ =	strace $0xD0000000  }
0x3: {  	_ = 	snop  }
0x4: {  	_ = 	snop  }
0x5: {  	_ = 	snop  }
0x6: {  	_ = 	snop  }
0x7: {  	_ = 	snop  }
__scs_overlays_trampoline_lowered:
0x8: {  	[smem:$0x3F9C] =	sst s0  }
0x9: {  	[smem:$0x3F9D] =	sst s1  }
0xa: {  	[smem:$0x3F9E] =	sst s2  }
0xb: {  	[smem:$0x3F9F] =	sst s3  }
0xc: {  	[smem:$0x3FA0] =	sst s4  }
0xd: {  	[smem:$0x3FA1] =	sst s5  }
0xe: {  	[smem:$0x3FA2] =	sst s6  }
0xf: {  	[smem:$0x3FA3] =	sst s7  }
0x10: {  	[smem:$0x3FA4] =	sst s8  }
0x11: {  	[smem:$0x3FA5] =	sst s9;
	s0 =	simm.s32 @!p0 $0x0  }
0x12: {  	s1 =	sld [smem:$0x3F8B];
	s0 =	simm.s32 @p0 $0x1  }
0x13: {  	[smem:$0x3FA6] =	sst s0;
	s0 =	simm.s32 @!p1 $0x0  }
0x14: {  	s2 =	sld [smem:$0x3F8A];
	s0 =	simm.s32 @p1 $0x1  }
0x15: {  	[smem:$0x3FA7] =	sst s0;
	s0 =	simm.s32 @!p2 $0x0  }
0x16: {  	s3 =	sld [smem:$0x3FDB];
	s0 =	simm.s32 @p2 $0x1  }
0x17: {  	s4 =	simm.s32 $0x1BF5;
	[smem:$0x3FA9] =	sst s0  }
0x18: {  	s0 =	sld [smem:$0x3F8C];
	_ =	swait.ge [sflag:s4], $0x0  }
0x19: {  	s7 =	sld [smem:$0x3F8D]  }
0x1a: {  	s8 =	sadd.s32 $0xFFFFE003, lr  }
0x1b: {  	s9 =	sadd.s32 $0xFFFFFEF7, lr;
	s5 =	simm.s32 $0xFFFFFFFF;
	p2 =	slt.u32 s8, $0xFFFFF086  }
0x1c: {  	p1 =	slt.u32 s9, $0xF7A;
	s5 =	simm.s32 @!p2 $0x0  }
0x1d: {  	s5 =	simm.s32 @p1 $0x1;
	p0 =	seq.s32 s7, s2  }
0x1e: {  	s7 =	smul.u32 @!p0 $0xF7A, s2;
	p2 =	seq.s32 @!p0 s5, $0x0  }
0x1f: {  	s9 =	smul.u32 $0xF7A, s1;
	s8 =	simm.s32 @!p0 $0x1BF5;
	p2 =	por !p2, p0  }
0x20: {  	[sflag:s8] =	ssyncset.s32 @!p0 $0xFFFFF086;
	s6 =	sadd.s32 @!p0 s3, s7;
	s7 =	simm.s32 @!p0 $0x108  }
0x21: {  	s3 =	sadd.s32 s3, s9;
	s6 =	sadd.s32 @!p0 $0x88, s6;
	s7 =	simm.s32 @p2 $0x1082  }
0x22: {  	[simem:s7], [sflag:s8] =	dma.local @!p0 [hbm:s6], $0xF7A  }
0x23: {  	s9 =	sor.u32 $0xD0000000, s2;
	s6 =	simm.s32 $0x108;
	_ =	swait.ge @!p0 [sflag:s8], $0x0  }
0x24: {  	s3 =	sadd.s32 $0x88, s3;
	s6 =	simm.s32 @!p1 $0x1082;
	[sflag:s4] =	ssyncset.s32 $0xFFFFF086  }
0x25: {  	[simem:s6], [sflag:s4] =	dma.local [hbm:s3], $0xF7A  }
0x26: {  	[smem:$0x3F8D] =	sst s1;
	(tag) =	ssettag s2;
	_ =	strace s9  }
0x27: {  	s1 =	sld [smem:$0x3F9D]  }
0x28: {  	s2 =	sld [smem:$0x3F9E]  }
0x29: {  	s4 =	sld [smem:$0x3FA0]  }
0x2a: {  	p0 =	seq.s32 s5, $0x0;
	s5 =	sld [smem:$0x3FA1]  }
0x2b: {  	s6 =	sld [smem:$0x3FA2]  }
0x2c: {  	s7 =	sld [smem:$0x3FA3]  }
0x2d: {  	s3 =	simm.s32 $0x108;
	s8 =	sld [smem:$0x3FA4]  }
0x2e: {  	s3 =	simm.s32 @!p0 $0x1082;
	s9 =	sld [smem:$0x3FA5]  }
0x2f: {  	lr =	sadd.s32 s0, s3;
	s0 =	sld [smem:$0x3F9C]  }
0x30: {  	s3 =	sld [smem:$0x3F9F]  }
0x31: {  	[smem:$0x3FA8] =	sst s10  }
0x32: {  	s10 =	sld [smem:$0x3FA6];
	_ =	sdelay $0x3  }
0x33: {  	p0 =	seq.s32 s10, $0x1;
	s10 =	sld [smem:$0x3FA8];
	_ =	sdelay $0x3  }
0x34: {  	[smem:$0x3FA8] =	sst s10  }
0x35: {  	s10 =	sld [smem:$0x3FA7];
	_ =	sdelay $0x3  }
0x36: {  	p1 =	seq.s32 s10, $0x1;
	s10 =	sld [smem:$0x3FA8];
	_ =	sdelay $0x3  }
0x37: {  	[smem:$0x3FA8] =	sst s10  }
0x38: {  	s10 =	sld [smem:$0x3FA9]  }
0x39: {  	_ = 	snop;
	(pc) =	sbr.ind lr, $3  }
0x3a: {  	_ = 	snop  }
0x3b: {  	_ = 	snop  }
0x3c: {  	p2 =	seq.s32 s10, $0x1;
	s10 =	sld [smem:$0x3FA8]  }
0x3d: {  	_ =	shalt  }
0x3e: {  	_ =	shalt  }
0x3f: {  	_ =	shalt  }
0x40: {  	_ =	shalt  }
0x41: {  	_ =	shalt  }
0x42: {  	_ =	shalt  }
0x43: {  	_ =	shalt  }
0x44: {  	_ =	shalt  }
0x45: {  	_ =	shalt  }
0x46: {  	_ =	shalt  }
0x47: {  	_ =	shalt  }
0x48: {  	_ =	shalt  }
0x49: {  	_ =	shalt  }
0x4a: {  	_ =	shalt  }
0x4b: {  	_ =	shalt  }
0x4c: {  	_ =	shalt  }
0x4d: {  	_ =	shalt  }
0x4e: {  	_ =	shalt  }
0x4f: {  	_ =	shalt  }
0x50: {  	_ =	shalt  }
0x51: {  	_ =	shalt  }
0x52: {  	_ =	shalt  }
0x53: {  	_ =	shalt  }
0x54: {  	_ =	shalt  }
0x55: {  	_ =	shalt  }
0x56: {  	_ =	shalt  }
0x57: {  	_ =	shalt  }
0x58: {  	_ =	shalt  }
0x59: {  	_ =	shalt  }
0x5a: {  	_ =	shalt  }
0x5b: {  	_ =	shalt  }
0x5c: {  	_ =	shalt  }
0x5d: {  	_ =	shalt  }
0x5e: {  	_ =	shalt  }
0x5f: {  	_ =	shalt  }
0x60: {  	_ =	shalt  }
0x61: {  	_ =	shalt  }
0x62: {  	_ =	shalt  }
0x63: {  	_ =	shalt  }
0x64: {  	_ =	shalt  }
0x65: {  	_ =	shalt  }
0x66: {  	_ =	shalt  }
0x67: {  	_ =	shalt  }
0x68: {  	_ =	shalt  }
0x69: {  	_ =	shalt  }
0x6a: {  	_ =	shalt  }
0x6b: {  	_ =	shalt  }
0x6c: {  	_ =	shalt  }
0x6d: {  	_ =	shalt  }
0x6e: {  	_ =	shalt  }
0x6f: {  	_ =	shalt  }
0x70: {  	_ =	shalt  }
0x71: {  	_ =	shalt  }
0x72: {  	_ =	shalt  }
0x73: {  	_ =	shalt  }
0x74: {  	_ =	shalt  }
0x75: {  	_ =	shalt  }
0x76: {  	_ =	shalt  }
0x77: {  	_ =	shalt  }
0x78: {  	_ =	shalt  }
0x79: {  	_ =	shalt  }
0x7a: {  	_ =	shalt  }
0x7b: {  	_ =	shalt  }
0x7c: {  	_ =	shalt  }
0x7d: {  	_ =	shalt  }
0x7e: {  	_ =	shalt  }
0x7f: {  	_ =	shalt  }
0x80: {  	_ =	shalt  }
0x81: {  	_ =	shalt  }
0x82: {  	_ =	shalt  }
0x83: {  	_ =	shalt  }
0x84: {  	_ =	shalt  }
0x85: {  	_ =	shalt  }
0x86: {  	_ =	shalt  }
0x87: {  	_ =	shalt  }
.Lfunc_end0:
.L_simem_size_0:
called_computation_lowered:
.L_overlay_start_0:
0x88: {  	s0 =	sld [smem:$0x3FD9]  }
0x89: {  	s1 =	sld [smem:$0x3FFE];
	_ =	sdelay $0x3  }
0x8a: {  	s0 =	sadd.s32 s1, s0  }
0x8b: {  	[smem:$0x3FB4] =	sst s0  }
0x8c: {  	_ = 	snop  }
0x8d: {  	(tm) =	ssettm $0x1  }
0x8e: {  	s15 =	sld [smem:$0x3FFB];
	_ =	sdelay $0x3  }
0x8f: {  	_ =	strace s15  }
0x90: {  	s0 =	sld [smem:$0x3FFC];
	_ =	sdelay $0x3  }
0x91: {  	_ =	strace s0  }
0x92: {  	s0 =	sld [smem:$0x3FFD];
	_ =	sdelay $0x3  }
0x93: {  	_ =	strace s0  }
0x94: {  	_ =	strace $0x8FFFFFFF  }
0x95: {  	s16 =	sld [smem:$0x3FDB];
	_ =	sdelay $0x1  }
0x96: {  	s17 =	simm.s32 $_scs_section_size  }
0x97: {  	s2 =	simm.s32 $_size__tile_overlayer_lowered;
	s3 =	simm.s32 $_tile_overlayer_lowered  }
0x98: {  	s20 =	simm.s32 $0x1BFF;
	s19 =	sshll.u32 s3, $0x1;
	s0 =	sadd.s32 s17, s16  }
0x99: {  	s4 =	simm.s32 $0x0;
	s18 =	sshll.u32 s2, $0x1;
	s2 =	sadd.s32 s19, s0  }
0x9a: {  	[timem:s4], [sflag:s20] =	dma.local [hbm:s2], s18  }
0x9b: {  	_ =	swait.ge [sflag:s20], s18  }
0x9c: {  	s1 =	ssub.s32 $0x0, s18;
	[sflag:s20] =	ssyncset.done $0x0  }
0x9d: {  	[sflag:s20] =	ssyncadd.s32 s1;
	_ =	sdelay $0x1  }
0x9e: {  	s21 =	simm.s32 $0x1B8B  }
0x9f: {  	_ =	swait.ge [sflag:s21], $0x1  }
0xa0: {  	[sflag:s21] =	ssyncset.done $0x0  }
0xa1: {  	s23 =	simm.s32 $0x1B8E;
	s22 =	sld [smem:$0x3FFE];
	[sflag:s21] =	ssyncadd.s32 $0xFFFFFFFF  }
0xa2: {  	s24 =	simm.s32 $execute0_lowered;
	[smem:$0x3FD2] =	sst s23  }
0xa3: {  	s2 =	sshll.u32 s24, $0x1;
	_ =	strace $0x80000046;
	[dreg:$0x1] =	wrdreg $0xFFFFFFFF  }
0xa4: {  	s25 =	simm.s32 $_size_execute0_lowered;
	s0 =	sadd.s32 s0, s2;
	[dreg:$0x0] =	wrdreg $0x0  }
0xa5: {  	s2 =	sshll.u32 s25, $0x1;
	[dreg:$0x2] =	wrdreg s0  }
0xa6: {  	[dreg:$0x3] =	wrdreg s2  }
0xa7: {  	[dreg:$0x4] =	wrdreg $0xC0  }
0xa8: {  	_ =	task [dreg:s4], $0x5FFFF  }
0xa9: {  	[dreg:$0x1] =	wrdreg $0xFFFFFFFF  }
0xaa: {  	[dreg:$0x0] =	wrdreg $0x60  }
0xab: {  	[dreg:$0x2] =	wrdreg s22  }
0xac: {  	[dreg:$0x3] =	wrdreg $0xB8000  }
0xad: {  	[dreg:$0x4] =	wrdreg $0x9  }
0xae: {  	_ =	task.clear_ibuf [dreg:s4], $0x5FFFF;
	_ =	strace $0x90000046  }
0xaf: {  	s26 =	simm.s32 $0x9;
	_ =	strace $0x80000048  }
0xb0: {  	_ =	swait.ge [sflag:s26], $0x1  }
0xb1: {  	[sflag:s26] =	ssyncadd.s32 $0xFFFFFFFF  }
0xb2: {  	_ =	strace $0x90000048  }
0xb3: {  	_ =	sfence  }
0xb4: {  	s28 =	sld [smem:$0x0];
	_ =	sdelay $0x1  }
0xb5: {  	s29 =	srdreg.scid  }
0xb6: {  	s30 =	sshll.u32 s29, $0xD;
	s31 =	sshrl.u32 s29, $0x2  }
0xb7: {  	s1 =	sand.u32 $0x1, s29;
	s2 =	sand.u32 $0x4000, s30;
	s0 =	sadd.s32 s31, s28  }
0xb8: {  	s1 =	sor.u32 s2, s1;
	s0 =	sshll.u32 s0, $0x11  }
0xb9: {  	s0 =	sor.u32 s0, s1  }
0xba: {  	s0 =	sadd.s32 $0x8F2B, s0  }
0xbb: {  	[sflag:s0] =	ssyncadd.remote.s32 $0x1  }
0xbc: {  	_ =	sfence.sel $0xFFFF  }
0xbd: {  	[dreg:$0x0] =	wrdreg $0xFFFFFFFF;
	(pc) =	sbr.abs _section_cstart, $3  }
0xbe: {  	[dreg:$0x1] =	wrdreg $0xFFFFFFFF  }
0xbf: {  	_ =	task.clear_ibuf [dreg:s4], $0x2FFFF;
	_ =	strace $0x9FFFFFFF  }
0xc0: {  	(tm) =	ssettm $0x7FFFFFFF  }
0xc1: {  	_ =	shalt  }
tec
execute0_lowered:
.L_overlay_start_1:
0x0: {  	(tag) =	ssettag $0x1  }
0x1: {  	s0 =	rddreg [dreg:$0x0]  }
0x2: {  	s2 =	rddreg [dreg:$0x1];
	s1 =	simm.s32 $0x0;
	s4 =	stileid.u32  }
0x3: {  	[smem:$0x7FF] =	sst s1;
	s3 =	sadd.s32 $0x52A200, s0;
	s30 =	sadd.s32 $0x7200, s0  }
0x4: {  	s31 =	sadd.s32 $0x27A00, s0;
	_ =	strace $0x80000047;
	[dreg:$0x3] =	wrdreg s30  }
0x5: {  	s7 =	sadd.s32 $0x551400, s0;
	s0 =	sadd.s32 $0x48200, s0;
	[dreg:$0x5] =	wrdreg s31  }
0x6: {  	v0 =	vimm.f32 $0.0e+00;
	s1 =	simm.s32 $0x200;
	[dreg:$0x4] =	wrdreg s0;
	s0 =	simm.s32 $0x0  }
.LBB2_1:
0x7: {  	p0 =	sne.s32 s1, $0x4E00;
	[tilespmem:s0+$0x6870] =	vst v0  }
0x8: {  	[tilespmem:s0+$0x6800] =	vst v0  }
0x9: {  	[tilespmem:s0+$0x6810] =	vst v0  }
.Ltmp0:
0xa: {  	[tilespmem:s0+$0x6820] =	vst v0;
	(pc) =	sbr.rel @p0 .LBB2_1-.Ltmp0, $4  }
0xb: {  	[tilespmem:s0+$0x6830] =	vst v0  }
0xc: {  	[tilespmem:s0+$0x6840] =	vst v0  }
0xd: {  	[tilespmem:s0+$0x6850] =	vst v0  }
0xe: {  	[tilespmem:s0+$0x6860] =	vst v0;
	s0 =	sshra.s32 s1, $0x2;
	s1 =	sadd.s32 $0x200, s1  }
0xf: {  	[tilespmem:s0+$0x6870] =	vst v0  }
0x10: {  	[tilespmem:s0+$0x6800] =	vst v0  }
0x11: {  	[tilespmem:s0+$0x6810] =	vst v0  }
0x12: {  	[tilespmem:s0+$0x6820] =	vst v0  }
0x13: {  	[tilespmem:s0+$0x6830] =	vst v0;
	s1 =	smul.u32 $0x4E200, s4  }
0x14: {  	[tilespmem:s0+$0x6840] =	vst v0  }
0x15: {  	[tilespmem:s0+$0x6850] =	vst v0;
	s1 =	sshrl.u32 s1, $0x2  }
0x16: {  	[tilespmem:s0+$0x6860] =	vst v0;
	s9 =	simm.s32 $0x6800;
	s10 =	simm.s32 $0xD;
	s1 =	sadd.s32 s1, s2  }
0x17: {  	[spmem:s1] =	stream.linear.scatter [tilespmem:s9], [sflag:$0xD], $0x1400, $0x38;
	[tilespmem:$0x1F080] =	vst v63  }
0x18: {  	_ =	swait.ge [sflag:s10], $0x1400  }
0x19: {  	[sflag:s10] =	ssyncset.done $0x0  }
0x1a: {  	s8 =	sadd.s32 $0x1400, s1;
	[sflag:s10] =	ssyncadd.s32 $0xFFFFEC00  }
0x1b: {  	[spmem:s8] =	stream.linear.scatter [tilespmem:s9], [sflag:$0xD], $0x1400, $0x38;
	[tilespmem:$0x1F080] =	vst v63  }
0x1c: {  	_ =	swait.ge [sflag:s10], $0x1400  }
0x1d: {  	[sflag:s10] =	ssyncset.done $0x0  }
0x1e: {  	s11 =	sadd.s32 $0x2800, s1;
	[sflag:s10] =	ssyncadd.s32 $0xFFFFEC00  }
0x1f: {  	[spmem:s11] =	stream.linear.scatter [tilespmem:s9], [sflag:$0xD], $0x1400, $0x38;
	[tilespmem:$0x1F080] =	vst v63  }
0x20: {  	_ =	swait.ge [sflag:s10], $0x1400  }
0x21: {  	[sflag:s10] =	ssyncset.done $0x0  }
0x22: {  	s12 =	sadd.s32 $0x3C00, s1;
	[sflag:s10] =	ssyncadd.s32 $0xFFFFEC00  }
0x23: {  	[spmem:s12] =	stream.linear.scatter [tilespmem:s9], [sflag:$0xD], $0x1400, $0x38;
	[tilespmem:$0x1F080] =	vst v63  }
0x24: {  	_ =	swait.ge [sflag:s10], $0x1400  }
0x25: {  	[sflag:s10] =	ssyncset.done $0x0  }
0x26: {  	s13 =	sadd.s32 $0x5000, s1;
	[sflag:s10] =	ssyncadd.s32 $0xFFFFEC00  }
0x27: {  	[spmem:s13] =	stream.linear.scatter [tilespmem:s9], [sflag:$0xD], $0x1400, $0x38;
	[tilespmem:$0x1F080] =	vst v63  }
0x28: {  	_ =	swait.ge [sflag:s10], $0x1400  }
0x29: {  	[sflag:s10] =	ssyncset.done $0x0  }
0x2a: {  	s14 =	sadd.s32 $0x6400, s1;
	[sflag:s10] =	ssyncadd.s32 $0xFFFFEC00  }
0x2b: {  	[spmem:s14] =	stream.linear.scatter [tilespmem:s9], [sflag:$0xD], $0x1400, $0x38;
	[tilespmem:$0x1F080] =	vst v63  }
0x2c: {  	_ =	swait.ge [sflag:s10], $0x1400  }
0x2d: {  	[sflag:s10] =	ssyncset.done $0x0  }
0x2e: {  	s15 =	sadd.s32 $0x7800, s1;
	[sflag:s10] =	ssyncadd.s32 $0xFFFFEC00  }
0x2f: {  	[spmem:s15] =	stream.linear.scatter [tilespmem:s9], [sflag:$0xD], $0x1400, $0x38;
	[tilespmem:$0x1F080] =	vst v63  }
0x30: {  	_ =	swait.ge [sflag:s10], $0x1400  }
0x31: {  	[sflag:s10] =	ssyncset.done $0x0  }
0x32: {  	s16 =	sadd.s32 $0x8C00, s1;
	[sflag:s10] =	ssyncadd.s32 $0xFFFFEC00  }
0x33: {  	[spmem:s16] =	stream.linear.scatter [tilespmem:s9], [sflag:$0xD], $0x1400, $0x38;
	[tilespmem:$0x1F080] =	vst v63  }
0x34: {  	_ =	swait.ge [sflag:s10], $0x1400  }
0x35: {  	[sflag:s10] =	ssyncset.done $0x0  }
0x36: {  	s17 =	sadd.s32 $0xA000, s1;
	[sflag:s10] =	ssyncadd.s32 $0xFFFFEC00  }
0x37: {  	[spmem:s17] =	stream.linear.scatter [tilespmem:s9], [sflag:$0xD], $0x1400, $0x38;
	[tilespmem:$0x1F080] =	vst v63  }
0x38: {  	_ =	swait.ge [sflag:s10], $0x1400  }
0x39: {  	[sflag:s10] =	ssyncset.done $0x0  }
0x3a: {  	s18 =	sadd.s32 $0xB400, s1;
	[sflag:s10] =	ssyncadd.s32 $0xFFFFEC00  }
0x3b: {  	[spmem:s18] =	stream.linear.scatter [tilespmem:s9], [sflag:$0xD], $0x1400, $0x38;
	[tilespmem:$0x1F080] =	vst v63  }
0x3c: {  	_ =	swait.ge [sflag:s10], $0x1400  }
0x3d: {  	[sflag:s10] =	ssyncset.done $0x0  }
0x3e: {  	s19 =	sadd.s32 $0xC800, s1;
	[sflag:s10] =	ssyncadd.s32 $0xFFFFEC00  }
0x3f: {  	[spmem:s19] =	stream.linear.scatter [tilespmem:s9], [sflag:$0xD], $0x1400, $0x38;
	[tilespmem:$0x1F080] =	vst v63  }
0x40: {  	_ =	swait.ge [sflag:s10], $0x1400  }
0x41: {  	[sflag:s10] =	ssyncset.done $0x0  }
0x42: {  	s20 =	sadd.s32 $0xDC00, s1;
	[sflag:s10] =	ssyncadd.s32 $0xFFFFEC00  }
0x43: {  	[spmem:s20] =	stream.linear.scatter [tilespmem:s9], [sflag:$0xD], $0x1400, $0x38;
	[tilespmem:$0x1F080] =	vst v63  }
0x44: {  	_ =	swait.ge [sflag:s10], $0x1400  }
0x45: {  	[sflag:s10] =	ssyncset.done $0x0  }
0x46: {  	s21 =	sadd.s32 $0xF000, s1;
	[sflag:s10] =	ssyncadd.s32 $0xFFFFEC00  }
0x47: {  	[spmem:s21] =	stream.linear.scatter [tilespmem:s9], [sflag:$0xD], $0x1400, $0x38;
	[tilespmem:$0x1F080] =	vst v63  }
0x48: {  	s25 =	smul.u32 $0x4E20, s4;
	_ =	swait.ge [sflag:s10], $0x1400  }
0x49: {  	s26 =	smul.u32 $0x10400, s4;
	s31 =	sadd.s32 $0x280, s7;
	[sflag:s10] =	ssyncset.done $0x0  }
0x4a: {  	s28 =	simm.s32 $0x7;
	s22 =	sadd.s32 $0x10400, s1;
	[sflag:s10] =	ssyncadd.s32 $0xFFFFEC00  }
0x4b: {  	[spmem:s22] =	stream.linear.scatter [tilespmem:s9], [sflag:$0xD], $0x1400, $0x38;
	[tilespmem:$0x1F080] =	vst v63  }
0x4c: {  	s29 =	simm.s32 $0xA;
	s30 =	simm.s32 $0x8;
	_ =	swait.ge [sflag:s10], $0x1400  }
0x4d: {  	s5 =	simm.s32 $0x0;
	s23 =	sadd.s32 $0x11800, s1;
	[sflag:s10] =	ssyncset.done $0x0  }
0x4e: {  	s24 =	sadd.s32 $0x12C00, s1;
	s14 =	simm.s32 $0x0;
	[sflag:s10] =	ssyncadd.s32 $0xFFFFEC00  }
0x4f: {  	[spmem:s23] =	stream.linear.scatter [tilespmem:s9], [sflag:$0xD], $0x1400, $0x38;
	[tilespmem:$0x1F080] =	vst v63  }
0x50: {  	s16 =	simm.s32 $0x7C00;
	s18 =	simm.s32 $0x28;
	_ =	swait.ge [sflag:s10], $0x1400  }
0x51: {  	s19 =	simm.s32 $0x9000;
	s20 =	simm.s32 $0x2;
	[sflag:s10] =	ssyncset.done $0x0  }
0x52: {  	s21 =	simm.s32 $0x5;
	[dreg:$0x6] =	wrdreg s1;
	[sflag:s10] =	ssyncadd.s32 $0xFFFFEC00  }
0x53: {  	[spmem:s24] =	stream.linear.scatter [tilespmem:s9], [sflag:$0xD], $0xC80, $0x38;
	[tilespmem:$0x1F080] =	vst v63  }
0x54: {  	s22 =	simm.s32 $0xA400;
	_ =	swait.ge [sflag:s10], $0xC80;
	[dreg:$0x7] =	wrdreg s25  }
0x55: {  	s23 =	simm.s32 $0x3;
	[dreg:$0x8] =	wrdreg s26;
	[sflag:s10] =	ssyncset.done $0x0  }
0x56: {  	s24 =	simm.s32 $0x6;
	[dreg:$0x9] =	wrdreg s31;
	[sflag:s10] =	ssyncadd.s32 $0xFFFFF380  }
0x57: {  	s25 =	simm.s32 $0x9;
	s26 =	simm.s32 $0x4;
	[bflag:$0x0] =	sbarrier.arrive $0xFFFF  }
.LBB2_3:
0x58: {  	s1 =	smul.u32 $0x3400, s5  }
0x59: {  	s0 =	rddreg [dreg:$0x8]  }
0x5a: {  	s1 =	sadd.s32 s0, s1  }
0x5b: {  	s8 =	rddreg [dreg:$0x3];
	s1 =	sshrl.u32 s1, $0x3  }
0x5c: {  	s4 =	sadd.s32 s8, s1  }
0x5d: {  	[tilespmem:s14], [sflag:$0xD] =	stream.linear.gather [hbm4b:s4+s14], $0x3200, $0x38;
	[tilespmem:$0x1F080] =	vst v63  }
0x5e: {  	_ =	swait.ge [sflag:s10], $0x3200  }
0x5f: {  	[sflag:s10] =	ssyncset.done $0x0;
	s11 =	rddreg [dreg:$0x5]  }
0x60: {  	s13 =	simm.s32 $0x3400;
	[sflag:s10] =	ssyncadd.s32 $0xFFFFCE00;
	s1 =	sadd.s32 s11, s1  }
0x61: {  	[tilespmem:s13], [sflag:$0xD] =	stream.linear.gather [hbm4b:s1+s14], $0x3200, $0x38;
	[tilespmem:$0x1F080] =	vst v63  }
0x62: {  	s12 =	smul.u32 $0xFA0, s5;
	_ =	swait.ge [sflag:s10], $0x3200  }
0x63: {  	s15 =	rddreg [dreg:$0x7]  }
0x64: {  	s1 =	sadd.s32 s15, s12  }
0x65: {  	[sflag:s10] =	ssyncset.done $0x0;
	s4 =	sshll.u32 s1, $0x4  }
0x66: {  	s17 =	rddreg [dreg:$0x9];
	[sflag:s10] =	ssyncadd.s32 $0xFFFFCE00;
	s6 =	sadd.s32 s7, s4  }
0x67: {  	[tilespmem:s9], [sflag:$0x1] =	stream.linear.gather [hbm4b:s6+s14], $0x1400, $0x38;
	[tilespmem:$0x1F080] =	vst v63  }
0x68: {  	s31 =	simm.s32 $0x1;
	s4 =	sadd.s32 s4, s17  }
0x69: {  	[tilespmem:s16], [sflag:$0x2] =	stream.linear.gather [hbm4b:s4+s14], $0x1400, $0x38;
	[tilespmem:$0x1F080] =	vst v63  }
0x6a: {  	_ =	swait.ge [sflag:s31], $0x1400  }
0x6b: {  	s8 =	sadd.s32 $0xA0, s1;
	[sflag:s31] =	ssyncset.done $0x0  }
0x6c: {  	s15 =	sadd.s32 $0xC8, s1;
	s4 =	simm.s32 $0x0;
	[sflag:s31] =	ssyncadd.s32 $0xFFFFEC00  }
0x6d: {  	[tilespmem:s9], [sflag:$0x5] =	stream.indirect.gather.add.f32 [hbm:s3], $0x80, s14, s18, $0xb8;
	[tilespmem:$0x1F080] =	vst v63  }
.LBB2_4:
0x6e: {  	s13 =	sshll.u32 s4, $0x2  }
0x6f: {  	s12 =	sor.u32 $0x2, s13  }
0x70: {  	p0 =	seq.s32 s4, $0x0;
	s6 =	smul.u32 $0x28, s12  }
0x71: {  	s11 =	simm.s32 @!p0 $0xB  }
0x72: {  	_ =	swait.ge @!p0 [sflag:s11], $0x1400;
	s6 =	sadd.s32 s1, s6  }
0x73: {  	[sflag:s11] =	ssyncset.done @!p0 $0x0;
	s6 =	sshll.u32 s6, $0x4  }
0x74: {  	s17 =	simm.s32 $0x0;
	[sflag:s11] =	ssyncadd.s32 @!p0 $0xFFFFEC00;
	s6 =	sadd.s32 s7, s6  }
0x75: {  	[tilespmem:s19], [sflag:$0x3] =	stream.linear.gather [hbm4b:s6+s17], $0x1400, $0x38;
	[tilespmem:$0x1F080] =	vst v63  }
0x76: {  	_ =	swait.ge [sflag:s20], $0x1400  }
0x77: {  	s31 =	sshll.u32 s4, $0x9;
	[sflag:s20] =	ssyncset.done $0x0  }
0x78: {  	s11 =	sor.u32 $0x80, s31;
	[sflag:s20] =	ssyncadd.s32 $0xFFFFEC00  }
0x79: {  	[tilespmem:s16], [sflag:$0x6] =	stream.indirect.gather.add.f32 [hbm:s3], $0x80, s11, s18, $0xb8;
	[tilespmem:$0x1F080] =	vst v63  }
0x7a: {  	_ =	swait.ge [sflag:s21], $0x1400  }
0x7b: {  	[sflag:s21] =	ssyncset.done $0x0  }
0x7c: {  	s17 =	simm.s32 $0x0;
	[sflag:s21] =	ssyncadd.s32 $0xFFFFEC00  }
0x7d: {  	v2 =	vld [tilespmem:s17+$0x6800]  }
0x7e: {  	v4 =	vld [tilespmem:s17+$0x6810]  }
0x7f: {  	v3 =	vld [tilespmem:s17+$0x6820]  }
0x80: {  	v1 =	vld [tilespmem:s17+$0x6830]  }
0x81: {  	v0 =	vld [tilespmem:s17+$0x6840]  }
0x82: {  	v5 =	vmax.f32 v2, $0.0e+00;
	v2 =	vld [tilespmem:s17+$0x6850]  }
0x83: {  	s6 =	simm.s32 $0x200;
	[tilespmem:s17+$0x6800] =	vst v5;
	v5 =	vmax.f32 v4, $0.0e+00;
	v4 =	vld [tilespmem:s17+$0x6860]  }
.LBB2_5:
0x84: {  	s31 =	sshra.s32 s6, $0x2;
	p1 =	sne.s32 s6, $0x4E00;
	[tilespmem:s17+$0x6810] =	vst v5;
	v3 =	vmax.f32 v3, $0.0e+00;
	v5 =	vld [tilespmem:s17+$0x6870]  }
0x85: {  	v6 =	vld [tilespmem:s31+$0x6800];
	[tilespmem:s17+$0x6820] =	vst v3;
	v1 =	vmax.f32 v1, $0.0e+00  }
0x86: {  	v7 =	vld [tilespmem:s31+$0x6810];
	[tilespmem:s17+$0x6830] =	vst v1;
	v0 =	vmax.f32 v0, $0.0e+00  }
.Ltmp1:
0x87: {  	v3 =	vld [tilespmem:s31+$0x6820];
	[tilespmem:s17+$0x6840] =	vst v0;
	v0 =	vmax.f32 v2, $0.0e+00;
	(pc) =	sbr.rel @p1 .LBB2_5-.Ltmp1, $4  }
0x88: {  	v1 =	vld [tilespmem:s31+$0x6830];
	[tilespmem:s17+$0x6850] =	vst v0;
	v2 =	vmax.f32 v4, $0.0e+00  }
0x89: {  	v0 =	vld [tilespmem:s31+$0x6840];
	[tilespmem:s17+$0x6860] =	vst v2;
	v4 =	vmax.f32 v5, $0.0e+00  }
0x8a: {  	v5 =	vmax.f32 v6, $0.0e+00;
	v2 =	vld [tilespmem:s31+$0x6850];
	[tilespmem:s17+$0x6870] =	vst v4;
	s17 =	smov.u32 s31  }
0x8b: {  	s6 =	sadd.s32 $0x200, s6;
	[tilespmem:s17+$0x6800] =	vst v5;
	v5 =	vmax.f32 v7, $0.0e+00;
	v4 =	vld [tilespmem:s17+$0x6860]  }
0x8c: {  	[tilespmem:s17+$0x6810] =	vst v5;
	v3 =	vmax.f32 v3, $0.0e+00;
	v5 =	vld [tilespmem:s17+$0x6870]  }
0x8d: {  	[tilespmem:s17+$0x6820] =	vst v3;
	v1 =	vmax.f32 v1, $0.0e+00  }
0x8e: {  	[tilespmem:s17+$0x6830] =	vst v1;
	v0 =	vmax.f32 v0, $0.0e+00  }
0x8f: {  	[tilespmem:s17+$0x6840] =	vst v0;
	v0 =	vmax.f32 v2, $0.0e+00  }
0x90: {  	s6 =	sshll.u32 s4, $0xB;
	[tilespmem:s17+$0x6850] =	vst v0;
	v0 =	vmax.f32 v4, $0.0e+00  }
0x91: {  	s31 =	sshrl.u32 s6, $0x2;
	[tilespmem:s17+$0x6860] =	vst v0;
	v0 =	vmax.f32 v5, $0.0e+00  }
0x92: {  	s13 =	sor.u32 $0x3, s13;
	s0 =	sadd.s32 $0x3400, s31;
	[tilespmem:s17+$0x6870] =	vst v0  }
0x93: {  	[spmem:s2] =	stream.indirect.scatter.add.f32 [tilespmem:s9], [sflag:$0x9], $0x80, s0, s18, $0xb8;
	[tilespmem:$0x1F080] =	vst v63  }
0x94: {  	s0 =	smul.u32 $0x28, s13  }
0x95: {  	s31 =	simm.s32 @!p0 $0xC  }
0x96: {  	_ =	swait.ge @!p0 [sflag:s31], $0x1400;
	s17 =	sadd.s32 s1, s0  }
0x97: {  	[sflag:s31] =	ssyncset.done @!p0 $0x0;
	s17 =	sshll.u32 s17, $0x4  }
0x98: {  	[sflag:s31] =	ssyncadd.s32 @!p0 $0xFFFFEC00;
	s31 =	simm.s32 $0x0;
	s17 =	sadd.s32 s7, s17  }
0x99: {  	[tilespmem:s22], [sflag:$0x4] =	stream.linear.gather [hbm4b:s17+s31], $0x1400, $0x38;
	[tilespmem:$0x1F080] =	vst v63  }
0x9a: {  	_ =	swait.ge [sflag:s23], $0x1400  }
0x9b: {  	[sflag:s23] =	ssyncset.done $0x0  }
0x9c: {  	s12 =	sshll.u32 s12, $0x7;
	[sflag:s23] =	ssyncadd.s32 $0xFFFFEC00  }
0x9d: {  	[tilespmem:s19], [sflag:$0x7] =	stream.indirect.gather.add.f32 [hbm:s3], $0x80, s12, s18, $0xb8;
	[tilespmem:$0x1F080] =	vst v63  }
0x9e: {  	_ =	swait.ge [sflag:s24], $0x1400  }
0x9f: {  	[sflag:s24] =	ssyncset.done $0x0  }
0xa0: {  	s17 =	simm.s32 $0x0;
	[sflag:s24] =	ssyncadd.s32 $0xFFFFEC00  }
0xa1: {  	v2 =	vld [tilespmem:s17+$0x7C00]  }
0xa2: {  	v4 =	vld [tilespmem:s17+$0x7C10]  }
0xa3: {  	v3 =	vld [tilespmem:s17+$0x7C20]  }
0xa4: {  	v1 =	vld [tilespmem:s17+$0x7C30]  }
0xa5: {  	v0 =	vld [tilespmem:s17+$0x7C40]  }
0xa6: {  	v5 =	vmax.f32 v2, $0.0e+00;
	v2 =	vld [tilespmem:s17+$0x7C50]  }
0xa7: {  	s31 =	simm.s32 $0x200;
	[tilespmem:s17+$0x7C00] =	vst v5;
	v5 =	vmax.f32 v4, $0.0e+00;
	v4 =	vld [tilespmem:s17+$0x7C60]  }
.LBB2_7:
0xa8: {  	s0 =	sshra.s32 s31, $0x2;
	p0 =	sne.s32 s31, $0x4E00;
	[tilespmem:s17+$0x7C10] =	vst v5;
	v3 =	vmax.f32 v3, $0.0e+00;
	v5 =	vld [tilespmem:s17+$0x7C70]  }
0xa9: {  	v6 =	vld [tilespmem:s0+$0x7C00];
	[tilespmem:s17+$0x7C20] =	vst v3;
	v1 =	vmax.f32 v1, $0.0e+00  }
0xaa: {  	v7 =	vld [tilespmem:s0+$0x7C10];
	[tilespmem:s17+$0x7C30] =	vst v1;
	v0 =	vmax.f32 v0, $0.0e+00  }
.Ltmp2:
0xab: {  	v3 =	vld [tilespmem:s0+$0x7C20];
	[tilespmem:s17+$0x7C40] =	vst v0;
	v0 =	vmax.f32 v2, $0.0e+00;
	(pc) =	sbr.rel @p0 .LBB2_7-.Ltmp2, $4  }
0xac: {  	v1 =	vld [tilespmem:s0+$0x7C30];
	[tilespmem:s17+$0x7C50] =	vst v0;
	v2 =	vmax.f32 v4, $0.0e+00  }
0xad: {  	v0 =	vld [tilespmem:s0+$0x7C40];
	[tilespmem:s17+$0x7C60] =	vst v2;
	v4 =	vmax.f32 v5, $0.0e+00  }
0xae: {  	v5 =	vmax.f32 v6, $0.0e+00;
	v2 =	vld [tilespmem:s0+$0x7C50];
	[tilespmem:s17+$0x7C70] =	vst v4;
	s17 =	smov.u32 s0  }
0xaf: {  	s31 =	sadd.s32 $0x200, s31;
	[tilespmem:s17+$0x7C00] =	vst v5;
	v5 =	vmax.f32 v7, $0.0e+00;
	v4 =	vld [tilespmem:s17+$0x7C60]  }
0xb0: {  	[tilespmem:s17+$0x7C10] =	vst v5;
	v3 =	vmax.f32 v3, $0.0e+00;
	v5 =	vld [tilespmem:s17+$0x7C70]  }
0xb1: {  	[tilespmem:s17+$0x7C20] =	vst v3;
	v1 =	vmax.f32 v1, $0.0e+00  }
0xb2: {  	[tilespmem:s17+$0x7C30] =	vst v1;
	v0 =	vmax.f32 v0, $0.0e+00  }
0xb3: {  	[tilespmem:s17+$0x7C40] =	vst v0;
	v0 =	vmax.f32 v2, $0.0e+00  }
0xb4: {  	[tilespmem:s17+$0x7C50] =	vst v0;
	v0 =	vmax.f32 v4, $0.0e+00  }
0xb5: {  	p0 =	seq.s32 s4, $0x18;
	[tilespmem:s17+$0x7C60] =	vst v0;
	v0 =	vmax.f32 v5, $0.0e+00  }
0xb6: {  	s0 =	sadd.s32 $0x3400, s11;
	[tilespmem:s17+$0x7C70] =	vst v0;
	s17 =	smul.u32 @!p0 $0xA0, s4  }
0xb7: {  	[spmem:s2] =	stream.indirect.scatter.add.f32 [tilespmem:s16], [sflag:$0xA], $0x80, s0, s18, $0xb8;
	[tilespmem:$0x1F080] =	vst v63  }
0xb8: {  	_ =	swait.ge [sflag:s25], $0x1400;
	s0 =	sadd.s32 @!p0 s17, s8  }
0xb9: {  	s11 =	simm.s32 @!p0 $0x0;
	[sflag:s25] =	ssyncset.done $0x0;
	s0 =	sshll.u32 @!p0 s0, $0x4  }
0xba: {  	s31 =	simm.s32 @!p0 $0x6800;
	[sflag:s25] =	ssyncadd.s32 $0xFFFFEC00;
	s0 =	sadd.s32 @!p0 s7, s0  }
0xbb: {  	[tilespmem:s31], [sflag:$0x1] =	stream.linear.gather @!p0 [hbm4b:s0+s11], $0x1400, $0x38;
	[tilespmem:$0x1F080] =	vst v63  }
0xbc: {  	_ =	swait.ge [sflag:s26], $0x1400  }
0xbd: {  	[sflag:s26] =	ssyncset.done $0x0  }
0xbe: {  	s11 =	sshll.u32 s13, $0x7;
	[sflag:s26] =	ssyncadd.s32 $0xFFFFEC00  }
0xbf: {  	[tilespmem:s22], [sflag:$0x8] =	stream.indirect.gather.add.f32 [hbm:s3], $0x80, s11, s18, $0xb8;
	[tilespmem:$0x1F080] =	vst v63  }
0xc0: {  	_ =	swait.ge [sflag:s28], $0x1400  }
0xc1: {  	[sflag:s28] =	ssyncset.done $0x0  }
0xc2: {  	s13 =	simm.s32 $0x0;
	[sflag:s28] =	ssyncadd.s32 $0xFFFFEC00  }
0xc3: {  	v2 =	vld [tilespmem:s13+$0x9000]  }
0xc4: {  	v4 =	vld [tilespmem:s13+$0x9010]  }
0xc5: {  	v3 =	vld [tilespmem:s13+$0x9020]  }
0xc6: {  	v1 =	vld [tilespmem:s13+$0x9030]  }
0xc7: {  	v0 =	vld [tilespmem:s13+$0x9040]  }
0xc8: {  	v5 =	vmax.f32 v2, $0.0e+00;
	v2 =	vld [tilespmem:s13+$0x9050]  }
0xc9: {  	s31 =	simm.s32 $0x200;
	[tilespmem:s13+$0x9000] =	vst v5;
	v5 =	vmax.f32 v4, $0.0e+00;
	v4 =	vld [tilespmem:s13+$0x9060]  }
.LBB2_9:
0xca: {  	s0 =	sshra.s32 s31, $0x2;
	p1 =	sne.s32 s31, $0x4E00;
	[tilespmem:s13+$0x9010] =	vst v5;
	v3 =	vmax.f32 v3, $0.0e+00;
	v5 =	vld [tilespmem:s13+$0x9070]  }
0xcb: {  	v6 =	vld [tilespmem:s0+$0x9000];
	[tilespmem:s13+$0x9020] =	vst v3;
	v1 =	vmax.f32 v1, $0.0e+00  }
0xcc: {  	v7 =	vld [tilespmem:s0+$0x9010];
	[tilespmem:s13+$0x9030] =	vst v1;
	v0 =	vmax.f32 v0, $0.0e+00  }
.Ltmp3:
0xcd: {  	v3 =	vld [tilespmem:s0+$0x9020];
	[tilespmem:s13+$0x9040] =	vst v0;
	v0 =	vmax.f32 v2, $0.0e+00;
	(pc) =	sbr.rel @p1 .LBB2_9-.Ltmp3, $4  }
0xce: {  	v1 =	vld [tilespmem:s0+$0x9030];
	[tilespmem:s13+$0x9050] =	vst v0;
	v2 =	vmax.f32 v4, $0.0e+00  }
0xcf: {  	v0 =	vld [tilespmem:s0+$0x9040];
	[tilespmem:s13+$0x9060] =	vst v2;
	v4 =	vmax.f32 v5, $0.0e+00  }
0xd0: {  	v5 =	vmax.f32 v6, $0.0e+00;
	v2 =	vld [tilespmem:s0+$0x9050];
	[tilespmem:s13+$0x9070] =	vst v4;
	s13 =	smov.u32 s0  }
0xd1: {  	s31 =	sadd.s32 $0x200, s31;
	[tilespmem:s13+$0x9000] =	vst v5;
	v5 =	vmax.f32 v7, $0.0e+00;
	v4 =	vld [tilespmem:s13+$0x9060]  }
0xd2: {  	[tilespmem:s13+$0x9010] =	vst v5;
	v3 =	vmax.f32 v3, $0.0e+00;
	v5 =	vld [tilespmem:s13+$0x9070]  }
0xd3: {  	[tilespmem:s13+$0x9020] =	vst v3;
	v1 =	vmax.f32 v1, $0.0e+00  }
0xd4: {  	[tilespmem:s13+$0x9030] =	vst v1;
	v0 =	vmax.f32 v0, $0.0e+00  }
0xd5: {  	[tilespmem:s13+$0x9040] =	vst v0;
	v0 =	vmax.f32 v2, $0.0e+00  }
0xd6: {  	[tilespmem:s13+$0x9050] =	vst v0;
	v0 =	vmax.f32 v4, $0.0e+00  }
0xd7: {  	[tilespmem:s13+$0x9060] =	vst v0;
	v0 =	vmax.f32 v5, $0.0e+00  }
0xd8: {  	s0 =	sadd.s32 $0x3400, s12;
	[tilespmem:s13+$0x9070] =	vst v0  }
0xd9: {  	[spmem:s2] =	stream.indirect.scatter.add.f32 [tilespmem:s19], [sflag:$0xB], $0x80, s0, s18, $0xb8;
	[tilespmem:$0x1F080] =	vst v63  }
0xda: {  	s0 =	sadd.s32 @!p0 s17, s15;
	_ =	swait.ge [sflag:s29], $0x1400  }
0xdb: {  	s12 =	simm.s32 @!p0 $0x0;
	s0 =	sshll.u32 @!p0 s0, $0x4;
	[sflag:s29] =	ssyncset.done $0x0  }
0xdc: {  	s13 =	simm.s32 @!p0 $0x7C00;
	s0 =	sadd.s32 @!p0 s7, s0;
	[sflag:s29] =	ssyncadd.s32 $0xFFFFEC00  }
0xdd: {  	[tilespmem:s13], [sflag:$0x2] =	stream.linear.gather @!p0 [hbm4b:s0+s12], $0x1400, $0x38;
	[tilespmem:$0x1F080] =	vst v63  }
0xde: {  	s0 =	simm.s32 @!p0 $0x1  }
0xdf: {  	_ =	swait.ge @!p0 [sflag:s0], $0x1400  }
0xe0: {  	[sflag:s0] =	ssyncset.done @!p0 $0x0  }
0xe1: {  	[sflag:s0] =	ssyncadd.s32 @!p0 $0xFFFFEC00;
	s0 =	sshrl.u32 @!p0 s6, $0x2  }
0xe2: {  	s12 =	simm.s32 @!p0 $0x6800;
	s6 =	simm.s32 @!p0 $0x28;
	s0 =	sadd.s32 @!p0 $0x200, s0  }
0xe3: {  	[tilespmem:s12], [sflag:$0x5] =	stream.indirect.gather.add.f32 @!p0 [hbm:s3], $0x80, s0, s6, $0xb8;
	[tilespmem:$0x1F080] =	vst v63  }
0xe4: {  	_ =	swait.ge [sflag:s30], $0x1400  }
0xe5: {  	[sflag:s30] =	ssyncset.done $0x0  }
0xe6: {  	s6 =	simm.s32 $0x0;
	[sflag:s30] =	ssyncadd.s32 $0xFFFFEC00  }
0xe7: {  	v2 =	vld [tilespmem:s6+$0xA400]  }
0xe8: {  	v4 =	vld [tilespmem:s6+$0xA410]  }
0xe9: {  	v3 =	vld [tilespmem:s6+$0xA420]  }
0xea: {  	v1 =	vld [tilespmem:s6+$0xA430]  }
0xeb: {  	v0 =	vld [tilespmem:s6+$0xA440]  }
0xec: {  	v5 =	vmax.f32 v2, $0.0e+00;
	v2 =	vld [tilespmem:s6+$0xA450]  }
0xed: {  	s12 =	simm.s32 $0x200;
	[tilespmem:s6+$0xA400] =	vst v5;
	v5 =	vmax.f32 v4, $0.0e+00;
	v4 =	vld [tilespmem:s6+$0xA460]  }
.LBB2_11:
0xee: {  	s0 =	sshra.s32 s12, $0x2;
	p0 =	sne.s32 s12, $0x4E00;
	[tilespmem:s6+$0xA410] =	vst v5;
	v3 =	vmax.f32 v3, $0.0e+00;
	v5 =	vld [tilespmem:s6+$0xA470]  }
0xef: {  	v6 =	vld [tilespmem:s0+$0xA400];
	[tilespmem:s6+$0xA420] =	vst v3;
	v1 =	vmax.f32 v1, $0.0e+00  }
0xf0: {  	v7 =	vld [tilespmem:s0+$0xA410];
	[tilespmem:s6+$0xA430] =	vst v1;
	v0 =	vmax.f32 v0, $0.0e+00  }
.Ltmp4:
0xf1: {  	v3 =	vld [tilespmem:s0+$0xA420];
	[tilespmem:s6+$0xA440] =	vst v0;
	v0 =	vmax.f32 v2, $0.0e+00;
	(pc) =	sbr.rel @p0 .LBB2_11-.Ltmp4, $4  }
0xf2: {  	v1 =	vld [tilespmem:s0+$0xA430];
	[tilespmem:s6+$0xA450] =	vst v0;
	v2 =	vmax.f32 v4, $0.0e+00  }
0xf3: {  	v0 =	vld [tilespmem:s0+$0xA440];
	[tilespmem:s6+$0xA460] =	vst v2;
	v4 =	vmax.f32 v5, $0.0e+00  }
0xf4: {  	v5 =	vmax.f32 v6, $0.0e+00;
	v2 =	vld [tilespmem:s0+$0xA450];
	[tilespmem:s6+$0xA470] =	vst v4;
	s6 =	smov.u32 s0  }
0xf5: {  	s12 =	sadd.s32 $0x200, s12;
	[tilespmem:s6+$0xA400] =	vst v5;
	v5 =	vmax.f32 v7, $0.0e+00;
	v4 =	vld [tilespmem:s6+$0xA460]  }
0xf6: {  	[tilespmem:s6+$0xA410] =	vst v5;
	v3 =	vmax.f32 v3, $0.0e+00;
	v60 =	vld [tilespmem:s6+$0xA470]  }
0xf7: {  	s4 =	sadd.s32 $0x1, s4;
	[tilespmem:s6+$0xA420] =	vst v3;
	v1 =	vmax.f32 v1, $0.0e+00  }
0xf8: {  	p0 =	sne.s32 s4, $0x19;
	[tilespmem:s6+$0xA430] =	vst v1;
	v0 =	vmax.f32 v0, $0.0e+00  }
.Ltmp5:
0xf9: {  	[tilespmem:s6+$0xA440] =	vst v0;
	v61 =	vmax.f32 v2, $0.0e+00;
	(pc) =	sbr.rel @p0 .LBB2_4-.Ltmp5, $4  }
0xfa: {  	[tilespmem:s6+$0xA450] =	vst v61;
	v62 =	vmax.f32 v4, $0.0e+00  }
0xfb: {  	[tilespmem:s6+$0xA460] =	vst v62;
	v63 =	vmax.f32 v60, $0.0e+00  }
0xfc: {  	s0 =	sadd.s32 $0x3400, s11;
	[tilespmem:s6+$0xA470] =	vst v63  }
0xfd: {  	[spmem:s2] =	stream.indirect.scatter.add.f32 [tilespmem:s22], [sflag:$0xC], $0x80, s0, s18, $0xb8;
	[tilespmem:$0x1F080] =	vst v63  }
0xfe: {  	s0 =	simm.s32 $0xB;
	s5 =	sadd.s32 $0x1, s5  }
0xff: {  	_ =	swait.ge [sflag:s0], $0x1400;
	p0 =	sne.s32 s5, $0x5  }
.Ltmp6:
0x100: {  	[sflag:s0] =	ssyncset.done $0x0;
	(pc) =	sbr.rel @p0 .LBB2_3-.Ltmp6, $4  }
0x101: {  	s31 =	simm.s32 $0xC;
	[sflag:s0] =	ssyncadd.s32 $0xFFFFEC00  }
0x102: {  	_ =	swait.ge [sflag:s31], $0x1400  }
0x103: {  	[sflag:s31] =	ssyncset.done $0x0  }
0x104: {  	[sflag:s31] =	ssyncadd.s32 $0xFFFFEC00  }
0x105: {  	s3 =	stileid.u32  }
0x106: {  	s1 =	rddreg [dreg:$0x4];
	[bflag:$0x0] =	sbarrier.arrive $0xFFFF;
	s0 =	smul.u32 $0x2780, s3  }
0x107: {  	s31 =	simm.s32 $0xD;
	s30 =	sshll.u32 s3, $0x6;
	s2 =	rddreg [dreg:$0x6]  }
0x108: {  	s2 =	sshrl.u32 s2, $0x3;
	s0 =	sadd.s32 s1, s0;
	s1 =	sor.u32 $0x1C0D, s30  }
0x109: {  	[hbm:s0], [sflag:s1] =	dma.local [spmem:s2], $0x2710  }
0x10a: {  	_ =	swait.ge [sflag:s31], $0x2710  }
0x10b: {  	[sflag:s31] =	ssyncset.done $0x0  }
0x10c: {  	[sflag:s31] =	ssyncadd.s32 $0xFFFFD8F0  }
0x10d: {  	_ =	sfence.sel $0x180000  }
0x10e: {  	[bflag:$0x0] =	sbarrier.arrive $0xFFFF  }
0x10f: {  	_ =	strace $0x90000047  }
0x110: {  	[bflag:$0x2] =	sbarrier.arrive $0xFFFF  }
0x111: {  	p0 =	sne.s32 s3, $0x0;
	s0 =	rddreg [dreg:$0x2]  }
0x112: {  	s0 =	sadd.s32 @!p0 $0x100000, s0  }
0x113: {  	[sflag:s0] =	ssyncadd.tile.s32 @!p0 $0x1;
	_ =	shalt  }
.Lfunc_end2:
_tile_overlayer_lowered:
.L_overlay_start_2:
0x114: {  	(tag) =	ssettag $0x2  }
0x115: {  	s0 =	rddreg [dreg:$0x0];
	s2 =	stileid.u32  }
0x116: {  	s1 =	rddreg [dreg:$0x1];
	p0 =	sne.s32 s2, $0x0  }
0x117: {  	s3 =	rddreg [dreg:$0x2];
	[bflag:$0x3] =	sbarrier.arrive $0xFFFF;
	s2 =	simm.s32 @!p0 $0x1C0D  }
0x118: {  	[timem:s3], [sflag:s2] =	dma.local @!p0 [hbm:s0], s1  }
0x119: {  	s0 =	simm.s32 @!p0 $0xD  }
0x11a: {  	_ =	swait.ge @!p0 [sflag:s0], s1  }
0x11b: {  	s1 =	ssub.s32 @!p0 $0x0, s1;
	[sflag:s0] =	ssyncset.done @!p0 $0x0  }
0x11c: {  	[sflag:s0] =	ssyncadd.s32 @!p0 s1  }
0x11d: {  	[bflag:$0x3] =	sbarrier.arrive $0xFFFF  }
0x11e: {  	_ =	shalt  }

// kernel: kernel.14.cloned.1.call-start
scs
__scs_entry_jumppad:
0x0: {  	(pc) =	sbr.rel $0x88, $3  }
0x1: {  	(tag) =	ssettag $0x0;
	lr =	simm.s32 $0x1  }
0x2: {  	[smem:$0x3F8D] =	sst lr;
	_ =	strace $0xD0000000  }
0x3: {  	_ = 	snop  }
0x4: {  	_ = 	snop  }
0x5: {  	_ = 	snop  }
0x6: {  	_ = 	snop  }
0x7: {  	_ = 	snop  }
__scs_overlays_trampoline_lowered:
0x8: {  	[smem:$0x3F9C] =	sst s0  }
0x9: {  	[smem:$0x3F9D] =	sst s1  }
0xa: {  	[smem:$0x3F9E] =	sst s2  }
0xb: {  	[smem:$0x3F9F] =	sst s3  }
0xc: {  	[smem:$0x3FA0] =	sst s4  }
0xd: {  	[smem:$0x3FA1] =	sst s5  }
0xe: {  	[smem:$0x3FA2] =	sst s6  }
0xf: {  	[smem:$0x3FA3] =	sst s7  }
0x10: {  	[smem:$0x3FA4] =	sst s8  }
0x11: {  	[smem:$0x3FA5] =	sst s9;
	s0 =	simm.s32 @!p0 $0x0  }
0x12: {  	s1 =	sld [smem:$0x3F8B];
	s0 =	simm.s32 @p0 $0x1  }
0x13: {  	[smem:$0x3FA6] =	sst s0;
	s0 =	simm.s32 @!p1 $0x0  }
0x14: {  	s2 =	sld [smem:$0x3F8A];
	s0 =	simm.s32 @p1 $0x1  }
0x15: {  	[smem:$0x3FA7] =	sst s0;
	s0 =	simm.s32 @!p2 $0x0  }
0x16: {  	s3 =	sld [smem:$0x3FDB];
	s0 =	simm.s32 @p2 $0x1  }
0x17: {  	s4 =	simm.s32 $0x1BF5;
	[smem:$0x3FA9] =	sst s0  }
0x18: {  	s0 =	sld [smem:$0x3F8C];
	_ =	swait.ge [sflag:s4], $0x0  }
0x19: {  	s7 =	sld [smem:$0x3F8D]  }
0x1a: {  	s8 =	sadd.s32 $0xFFFFE003, lr  }
0x1b: {  	s9 =	sadd.s32 $0xFFFFFEF7, lr;
	s5 =	simm.s32 $0xFFFFFFFF;
	p2 =	slt.u32 s8, $0xFFFFF086  }
0x1c: {  	p1 =	slt.u32 s9, $0xF7A;
	s5 =	simm.s32 @!p2 $0x0  }
0x1d: {  	s5 =	simm.s32 @p1 $0x1;
	p0 =	seq.s32 s7, s2  }
0x1e: {  	s7 =	smul.u32 @!p0 $0xF7A, s2;
	p2 =	seq.s32 @!p0 s5, $0x0  }
0x1f: {  	s9 =	smul.u32 $0xF7A, s1;
	s8 =	simm.s32 @!p0 $0x1BF5;
	p2 =	por !p2, p0  }
0x20: {  	[sflag:s8] =	ssyncset.s32 @!p0 $0xFFFFF086;
	s6 =	sadd.s32 @!p0 s3, s7;
	s7 =	simm.s32 @!p0 $0x108  }
0x21: {  	s3 =	sadd.s32 s3, s9;
	s6 =	sadd.s32 @!p0 $0x88, s6;
	s7 =	simm.s32 @p2 $0x1082  }
0x22: {  	[simem:s7], [sflag:s8] =	dma.local @!p0 [hbm:s6], $0xF7A  }
0x23: {  	s9 =	sor.u32 $0xD0000000, s2;
	s6 =	simm.s32 $0x108;
	_ =	swait.ge @!p0 [sflag:s8], $0x0  }
0x24: {  	s3 =	sadd.s32 $0x88, s3;
	s6 =	simm.s32 @!p1 $0x1082;
	[sflag:s4] =	ssyncset.s32 $0xFFFFF086  }
0x25: {  	[simem:s6], [sflag:s4] =	dma.local [hbm:s3], $0xF7A  }
0x26: {  	[smem:$0x3F8D] =	sst s1;
	(tag) =	ssettag s2;
	_ =	strace s9  }
0x27: {  	s1 =	sld [smem:$0x3F9D]  }
0x28: {  	s2 =	sld [smem:$0x3F9E]  }
0x29: {  	s4 =	sld [smem:$0x3FA0]  }
0x2a: {  	p0 =	seq.s32 s5, $0x0;
	s5 =	sld [smem:$0x3FA1]  }
0x2b: {  	s6 =	sld [smem:$0x3FA2]  }
0x2c: {  	s7 =	sld [smem:$0x3FA3]  }
0x2d: {  	s3 =	simm.s32 $0x108;
	s8 =	sld [smem:$0x3FA4]  }
0x2e: {  	s3 =	simm.s32 @!p0 $0x1082;
	s9 =	sld [smem:$0x3FA5]  }
0x2f: {  	lr =	sadd.s32 s0, s3;
	s0 =	sld [smem:$0x3F9C]  }
0x30: {  	s3 =	sld [smem:$0x3F9F]  }
0x31: {  	[smem:$0x3FA8] =	sst s10  }
0x32: {  	s10 =	sld [smem:$0x3FA6];
	_ =	sdelay $0x3  }
0x33: {  	p0 =	seq.s32 s10, $0x1;
	s10 =	sld [smem:$0x3FA8];
	_ =	sdelay $0x3  }
0x34: {  	[smem:$0x3FA8] =	sst s10  }
0x35: {  	s10 =	sld [smem:$0x3FA7];
	_ =	sdelay $0x3  }
0x36: {  	p1 =	seq.s32 s10, $0x1;
	s10 =	sld [smem:$0x3FA8];
	_ =	sdelay $0x3  }
0x37: {  	[smem:$0x3FA8] =	sst s10  }
0x38: {  	s10 =	sld [smem:$0x3FA9]  }
0x39: {  	_ = 	snop;
	(pc) =	sbr.ind lr, $3  }
0x3a: {  	_ = 	snop  }
0x3b: {  	_ = 	snop  }
0x3c: {  	p2 =	seq.s32 s10, $0x1;
	s10 =	sld [smem:$0x3FA8]  }
0x3d: {  	_ =	shalt  }
0x3e: {  	_ =	shalt  }
0x3f: {  	_ =	shalt  }
0x40: {  	_ =	shalt  }
0x41: {  	_ =	shalt  }
0x42: {  	_ =	shalt  }
0x43: {  	_ =	shalt  }
0x44: {  	_ =	shalt  }
0x45: {  	_ =	shalt  }
0x46: {  	_ =	shalt  }
0x47: {  	_ =	shalt  }
0x48: {  	_ =	shalt  }
0x49: {  	_ =	shalt  }
0x4a: {  	_ =	shalt  }
0x4b: {  	_ =	shalt  }
0x4c: {  	_ =	shalt  }
0x4d: {  	_ =	shalt  }
0x4e: {  	_ =	shalt  }
0x4f: {  	_ =	shalt  }
0x50: {  	_ =	shalt  }
0x51: {  	_ =	shalt  }
0x52: {  	_ =	shalt  }
0x53: {  	_ =	shalt  }
0x54: {  	_ =	shalt  }
0x55: {  	_ =	shalt  }
0x56: {  	_ =	shalt  }
0x57: {  	_ =	shalt  }
0x58: {  	_ =	shalt  }
0x59: {  	_ =	shalt  }
0x5a: {  	_ =	shalt  }
0x5b: {  	_ =	shalt  }
0x5c: {  	_ =	shalt  }
0x5d: {  	_ =	shalt  }
0x5e: {  	_ =	shalt  }
0x5f: {  	_ =	shalt  }
0x60: {  	_ =	shalt  }
0x61: {  	_ =	shalt  }
0x62: {  	_ =	shalt  }
0x63: {  	_ =	shalt  }
0x64: {  	_ =	shalt  }
0x65: {  	_ =	shalt  }
0x66: {  	_ =	shalt  }
0x67: {  	_ =	shalt  }
0x68: {  	_ =	shalt  }
0x69: {  	_ =	shalt  }
0x6a: {  	_ =	shalt  }
0x6b: {  	_ =	shalt  }
0x6c: {  	_ =	shalt  }
0x6d: {  	_ =	shalt  }
0x6e: {  	_ =	shalt  }
0x6f: {  	_ =	shalt  }
0x70: {  	_ =	shalt  }
0x71: {  	_ =	shalt  }
0x72: {  	_ =	shalt  }
0x73: {  	_ =	shalt  }
0x74: {  	_ =	shalt  }
0x75: {  	_ =	shalt  }
0x76: {  	_ =	shalt  }
0x77: {  	_ =	shalt  }
0x78: {  	_ =	shalt  }
0x79: {  	_ =	shalt  }
0x7a: {  	_ =	shalt  }
0x7b: {  	_ =	shalt  }
0x7c: {  	_ =	shalt  }
0x7d: {  	_ =	shalt  }
0x7e: {  	_ =	shalt  }
0x7f: {  	_ =	shalt  }
0x80: {  	_ =	shalt  }
0x81: {  	_ =	shalt  }
0x82: {  	_ =	shalt  }
0x83: {  	_ =	shalt  }
0x84: {  	_ =	shalt  }
0x85: {  	_ =	shalt  }
0x86: {  	_ =	shalt  }
0x87: {  	_ =	shalt  }
.Lfunc_end0:
.L_simem_size_0:
called_computation.1_lowered:
.L_overlay_start_0:
0x88: {  	s0 =	sld [smem:$0x3FD9]  }
0x89: {  	s1 =	sld [smem:$0x3FFE];
	_ =	sdelay $0x3  }
0x8a: {  	s0 =	sadd.s32 s1, s0  }
0x8b: {  	[smem:$0x3FB4] =	sst s0  }
0x8c: {  	_ = 	snop  }
0x8d: {  	(tm) =	ssettm $0x1  }
0x8e: {  	s15 =	sld [smem:$0x3FFB];
	_ =	sdelay $0x3  }
0x8f: {  	_ =	strace s15  }
0x90: {  	s0 =	sld [smem:$0x3FFC];
	_ =	sdelay $0x3  }
0x91: {  	_ =	strace s0  }
0x92: {  	s0 =	sld [smem:$0x3FFD];
	_ =	sdelay $0x3  }
0x93: {  	_ =	strace s0  }
0x94: {  	_ =	strace $0x8FFFFFFF  }
0x95: {  	s16 =	sld [smem:$0x3FDB];
	_ =	sdelay $0x1  }
0x96: {  	s17 =	simm.s32 $_scs_section_size  }
0x97: {  	s2 =	simm.s32 $_size__tile_overlayer_lowered;
	s3 =	simm.s32 $_tile_overlayer_lowered  }
0x98: {  	s20 =	simm.s32 $0x1BFF;
	s19 =	sshll.u32 s3, $0x1;
	s0 =	sadd.s32 s17, s16  }
0x99: {  	s4 =	simm.s32 $0x0;
	s18 =	sshll.u32 s2, $0x1;
	s2 =	sadd.s32 s19, s0  }
0x9a: {  	[timem:s4], [sflag:s20] =	dma.local [hbm:s2], s18  }
0x9b: {  	_ =	swait.ge [sflag:s20], s18  }
0x9c: {  	s1 =	ssub.s32 $0x0, s18;
	[sflag:s20] =	ssyncset.done $0x0  }
0x9d: {  	[sflag:s20] =	ssyncadd.s32 s1;
	_ =	sdelay $0x1  }
0x9e: {  	s21 =	simm.s32 $0x1B8B  }
0x9f: {  	_ =	swait.ge [sflag:s21], $0x1  }
0xa0: {  	[sflag:s21] =	ssyncset.done $0x0  }
0xa1: {  	s23 =	simm.s32 $0x1B8E;
	s22 =	sld [smem:$0x3FFE];
	[sflag:s21] =	ssyncadd.s32 $0xFFFFFFFF  }
0xa2: {  	s24 =	simm.s32 $execute0_lowered;
	[smem:$0x3FD2] =	sst s23  }
0xa3: {  	s2 =	sshll.u32 s24, $0x1;
	_ =	strace $0x80000049;
	[dreg:$0x1] =	wrdreg $0xFFFFFFFF  }
0xa4: {  	s25 =	simm.s32 $_size_execute0_lowered;
	s0 =	sadd.s32 s0, s2;
	[dreg:$0x0] =	wrdreg $0x0  }
0xa5: {  	s2 =	sshll.u32 s25, $0x1;
	[dreg:$0x2] =	wrdreg s0  }
0xa6: {  	[dreg:$0x3] =	wrdreg s2  }
0xa7: {  	[dreg:$0x4] =	wrdreg $0xC0  }
0xa8: {  	_ =	task [dreg:s4], $0x5FFFF  }
0xa9: {  	[dreg:$0x1] =	wrdreg $0xFFFFFFFF  }
0xaa: {  	[dreg:$0x0] =	wrdreg $0x60  }
0xab: {  	[dreg:$0x2] =	wrdreg s22  }
0xac: {  	[dreg:$0x3] =	wrdreg $0xB8000  }
0xad: {  	[dreg:$0x4] =	wrdreg $0x9  }
0xae: {  	_ =	task.clear_ibuf [dreg:s4], $0x5FFFF;
	_ =	strace $0x90000049  }
0xaf: {  	s26 =	simm.s32 $0x9;
	_ =	strace $0x8000004B  }
0xb0: {  	_ =	swait.ge [sflag:s26], $0x1  }
0xb1: {  	[sflag:s26] =	ssyncadd.s32 $0xFFFFFFFF  }
0xb2: {  	_ =	strace $0x9000004B  }
0xb3: {  	_ =	sfence  }
0xb4: {  	s28 =	sld [smem:$0x0];
	_ =	sdelay $0x1  }
0xb5: {  	s29 =	srdreg.scid  }
0xb6: {  	s30 =	sshll.u32 s29, $0xD;
	s31 =	sshrl.u32 s29, $0x2  }
0xb7: {  	s1 =	sand.u32 $0x1, s29;
	s2 =	sand.u32 $0x4000, s30;
	s0 =	sadd.s32 s31, s28  }
0xb8: {  	s1 =	sor.u32 s2, s1;
	s0 =	sshll.u32 s0, $0x11  }
0xb9: {  	s0 =	sor.u32 s0, s1  }
0xba: {  	s0 =	sadd.s32 $0x8F2B, s0  }
0xbb: {  	[sflag:s0] =	ssyncadd.remote.s32 $0x1  }
0xbc: {  	_ =	sfence.sel $0xFFFF  }
0xbd: {  	[dreg:$0x0] =	wrdreg $0xFFFFFFFF;
	(pc) =	sbr.abs _section_cstart, $3  }
0xbe: {  	[dreg:$0x1] =	wrdreg $0xFFFFFFFF  }
0xbf: {  	_ =	task.clear_ibuf [dreg:s4], $0x2FFFF;
	_ =	strace $0x9FFFFFFF  }
0xc0: {  	(tm) =	ssettm $0x7FFFFFFF  }
0xc1: {  	_ =	shalt  }
tec
execute0_lowered:
.L_overlay_start_1:
0x0: {  	(tag) =	ssettag $0x1  }
0x1: {  	s0 =	rddreg [dreg:$0x0]  }
0x2: {  	s2 =	rddreg [dreg:$0x1];
	s1 =	simm.s32 $0x0;
	s4 =	stileid.u32  }
0x3: {  	[smem:$0x7FF] =	sst s1;
	s3 =	sadd.s32 $0x48200, s0;
	s30 =	sadd.s32 $0x7200, s0  }
0x4: {  	s31 =	sadd.s32 $0x27A00, s0;
	_ =	strace $0x8000004A;
	[dreg:$0x3] =	wrdreg s30  }
0x5: {  	s7 =	sadd.s32 $0xA33400, s0;
	s0 =	sadd.s32 $0x74C00, s0;
	[dreg:$0x5] =	wrdreg s31  }
0x6: {  	v0 =	vimm.f32 $0.0e+00;
	s1 =	simm.s32 $0x200;
	[dreg:$0x4] =	wrdreg s0;
	s0 =	simm.s32 $0x0  }
.LBB2_1:
0x7: {  	p0 =	sne.s32 s1, $0x4E00;
	[tilespmem:s0+$0x6870] =	vst v0  }
0x8: {  	[tilespmem:s0+$0x6800] =	vst v0  }
0x9: {  	[tilespmem:s0+$0x6810] =	vst v0  }
.Ltmp0:
0xa: {  	[tilespmem:s0+$0x6820] =	vst v0;
	(pc) =	sbr.rel @p0 .LBB2_1-.Ltmp0, $4  }
0xb: {  	[tilespmem:s0+$0x6830] =	vst v0  }
0xc: {  	[tilespmem:s0+$0x6840] =	vst v0  }
0xd: {  	[tilespmem:s0+$0x6850] =	vst v0  }
0xe: {  	[tilespmem:s0+$0x6860] =	vst v0;
	s0 =	sshra.s32 s1, $0x2;
	s1 =	sadd.s32 $0x200, s1  }
0xf: {  	[tilespmem:s0+$0x6870] =	vst v0  }
0x10: {  	[tilespmem:s0+$0x6800] =	vst v0  }
0x11: {  	[tilespmem:s0+$0x6810] =	vst v0  }
0x12: {  	[tilespmem:s0+$0x6820] =	vst v0  }
0x13: {  	[tilespmem:s0+$0x6830] =	vst v0;
	s1 =	smul.u32 $0x4E200, s4  }
0x14: {  	[tilespmem:s0+$0x6840] =	vst v0  }
0x15: {  	[tilespmem:s0+$0x6850] =	vst v0;
	s1 =	sshrl.u32 s1, $0x2  }
0x16: {  	[tilespmem:s0+$0x6860] =	vst v0;
	s9 =	simm.s32 $0x6800;
	s10 =	simm.s32 $0xD;
	s1 =	sadd.s32 s1, s2  }
0x17: {  	[spmem:s1] =	stream.linear.scatter [tilespmem:s9], [sflag:$0xD], $0x1400, $0x38;
	[tilespmem:$0x1F080] =	vst v63  }
0x18: {  	_ =	swait.ge [sflag:s10], $0x1400  }
0x19: {  	[sflag:s10] =	ssyncset.done $0x0  }
0x1a: {  	s8 =	sadd.s32 $0x1400, s1;
	[sflag:s10] =	ssyncadd.s32 $0xFFFFEC00  }
0x1b: {  	[spmem:s8] =	stream.linear.scatter [tilespmem:s9], [sflag:$0xD], $0x1400, $0x38;
	[tilespmem:$0x1F080] =	vst v63  }
0x1c: {  	_ =	swait.ge [sflag:s10], $0x1400  }
0x1d: {  	[sflag:s10] =	ssyncset.done $0x0  }
0x1e: {  	s11 =	sadd.s32 $0x2800, s1;
	[sflag:s10] =	ssyncadd.s32 $0xFFFFEC00  }
0x1f: {  	[spmem:s11] =	stream.linear.scatter [tilespmem:s9], [sflag:$0xD], $0x1400, $0x38;
	[tilespmem:$0x1F080] =	vst v63  }
0x20: {  	_ =	swait.ge [sflag:s10], $0x1400  }
0x21: {  	[sflag:s10] =	ssyncset.done $0x0  }
0x22: {  	s12 =	sadd.s32 $0x3C00, s1;
	[sflag:s10] =	ssyncadd.s32 $0xFFFFEC00  }
0x23: {  	[spmem:s12] =	stream.linear.scatter [tilespmem:s9], [sflag:$0xD], $0x1400, $0x38;
	[tilespmem:$0x1F080] =	vst v63  }
0x24: {  	_ =	swait.ge [sflag:s10], $0x1400  }
0x25: {  	[sflag:s10] =	ssyncset.done $0x0  }
0x26: {  	s13 =	sadd.s32 $0x5000, s1;
	[sflag:s10] =	ssyncadd.s32 $0xFFFFEC00  }
0x27: {  	[spmem:s13] =	stream.linear.scatter [tilespmem:s9], [sflag:$0xD], $0x1400, $0x38;
	[tilespmem:$0x1F080] =	vst v63  }
0x28: {  	_ =	swait.ge [sflag:s10], $0x1400  }
0x29: {  	[sflag:s10] =	ssyncset.done $0x0  }
0x2a: {  	s14 =	sadd.s32 $0x6400, s1;
	[sflag:s10] =	ssyncadd.s32 $0xFFFFEC00  }
0x2b: {  	[spmem:s14] =	stream.linear.scatter [tilespmem:s9], [sflag:$0xD], $0x1400, $0x38;
	[tilespmem:$0x1F080] =	vst v63  }
0x2c: {  	_ =	swait.ge [sflag:s10], $0x1400  }
0x2d: {  	[sflag:s10] =	ssyncset.done $0x0  }
0x2e: {  	s15 =	sadd.s32 $0x7800, s1;
	[sflag:s10] =	ssyncadd.s32 $0xFFFFEC00  }
0x2f: {  	[spmem:s15] =	stream.linear.scatter [tilespmem:s9], [sflag:$0xD], $0x1400, $0x38;
	[tilespmem:$0x1F080] =	vst v63  }
0x30: {  	_ =	swait.ge [sflag:s10], $0x1400  }
0x31: {  	[sflag:s10] =	ssyncset.done $0x0  }
0x32: {  	s16 =	sadd.s32 $0x8C00, s1;
	[sflag:s10] =	ssyncadd.s32 $0xFFFFEC00  }
0x33: {  	[spmem:s16] =	stream.linear.scatter [tilespmem:s9], [sflag:$0xD], $0x1400, $0x38;
	[tilespmem:$0x1F080] =	vst v63  }
0x34: {  	_ =	swait.ge [sflag:s10], $0x1400  }
0x35: {  	[sflag:s10] =	ssyncset.done $0x0  }
0x36: {  	s17 =	sadd.s32 $0xA000, s1;
	[sflag:s10] =	ssyncadd.s32 $0xFFFFEC00  }
0x37: {  	[spmem:s17] =	stream.linear.scatter [tilespmem:s9], [sflag:$0xD], $0x1400, $0x38;
	[tilespmem:$0x1F080] =	vst v63  }
0x38: {  	_ =	swait.ge [sflag:s10], $0x1400  }
0x39: {  	[sflag:s10] =	ssyncset.done $0x0  }
0x3a: {  	s18 =	sadd.s32 $0xB400, s1;
	[sflag:s10] =	ssyncadd.s32 $0xFFFFEC00  }
0x3b: {  	[spmem:s18] =	stream.linear.scatter [tilespmem:s9], [sflag:$0xD], $0x1400, $0x38;
	[tilespmem:$0x1F080] =	vst v63  }
0x3c: {  	_ =	swait.ge [sflag:s10], $0x1400  }
0x3d: {  	[sflag:s10] =	ssyncset.done $0x0  }
0x3e: {  	s19 =	sadd.s32 $0xC800, s1;
	[sflag:s10] =	ssyncadd.s32 $0xFFFFEC00  }
0x3f: {  	[spmem:s19] =	stream.linear.scatter [tilespmem:s9], [sflag:$0xD], $0x1400, $0x38;
	[tilespmem:$0x1F080] =	vst v63  }
0x40: {  	_ =	swait.ge [sflag:s10], $0x1400  }
0x41: {  	[sflag:s10] =	ssyncset.done $0x0  }
0x42: {  	s20 =	sadd.s32 $0xDC00, s1;
	[sflag:s10] =	ssyncadd.s32 $0xFFFFEC00  }
0x43: {  	[spmem:s20] =	stream.linear.scatter [tilespmem:s9], [sflag:$0xD], $0x1400, $0x38;
	[tilespmem:$0x1F080] =	vst v63  }
0x44: {  	_ =	swait.ge [sflag:s10], $0x1400  }
0x45: {  	[sflag:s10] =	ssyncset.done $0x0  }
0x46: {  	s21 =	sadd.s32 $0xF000, s1;
	[sflag:s10] =	ssyncadd.s32 $0xFFFFEC00  }
0x47: {  	[spmem:s21] =	stream.linear.scatter [tilespmem:s9], [sflag:$0xD], $0x1400, $0x38;
	[tilespmem:$0x1F080] =	vst v63  }
0x48: {  	s25 =	smul.u32 $0x4E20, s4;
	_ =	swait.ge [sflag:s10], $0x1400  }
0x49: {  	s26 =	smul.u32 $0x10400, s4;
	s31 =	sadd.s32 $0x280, s7;
	[sflag:s10] =	ssyncset.done $0x0  }
0x4a: {  	s28 =	simm.s32 $0x7;
	s22 =	sadd.s32 $0x10400, s1;
	[sflag:s10] =	ssyncadd.s32 $0xFFFFEC00  }
0x4b: {  	[spmem:s22] =	stream.linear.scatter [tilespmem:s9], [sflag:$0xD], $0x1400, $0x38;
	[tilespmem:$0x1F080] =	vst v63  }
0x4c: {  	s29 =	simm.s32 $0xA;
	s30 =	simm.s32 $0x8;
	_ =	swait.ge [sflag:s10], $0x1400  }
0x4d: {  	s5 =	simm.s32 $0x0;
	s23 =	sadd.s32 $0x11800, s1;
	[sflag:s10] =	ssyncset.done $0x0  }
0x4e: {  	s24 =	sadd.s32 $0x12C00, s1;
	s14 =	simm.s32 $0x0;
	[sflag:s10] =	ssyncadd.s32 $0xFFFFEC00  }
0x4f: {  	[spmem:s23] =	stream.linear.scatter [tilespmem:s9], [sflag:$0xD], $0x1400, $0x38;
	[tilespmem:$0x1F080] =	vst v63  }
0x50: {  	s16 =	simm.s32 $0x7C00;
	s18 =	simm.s32 $0x28;
	_ =	swait.ge [sflag:s10], $0x1400  }
0x51: {  	s19 =	simm.s32 $0x9000;
	s20 =	simm.s32 $0x2;
	[sflag:s10] =	ssyncset.done $0x0  }
0x52: {  	s21 =	simm.s32 $0x5;
	[dreg:$0x6] =	wrdreg s1;
	[sflag:s10] =	ssyncadd.s32 $0xFFFFEC00  }
0x53: {  	[spmem:s24] =	stream.linear.scatter [tilespmem:s9], [sflag:$0xD], $0xC80, $0x38;
	[tilespmem:$0x1F080] =	vst v63  }
0x54: {  	s22 =	simm.s32 $0xA400;
	_ =	swait.ge [sflag:s10], $0xC80;
	[dreg:$0x7] =	wrdreg s25  }
0x55: {  	s23 =	simm.s32 $0x3;
	[dreg:$0x8] =	wrdreg s26;
	[sflag:s10] =	ssyncset.done $0x0  }
0x56: {  	s24 =	simm.s32 $0x6;
	[dreg:$0x9] =	wrdreg s31;
	[sflag:s10] =	ssyncadd.s32 $0xFFFFF380  }
0x57: {  	s25 =	simm.s32 $0x9;
	s26 =	simm.s32 $0x4;
	[bflag:$0x0] =	sbarrier.arrive $0xFFFF  }
.LBB2_3:
0x58: {  	s1 =	smul.u32 $0x3400, s5  }
0x59: {  	s0 =	rddreg [dreg:$0x8]  }
0x5a: {  	s1 =	sadd.s32 s0, s1  }
0x5b: {  	s8 =	rddreg [dreg:$0x3];
	s1 =	sshrl.u32 s1, $0x3  }
0x5c: {  	s4 =	sadd.s32 s8, s1  }
0x5d: {  	[tilespmem:s14], [sflag:$0xD] =	stream.linear.gather [hbm4b:s4+s14], $0x3200, $0x38;
	[tilespmem:$0x1F080] =	vst v63  }
0x5e: {  	_ =	swait.ge [sflag:s10], $0x3200  }
0x5f: {  	[sflag:s10] =	ssyncset.done $0x0;
	s11 =	rddreg [dreg:$0x5]  }
0x60: {  	s13 =	simm.s32 $0x3400;
	[sflag:s10] =	ssyncadd.s32 $0xFFFFCE00;
	s1 =	sadd.s32 s11, s1  }
0x61: {  	[tilespmem:s13], [sflag:$0xD] =	stream.linear.gather [hbm4b:s1+s14], $0x3200, $0x38;
	[tilespmem:$0x1F080] =	vst v63  }
0x62: {  	s12 =	smul.u32 $0xFA0, s5;
	_ =	swait.ge [sflag:s10], $0x3200  }
0x63: {  	s15 =	rddreg [dreg:$0x7]  }
0x64: {  	s1 =	sadd.s32 s15, s12  }
0x65: {  	[sflag:s10] =	ssyncset.done $0x0;
	s4 =	sshll.u32 s1, $0x4  }
0x66: {  	s17 =	rddreg [dreg:$0x9];
	[sflag:s10] =	ssyncadd.s32 $0xFFFFCE00;
	s6 =	sadd.s32 s7, s4  }
0x67: {  	[tilespmem:s9], [sflag:$0x1] =	stream.linear.gather [hbm4b:s6+s14], $0x1400, $0x38;
	[tilespmem:$0x1F080] =	vst v63  }
0x68: {  	s31 =	simm.s32 $0x1;
	s4 =	sadd.s32 s4, s17  }
0x69: {  	[tilespmem:s16], [sflag:$0x2] =	stream.linear.gather [hbm4b:s4+s14], $0x1400, $0x38;
	[tilespmem:$0x1F080] =	vst v63  }
0x6a: {  	_ =	swait.ge [sflag:s31], $0x1400  }
0x6b: {  	s8 =	sadd.s32 $0xA0, s1;
	[sflag:s31] =	ssyncset.done $0x0  }
0x6c: {  	s15 =	sadd.s32 $0xC8, s1;
	s4 =	simm.s32 $0x0;
	[sflag:s31] =	ssyncadd.s32 $0xFFFFEC00  }
0x6d: {  	[tilespmem:s9], [sflag:$0x5] =	stream.indirect.gather.add.f32 [hbm:s3], $0x80, s14, s18, $0xb8;
	[tilespmem:$0x1F080] =	vst v63  }
.LBB2_4:
0x6e: {  	s13 =	sshll.u32 s4, $0x2  }
0x6f: {  	s12 =	sor.u32 $0x2, s13  }
0x70: {  	p0 =	seq.s32 s4, $0x0;
	s6 =	smul.u32 $0x28, s12  }
0x71: {  	s11 =	simm.s32 @!p0 $0xB  }
0x72: {  	_ =	swait.ge @!p0 [sflag:s11], $0x1400;
	s6 =	sadd.s32 s1, s6  }
0x73: {  	[sflag:s11] =	ssyncset.done @!p0 $0x0;
	s6 =	sshll.u32 s6, $0x4  }
0x74: {  	s17 =	simm.s32 $0x0;
	[sflag:s11] =	ssyncadd.s32 @!p0 $0xFFFFEC00;
	s6 =	sadd.s32 s7, s6  }
0x75: {  	[tilespmem:s19], [sflag:$0x3] =	stream.linear.gather [hbm4b:s6+s17], $0x1400, $0x38;
	[tilespmem:$0x1F080] =	vst v63  }
0x76: {  	_ =	swait.ge [sflag:s20], $0x1400  }
0x77: {  	s31 =	sshll.u32 s4, $0x9;
	[sflag:s20] =	ssyncset.done $0x0  }
0x78: {  	s11 =	sor.u32 $0x80, s31;
	[sflag:s20] =	ssyncadd.s32 $0xFFFFEC00  }
0x79: {  	[tilespmem:s16], [sflag:$0x6] =	stream.indirect.gather.add.f32 [hbm:s3], $0x80, s11, s18, $0xb8;
	[tilespmem:$0x1F080] =	vst v63  }
0x7a: {  	_ =	swait.ge [sflag:s21], $0x1400  }
0x7b: {  	[sflag:s21] =	ssyncset.done $0x0  }
0x7c: {  	s17 =	simm.s32 $0x0;
	[sflag:s21] =	ssyncadd.s32 $0xFFFFEC00  }
0x7d: {  	v2 =	vld [tilespmem:s17+$0x6800]  }
0x7e: {  	v4 =	vld [tilespmem:s17+$0x6810]  }
0x7f: {  	v3 =	vld [tilespmem:s17+$0x6820]  }
0x80: {  	v1 =	vld [tilespmem:s17+$0x6830]  }
0x81: {  	v0 =	vld [tilespmem:s17+$0x6840]  }
0x82: {  	v5 =	vmax.f32 v2, $0.0e+00;
	v2 =	vld [tilespmem:s17+$0x6850]  }
0x83: {  	s6 =	simm.s32 $0x200;
	[tilespmem:s17+$0x6800] =	vst v5;
	v5 =	vmax.f32 v4, $0.0e+00;
	v4 =	vld [tilespmem:s17+$0x6860]  }
.LBB2_5:
0x84: {  	s31 =	sshra.s32 s6, $0x2;
	p1 =	sne.s32 s6, $0x4E00;
	[tilespmem:s17+$0x6810] =	vst v5;
	v3 =	vmax.f32 v3, $0.0e+00;
	v5 =	vld [tilespmem:s17+$0x6870]  }
0x85: {  	v6 =	vld [tilespmem:s31+$0x6800];
	[tilespmem:s17+$0x6820] =	vst v3;
	v1 =	vmax.f32 v1, $0.0e+00  }
0x86: {  	v7 =	vld [tilespmem:s31+$0x6810];
	[tilespmem:s17+$0x6830] =	vst v1;
	v0 =	vmax.f32 v0, $0.0e+00  }
.Ltmp1:
0x87: {  	v3 =	vld [tilespmem:s31+$0x6820];
	[tilespmem:s17+$0x6840] =	vst v0;
	v0 =	vmax.f32 v2, $0.0e+00;
	(pc) =	sbr.rel @p1 .LBB2_5-.Ltmp1, $4  }
0x88: {  	v1 =	vld [tilespmem:s31+$0x6830];
	[tilespmem:s17+$0x6850] =	vst v0;
	v2 =	vmax.f32 v4, $0.0e+00  }
0x89: {  	v0 =	vld [tilespmem:s31+$0x6840];
	[tilespmem:s17+$0x6860] =	vst v2;
	v4 =	vmax.f32 v5, $0.0e+00  }
0x8a: {  	v5 =	vmax.f32 v6, $0.0e+00;
	v2 =	vld [tilespmem:s31+$0x6850];
	[tilespmem:s17+$0x6870] =	vst v4;
	s17 =	smov.u32 s31  }
0x8b: {  	s6 =	sadd.s32 $0x200, s6;
	[tilespmem:s17+$0x6800] =	vst v5;
	v5 =	vmax.f32 v7, $0.0e+00;
	v4 =	vld [tilespmem:s17+$0x6860]  }
0x8c: {  	[tilespmem:s17+$0x6810] =	vst v5;
	v3 =	vmax.f32 v3, $0.0e+00;
	v5 =	vld [tilespmem:s17+$0x6870]  }
0x8d: {  	[tilespmem:s17+$0x6820] =	vst v3;
	v1 =	vmax.f32 v1, $0.0e+00  }
0x8e: {  	[tilespmem:s17+$0x6830] =	vst v1;
	v0 =	vmax.f32 v0, $0.0e+00  }
0x8f: {  	[tilespmem:s17+$0x6840] =	vst v0;
	v0 =	vmax.f32 v2, $0.0e+00  }
0x90: {  	s6 =	sshll.u32 s4, $0xB;
	[tilespmem:s17+$0x6850] =	vst v0;
	v0 =	vmax.f32 v4, $0.0e+00  }
0x91: {  	s31 =	sshrl.u32 s6, $0x2;
	[tilespmem:s17+$0x6860] =	vst v0;
	v0 =	vmax.f32 v5, $0.0e+00  }
0x92: {  	s13 =	sor.u32 $0x3, s13;
	s0 =	sadd.s32 $0x3400, s31;
	[tilespmem:s17+$0x6870] =	vst v0  }
0x93: {  	[spmem:s2] =	stream.indirect.scatter.add.f32 [tilespmem:s9], [sflag:$0x9], $0x80, s0, s18, $0xb8;
	[tilespmem:$0x1F080] =	vst v63  }
0x94: {  	s0 =	smul.u32 $0x28, s13  }
0x95: {  	s31 =	simm.s32 @!p0 $0xC  }
0x96: {  	_ =	swait.ge @!p0 [sflag:s31], $0x1400;
	s17 =	sadd.s32 s1, s0  }
0x97: {  	[sflag:s31] =	ssyncset.done @!p0 $0x0;
	s17 =	sshll.u32 s17, $0x4  }
0x98: {  	[sflag:s31] =	ssyncadd.s32 @!p0 $0xFFFFEC00;
	s31 =	simm.s32 $0x0;
	s17 =	sadd.s32 s7, s17  }
0x99: {  	[tilespmem:s22], [sflag:$0x4] =	stream.linear.gather [hbm4b:s17+s31], $0x1400, $0x38;
	[tilespmem:$0x1F080] =	vst v63  }
0x9a: {  	_ =	swait.ge [sflag:s23], $0x1400  }
0x9b: {  	[sflag:s23] =	ssyncset.done $0x0  }
0x9c: {  	s12 =	sshll.u32 s12, $0x7;
	[sflag:s23] =	ssyncadd.s32 $0xFFFFEC00  }
0x9d: {  	[tilespmem:s19], [sflag:$0x7] =	stream.indirect.gather.add.f32 [hbm:s3], $0x80, s12, s18, $0xb8;
	[tilespmem:$0x1F080] =	vst v63  }
0x9e: {  	_ =	swait.ge [sflag:s24], $0x1400  }
0x9f: {  	[sflag:s24] =	ssyncset.done $0x0  }
0xa0: {  	s17 =	simm.s32 $0x0;
	[sflag:s24] =	ssyncadd.s32 $0xFFFFEC00  }
0xa1: {  	v2 =	vld [tilespmem:s17+$0x7C00]  }
0xa2: {  	v4 =	vld [tilespmem:s17+$0x7C10]  }
0xa3: {  	v3 =	vld [tilespmem:s17+$0x7C20]  }
0xa4: {  	v1 =	vld [tilespmem:s17+$0x7C30]  }
0xa5: {  	v0 =	vld [tilespmem:s17+$0x7C40]  }
0xa6: {  	v5 =	vmax.f32 v2, $0.0e+00;
	v2 =	vld [tilespmem:s17+$0x7C50]  }
0xa7: {  	s31 =	simm.s32 $0x200;
	[tilespmem:s17+$0x7C00] =	vst v5;
	v5 =	vmax.f32 v4, $0.0e+00;
	v4 =	vld [tilespmem:s17+$0x7C60]  }
.LBB2_7:
0xa8: {  	s0 =	sshra.s32 s31, $0x2;
	p0 =	sne.s32 s31, $0x4E00;
	[tilespmem:s17+$0x7C10] =	vst v5;
	v3 =	vmax.f32 v3, $0.0e+00;
	v5 =	vld [tilespmem:s17+$0x7C70]  }
0xa9: {  	v6 =	vld [tilespmem:s0+$0x7C00];
	[tilespmem:s17+$0x7C20] =	vst v3;
	v1 =	vmax.f32 v1, $0.0e+00  }
0xaa: {  	v7 =	vld [tilespmem:s0+$0x7C10];
	[tilespmem:s17+$0x7C30] =	vst v1;
	v0 =	vmax.f32 v0, $0.0e+00  }
.Ltmp2:
0xab: {  	v3 =	vld [tilespmem:s0+$0x7C20];
	[tilespmem:s17+$0x7C40] =	vst v0;
	v0 =	vmax.f32 v2, $0.0e+00;
	(pc) =	sbr.rel @p0 .LBB2_7-.Ltmp2, $4  }
0xac: {  	v1 =	vld [tilespmem:s0+$0x7C30];
	[tilespmem:s17+$0x7C50] =	vst v0;
	v2 =	vmax.f32 v4, $0.0e+00  }
0xad: {  	v0 =	vld [tilespmem:s0+$0x7C40];
	[tilespmem:s17+$0x7C60] =	vst v2;
	v4 =	vmax.f32 v5, $0.0e+00  }
0xae: {  	v5 =	vmax.f32 v6, $0.0e+00;
	v2 =	vld [tilespmem:s0+$0x7C50];
	[tilespmem:s17+$0x7C70] =	vst v4;
	s17 =	smov.u32 s0  }
0xaf: {  	s31 =	sadd.s32 $0x200, s31;
	[tilespmem:s17+$0x7C00] =	vst v5;
	v5 =	vmax.f32 v7, $0.0e+00;
	v4 =	vld [tilespmem:s17+$0x7C60]  }
0xb0: {  	[tilespmem:s17+$0x7C10] =	vst v5;
	v3 =	vmax.f32 v3, $0.0e+00;
	v5 =	vld [tilespmem:s17+$0x7C70]  }
0xb1: {  	[tilespmem:s17+$0x7C20] =	vst v3;
	v1 =	vmax.f32 v1, $0.0e+00  }
0xb2: {  	[tilespmem:s17+$0x7C30] =	vst v1;
	v0 =	vmax.f32 v0, $0.0e+00  }
0xb3: {  	[tilespmem:s17+$0x7C40] =	vst v0;
	v0 =	vmax.f32 v2, $0.0e+00  }
0xb4: {  	[tilespmem:s17+$0x7C50] =	vst v0;
	v0 =	vmax.f32 v4, $0.0e+00  }
0xb5: {  	p0 =	seq.s32 s4, $0x18;
	[tilespmem:s17+$0x7C60] =	vst v0;
	v0 =	vmax.f32 v5, $0.0e+00  }
0xb6: {  	s0 =	sadd.s32 $0x3400, s11;
	[tilespmem:s17+$0x7C70] =	vst v0;
	s17 =	smul.u32 @!p0 $0xA0, s4  }
0xb7: {  	[spmem:s2] =	stream.indirect.scatter.add.f32 [tilespmem:s16], [sflag:$0xA], $0x80, s0, s18, $0xb8;
	[tilespmem:$0x1F080] =	vst v63  }
0xb8: {  	_ =	swait.ge [sflag:s25], $0x1400;
	s0 =	sadd.s32 @!p0 s17, s8  }
0xb9: {  	s11 =	simm.s32 @!p0 $0x0;
	[sflag:s25] =	ssyncset.done $0x0;
	s0 =	sshll.u32 @!p0 s0, $0x4  }
0xba: {  	s31 =	simm.s32 @!p0 $0x6800;
	[sflag:s25] =	ssyncadd.s32 $0xFFFFEC00;
	s0 =	sadd.s32 @!p0 s7, s0  }
0xbb: {  	[tilespmem:s31], [sflag:$0x1] =	stream.linear.gather @!p0 [hbm4b:s0+s11], $0x1400, $0x38;
	[tilespmem:$0x1F080] =	vst v63  }
0xbc: {  	_ =	swait.ge [sflag:s26], $0x1400  }
0xbd: {  	[sflag:s26] =	ssyncset.done $0x0  }
0xbe: {  	s11 =	sshll.u32 s13, $0x7;
	[sflag:s26] =	ssyncadd.s32 $0xFFFFEC00  }
0xbf: {  	[tilespmem:s22], [sflag:$0x8] =	stream.indirect.gather.add.f32 [hbm:s3], $0x80, s11, s18, $0xb8;
	[tilespmem:$0x1F080] =	vst v63  }
0xc0: {  	_ =	swait.ge [sflag:s28], $0x1400  }
0xc1: {  	[sflag:s28] =	ssyncset.done $0x0  }
0xc2: {  	s13 =	simm.s32 $0x0;
	[sflag:s28] =	ssyncadd.s32 $0xFFFFEC00  }
0xc3: {  	v2 =	vld [tilespmem:s13+$0x9000]  }
0xc4: {  	v4 =	vld [tilespmem:s13+$0x9010]  }
0xc5: {  	v3 =	vld [tilespmem:s13+$0x9020]  }
0xc6: {  	v1 =	vld [tilespmem:s13+$0x9030]  }
0xc7: {  	v0 =	vld [tilespmem:s13+$0x9040]  }
0xc8: {  	v5 =	vmax.f32 v2, $0.0e+00;
	v2 =	vld [tilespmem:s13+$0x9050]  }
0xc9: {  	s31 =	simm.s32 $0x200;
	[tilespmem:s13+$0x9000] =	vst v5;
	v5 =	vmax.f32 v4, $0.0e+00;
	v4 =	vld [tilespmem:s13+$0x9060]  }
.LBB2_9:
0xca: {  	s0 =	sshra.s32 s31, $0x2;
	p1 =	sne.s32 s31, $0x4E00;
	[tilespmem:s13+$0x9010] =	vst v5;
	v3 =	vmax.f32 v3, $0.0e+00;
	v5 =	vld [tilespmem:s13+$0x9070]  }
0xcb: {  	v6 =	vld [tilespmem:s0+$0x9000];
	[tilespmem:s13+$0x9020] =	vst v3;
	v1 =	vmax.f32 v1, $0.0e+00  }
0xcc: {  	v7 =	vld [tilespmem:s0+$0x9010];
	[tilespmem:s13+$0x9030] =	vst v1;
	v0 =	vmax.f32 v0, $0.0e+00  }
.Ltmp3:
0xcd: {  	v3 =	vld [tilespmem:s0+$0x9020];
	[tilespmem:s13+$0x9040] =	vst v0;
	v0 =	vmax.f32 v2, $0.0e+00;
	(pc) =	sbr.rel @p1 .LBB2_9-.Ltmp3, $4  }
0xce: {  	v1 =	vld [tilespmem:s0+$0x9030];
	[tilespmem:s13+$0x9050] =	vst v0;
	v2 =	vmax.f32 v4, $0.0e+00  }
0xcf: {  	v0 =	vld [tilespmem:s0+$0x9040];
	[tilespmem:s13+$0x9060] =	vst v2;
	v4 =	vmax.f32 v5, $0.0e+00  }
0xd0: {  	v5 =	vmax.f32 v6, $0.0e+00;
	v2 =	vld [tilespmem:s0+$0x9050];
	[tilespmem:s13+$0x9070] =	vst v4;
	s13 =	smov.u32 s0  }
0xd1: {  	s31 =	sadd.s32 $0x200, s31;
	[tilespmem:s13+$0x9000] =	vst v5;
	v5 =	vmax.f32 v7, $0.0e+00;
	v4 =	vld [tilespmem:s13+$0x9060]  }
0xd2: {  	[tilespmem:s13+$0x9010] =	vst v5;
	v3 =	vmax.f32 v3, $0.0e+00;
	v5 =	vld [tilespmem:s13+$0x9070]  }
0xd3: {  	[tilespmem:s13+$0x9020] =	vst v3;
	v1 =	vmax.f32 v1, $0.0e+00  }
0xd4: {  	[tilespmem:s13+$0x9030] =	vst v1;
	v0 =	vmax.f32 v0, $0.0e+00  }
0xd5: {  	[tilespmem:s13+$0x9040] =	vst v0;
	v0 =	vmax.f32 v2, $0.0e+00  }
0xd6: {  	[tilespmem:s13+$0x9050] =	vst v0;
	v0 =	vmax.f32 v4, $0.0e+00  }
0xd7: {  	[tilespmem:s13+$0x9060] =	vst v0;
	v0 =	vmax.f32 v5, $0.0e+00  }
0xd8: {  	s0 =	sadd.s32 $0x3400, s12;
	[tilespmem:s13+$0x9070] =	vst v0  }
0xd9: {  	[spmem:s2] =	stream.indirect.scatter.add.f32 [tilespmem:s19], [sflag:$0xB], $0x80, s0, s18, $0xb8;
	[tilespmem:$0x1F080] =	vst v63  }
0xda: {  	s0 =	sadd.s32 @!p0 s17, s15;
	_ =	swait.ge [sflag:s29], $0x1400  }
0xdb: {  	s12 =	simm.s32 @!p0 $0x0;
	s0 =	sshll.u32 @!p0 s0, $0x4;
	[sflag:s29] =	ssyncset.done $0x0  }
0xdc: {  	s13 =	simm.s32 @!p0 $0x7C00;
	s0 =	sadd.s32 @!p0 s7, s0;
	[sflag:s29] =	ssyncadd.s32 $0xFFFFEC00  }
0xdd: {  	[tilespmem:s13], [sflag:$0x2] =	stream.linear.gather @!p0 [hbm4b:s0+s12], $0x1400, $0x38;
	[tilespmem:$0x1F080] =	vst v63  }
0xde: {  	s0 =	simm.s32 @!p0 $0x1  }
0xdf: {  	_ =	swait.ge @!p0 [sflag:s0], $0x1400  }
0xe0: {  	[sflag:s0] =	ssyncset.done @!p0 $0x0  }
0xe1: {  	[sflag:s0] =	ssyncadd.s32 @!p0 $0xFFFFEC00;
	s0 =	sshrl.u32 @!p0 s6, $0x2  }
0xe2: {  	s12 =	simm.s32 @!p0 $0x6800;
	s6 =	simm.s32 @!p0 $0x28;
	s0 =	sadd.s32 @!p0 $0x200, s0  }
0xe3: {  	[tilespmem:s12], [sflag:$0x5] =	stream.indirect.gather.add.f32 @!p0 [hbm:s3], $0x80, s0, s6, $0xb8;
	[tilespmem:$0x1F080] =	vst v63  }
0xe4: {  	_ =	swait.ge [sflag:s30], $0x1400  }
0xe5: {  	[sflag:s30] =	ssyncset.done $0x0  }
0xe6: {  	s6 =	simm.s32 $0x0;
	[sflag:s30] =	ssyncadd.s32 $0xFFFFEC00  }
0xe7: {  	v2 =	vld [tilespmem:s6+$0xA400]  }
0xe8: {  	v4 =	vld [tilespmem:s6+$0xA410]  }
0xe9: {  	v3 =	vld [tilespmem:s6+$0xA420]  }
0xea: {  	v1 =	vld [tilespmem:s6+$0xA430]  }
0xeb: {  	v0 =	vld [tilespmem:s6+$0xA440]  }
0xec: {  	v5 =	vmax.f32 v2, $0.0e+00;
	v2 =	vld [tilespmem:s6+$0xA450]  }
0xed: {  	s12 =	simm.s32 $0x200;
	[tilespmem:s6+$0xA400] =	vst v5;
	v5 =	vmax.f32 v4, $0.0e+00;
	v4 =	vld [tilespmem:s6+$0xA460]  }
.LBB2_11:
0xee: {  	s0 =	sshra.s32 s12, $0x2;
	p0 =	sne.s32 s12, $0x4E00;
	[tilespmem:s6+$0xA410] =	vst v5;
	v3 =	vmax.f32 v3, $0.0e+00;
	v5 =	vld [tilespmem:s6+$0xA470]  }
0xef: {  	v6 =	vld [tilespmem:s0+$0xA400];
	[tilespmem:s6+$0xA420] =	vst v3;
	v1 =	vmax.f32 v1, $0.0e+00  }
0xf0: {  	v7 =	vld [tilespmem:s0+$0xA410];
	[tilespmem:s6+$0xA430] =	vst v1;
	v0 =	vmax.f32 v0, $0.0e+00  }
.Ltmp4:
0xf1: {  	v3 =	vld [tilespmem:s0+$0xA420];
	[tilespmem:s6+$0xA440] =	vst v0;
	v0 =	vmax.f32 v2, $0.0e+00;
	(pc) =	sbr.rel @p0 .LBB2_11-.Ltmp4, $4  }
0xf2: {  	v1 =	vld [tilespmem:s0+$0xA430];
	[tilespmem:s6+$0xA450] =	vst v0;
	v2 =	vmax.f32 v4, $0.0e+00  }
0xf3: {  	v0 =	vld [tilespmem:s0+$0xA440];
	[tilespmem:s6+$0xA460] =	vst v2;
	v4 =	vmax.f32 v5, $0.0e+00  }
0xf4: {  	v5 =	vmax.f32 v6, $0.0e+00;
	v2 =	vld [tilespmem:s0+$0xA450];
	[tilespmem:s6+$0xA470] =	vst v4;
	s6 =	smov.u32 s0  }
0xf5: {  	s12 =	sadd.s32 $0x200, s12;
	[tilespmem:s6+$0xA400] =	vst v5;
	v5 =	vmax.f32 v7, $0.0e+00;
	v4 =	vld [tilespmem:s6+$0xA460]  }
0xf6: {  	[tilespmem:s6+$0xA410] =	vst v5;
	v3 =	vmax.f32 v3, $0.0e+00;
	v60 =	vld [tilespmem:s6+$0xA470]  }
0xf7: {  	s4 =	sadd.s32 $0x1, s4;
	[tilespmem:s6+$0xA420] =	vst v3;
	v1 =	vmax.f32 v1, $0.0e+00  }
0xf8: {  	p0 =	sne.s32 s4, $0x19;
	[tilespmem:s6+$0xA430] =	vst v1;
	v0 =	vmax.f32 v0, $0.0e+00  }
.Ltmp5:
0xf9: {  	[tilespmem:s6+$0xA440] =	vst v0;
	v61 =	vmax.f32 v2, $0.0e+00;
	(pc) =	sbr.rel @p0 .LBB2_4-.Ltmp5, $4  }
0xfa: {  	[tilespmem:s6+$0xA450] =	vst v61;
	v62 =	vmax.f32 v4, $0.0e+00  }
0xfb: {  	[tilespmem:s6+$0xA460] =	vst v62;
	v63 =	vmax.f32 v60, $0.0e+00  }
0xfc: {  	s0 =	sadd.s32 $0x3400, s11;
	[tilespmem:s6+$0xA470] =	vst v63  }
0xfd: {  	[spmem:s2] =	stream.indirect.scatter.add.f32 [tilespmem:s22], [sflag:$0xC], $0x80, s0, s18, $0xb8;
	[tilespmem:$0x1F080] =	vst v63  }
0xfe: {  	s0 =	simm.s32 $0xB;
	s5 =	sadd.s32 $0x1, s5  }
0xff: {  	_ =	swait.ge [sflag:s0], $0x1400;
	p0 =	sne.s32 s5, $0x5  }
.Ltmp6:
0x100: {  	[sflag:s0] =	ssyncset.done $0x0;
	(pc) =	sbr.rel @p0 .LBB2_3-.Ltmp6, $4  }
0x101: {  	s31 =	simm.s32 $0xC;
	[sflag:s0] =	ssyncadd.s32 $0xFFFFEC00  }
0x102: {  	_ =	swait.ge [sflag:s31], $0x1400  }
0x103: {  	[sflag:s31] =	ssyncset.done $0x0  }
0x104: {  	[sflag:s31] =	ssyncadd.s32 $0xFFFFEC00  }
0x105: {  	s3 =	stileid.u32  }
0x106: {  	s1 =	rddreg [dreg:$0x4];
	[bflag:$0x0] =	sbarrier.arrive $0xFFFF;
	s0 =	smul.u32 $0x2780, s3  }
0x107: {  	s31 =	simm.s32 $0xD;
	s30 =	sshll.u32 s3, $0x6;
	s2 =	rddreg [dreg:$0x6]  }
0x108: {  	s2 =	sshrl.u32 s2, $0x3;
	s0 =	sadd.s32 s1, s0;
	s1 =	sor.u32 $0x1C0D, s30  }
0x109: {  	[hbm:s0], [sflag:s1] =	dma.local [spmem:s2], $0x2710  }
0x10a: {  	_ =	swait.ge [sflag:s31], $0x2710  }
0x10b: {  	[sflag:s31] =	ssyncset.done $0x0  }
0x10c: {  	[sflag:s31] =	ssyncadd.s32 $0xFFFFD8F0  }
0x10d: {  	_ =	sfence.sel $0x180000  }
0x10e: {  	[bflag:$0x0] =	sbarrier.arrive $0xFFFF  }
0x10f: {  	_ =	strace $0x9000004A  }
0x110: {  	[bflag:$0x2] =	sbarrier.arrive $0xFFFF  }
0x111: {  	p0 =	sne.s32 s3, $0x0;
	s0 =	rddreg [dreg:$0x2]  }
0x112: {  	s0 =	sadd.s32 @!p0 $0x100000, s0  }
0x113: {  	[sflag:s0] =	ssyncadd.tile.s32 @!p0 $0x1;
	_ =	shalt  }
.Lfunc_end2:
_tile_overlayer_lowered:
.L_overlay_start_2:
0x114: {  	(tag) =	ssettag $0x2  }
0x115: {  	s0 =	rddreg [dreg:$0x0];
	s2 =	stileid.u32  }
0x116: {  	s1 =	rddreg [dreg:$0x1];
	p0 =	sne.s32 s2, $0x0  }
0x117: {  	s3 =	rddreg [dreg:$0x2];
	[bflag:$0x3] =	sbarrier.arrive $0xFFFF;
	s2 =	simm.s32 @!p0 $0x1C0D  }
0x118: {  	[timem:s3], [sflag:s2] =	dma.local @!p0 [hbm:s0], s1  }
0x119: {  	s0 =	simm.s32 @!p0 $0xD  }
0x11a: {  	_ =	swait.ge @!p0 [sflag:s0], s1  }
0x11b: {  	s1 =	ssub.s32 @!p0 $0x0, s1;
	[sflag:s0] =	ssyncset.done @!p0 $0x0  }
0x11c: {  	[sflag:s0] =	ssyncadd.s32 @!p0 s1  }
0x11d: {  	[bflag:$0x3] =	sbarrier.arrive $0xFFFF  }
0x11e: {  	_ =	shalt  }

// kernel: kernel.17.cloned.1.call-start
scs
__scs_entry_jumppad:
0x0: {  	(pc) =	sbr.rel $0x88, $3  }
0x1: {  	(tag) =	ssettag $0x0;
	lr =	simm.s32 $0x1  }
0x2: {  	[smem:$0x3F8D] =	sst lr;
	_ =	strace $0xD0000000  }
0x3: {  	_ = 	snop  }
0x4: {  	_ = 	snop  }
0x5: {  	_ = 	snop  }
0x6: {  	_ = 	snop  }
0x7: {  	_ = 	snop  }
__scs_overlays_trampoline_lowered:
0x8: {  	[smem:$0x3F9C] =	sst s0  }
0x9: {  	[smem:$0x3F9D] =	sst s1  }
0xa: {  	[smem:$0x3F9E] =	sst s2  }
0xb: {  	[smem:$0x3F9F] =	sst s3  }
0xc: {  	[smem:$0x3FA0] =	sst s4  }
0xd: {  	[smem:$0x3FA1] =	sst s5  }
0xe: {  	[smem:$0x3FA2] =	sst s6  }
0xf: {  	[smem:$0x3FA3] =	sst s7  }
0x10: {  	[smem:$0x3FA4] =	sst s8  }
0x11: {  	[smem:$0x3FA5] =	sst s9;
	s0 =	simm.s32 @!p0 $0x0  }
0x12: {  	s1 =	sld [smem:$0x3F8B];
	s0 =	simm.s32 @p0 $0x1  }
0x13: {  	[smem:$0x3FA6] =	sst s0;
	s0 =	simm.s32 @!p1 $0x0  }
0x14: {  	s2 =	sld [smem:$0x3F8A];
	s0 =	simm.s32 @p1 $0x1  }
0x15: {  	[smem:$0x3FA7] =	sst s0;
	s0 =	simm.s32 @!p2 $0x0  }
0x16: {  	s3 =	sld [smem:$0x3FDB];
	s0 =	simm.s32 @p2 $0x1  }
0x17: {  	s4 =	simm.s32 $0x1BF5;
	[smem:$0x3FA9] =	sst s0  }
0x18: {  	s0 =	sld [smem:$0x3F8C];
	_ =	swait.ge [sflag:s4], $0x0  }
0x19: {  	s7 =	sld [smem:$0x3F8D]  }
0x1a: {  	s8 =	sadd.s32 $0xFFFFE003, lr  }
0x1b: {  	s9 =	sadd.s32 $0xFFFFFEF7, lr;
	s5 =	simm.s32 $0xFFFFFFFF;
	p2 =	slt.u32 s8, $0xFFFFF086  }
0x1c: {  	p1 =	slt.u32 s9, $0xF7A;
	s5 =	simm.s32 @!p2 $0x0  }
0x1d: {  	s5 =	simm.s32 @p1 $0x1;
	p0 =	seq.s32 s7, s2  }
0x1e: {  	s7 =	smul.u32 @!p0 $0xF7A, s2;
	p2 =	seq.s32 @!p0 s5, $0x0  }
0x1f: {  	s9 =	smul.u32 $0xF7A, s1;
	s8 =	simm.s32 @!p0 $0x1BF5;
	p2 =	por !p2, p0  }
0x20: {  	[sflag:s8] =	ssyncset.s32 @!p0 $0xFFFFF086;
	s6 =	sadd.s32 @!p0 s3, s7;
	s7 =	simm.s32 @!p0 $0x108  }
0x21: {  	s3 =	sadd.s32 s3, s9;
	s6 =	sadd.s32 @!p0 $0x88, s6;
	s7 =	simm.s32 @p2 $0x1082  }
0x22: {  	[simem:s7], [sflag:s8] =	dma.local @!p0 [hbm:s6], $0xF7A  }
0x23: {  	s9 =	sor.u32 $0xD0000000, s2;
	s6 =	simm.s32 $0x108;
	_ =	swait.ge @!p0 [sflag:s8], $0x0  }
0x24: {  	s3 =	sadd.s32 $0x88, s3;
	s6 =	simm.s32 @!p1 $0x1082;
	[sflag:s4] =	ssyncset.s32 $0xFFFFF086  }
0x25: {  	[simem:s6], [sflag:s4] =	dma.local [hbm:s3], $0xF7A  }
0x26: {  	[smem:$0x3F8D] =	sst s1;
	(tag) =	ssettag s2;
	_ =	strace s9  }
0x27: {  	s1 =	sld [smem:$0x3F9D]  }
0x28: {  	s2 =	sld [smem:$0x3F9E]  }
0x29: {  	s4 =	sld [smem:$0x3FA0]  }
0x2a: {  	p0 =	seq.s32 s5, $0x0;
	s5 =	sld [smem:$0x3FA1]  }
0x2b: {  	s6 =	sld [smem:$0x3FA2]  }
0x2c: {  	s7 =	sld [smem:$0x3FA3]  }
0x2d: {  	s3 =	simm.s32 $0x108;
	s8 =	sld [smem:$0x3FA4]  }
0x2e: {  	s3 =	simm.s32 @!p0 $0x1082;
	s9 =	sld [smem:$0x3FA5]  }
0x2f: {  	lr =	sadd.s32 s0, s3;
	s0 =	sld [smem:$0x3F9C]  }
0x30: {  	s3 =	sld [smem:$0x3F9F]  }
0x31: {  	[smem:$0x3FA8] =	sst s10  }
0x32: {  	s10 =	sld [smem:$0x3FA6];
	_ =	sdelay $0x3  }
0x33: {  	p0 =	seq.s32 s10, $0x1;
	s10 =	sld [smem:$0x3FA8];
	_ =	sdelay $0x3  }
0x34: {  	[smem:$0x3FA8] =	sst s10  }
0x35: {  	s10 =	sld [smem:$0x3FA7];
	_ =	sdelay $0x3  }
0x36: {  	p1 =	seq.s32 s10, $0x1;
	s10 =	sld [smem:$0x3FA8];
	_ =	sdelay $0x3  }
0x37: {  	[smem:$0x3FA8] =	sst s10  }
0x38: {  	s10 =	sld [smem:$0x3FA9]  }
0x39: {  	_ = 	snop;
	(pc) =	sbr.ind lr, $3  }
0x3a: {  	_ = 	snop  }
0x3b: {  	_ = 	snop  }
0x3c: {  	p2 =	seq.s32 s10, $0x1;
	s10 =	sld [smem:$0x3FA8]  }
0x3d: {  	_ =	shalt  }
0x3e: {  	_ =	shalt  }
0x3f: {  	_ =	shalt  }
0x40: {  	_ =	shalt  }
0x41: {  	_ =	shalt  }
0x42: {  	_ =	shalt  }
0x43: {  	_ =	shalt  }
0x44: {  	_ =	shalt  }
0x45: {  	_ =	shalt  }
0x46: {  	_ =	shalt  }
0x47: {  	_ =	shalt  }
0x48: {  	_ =	shalt  }
0x49: {  	_ =	shalt  }
0x4a: {  	_ =	shalt  }
0x4b: {  	_ =	shalt  }
0x4c: {  	_ =	shalt  }
0x4d: {  	_ =	shalt  }
0x4e: {  	_ =	shalt  }
0x4f: {  	_ =	shalt  }
0x50: {  	_ =	shalt  }
0x51: {  	_ =	shalt  }
0x52: {  	_ =	shalt  }
0x53: {  	_ =	shalt  }
0x54: {  	_ =	shalt  }
0x55: {  	_ =	shalt  }
0x56: {  	_ =	shalt  }
0x57: {  	_ =	shalt  }
0x58: {  	_ =	shalt  }
0x59: {  	_ =	shalt  }
0x5a: {  	_ =	shalt  }
0x5b: {  	_ =	shalt  }
0x5c: {  	_ =	shalt  }
0x5d: {  	_ =	shalt  }
0x5e: {  	_ =	shalt  }
0x5f: {  	_ =	shalt  }
0x60: {  	_ =	shalt  }
0x61: {  	_ =	shalt  }
0x62: {  	_ =	shalt  }
0x63: {  	_ =	shalt  }
0x64: {  	_ =	shalt  }
0x65: {  	_ =	shalt  }
0x66: {  	_ =	shalt  }
0x67: {  	_ =	shalt  }
0x68: {  	_ =	shalt  }
0x69: {  	_ =	shalt  }
0x6a: {  	_ =	shalt  }
0x6b: {  	_ =	shalt  }
0x6c: {  	_ =	shalt  }
0x6d: {  	_ =	shalt  }
0x6e: {  	_ =	shalt  }
0x6f: {  	_ =	shalt  }
0x70: {  	_ =	shalt  }
0x71: {  	_ =	shalt  }
0x72: {  	_ =	shalt  }
0x73: {  	_ =	shalt  }
0x74: {  	_ =	shalt  }
0x75: {  	_ =	shalt  }
0x76: {  	_ =	shalt  }
0x77: {  	_ =	shalt  }
0x78: {  	_ =	shalt  }
0x79: {  	_ =	shalt  }
0x7a: {  	_ =	shalt  }
0x7b: {  	_ =	shalt  }
0x7c: {  	_ =	shalt  }
0x7d: {  	_ =	shalt  }
0x7e: {  	_ =	shalt  }
0x7f: {  	_ =	shalt  }
0x80: {  	_ =	shalt  }
0x81: {  	_ =	shalt  }
0x82: {  	_ =	shalt  }
0x83: {  	_ =	shalt  }
0x84: {  	_ =	shalt  }
0x85: {  	_ =	shalt  }
0x86: {  	_ =	shalt  }
0x87: {  	_ =	shalt  }
.Lfunc_end0:
.L_simem_size_0:
called_computation.2_lowered:
.L_overlay_start_0:
0x88: {  	s0 =	sld [smem:$0x3FD9]  }
0x89: {  	s1 =	sld [smem:$0x3FFE];
	_ =	sdelay $0x3  }
0x8a: {  	s0 =	sadd.s32 s1, s0  }
0x8b: {  	[smem:$0x3FB4] =	sst s0  }
0x8c: {  	_ = 	snop  }
0x8d: {  	(tm) =	ssettm $0x1  }
0x8e: {  	s15 =	sld [smem:$0x3FFB];
	_ =	sdelay $0x3  }
0x8f: {  	_ =	strace s15  }
0x90: {  	s0 =	sld [smem:$0x3FFC];
	_ =	sdelay $0x3  }
0x91: {  	_ =	strace s0  }
0x92: {  	s0 =	sld [smem:$0x3FFD];
	_ =	sdelay $0x3  }
0x93: {  	_ =	strace s0  }
0x94: {  	_ =	strace $0x8FFFFFFF  }
0x95: {  	s16 =	sld [smem:$0x3FDB];
	_ =	sdelay $0x1  }
0x96: {  	s17 =	simm.s32 $_scs_section_size  }
0x97: {  	s2 =	simm.s32 $_size__tile_overlayer_lowered;
	s3 =	simm.s32 $_tile_overlayer_lowered  }
0x98: {  	s20 =	simm.s32 $0x1BFF;
	s19 =	sshll.u32 s3, $0x1;
	s0 =	sadd.s32 s17, s16  }
0x99: {  	s4 =	simm.s32 $0x0;
	s18 =	sshll.u32 s2, $0x1;
	s2 =	sadd.s32 s19, s0  }
0x9a: {  	[timem:s4], [sflag:s20] =	dma.local [hbm:s2], s18  }
0x9b: {  	_ =	swait.ge [sflag:s20], s18  }
0x9c: {  	s1 =	ssub.s32 $0x0, s18;
	[sflag:s20] =	ssyncset.done $0x0  }
0x9d: {  	[sflag:s20] =	ssyncadd.s32 s1;
	_ =	sdelay $0x1  }
0x9e: {  	s21 =	simm.s32 $0x1B8B  }
0x9f: {  	_ =	swait.ge [sflag:s21], $0x1  }
0xa0: {  	[sflag:s21] =	ssyncset.done $0x0  }
0xa1: {  	s23 =	simm.s32 $0x1B8E;
	s22 =	sld [smem:$0x3FFE];
	[sflag:s21] =	ssyncadd.s32 $0xFFFFFFFF  }
0xa2: {  	s24 =	simm.s32 $execute0_lowered;
	[smem:$0x3FD2] =	sst s23  }
0xa3: {  	s2 =	sshll.u32 s24, $0x1;
	_ =	strace $0x8000004C;
	[dreg:$0x1] =	wrdreg $0xFFFFFFFF  }
0xa4: {  	s25 =	simm.s32 $_size_execute0_lowered;
	s0 =	sadd.s32 s0, s2;
	[dreg:$0x0] =	wrdreg $0x0  }
0xa5: {  	s2 =	sshll.u32 s25, $0x1;
	[dreg:$0x2] =	wrdreg s0  }
0xa6: {  	[dreg:$0x3] =	wrdreg s2  }
0xa7: {  	[dreg:$0x4] =	wrdreg $0xC0  }
0xa8: {  	_ =	task [dreg:s4], $0x5FFFF  }
0xa9: {  	[dreg:$0x1] =	wrdreg $0xFFFFFFFF  }
0xaa: {  	[dreg:$0x0] =	wrdreg $0x60  }
0xab: {  	[dreg:$0x2] =	wrdreg s22  }
0xac: {  	[dreg:$0x3] =	wrdreg $0xB8000  }
0xad: {  	[dreg:$0x4] =	wrdreg $0x9  }
0xae: {  	_ =	task.clear_ibuf [dreg:s4], $0x5FFFF;
	_ =	strace $0x9000004C  }
0xaf: {  	s26 =	simm.s32 $0x9;
	_ =	strace $0x8000004E  }
0xb0: {  	_ =	swait.ge [sflag:s26], $0x1  }
0xb1: {  	[sflag:s26] =	ssyncadd.s32 $0xFFFFFFFF  }
0xb2: {  	_ =	strace $0x9000004E  }
0xb3: {  	_ =	sfence  }
0xb4: {  	s28 =	sld [smem:$0x0];
	_ =	sdelay $0x1  }
0xb5: {  	s29 =	srdreg.scid  }
0xb6: {  	s30 =	sshll.u32 s29, $0xD;
	s31 =	sshrl.u32 s29, $0x2  }
0xb7: {  	s1 =	sand.u32 $0x1, s29;
	s2 =	sand.u32 $0x4000, s30;
	s0 =	sadd.s32 s31, s28  }
0xb8: {  	s1 =	sor.u32 s2, s1;
	s0 =	sshll.u32 s0, $0x11  }
0xb9: {  	s0 =	sor.u32 s0, s1  }
0xba: {  	s0 =	sadd.s32 $0x8F2B, s0  }
0xbb: {  	[sflag:s0] =	ssyncadd.remote.s32 $0x1  }
0xbc: {  	_ =	sfence.sel $0xFFFF  }
0xbd: {  	[dreg:$0x0] =	wrdreg $0xFFFFFFFF;
	(pc) =	sbr.abs _section_cstart, $3  }
0xbe: {  	[dreg:$0x1] =	wrdreg $0xFFFFFFFF  }
0xbf: {  	_ =	task.clear_ibuf [dreg:s4], $0x2FFFF;
	_ =	strace $0x9FFFFFFF  }
0xc0: {  	(tm) =	ssettm $0x7FFFFFFF  }
0xc1: {  	_ =	shalt  }
tec
execute0_lowered:
.L_overlay_start_1:
0x0: {  	(tag) =	ssettag $0x1  }
0x1: {  	s0 =	rddreg [dreg:$0x0]  }
0x2: {  	s2 =	rddreg [dreg:$0x1];
	s1 =	simm.s32 $0x0;
	s4 =	stileid.u32  }
0x3: {  	[smem:$0x7FF] =	sst s1;
	s3 =	sadd.s32 $0x48200, s0;
	s30 =	sadd.s32 $0x7200, s0  }
0x4: {  	s31 =	sadd.s32 $0x27A00, s0;
	_ =	strace $0x8000004D;
	[dreg:$0x3] =	wrdreg s30  }
0x5: {  	s7 =	sadd.s32 $0xF15400, s0;
	s0 =	sadd.s32 $0x74C00, s0;
	[dreg:$0x5] =	wrdreg s31  }
0x6: {  	v0 =	vimm.f32 $0.0e+00;
	s1 =	simm.s32 $0x200;
	[dreg:$0x4] =	wrdreg s0;
	s0 =	simm.s32 $0x0  }
.LBB2_1:
0x7: {  	p0 =	sne.s32 s1, $0x4E00;
	[tilespmem:s0+$0x6870] =	vst v0  }
0x8: {  	[tilespmem:s0+$0x6800] =	vst v0  }
0x9: {  	[tilespmem:s0+$0x6810] =	vst v0  }
.Ltmp0:
0xa: {  	[tilespmem:s0+$0x6820] =	vst v0;
	(pc) =	sbr.rel @p0 .LBB2_1-.Ltmp0, $4  }
0xb: {  	[tilespmem:s0+$0x6830] =	vst v0  }
0xc: {  	[tilespmem:s0+$0x6840] =	vst v0  }
0xd: {  	[tilespmem:s0+$0x6850] =	vst v0  }
0xe: {  	[tilespmem:s0+$0x6860] =	vst v0;
	s0 =	sshra.s32 s1, $0x2;
	s1 =	sadd.s32 $0x200, s1  }
0xf: {  	[tilespmem:s0+$0x6870] =	vst v0  }
0x10: {  	[tilespmem:s0+$0x6800] =	vst v0  }
0x11: {  	[tilespmem:s0+$0x6810] =	vst v0  }
0x12: {  	[tilespmem:s0+$0x6820] =	vst v0  }
0x13: {  	[tilespmem:s0+$0x6830] =	vst v0;
	s1 =	smul.u32 $0x4E200, s4  }
0x14: {  	[tilespmem:s0+$0x6840] =	vst v0  }
0x15: {  	[tilespmem:s0+$0x6850] =	vst v0;
	s1 =	sshrl.u32 s1, $0x2  }
0x16: {  	[tilespmem:s0+$0x6860] =	vst v0;
	s9 =	simm.s32 $0x6800;
	s10 =	simm.s32 $0xD;
	s1 =	sadd.s32 s1, s2  }
0x17: {  	[spmem:s1] =	stream.linear.scatter [tilespmem:s9], [sflag:$0xD], $0x1400, $0x38;
	[tilespmem:$0x1F080] =	vst v63  }
0x18: {  	_ =	swait.ge [sflag:s10], $0x1400  }
0x19: {  	[sflag:s10] =	ssyncset.done $0x0  }
0x1a: {  	s8 =	sadd.s32 $0x1400, s1;
	[sflag:s10] =	ssyncadd.s32 $0xFFFFEC00  }
0x1b: {  	[spmem:s8] =	stream.linear.scatter [tilespmem:s9], [sflag:$0xD], $0x1400, $0x38;
	[tilespmem:$0x1F080] =	vst v63  }
0x1c: {  	_ =	swait.ge [sflag:s10], $0x1400  }
0x1d: {  	[sflag:s10] =	ssyncset.done $0x0  }
0x1e: {  	s11 =	sadd.s32 $0x2800, s1;
	[sflag:s10] =	ssyncadd.s32 $0xFFFFEC00  }
0x1f: {  	[spmem:s11] =	stream.linear.scatter [tilespmem:s9], [sflag:$0xD], $0x1400, $0x38;
	[tilespmem:$0x1F080] =	vst v63  }
0x20: {  	_ =	swait.ge [sflag:s10], $0x1400  }
0x21: {  	[sflag:s10] =	ssyncset.done $0x0  }
0x22: {  	s12 =	sadd.s32 $0x3C00, s1;
	[sflag:s10] =	ssyncadd.s32 $0xFFFFEC00  }
0x23: {  	[spmem:s12] =	stream.linear.scatter [tilespmem:s9], [sflag:$0xD], $0x1400, $0x38;
	[tilespmem:$0x1F080] =	vst v63  }
0x24: {  	_ =	swait.ge [sflag:s10], $0x1400  }
0x25: {  	[sflag:s10] =	ssyncset.done $0x0  }
0x26: {  	s13 =	sadd.s32 $0x5000, s1;
	[sflag:s10] =	ssyncadd.s32 $0xFFFFEC00  }
0x27: {  	[spmem:s13] =	stream.linear.scatter [tilespmem:s9], [sflag:$0xD], $0x1400, $0x38;
	[tilespmem:$0x1F080] =	vst v63  }
0x28: {  	_ =	swait.ge [sflag:s10], $0x1400  }
0x29: {  	[sflag:s10] =	ssyncset.done $0x0  }
0x2a: {  	s14 =	sadd.s32 $0x6400, s1;
	[sflag:s10] =	ssyncadd.s32 $0xFFFFEC00  }
0x2b: {  	[spmem:s14] =	stream.linear.scatter [tilespmem:s9], [sflag:$0xD], $0x1400, $0x38;
	[tilespmem:$0x1F080] =	vst v63  }
0x2c: {  	_ =	swait.ge [sflag:s10], $0x1400  }
0x2d: {  	[sflag:s10] =	ssyncset.done $0x0  }
0x2e: {  	s15 =	sadd.s32 $0x7800, s1;
	[sflag:s10] =	ssyncadd.s32 $0xFFFFEC00  }
0x2f: {  	[spmem:s15] =	stream.linear.scatter [tilespmem:s9], [sflag:$0xD], $0x1400, $0x38;
	[tilespmem:$0x1F080] =	vst v63  }
0x30: {  	_ =	swait.ge [sflag:s10], $0x1400  }
0x31: {  	[sflag:s10] =	ssyncset.done $0x0  }
0x32: {  	s16 =	sadd.s32 $0x8C00, s1;
	[sflag:s10] =	ssyncadd.s32 $0xFFFFEC00  }
0x33: {  	[spmem:s16] =	stream.linear.scatter [tilespmem:s9], [sflag:$0xD], $0x1400, $0x38;
	[tilespmem:$0x1F080] =	vst v63  }
0x34: {  	_ =	swait.ge [sflag:s10], $0x1400  }
0x35: {  	[sflag:s10] =	ssyncset.done $0x0  }
0x36: {  	s17 =	sadd.s32 $0xA000, s1;
	[sflag:s10] =	ssyncadd.s32 $0xFFFFEC00  }
0x37: {  	[spmem:s17] =	stream.linear.scatter [tilespmem:s9], [sflag:$0xD], $0x1400, $0x38;
	[tilespmem:$0x1F080] =	vst v63  }
0x38: {  	_ =	swait.ge [sflag:s10], $0x1400  }
0x39: {  	[sflag:s10] =	ssyncset.done $0x0  }
0x3a: {  	s18 =	sadd.s32 $0xB400, s1;
	[sflag:s10] =	ssyncadd.s32 $0xFFFFEC00  }
0x3b: {  	[spmem:s18] =	stream.linear.scatter [tilespmem:s9], [sflag:$0xD], $0x1400, $0x38;
	[tilespmem:$0x1F080] =	vst v63  }
0x3c: {  	_ =	swait.ge [sflag:s10], $0x1400  }
0x3d: {  	[sflag:s10] =	ssyncset.done $0x0  }
0x3e: {  	s19 =	sadd.s32 $0xC800, s1;
	[sflag:s10] =	ssyncadd.s32 $0xFFFFEC00  }
0x3f: {  	[spmem:s19] =	stream.linear.scatter [tilespmem:s9], [sflag:$0xD], $0x1400, $0x38;
	[tilespmem:$0x1F080] =	vst v63  }
0x40: {  	_ =	swait.ge [sflag:s10], $0x1400  }
0x41: {  	[sflag:s10] =	ssyncset.done $0x0  }
0x42: {  	s20 =	sadd.s32 $0xDC00, s1;
	[sflag:s10] =	ssyncadd.s32 $0xFFFFEC00  }
0x43: {  	[spmem:s20] =	stream.linear.scatter [tilespmem:s9], [sflag:$0xD], $0x1400, $0x38;
	[tilespmem:$0x1F080] =	vst v63  }
0x44: {  	_ =	swait.ge [sflag:s10], $0x1400  }
0x45: {  	[sflag:s10] =	ssyncset.done $0x0  }
0x46: {  	s21 =	sadd.s32 $0xF000, s1;
	[sflag:s10] =	ssyncadd.s32 $0xFFFFEC00  }
0x47: {  	[spmem:s21] =	stream.linear.scatter [tilespmem:s9], [sflag:$0xD], $0x1400, $0x38;
	[tilespmem:$0x1F080] =	vst v63  }
0x48: {  	s25 =	smul.u32 $0x4E20, s4;
	_ =	swait.ge [sflag:s10], $0x1400  }
0x49: {  	s26 =	smul.u32 $0x10400, s4;
	s31 =	sadd.s32 $0x280, s7;
	[sflag:s10] =	ssyncset.done $0x0  }
0x4a: {  	s28 =	simm.s32 $0x7;
	s22 =	sadd.s32 $0x10400, s1;
	[sflag:s10] =	ssyncadd.s32 $0xFFFFEC00  }
0x4b: {  	[spmem:s22] =	stream.linear.scatter [tilespmem:s9], [sflag:$0xD], $0x1400, $0x38;
	[tilespmem:$0x1F080] =	vst v63  }
0x4c: {  	s29 =	simm.s32 $0xA;
	s30 =	simm.s32 $0x8;
	_ =	swait.ge [sflag:s10], $0x1400  }
0x4d: {  	s5 =	simm.s32 $0x0;
	s23 =	sadd.s32 $0x11800, s1;
	[sflag:s10] =	ssyncset.done $0x0  }
0x4e: {  	s24 =	sadd.s32 $0x12C00, s1;
	s14 =	simm.s32 $0x0;
	[sflag:s10] =	ssyncadd.s32 $0xFFFFEC00  }
0x4f: {  	[spmem:s23] =	stream.linear.scatter [tilespmem:s9], [sflag:$0xD], $0x1400, $0x38;
	[tilespmem:$0x1F080] =	vst v63  }
0x50: {  	s16 =	simm.s32 $0x7C00;
	s18 =	simm.s32 $0x28;
	_ =	swait.ge [sflag:s10], $0x1400  }
0x51: {  	s19 =	simm.s32 $0x9000;
	s20 =	simm.s32 $0x2;
	[sflag:s10] =	ssyncset.done $0x0  }
0x52: {  	s21 =	simm.s32 $0x5;
	[dreg:$0x6] =	wrdreg s1;
	[sflag:s10] =	ssyncadd.s32 $0xFFFFEC00  }
0x53: {  	[spmem:s24] =	stream.linear.scatter [tilespmem:s9], [sflag:$0xD], $0xC80, $0x38;
	[tilespmem:$0x1F080] =	vst v63  }
0x54: {  	s22 =	simm.s32 $0xA400;
	_ =	swait.ge [sflag:s10], $0xC80;
	[dreg:$0x7] =	wrdreg s25  }
0x55: {  	s23 =	simm.s32 $0x3;
	[dreg:$0x8] =	wrdreg s26;
	[sflag:s10] =	ssyncset.done $0x0  }
0x56: {  	s24 =	simm.s32 $0x6;
	[dreg:$0x9] =	wrdreg s31;
	[sflag:s10] =	ssyncadd.s32 $0xFFFFF380  }
0x57: {  	s25 =	simm.s32 $0x9;
	s26 =	simm.s32 $0x4;
	[bflag:$0x0] =	sbarrier.arrive $0xFFFF  }
.LBB2_3:
0x58: {  	s1 =	smul.u32 $0x3400, s5  }
0x59: {  	s0 =	rddreg [dreg:$0x8]  }
0x5a: {  	s1 =	sadd.s32 s0, s1  }
0x5b: {  	s8 =	rddreg [dreg:$0x3];
	s1 =	sshrl.u32 s1, $0x3  }
0x5c: {  	s4 =	sadd.s32 s8, s1  }
0x5d: {  	[tilespmem:s14], [sflag:$0xD] =	stream.linear.gather [hbm4b:s4+s14], $0x3200, $0x38;
	[tilespmem:$0x1F080] =	vst v63  }
0x5e: {  	_ =	swait.ge [sflag:s10], $0x3200  }
0x5f: {  	[sflag:s10] =	ssyncset.done $0x0;
	s11 =	rddreg [dreg:$0x5]  }
0x60: {  	s13 =	simm.s32 $0x3400;
	[sflag:s10] =	ssyncadd.s32 $0xFFFFCE00;
	s1 =	sadd.s32 s11, s1  }
0x61: {  	[tilespmem:s13], [sflag:$0xD] =	stream.linear.gather [hbm4b:s1+s14], $0x3200, $0x38;
	[tilespmem:$0x1F080] =	vst v63  }
0x62: {  	s12 =	smul.u32 $0xFA0, s5;
	_ =	swait.ge [sflag:s10], $0x3200  }
0x63: {  	s15 =	rddreg [dreg:$0x7]  }
0x64: {  	s1 =	sadd.s32 s15, s12  }
0x65: {  	[sflag:s10] =	ssyncset.done $0x0;
	s4 =	sshll.u32 s1, $0x4  }
0x66: {  	s17 =	rddreg [dreg:$0x9];
	[sflag:s10] =	ssyncadd.s32 $0xFFFFCE00;
	s6 =	sadd.s32 s7, s4  }
0x67: {  	[tilespmem:s9], [sflag:$0x1] =	stream.linear.gather [hbm4b:s6+s14], $0x1400, $0x38;
	[tilespmem:$0x1F080] =	vst v63  }
0x68: {  	s31 =	simm.s32 $0x1;
	s4 =	sadd.s32 s4, s17  }
0x69: {  	[tilespmem:s16], [sflag:$0x2] =	stream.linear.gather [hbm4b:s4+s14], $0x1400, $0x38;
	[tilespmem:$0x1F080] =	vst v63  }
0x6a: {  	_ =	swait.ge [sflag:s31], $0x1400  }
0x6b: {  	s8 =	sadd.s32 $0xA0, s1;
	[sflag:s31] =	ssyncset.done $0x0  }
0x6c: {  	s15 =	sadd.s32 $0xC8, s1;
	s4 =	simm.s32 $0x0;
	[sflag:s31] =	ssyncadd.s32 $0xFFFFEC00  }
0x6d: {  	[tilespmem:s9], [sflag:$0x5] =	stream.indirect.gather.add.f32 [hbm:s3], $0x80, s14, s18, $0xb8;
	[tilespmem:$0x1F080] =	vst v63  }
.LBB2_4:
0x6e: {  	s13 =	sshll.u32 s4, $0x2  }
0x6f: {  	s12 =	sor.u32 $0x2, s13  }
0x70: {  	p0 =	seq.s32 s4, $0x0;
	s6 =	smul.u32 $0x28, s12  }
0x71: {  	s11 =	simm.s32 @!p0 $0xB  }
0x72: {  	_ =	swait.ge @!p0 [sflag:s11], $0x1400;
	s6 =	sadd.s32 s1, s6  }
0x73: {  	[sflag:s11] =	ssyncset.done @!p0 $0x0;
	s6 =	sshll.u32 s6, $0x4  }
0x74: {  	s17 =	simm.s32 $0x0;
	[sflag:s11] =	ssyncadd.s32 @!p0 $0xFFFFEC00;
	s6 =	sadd.s32 s7, s6  }
0x75: {  	[tilespmem:s19], [sflag:$0x3] =	stream.linear.gather [hbm4b:s6+s17], $0x1400, $0x38;
	[tilespmem:$0x1F080] =	vst v63  }
0x76: {  	_ =	swait.ge [sflag:s20], $0x1400  }
0x77: {  	s31 =	sshll.u32 s4, $0x9;
	[sflag:s20] =	ssyncset.done $0x0  }
0x78: {  	s11 =	sor.u32 $0x80, s31;
	[sflag:s20] =	ssyncadd.s32 $0xFFFFEC00  }
0x79: {  	[tilespmem:s16], [sflag:$0x6] =	stream.indirect.gather.add.f32 [hbm:s3], $0x80, s11, s18, $0xb8;
	[tilespmem:$0x1F080] =	vst v63  }
0x7a: {  	_ =	swait.ge [sflag:s21], $0x1400  }
0x7b: {  	[sflag:s21] =	ssyncset.done $0x0  }
0x7c: {  	s17 =	simm.s32 $0x0;
	[sflag:s21] =	ssyncadd.s32 $0xFFFFEC00  }
0x7d: {  	v2 =	vld [tilespmem:s17+$0x6800]  }
0x7e: {  	v4 =	vld [tilespmem:s17+$0x6810]  }
0x7f: {  	v3 =	vld [tilespmem:s17+$0x6820]  }
0x80: {  	v1 =	vld [tilespmem:s17+$0x6830]  }
0x81: {  	v0 =	vld [tilespmem:s17+$0x6840]  }
0x82: {  	v5 =	vmax.f32 v2, $0.0e+00;
	v2 =	vld [tilespmem:s17+$0x6850]  }
0x83: {  	s6 =	simm.s32 $0x200;
	[tilespmem:s17+$0x6800] =	vst v5;
	v5 =	vmax.f32 v4, $0.0e+00;
	v4 =	vld [tilespmem:s17+$0x6860]  }
.LBB2_5:
0x84: {  	s31 =	sshra.s32 s6, $0x2;
	p1 =	sne.s32 s6, $0x4E00;
	[tilespmem:s17+$0x6810] =	vst v5;
	v3 =	vmax.f32 v3, $0.0e+00;
	v5 =	vld [tilespmem:s17+$0x6870]  }
0x85: {  	v6 =	vld [tilespmem:s31+$0x6800];
	[tilespmem:s17+$0x6820] =	vst v3;
	v1 =	vmax.f32 v1, $0.0e+00  }
0x86: {  	v7 =	vld [tilespmem:s31+$0x6810];
	[tilespmem:s17+$0x6830] =	vst v1;
	v0 =	vmax.f32 v0, $0.0e+00  }
.Ltmp1:
0x87: {  	v3 =	vld [tilespmem:s31+$0x6820];
	[tilespmem:s17+$0x6840] =	vst v0;
	v0 =	vmax.f32 v2, $0.0e+00;
	(pc) =	sbr.rel @p1 .LBB2_5-.Ltmp1, $4  }
0x88: {  	v1 =	vld [tilespmem:s31+$0x6830];
	[tilespmem:s17+$0x6850] =	vst v0;
	v2 =	vmax.f32 v4, $0.0e+00  }
0x89: {  	v0 =	vld [tilespmem:s31+$0x6840];
	[tilespmem:s17+$0x6860] =	vst v2;
	v4 =	vmax.f32 v5, $0.0e+00  }
0x8a: {  	v5 =	vmax.f32 v6, $0.0e+00;
	v2 =	vld [tilespmem:s31+$0x6850];
	[tilespmem:s17+$0x6870] =	vst v4;
	s17 =	smov.u32 s31  }
0x8b: {  	s6 =	sadd.s32 $0x200, s6;
	[tilespmem:s17+$0x6800] =	vst v5;
	v5 =	vmax.f32 v7, $0.0e+00;
	v4 =	vld [tilespmem:s17+$0x6860]  }
0x8c: {  	[tilespmem:s17+$0x6810] =	vst v5;
	v3 =	vmax.f32 v3, $0.0e+00;
	v5 =	vld [tilespmem:s17+$0x6870]  }
0x8d: {  	[tilespmem:s17+$0x6820] =	vst v3;
	v1 =	vmax.f32 v1, $0.0e+00  }
0x8e: {  	[tilespmem:s17+$0x6830] =	vst v1;
	v0 =	vmax.f32 v0, $0.0e+00  }
0x8f: {  	[tilespmem:s17+$0x6840] =	vst v0;
	v0 =	vmax.f32 v2, $0.0e+00  }
0x90: {  	s6 =	sshll.u32 s4, $0xB;
	[tilespmem:s17+$0x6850] =	vst v0;
	v0 =	vmax.f32 v4, $0.0e+00  }
0x91: {  	s31 =	sshrl.u32 s6, $0x2;
	[tilespmem:s17+$0x6860] =	vst v0;
	v0 =	vmax.f32 v5, $0.0e+00  }
0x92: {  	s13 =	sor.u32 $0x3, s13;
	s0 =	sadd.s32 $0x3400, s31;
	[tilespmem:s17+$0x6870] =	vst v0  }
0x93: {  	[spmem:s2] =	stream.indirect.scatter.add.f32 [tilespmem:s9], [sflag:$0x9], $0x80, s0, s18, $0xb8;
	[tilespmem:$0x1F080] =	vst v63  }
0x94: {  	s0 =	smul.u32 $0x28, s13  }
0x95: {  	s31 =	simm.s32 @!p0 $0xC  }
0x96: {  	_ =	swait.ge @!p0 [sflag:s31], $0x1400;
	s17 =	sadd.s32 s1, s0  }
0x97: {  	[sflag:s31] =	ssyncset.done @!p0 $0x0;
	s17 =	sshll.u32 s17, $0x4  }
0x98: {  	[sflag:s31] =	ssyncadd.s32 @!p0 $0xFFFFEC00;
	s31 =	simm.s32 $0x0;
	s17 =	sadd.s32 s7, s17  }
0x99: {  	[tilespmem:s22], [sflag:$0x4] =	stream.linear.gather [hbm4b:s17+s31], $0x1400, $0x38;
	[tilespmem:$0x1F080] =	vst v63  }
0x9a: {  	_ =	swait.ge [sflag:s23], $0x1400  }
0x9b: {  	[sflag:s23] =	ssyncset.done $0x0  }
0x9c: {  	s12 =	sshll.u32 s12, $0x7;
	[sflag:s23] =	ssyncadd.s32 $0xFFFFEC00  }
0x9d: {  	[tilespmem:s19], [sflag:$0x7] =	stream.indirect.gather.add.f32 [hbm:s3], $0x80, s12, s18, $0xb8;
	[tilespmem:$0x1F080] =	vst v63  }
0x9e: {  	_ =	swait.ge [sflag:s24], $0x1400  }
0x9f: {  	[sflag:s24] =	ssyncset.done $0x0  }
0xa0: {  	s17 =	simm.s32 $0x0;
	[sflag:s24] =	ssyncadd.s32 $0xFFFFEC00  }
0xa1: {  	v2 =	vld [tilespmem:s17+$0x7C00]  }
0xa2: {  	v4 =	vld [tilespmem:s17+$0x7C10]  }
0xa3: {  	v3 =	vld [tilespmem:s17+$0x7C20]  }
0xa4: {  	v1 =	vld [tilespmem:s17+$0x7C30]  }
0xa5: {  	v0 =	vld [tilespmem:s17+$0x7C40]  }
0xa6: {  	v5 =	vmax.f32 v2, $0.0e+00;
	v2 =	vld [tilespmem:s17+$0x7C50]  }
0xa7: {  	s31 =	simm.s32 $0x200;
	[tilespmem:s17+$0x7C00] =	vst v5;
	v5 =	vmax.f32 v4, $0.0e+00;
	v4 =	vld [tilespmem:s17+$0x7C60]  }
.LBB2_7:
0xa8: {  	s0 =	sshra.s32 s31, $0x2;
	p0 =	sne.s32 s31, $0x4E00;
	[tilespmem:s17+$0x7C10] =	vst v5;
	v3 =	vmax.f32 v3, $0.0e+00;
	v5 =	vld [tilespmem:s17+$0x7C70]  }
0xa9: {  	v6 =	vld [tilespmem:s0+$0x7C00];
	[tilespmem:s17+$0x7C20] =	vst v3;
	v1 =	vmax.f32 v1, $0.0e+00  }
0xaa: {  	v7 =	vld [tilespmem:s0+$0x7C10];
	[tilespmem:s17+$0x7C30] =	vst v1;
	v0 =	vmax.f32 v0, $0.0e+00  }
.Ltmp2:
0xab: {  	v3 =	vld [tilespmem:s0+$0x7C20];
	[tilespmem:s17+$0x7C40] =	vst v0;
	v0 =	vmax.f32 v2, $0.0e+00;
	(pc) =	sbr.rel @p0 .LBB2_7-.Ltmp2, $4  }
0xac: {  	v1 =	vld [tilespmem:s0+$0x7C30];
	[tilespmem:s17+$0x7C50] =	vst v0;
	v2 =	vmax.f32 v4, $0.0e+00  }
0xad: {  	v0 =	vld [tilespmem:s0+$0x7C40];
	[tilespmem:s17+$0x7C60] =	vst v2;
	v4 =	vmax.f32 v5, $0.0e+00  }
0xae: {  	v5 =	vmax.f32 v6, $0.0e+00;
	v2 =	vld [tilespmem:s0+$0x7C50];
	[tilespmem:s17+$0x7C70] =	vst v4;
	s17 =	smov.u32 s0  }
0xaf: {  	s31 =	sadd.s32 $0x200, s31;
	[tilespmem:s17+$0x7C00] =	vst v5;
	v5 =	vmax.f32 v7, $0.0e+00;
	v4 =	vld [tilespmem:s17+$0x7C60]  }
0xb0: {  	[tilespmem:s17+$0x7C10] =	vst v5;
	v3 =	vmax.f32 v3, $0.0e+00;
	v5 =	vld [tilespmem:s17+$0x7C70]  }
0xb1: {  	[tilespmem:s17+$0x7C20] =	vst v3;
	v1 =	vmax.f32 v1, $0.0e+00  }
0xb2: {  	[tilespmem:s17+$0x7C30] =	vst v1;
	v0 =	vmax.f32 v0, $0.0e+00  }
0xb3: {  	[tilespmem:s17+$0x7C40] =	vst v0;
	v0 =	vmax.f32 v2, $0.0e+00  }
0xb4: {  	[tilespmem:s17+$0x7C50] =	vst v0;
	v0 =	vmax.f32 v4, $0.0e+00  }
0xb5: {  	p0 =	seq.s32 s4, $0x18;
	[tilespmem:s17+$0x7C60] =	vst v0;
	v0 =	vmax.f32 v5, $0.0e+00  }
0xb6: {  	s0 =	sadd.s32 $0x3400, s11;
	[tilespmem:s17+$0x7C70] =	vst v0;
	s17 =	smul.u32 @!p0 $0xA0, s4  }
0xb7: {  	[spmem:s2] =	stream.indirect.scatter.add.f32 [tilespmem:s16], [sflag:$0xA], $0x80, s0, s18, $0xb8;
	[tilespmem:$0x1F080] =	vst v63  }
0xb8: {  	_ =	swait.ge [sflag:s25], $0x1400;
	s0 =	sadd.s32 @!p0 s17, s8  }
0xb9: {  	s11 =	simm.s32 @!p0 $0x0;
	[sflag:s25] =	ssyncset.done $0x0;
	s0 =	sshll.u32 @!p0 s0, $0x4  }
0xba: {  	s31 =	simm.s32 @!p0 $0x6800;
	[sflag:s25] =	ssyncadd.s32 $0xFFFFEC00;
	s0 =	sadd.s32 @!p0 s7, s0  }
0xbb: {  	[tilespmem:s31], [sflag:$0x1] =	stream.linear.gather @!p0 [hbm4b:s0+s11], $0x1400, $0x38;
	[tilespmem:$0x1F080] =	vst v63  }
0xbc: {  	_ =	swait.ge [sflag:s26], $0x1400  }
0xbd: {  	[sflag:s26] =	ssyncset.done $0x0  }
0xbe: {  	s11 =	sshll.u32 s13, $0x7;
	[sflag:s26] =	ssyncadd.s32 $0xFFFFEC00  }
0xbf: {  	[tilespmem:s22], [sflag:$0x8] =	stream.indirect.gather.add.f32 [hbm:s3], $0x80, s11, s18, $0xb8;
	[tilespmem:$0x1F080] =	vst v63  }
0xc0: {  	_ =	swait.ge [sflag:s28], $0x1400  }
0xc1: {  	[sflag:s28] =	ssyncset.done $0x0  }
0xc2: {  	s13 =	simm.s32 $0x0;
	[sflag:s28] =	ssyncadd.s32 $0xFFFFEC00  }
0xc3: {  	v2 =	vld [tilespmem:s13+$0x9000]  }
0xc4: {  	v4 =	vld [tilespmem:s13+$0x9010]  }
0xc5: {  	v3 =	vld [tilespmem:s13+$0x9020]  }
0xc6: {  	v1 =	vld [tilespmem:s13+$0x9030]  }
0xc7: {  	v0 =	vld [tilespmem:s13+$0x9040]  }
0xc8: {  	v5 =	vmax.f32 v2, $0.0e+00;
	v2 =	vld [tilespmem:s13+$0x9050]  }
0xc9: {  	s31 =	simm.s32 $0x200;
	[tilespmem:s13+$0x9000] =	vst v5;
	v5 =	vmax.f32 v4, $0.0e+00;
	v4 =	vld [tilespmem:s13+$0x9060]  }
.LBB2_9:
0xca: {  	s0 =	sshra.s32 s31, $0x2;
	p1 =	sne.s32 s31, $0x4E00;
	[tilespmem:s13+$0x9010] =	vst v5;
	v3 =	vmax.f32 v3, $0.0e+00;
	v5 =	vld [tilespmem:s13+$0x9070]  }
0xcb: {  	v6 =	vld [tilespmem:s0+$0x9000];
	[tilespmem:s13+$0x9020] =	vst v3;
	v1 =	vmax.f32 v1, $0.0e+00  }
0xcc: {  	v7 =	vld [tilespmem:s0+$0x9010];
	[tilespmem:s13+$0x9030] =	vst v1;
	v0 =	vmax.f32 v0, $0.0e+00  }
.Ltmp3:
0xcd: {  	v3 =	vld [tilespmem:s0+$0x9020];
	[tilespmem:s13+$0x9040] =	vst v0;
	v0 =	vmax.f32 v2, $0.0e+00;
	(pc) =	sbr.rel @p1 .LBB2_9-.Ltmp3, $4  }
0xce: {  	v1 =	vld [tilespmem:s0+$0x9030];
	[tilespmem:s13+$0x9050] =	vst v0;
	v2 =	vmax.f32 v4, $0.0e+00  }
0xcf: {  	v0 =	vld [tilespmem:s0+$0x9040];
	[tilespmem:s13+$0x9060] =	vst v2;
	v4 =	vmax.f32 v5, $0.0e+00  }
0xd0: {  	v5 =	vmax.f32 v6, $0.0e+00;
	v2 =	vld [tilespmem:s0+$0x9050];
	[tilespmem:s13+$0x9070] =	vst v4;
	s13 =	smov.u32 s0  }
0xd1: {  	s31 =	sadd.s32 $0x200, s31;
	[tilespmem:s13+$0x9000] =	vst v5;
	v5 =	vmax.f32 v7, $0.0e+00;
	v4 =	vld [tilespmem:s13+$0x9060]  }
0xd2: {  	[tilespmem:s13+$0x9010] =	vst v5;
	v3 =	vmax.f32 v3, $0.0e+00;
	v5 =	vld [tilespmem:s13+$0x9070]  }
0xd3: {  	[tilespmem:s13+$0x9020] =	vst v3;
	v1 =	vmax.f32 v1, $0.0e+00  }
0xd4: {  	[tilespmem:s13+$0x9030] =	vst v1;
	v0 =	vmax.f32 v0, $0.0e+00  }
0xd5: {  	[tilespmem:s13+$0x9040] =	vst v0;
	v0 =	vmax.f32 v2, $0.0e+00  }
0xd6: {  	[tilespmem:s13+$0x9050] =	vst v0;
	v0 =	vmax.f32 v4, $0.0e+00  }
0xd7: {  	[tilespmem:s13+$0x9060] =	vst v0;
	v0 =	vmax.f32 v5, $0.0e+00  }
0xd8: {  	s0 =	sadd.s32 $0x3400, s12;
	[tilespmem:s13+$0x9070] =	vst v0  }
0xd9: {  	[spmem:s2] =	stream.indirect.scatter.add.f32 [tilespmem:s19], [sflag:$0xB], $0x80, s0, s18, $0xb8;
	[tilespmem:$0x1F080] =	vst v63  }
0xda: {  	s0 =	sadd.s32 @!p0 s17, s15;
	_ =	swait.ge [sflag:s29], $0x1400  }
0xdb: {  	s12 =	simm.s32 @!p0 $0x0;
	s0 =	sshll.u32 @!p0 s0, $0x4;
	[sflag:s29] =	ssyncset.done $0x0  }
0xdc: {  	s13 =	simm.s32 @!p0 $0x7C00;
	s0 =	sadd.s32 @!p0 s7, s0;
	[sflag:s29] =	ssyncadd.s32 $0xFFFFEC00  }
0xdd: {  	[tilespmem:s13], [sflag:$0x2] =	stream.linear.gather @!p0 [hbm4b:s0+s12], $0x1400, $0x38;
	[tilespmem:$0x1F080] =	vst v63  }
0xde: {  	s0 =	simm.s32 @!p0 $0x1  }
0xdf: {  	_ =	swait.ge @!p0 [sflag:s0], $0x1400  }
0xe0: {  	[sflag:s0] =	ssyncset.done @!p0 $0x0  }
0xe1: {  	[sflag:s0] =	ssyncadd.s32 @!p0 $0xFFFFEC00;
	s0 =	sshrl.u32 @!p0 s6, $0x2  }
0xe2: {  	s12 =	simm.s32 @!p0 $0x6800;
	s6 =	simm.s32 @!p0 $0x28;
	s0 =	sadd.s32 @!p0 $0x200, s0  }
0xe3: {  	[tilespmem:s12], [sflag:$0x5] =	stream.indirect.gather.add.f32 @!p0 [hbm:s3], $0x80, s0, s6, $0xb8;
	[tilespmem:$0x1F080] =	vst v63  }
0xe4: {  	_ =	swait.ge [sflag:s30], $0x1400  }
0xe5: {  	[sflag:s30] =	ssyncset.done $0x0  }
0xe6: {  	s6 =	simm.s32 $0x0;
	[sflag:s30] =	ssyncadd.s32 $0xFFFFEC00  }
0xe7: {  	v2 =	vld [tilespmem:s6+$0xA400]  }
0xe8: {  	v4 =	vld [tilespmem:s6+$0xA410]  }
0xe9: {  	v3 =	vld [tilespmem:s6+$0xA420]  }
0xea: {  	v1 =	vld [tilespmem:s6+$0xA430]  }
0xeb: {  	v0 =	vld [tilespmem:s6+$0xA440]  }
0xec: {  	v5 =	vmax.f32 v2, $0.0e+00;
	v2 =	vld [tilespmem:s6+$0xA450]  }
0xed: {  	s12 =	simm.s32 $0x200;
	[tilespmem:s6+$0xA400] =	vst v5;
	v5 =	vmax.f32 v4, $0.0e+00;
	v4 =	vld [tilespmem:s6+$0xA460]  }
.LBB2_11:
0xee: {  	s0 =	sshra.s32 s12, $0x2;
	p0 =	sne.s32 s12, $0x4E00;
	[tilespmem:s6+$0xA410] =	vst v5;
	v3 =	vmax.f32 v3, $0.0e+00;
	v5 =	vld [tilespmem:s6+$0xA470]  }
0xef: {  	v6 =	vld [tilespmem:s0+$0xA400];
	[tilespmem:s6+$0xA420] =	vst v3;
	v1 =	vmax.f32 v1, $0.0e+00  }
0xf0: {  	v7 =	vld [tilespmem:s0+$0xA410];
	[tilespmem:s6+$0xA430] =	vst v1;
	v0 =	vmax.f32 v0, $0.0e+00  }
.Ltmp4:
0xf1: {  	v3 =	vld [tilespmem:s0+$0xA420];
	[tilespmem:s6+$0xA440] =	vst v0;
	v0 =	vmax.f32 v2, $0.0e+00;
	(pc) =	sbr.rel @p0 .LBB2_11-.Ltmp4, $4  }
0xf2: {  	v1 =	vld [tilespmem:s0+$0xA430];
	[tilespmem:s6+$0xA450] =	vst v0;
	v2 =	vmax.f32 v4, $0.0e+00  }
0xf3: {  	v0 =	vld [tilespmem:s0+$0xA440];
	[tilespmem:s6+$0xA460] =	vst v2;
	v4 =	vmax.f32 v5, $0.0e+00  }
0xf4: {  	v5 =	vmax.f32 v6, $0.0e+00;
	v2 =	vld [tilespmem:s0+$0xA450];
	[tilespmem:s6+$0xA470] =	vst v4;
	s6 =	smov.u32 s0  }
0xf5: {  	s12 =	sadd.s32 $0x200, s12;
	[tilespmem:s6+$0xA400] =	vst v5;
	v5 =	vmax.f32 v7, $0.0e+00;
	v4 =	vld [tilespmem:s6+$0xA460]  }
0xf6: {  	[tilespmem:s6+$0xA410] =	vst v5;
	v3 =	vmax.f32 v3, $0.0e+00;
	v60 =	vld [tilespmem:s6+$0xA470]  }
0xf7: {  	s4 =	sadd.s32 $0x1, s4;
	[tilespmem:s6+$0xA420] =	vst v3;
	v1 =	vmax.f32 v1, $0.0e+00  }
0xf8: {  	p0 =	sne.s32 s4, $0x19;
	[tilespmem:s6+$0xA430] =	vst v1;
	v0 =	vmax.f32 v0, $0.0e+00  }
.Ltmp5:
0xf9: {  	[tilespmem:s6+$0xA440] =	vst v0;
	v61 =	vmax.f32 v2, $0.0e+00;
	(pc) =	sbr.rel @p0 .LBB2_4-.Ltmp5, $4  }
0xfa: {  	[tilespmem:s6+$0xA450] =	vst v61;
	v62 =	vmax.f32 v4, $0.0e+00  }
0xfb: {  	[tilespmem:s6+$0xA460] =	vst v62;
	v63 =	vmax.f32 v60, $0.0e+00  }
0xfc: {  	s0 =	sadd.s32 $0x3400, s11;
	[tilespmem:s6+$0xA470] =	vst v63  }
0xfd: {  	[spmem:s2] =	stream.indirect.scatter.add.f32 [tilespmem:s22], [sflag:$0xC], $0x80, s0, s18, $0xb8;
	[tilespmem:$0x1F080] =	vst v63  }
0xfe: {  	s0 =	simm.s32 $0xB;
	s5 =	sadd.s32 $0x1, s5  }
0xff: {  	_ =	swait.ge [sflag:s0], $0x1400;
	p0 =	sne.s32 s5, $0x5  }
.Ltmp6:
0x100: {  	[sflag:s0] =	ssyncset.done $0x0;
	(pc) =	sbr.rel @p0 .LBB2_3-.Ltmp6, $4  }
0x101: {  	s31 =	simm.s32 $0xC;
	[sflag:s0] =	ssyncadd.s32 $0xFFFFEC00  }
0x102: {  	_ =	swait.ge [sflag:s31], $0x1400  }
0x103: {  	[sflag:s31] =	ssyncset.done $0x0  }
0x104: {  	[sflag:s31] =	ssyncadd.s32 $0xFFFFEC00  }
0x105: {  	s3 =	stileid.u32  }
0x106: {  	s1 =	rddreg [dreg:$0x4];
	[bflag:$0x0] =	sbarrier.arrive $0xFFFF;
	s0 =	smul.u32 $0x2780, s3  }
0x107: {  	s31 =	simm.s32 $0xD;
	s30 =	sshll.u32 s3, $0x6;
	s2 =	rddreg [dreg:$0x6]  }
0x108: {  	s2 =	sshrl.u32 s2, $0x3;
	s0 =	sadd.s32 s1, s0;
	s1 =	sor.u32 $0x1C0D, s30  }
0x109: {  	[hbm:s0], [sflag:s1] =	dma.local [spmem:s2], $0x2710  }
0x10a: {  	_ =	swait.ge [sflag:s31], $0x2710  }
0x10b: {  	[sflag:s31] =	ssyncset.done $0x0  }
0x10c: {  	[sflag:s31] =	ssyncadd.s32 $0xFFFFD8F0  }
0x10d: {  	_ =	sfence.sel $0x180000  }
0x10e: {  	[bflag:$0x0] =	sbarrier.arrive $0xFFFF  }
0x10f: {  	_ =	strace $0x9000004D  }
0x110: {  	[bflag:$0x2] =	sbarrier.arrive $0xFFFF  }
0x111: {  	p0 =	sne.s32 s3, $0x0;
	s0 =	rddreg [dreg:$0x2]  }
0x112: {  	s0 =	sadd.s32 @!p0 $0x100000, s0  }
0x113: {  	[sflag:s0] =	ssyncadd.tile.s32 @!p0 $0x1;
	_ =	shalt  }
.Lfunc_end2:
_tile_overlayer_lowered:
.L_overlay_start_2:
0x114: {  	(tag) =	ssettag $0x2  }
0x115: {  	s0 =	rddreg [dreg:$0x0];
	s2 =	stileid.u32  }
0x116: {  	s1 =	rddreg [dreg:$0x1];
	p0 =	sne.s32 s2, $0x0  }
0x117: {  	s3 =	rddreg [dreg:$0x2];
	[bflag:$0x3] =	sbarrier.arrive $0xFFFF;
	s2 =	simm.s32 @!p0 $0x1C0D  }
0x118: {  	[timem:s3], [sflag:s2] =	dma.local @!p0 [hbm:s0], s1  }
0x119: {  	s0 =	simm.s32 @!p0 $0xD  }
0x11a: {  	_ =	swait.ge @!p0 [sflag:s0], s1  }
0x11b: {  	s1 =	ssub.s32 @!p0 $0x0, s1;
	[sflag:s0] =	ssyncset.done @!p0 $0x0  }
0x11c: {  	[sflag:s0] =	ssyncadd.s32 @!p0 s1  }
0x11d: {  	[bflag:$0x3] =	sbarrier.arrive $0xFFFF  }
0x11e: {  	_ =	shalt  }

</sc_bundles>
